<compile_context>
chip_gen: v7x
topology: tpu7x:2x2x1
jax: 0.10.2.dev20260603
libtpu: 0.0.44.dev20260713+nightly
codegen_flags: <defaults>
</compile_context>

<pallas_src>
import functools

import jax
import jax.numpy as jnp
from jax import lax
from jax.experimental import pallas as pl
from jax.experimental.pallas import tpu as pltpu
from jax.experimental.pallas import tpu_sc as plsc

NN = 10000
NE = 160000
DXD = 128
DED = 16
DGD = 16
H = 64

NTILES = 32
CH = 128
EP = 163840
SCH = EP // NTILES // CH
GCH = 2 * EP // NTILES // CH
NP = 10016
ZR = NP // 16
OR_ = NN // 16

BE = 2048
GE = EP // BE
BN = 2000
GN = NN // BN



@functools.cache
def _sc_kernels():
    mesh = plsc.VectorSubcoreMesh(core_axis_name="c", subcore_axis_name="s")

    nbg = 2
    EPT = EP // NTILES
    NCH = EPT // CH

    @functools.partial(
        pl.kernel,
        out_type=jax.ShapeDtypeStruct((EP, 2 * H), jnp.float32),
        mesh=mesh,
        compiler_params=pltpu.CompilerParams(use_tc_tiling_on_sc=False),
        scratch_types=[
            pltpu.VMEM_SHARED((2 * NN, H), jnp.float32),
            pltpu.VMEM((2, EPT), jnp.int32),
            pltpu.VMEM((nbg, 2, CH, H), jnp.float32),
        ] + [pltpu.SemaphoreType.DMA] * (2 * nbg),
    )
    def sc_gather(table, edges_p, out, shared_t, idx_v, rows_v, *sems):
        gsems, wsems = sems[:nbg], sems[nbg:]
        cid = lax.axis_index("c")
        sid = lax.axis_index("s")
        wid = sid * 2 + cid
        base = wid * EPT
        trows = 2 * NN // 16
        pltpu.sync_copy(table.at[pl.ds(sid * trows, trows)],
                        shared_t.at[pl.ds(sid * trows, trows)])
        pltpu.sync_copy(edges_p.at[0, pl.ds(base, EPT)], idx_v.at[0])
        pltpu.sync_copy(edges_p.at[1, pl.ds(base, EPT)], idx_v.at[1])

        def xform(k, carry):
            s = idx_v[0, pl.ds(k * 16, 16)]
            idx_v[0, pl.ds(k * 16, 16)] = 2 * s
            d = idx_v[1, pl.ds(k * 16, 16)]
            idx_v[1, pl.ds(k * 16, 16)] = 2 * d + 1
            return carry

        lax.fori_loop(0, EPT // 16, xform, 0)
        plsc.subcore_barrier()

        def gather_src(j, half):
            return shared_t.at[idx_v.at[half, pl.ds(j * CH, CH)]]

        def out_dst(j, half):
            return out.at[pl.ds(base + j * CH, CH), pl.ds(half * H, H)]

        def body(g, carry):
            for b in range(nbg):
                j = g * nbg + b

                @pl.when(g > 0)
                def _():
                    for half in range(2):
                        pltpu.make_async_copy(
                            rows_v.at[b, half], out_dst(j - nbg, half),
                            wsems[b]).wait()

                for half in range(2):
                    pltpu.async_copy(gather_src(j, half), rows_v.at[b, half],
                                     gsems[b])
            for b in range(nbg):
                j = g * nbg + b
                for half in range(2):
                    pltpu.make_async_copy(gather_src(j, half),
                                          rows_v.at[b, half], gsems[b]).wait()
                    pltpu.async_copy(rows_v.at[b, half], out_dst(j, half),
                                     wsems[b])
            return carry

        lax.fori_loop(0, NCH // nbg, body, 0)
        for b in range(nbg):
            j = (NCH // nbg - 1) * nbg + b
            for half in range(2):
                pltpu.make_async_copy(rows_v.at[b, half], out_dst(j, half),
                                      wsems[b]).wait()

    nbs = 4

    @functools.partial(
        pl.kernel,
        out_type=jax.ShapeDtypeStruct((2, NN, H), jnp.float32),
        mesh=mesh,
        compiler_params=pltpu.CompilerParams(use_tc_tiling_on_sc=False),
        scratch_types=[
            pltpu.VMEM_SHARED((NP, H), jnp.float32),
            pltpu.VMEM((SCH, CH), jnp.int32),
            pltpu.VMEM((nbs, CH, H), jnp.float32),
        ] + [pltpu.SemaphoreType.DMA] * (2 * nbs),
    )
    def sc_scatter(e2, idx3, zeros_hbm, out, shared, idx_v, rows_v, *sems):
        rsems, ssems = sems[:nbs], sems[nbs:]
        cid = lax.axis_index("c")
        sid = lax.axis_index("s")
        wid = sid * 2 + cid
        pltpu.sync_copy(zeros_hbm.at[pl.ds(sid * ZR, ZR)],
                        shared.at[pl.ds(sid * ZR, ZR)])
        pltpu.sync_copy(idx3.at[wid], idx_v)
        plsc.subcore_barrier()
        base = wid * (EP // NTILES)

        def body(g, carry):
            for b in range(nbs):
                j = g * nbs + b

                @pl.when(g > 0)
                def _():
                    pltpu.make_async_copy(
                        rows_v.at[b], shared.at[idx_v.at[j - nbs]], ssems[b]).wait()

                pltpu.async_copy(e2.at[pl.ds(base + j * CH, CH)],
                                 rows_v.at[b], rsems[b])
            for b in range(nbs):
                j = g * nbs + b
                pltpu.make_async_copy(e2.at[pl.ds(base + j * CH, CH)],
                                      rows_v.at[b], rsems[b]).wait()
                pltpu.async_copy(rows_v.at[b], shared.at[idx_v.at[j]],
                                 ssems[b], add=True)
            return carry

        ngroups = SCH // nbs
        lax.fori_loop(0, ngroups, body, 0)
        for b in range(nbs):
            j = (ngroups - 1) * nbs + b
            pltpu.make_async_copy(rows_v.at[b], shared.at[idx_v.at[j]],
                                  ssems[b]).wait()
        plsc.subcore_barrier()
        pltpu.sync_copy(shared.at[pl.ds(sid * OR_, OR_)],
                        out.at[cid, pl.ds(sid * OR_, OR_)])

    return sc_gather, sc_scatter


def _sc_gather(table, idx):
    return _sc_kernels()[0](table, idx)


def _sc_scatter(e2, idx3, zeros_np):
    return _sc_kernels()[1](e2, idx3, zeros_np)



def _ln(h):
    m = jnp.mean(h, axis=-1, keepdims=True)
    v = jnp.var(h, axis=-1, keepdims=True)
    return (h - m) / jnp.sqrt(v + 1e-5)


def _dot(a, b):
    return jax.lax.dot_general(a, b, (((1,), (0,)), ((), ())),
                               preferred_element_type=jnp.float32)


_W64 = pl.BlockSpec((H, H), lambda i: (0, 0))
_B64 = pl.BlockSpec((1, H), lambda i: (0, 0))


def _edge_body(has_de, last, *refs):
    if has_de:
        (e_ref, de_ref, gsd_ref, we, be, w1ab, b1, w2, b2, dw, db, ow, ob,
         e2_ref, de2_ref, sum_ref, *oe) = refs
    else:
        (e_ref, gsd_ref, we, be, w1ab, b1, w2, b2, dw, db, ow, ob,
         e2_ref, de2_ref, sum_ref, *oe) = refs
        de_ref = None
    i = pl.program_id(0)
    le = jnp.maximum(_dot(e_ref[...], we[...]) + be[...], 0.0)
    if has_de:
        dp = de_ref[...]
        de = jnp.concatenate([dp[:, :H], dp[:, H:]], axis=0)
    else:
        de = le
    g = gsd_ref[...]
    h = _dot(jnp.concatenate([le, de], axis=1), w1ab[...])
    h = h + g[:, :H] + g[:, H:] + b1[...]
    h = jnp.maximum(h, 0.0)
    h = jnp.maximum(_dot(h, w2[...]) + b2[...], 0.0)
    e2 = _ln(h)
    e2_ref[...] = jnp.concatenate([e2[:BE // 2], e2[BE // 2:]], axis=1)
    de2 = jnp.maximum(_dot(e2, dw[...]) + db[...], 0.0)
    de2_ref[...] = jnp.concatenate([de2[:BE // 2], de2[BE // 2:]], axis=1)
    rows = i * BE + lax.broadcasted_iota(jnp.int32, (BE, 1), 0)
    part = jnp.sum(jnp.where(rows < NE, e2, 0.0), axis=0, keepdims=True)

    @pl.when(i == 0)
    def _():
        sum_ref[...] = jnp.zeros_like(sum_ref)

    sum_ref[...] += part
    if last:
        oe[0][...] = _dot(de2, ow[...]) + ob[...]


def _make_edge(has_de, last):
    in_specs = [pl.BlockSpec((BE, DED), lambda i: (i, 0))]
    if has_de:
        in_specs.append(pl.BlockSpec((BE // 2, 2 * H), lambda i: (i, 0)))
    in_specs.append(pl.BlockSpec((BE, 2 * H), lambda i: (i, 0)))
    in_specs += [pl.BlockSpec((DED, H), lambda i: (0, 0)), _B64,
                 pl.BlockSpec((2 * H, H), lambda i: (0, 0)),
                 _B64, _W64, _B64, _W64, _B64,
                 pl.BlockSpec((H, DED), lambda i: (0, 0)),
                 pl.BlockSpec((1, DED), lambda i: (0, 0))]
    out_shape = [jax.ShapeDtypeStruct((EP // 2, 2 * H), jnp.float32),
                 jax.ShapeDtypeStruct((EP // 2, 2 * H), jnp.float32),
                 jax.ShapeDtypeStruct((1, H), jnp.float32)]
    out_specs = [pl.BlockSpec((BE // 2, 2 * H), lambda i: (i, 0)),
                 pl.BlockSpec((BE // 2, 2 * H), lambda i: (i, 0)),
                 pl.BlockSpec((1, H), lambda i: (0, 0))]
    if last:
        out_shape.append(jax.ShapeDtypeStruct((EP, DED), jnp.float32))
        out_specs.append(pl.BlockSpec((BE, DED), lambda i: (i, 0)))
    return pl.pallas_call(
        functools.partial(_edge_body, has_de, last),
        grid=(GE,), in_specs=in_specs, out_specs=out_specs, out_shape=out_shape)


_edge0 = _make_edge(False, False)
_edge1 = _make_edge(True, True)


def _node_body(has_dx, last, *refs):
    if has_dx:
        (lx_ref, dx_ref, agg_ref, wn1a, wn1b, wn1c, bn1, wn2, bn2, dw, db,
         wsa, wsb, wda, wdb, ow, ob, dx2_ref, xsd_ref, sum_ref, *ox) = refs
    else:
        (lx_ref, agg_ref, wn1a, wn1b, wn1c, bn1, wn2, bn2, dw, db,
         wsa, wsb, wda, wdb, ow, ob, dx2_ref, xsd_ref, sum_ref, *ox) = refs
        dx_ref = lx_ref
    i = pl.program_id(0)
    lx = lx_ref[...]
    agg = agg_ref[0] + agg_ref[1]
    h = _dot(lx, wn1a[...]) + _dot(dx_ref[...], wn1b[...]) + _dot(agg, wn1c[...]) + bn1[...]
    h = jnp.maximum(h, 0.0)
    h = jnp.maximum(_dot(h, wn2[...]) + bn2[...], 0.0)
    x2 = _ln(h)
    dx2 = jnp.maximum(_dot(x2, dw[...]) + db[...], 0.0)
    dx2_ref[...] = dx2
    xsd_ref[...] = jnp.concatenate(
        [_dot(lx, wsa[...]) + _dot(dx2, wsb[...]),
         _dot(lx, wda[...]) + _dot(dx2, wdb[...])], axis=1)
    part = jnp.sum(x2, axis=0, keepdims=True)

    @pl.when(i == 0)
    def _():
        sum_ref[...] = jnp.zeros_like(sum_ref)

    sum_ref[...] += part
    if last:
        ox[0][...] = _dot(dx2, ow[...]) + ob[...]


def _make_node(has_dx, last):
    in_specs = [pl.BlockSpec((BN, H), lambda i: (i, 0))]
    if has_dx:
        in_specs.append(pl.BlockSpec((BN, H), lambda i: (i, 0)))
    in_specs.append(pl.BlockSpec((2, BN, H), lambda i: (0, i, 0)))
    in_specs += [_W64, _W64, _W64, _B64, _W64, _B64, _W64, _B64,
                 _W64, _W64, _W64, _W64,
                 pl.BlockSpec((H, DXD), lambda i: (0, 0)),
                 pl.BlockSpec((1, DXD), lambda i: (0, 0))]
    out_shape = [jax.ShapeDtypeStruct((NN, H), jnp.float32),
                 jax.ShapeDtypeStruct((NN, 2 * H), jnp.float32),
                 jax.ShapeDtypeStruct((1, H), jnp.float32)]
    out_specs = [pl.BlockSpec((BN, H), lambda i: (i, 0)),
                 pl.BlockSpec((BN, 2 * H), lambda i: (i, 0)),
                 pl.BlockSpec((1, H), lambda i: (0, 0))]
    if last:
        out_shape.append(jax.ShapeDtypeStruct((NN, DXD), jnp.float32))
        out_specs.append(pl.BlockSpec((BN, DXD), lambda i: (i, 0)))
    return pl.pallas_call(
        functools.partial(_node_body, has_dx, last),
        grid=(GN,), in_specs=in_specs, out_specs=out_specs, out_shape=out_shape)


_node0 = _make_node(False, False)
_node1 = _make_node(True, True)


def _enc_e_body(e_ref, w_ref, b_ref, le_ref):
    le_ref[...] = jnp.maximum(_dot(e_ref[...], w_ref[...]) + b_ref[...], 0.0)


_enc_e = pl.pallas_call(
    _enc_e_body, grid=(GE,),
    in_specs=[pl.BlockSpec((BE, DED), lambda i: (i, 0)),
              pl.BlockSpec((DED, H), lambda i: (0, 0)),
              pl.BlockSpec((1, H), lambda i: (0, 0))],
    out_specs=pl.BlockSpec((BE, H), lambda i: (i, 0)),
    out_shape=jax.ShapeDtypeStruct((EP, H), jnp.float32))


def _enc_x_body(x_ref, w_ref, b_ref, ws_ref, wd_ref, lx_ref, xsd_ref):
    lx = jnp.maximum(_dot(x_ref[...], w_ref[...]) + b_ref[...], 0.0)
    lx_ref[...] = lx
    lxc = jnp.concatenate([lx, lx], axis=1)
    xsd_ref[...] = jnp.concatenate(
        [_dot(lxc, ws_ref[...]), _dot(lxc, wd_ref[...])], axis=1)


_enc_x = pl.pallas_call(
    _enc_x_body, grid=(GN,),
    in_specs=[pl.BlockSpec((BN, DXD), lambda i: (i, 0)),
              pl.BlockSpec((DXD, H), lambda i: (0, 0)),
              pl.BlockSpec((1, H), lambda i: (0, 0)),
              pl.BlockSpec((2 * H, H), lambda i: (0, 0)),
              pl.BlockSpec((2 * H, H), lambda i: (0, 0))],
    out_specs=[pl.BlockSpec((BN, H), lambda i: (i, 0)),
               pl.BlockSpec((BN, 2 * H), lambda i: (i, 0))],
    out_shape=[jax.ShapeDtypeStruct((NN, H), jnp.float32),
               jax.ShapeDtypeStruct((NN, 2 * H), jnp.float32)])


def _prep_g_body(g_ref, w_ref, b_ref, wge_ref, b1e_ref, wgn_ref, b1n_ref,
                 lg_ref, be_ref, bn_ref):
    lg = jnp.maximum(_dot(g_ref[...], w_ref[...]) + b_ref[...], 0.0)
    lg_ref[...] = lg
    lgc = jnp.concatenate([lg, lg], axis=1)
    be_ref[...] = _dot(lgc, wge_ref[...]) + b1e_ref[...]
    bn_ref[...] = _dot(lgc, wgn_ref[...]) + b1n_ref[...]


_prep_g = pl.pallas_call(
    _prep_g_body,
    out_shape=[jax.ShapeDtypeStruct((1, H), jnp.float32)] * 3)


def _glob_body(last, *refs):
    (lg_ref, dg_ref, se_ref, sx_ref, wg1, bg1, wg2, bg2, dw, db,
     wge, b1e, wgn, b1n, ow, ob, *outs) = refs
    gcat = jnp.concatenate([lg_ref[...], dg_ref[...]], axis=1)
    gin = jnp.concatenate([gcat, se_ref[...], sx_ref[...]], axis=1)
    h = jnp.maximum(_dot(gin, wg1[...]) + bg1[...], 0.0)
    h = jnp.maximum(_dot(h, wg2[...]) + bg2[...], 0.0)
    g2 = _ln(h)
    dg2 = jnp.maximum(_dot(g2, dw[...]) + db[...], 0.0)
    if last:
        outs[0][...] = _dot(dg2, ow[...]) + ob[...]
    else:
        dg_out, be_out, bn_out = outs
        dg_out[...] = dg2
        gcat2 = jnp.concatenate([lg_ref[...], dg2], axis=1)
        be_out[...] = _dot(gcat2, wge[...]) + b1e[...]
        bn_out[...] = _dot(gcat2, wgn[...]) + b1n[...]


_glob0 = pl.pallas_call(
    functools.partial(_glob_body, False),
    out_shape=[jax.ShapeDtypeStruct((1, H), jnp.float32)] * 3)
_glob1 = pl.pallas_call(
    functools.partial(_glob_body, True),
    out_shape=[jax.ShapeDtypeStruct((1, DGD), jnp.float32)])


def _row(b):
    return b[None, :]


def kernel(x, e, g, params, edges, node_idx, edge_idx, steps):
    p = params
    src = edges[0]
    dst = edges[1]
    padn = EP - NE
    zpad = jnp.zeros((padn,), jnp.int32)
    edges_p = jnp.concatenate([edges, jnp.zeros((2, padn), jnp.int32)], axis=1)
    idx_scatter = jnp.concatenate(
        [dst, jnp.full((padn,), NN, jnp.int32)]).reshape(NTILES, SCH, CH)
    zeros_np = jnp.zeros((NP, H), jnp.float32)
    e_pad = jnp.pad(e, ((0, padn), (0, 0)))
    r = jnp.arange(EP, dtype=jnp.int32)
    perm = (r // BE) * BE + (r % 2) * (BE // 2) + (r % BE) // 2
    idx_scatter = jnp.take(idx_scatter.reshape(-1), perm).reshape(
        NTILES, SCH, CH)

    w1 = p['core_e_W1']
    wn1 = p['core_n_W1']

    lx, xsd = _enc_x(x, p['enc_x_W'], _row(p['enc_x_b']),
                     w1[128:256], w1[256:384])
    lg, be_b, bn_b = _prep_g(g, p['enc_g_W'], _row(p['enc_g_b']),
                             w1[384:512], _row(p['core_e_b1']),
                             wn1[192:320], _row(p['core_n_b1']))

    enc_e = (p['enc_e_W'], _row(p['enc_e_b']))
    edge_w = w1[0:128]
    edge_tail = (p['core_e_W2'], _row(p['core_e_b2']),
                 p['dec_e_W'], _row(p['dec_e_b']),
                 p['out_e_W'], _row(p['out_e_b']))
    node_w = (wn1[0:64], wn1[64:128], wn1[128:192])
    node_tail = (p['core_n_W2'], _row(p['core_n_b2']),
                 p['dec_x_W'], _row(p['dec_x_b']),
                 w1[128:192], w1[192:256], w1[256:320], w1[320:384],
                 p['out_x_W'], _row(p['out_x_b']))
    glob_w = (p['core_g_W1'], _row(p['core_g_b1']),
              p['core_g_W2'], _row(p['core_g_b2']),
              p['dec_g_W'], _row(p['dec_g_b']),
              w1[384:512], _row(p['core_e_b1']),
              wn1[192:320], _row(p['core_n_b1']),
              p['out_g_W'], _row(p['out_g_b']))

    gsd = _sc_gather(xsd.reshape(2 * NN, H), edges_p)
    e2, de, se = _edge0(e_pad, gsd, *enc_e, edge_w, be_b, *edge_tail)
    agg = _sc_scatter(e2.reshape(EP, H), idx_scatter, zeros_np)
    dx, xsd, sx = _node0(lx, agg, *node_w, bn_b, *node_tail)
    dg, be_b, bn_b = _glob0(lg, lg, se, sx, *glob_w)

    gsd = _sc_gather(xsd.reshape(2 * NN, H), edges_p)
    e2, de, se, oe = _edge1(e_pad, de, gsd, *enc_e, edge_w, be_b, *edge_tail)
    agg = _sc_scatter(e2.reshape(EP, H), idx_scatter, zeros_np)
    dx, _, sx, ox = _node1(lx, dx, agg, *node_w, bn_b, *node_tail)
    (og,) = _glob1(lg, dg, se, sx, *glob_w)

    return (oe[:NE], ox, og)

# --- scband reference (transcript-rebuilt; emitter-appended) ---
"""Pipeline reference for scband-network-54228257079788 (READ-ONLY COPY).

The authoritative reference and input builder live on the scoring server;
editing this copy changes nothing except your own understanding.
"""

import jax, jax.numpy as jnp
import numpy as np

N = 10000
E = 160000
DX = 128
DE = 16
DG = 16
H = 64
STEPS = 2


def _ln(x):
    m = jnp.mean(x, axis=-1, keepdims=True)
    v = jnp.var(x, axis=-1, keepdims=True)
    return (x - m) / jnp.sqrt(v + 1e-5)


def _mlp2(h, p, name):
    h = jax.nn.relu(h @ p[name + '_W1'] + p[name + '_b1'])
    h = jax.nn.relu(h @ p[name + '_W2'] + p[name + '_b2'])
    return _ln(h)


def _lin_init(k, din, dout):
    return jax.random.normal(k, (din, dout), dtype=jnp.float32) / np.sqrt(din)


def setup_inputs(seed: int = 0) -> dict:
    key = jax.random.key(seed)
    ks = jax.random.split(key, 24)
    x = jax.random.normal(ks[0], (N, DX), dtype=jnp.float32)
    e = jax.random.normal(ks[1], (E, DE), dtype=jnp.float32)
    g = jax.random.normal(ks[2], (1, DG), dtype=jnp.float32)
    edges = jax.random.randint(ks[3], (2, E), 0, N, dtype=jnp.int32)
    node_idx = jnp.zeros((N,), dtype=jnp.int32)
    edge_idx = jnp.zeros((E,), dtype=jnp.int32)
    params = {
        'enc_e_W': _lin_init(ks[4], DE, H), 'enc_e_b': jnp.zeros((H,), jnp.float32),
        'enc_x_W': _lin_init(ks[5], DX, H), 'enc_x_b': jnp.zeros((H,), jnp.float32),
        'enc_g_W': _lin_init(ks[6], DG, H), 'enc_g_b': jnp.zeros((H,), jnp.float32),
        'core_e_W1': _lin_init(ks[7], 8 * H, H), 'core_e_b1': jnp.zeros((H,), jnp.float32),
        'core_e_W2': _lin_init(ks[8], H, H), 'core_e_b2': jnp.zeros((H,), jnp.float32),
        'core_n_W1': _lin_init(ks[9], 5 * H, H), 'core_n_b1': jnp.zeros((H,), jnp.float32),
        'core_n_W2': _lin_init(ks[10], H, H), 'core_n_b2': jnp.zeros((H,), jnp.float32),
        'core_g_W1': _lin_init(ks[11], 4 * H, H), 'core_g_b1': jnp.zeros((H,), jnp.float32),
        'core_g_W2': _lin_init(ks[12], H, H), 'core_g_b2': jnp.zeros((H,), jnp.float32),
        'dec_e_W': _lin_init(ks[13], H, H), 'dec_e_b': jnp.zeros((H,), jnp.float32),
        'dec_x_W': _lin_init(ks[14], H, H), 'dec_x_b': jnp.zeros((H,), jnp.float32),
        'dec_g_W': _lin_init(ks[15], H, H), 'dec_g_b': jnp.zeros((H,), jnp.float32),
        'out_e_W': _lin_init(ks[16], H, DE), 'out_e_b': jnp.zeros((DE,), jnp.float32),
        'out_x_W': _lin_init(ks[17], H, DX), 'out_x_b': jnp.zeros((DX,), jnp.float32),
        'out_g_W': _lin_init(ks[18], H, DG), 'out_g_b': jnp.zeros((DG,), jnp.float32),
    }
    return {'x': x, 'e': e, 'g': g, 'params': params, 'edges': edges,
            'node_idx': node_idx, 'edge_idx': edge_idx, 'steps': STEPS}


def reference(x, e, g, params, edges, node_idx, edge_idx, steps):
    p = params
    src = edges[0]
    dst = edges[1]
    # encode (EdgeBlockEncoder / NodeBlockEncoder / GlobalBlockEncoder: independent MLPs)
    le = jax.nn.relu(e @ p['enc_e_W'] + p['enc_e_b'])
    lx = jax.nn.relu(x @ p['enc_x_W'] + p['enc_x_b'])
    lg = jax.nn.relu(g @ p['enc_g_W'] + p['enc_g_b'])

    def body(_, carry):
        de_, dx_, dg_, _out = carry
        # core_process: concat latent0 with current data
        ecat = jnp.concatenate([le, de_], axis=1)
        xcat = jnp.concatenate([lx, dx_], axis=1)
        gcat = jnp.concatenate([lg, dg_], axis=1)
        # AggregatingEdgeBlock: gather src/dst node features + broadcast global
        edge_in = jnp.concatenate([ecat, xcat[src], xcat[dst], gcat[edge_idx]], axis=1)
        e2 = _mlp2(edge_in, p, 'core_e')
        # AggregatingNodeBlock: scatter-add edge messages to dst nodes
        agg_e2n = jax.ops.segment_sum(e2, dst, num_segments=N)
        node_in = jnp.concatenate([xcat, agg_e2n, gcat[node_idx]], axis=1)
        x2 = _mlp2(node_in, p, 'core_n')
        # AggregatingGlobalBlock: segment-reduce edges and nodes per graph
        agg_e2g = jax.ops.segment_sum(e2, edge_idx, num_segments=1)
        agg_n2g = jax.ops.segment_sum(x2, node_idx, num_segments=1)
        glob_in = jnp.concatenate([gcat, agg_e2g, agg_n2g], axis=1)
        g2 = _mlp2(glob_in, p, 'core_g')
        # decode
        de_ = jax.nn.relu(e2 @ p['dec_e_W'] + p['dec_e_b'])
        dx_ = jax.nn.relu(x2 @ p['dec_x_W'] + p['dec_x_b'])
        dg_ = jax.nn.relu(g2 @ p['dec_g_W'] + p['dec_g_b'])
        # out transform (linear heads)
        out = (de_ @ p['out_e_W'] + p['out_e_b'],
               dx_ @ p['out_x_W'] + p['out_x_b'],
               dg_ @ p['out_g_W'] + p['out_g_b'])
        return (de_, dx_, dg_, out)

    out0 = (jnp.zeros((E, DE), jnp.float32),
            jnp.zeros((N, DX), jnp.float32),
            jnp.zeros((1, DG), jnp.float32))
    _, _, _, out = jax.lax.fori_loop(0, steps, body, (le, lx, lg, out0))
    return out

if __name__ == "__main__":
    import jax
    _d = setup_inputs()
    print(jax.jit(kernel)(*tuple(_d.values())))

</pallas_src>

<mosaic_0001>
#map = affine_map<(d0, d1) -> (0, 0)>
module attributes {stable_mosaic.version = 14 : i64} {
  func.func @sc_gather(%arg0: i32, %arg1: i32, %arg2: memref<20000x64xf32, #tpu.memory_space<hbm>>, %arg3: memref<2x163840xi32, #tpu.memory_space<hbm>>, %arg4: memref<163840x128xf32, #tpu.memory_space<hbm>>, %arg5: memref<20000x64xf32, #tpu.memory_space<vmem_shared>>, %arg6: memref<2x5120xi32, #tpu.memory_space<vmem>>, %arg7: memref<2x2x128x64xf32, #tpu.memory_space<vmem>>, %arg8: memref<!tpu.dma_semaphore, #tpu.memory_space<semaphore_mem>>, %arg9: memref<!tpu.dma_semaphore, #tpu.memory_space<semaphore_mem>>, %arg10: memref<!tpu.dma_semaphore, #tpu.memory_space<semaphore_mem>>, %arg11: memref<!tpu.dma_semaphore, #tpu.memory_space<semaphore_mem>>) attributes {dimension_semantics = [#tpu.dimension_semantics<core_parallel>, #tpu.dimension_semantics<subcore_parallel>], iteration_bounds = array<i64: 2, 16>, scalar_prefetch = 0 : i64, scratch_operands = 7 : i64, tpu.core_type = #tpu.core_type<sc_vector_subcore>, window_params = [{transform_indices = #map}, {transform_indices = #map}, {transform_indices = #map}]} {
    %mul3A = arith.constant 2 : i32
    %mul3A_0 = arith.muli %arg1, %mul3A : i32
    %add3A = arith.addi %mul3A_0, %arg0 : i32
    %mul3A_1 = arith.constant 5120 : i32
    %mul3A_2 = arith.muli %add3A, %mul3A_1 : i32
    %mul3A_3 = arith.constant 1250 : i32
    %mul3A_4 = arith.muli %arg1, %mul3A_3 : i32
    %mul3A_5 = arith.constant 1250 : i32
    %mul3A_6 = arith.muli %arg1, %mul3A_5 : i32
    "tpu.region"() ({
      %run_scoped3A_84 = tpu.sem_alloc : memref<!tpu.dma_semaphore, #tpu.memory_space<semaphore_mem>>
      %dma_start3A = arith.constant 0 : i32
      %dma_start3A_85 = tpu.memref_slice %arg5[%mul3A_6, %dma_start3A] : memref<20000x64xf32, #tpu.memory_space<vmem_shared>> -> memref<1250x64xf32, #tpu.memory_space<vmem_shared>>
      %dma_start3A_86 = arith.constant 0 : i32
      %dma_start3A_87 = tpu.memref_slice %arg2[%mul3A_4, %dma_start3A_86] : memref<20000x64xf32, #tpu.memory_space<hbm>> -> memref<1250x64xf32, #tpu.memory_space<hbm>>
      tpu.enqueue_dma source(%dma_start3A_87 : memref<1250x64xf32, #tpu.memory_space<hbm>>) target(%dma_start3A_85 : memref<1250x64xf32, #tpu.memory_space<vmem_shared>>) target_semaphore(%run_scoped3A_84 : memref<!tpu.dma_semaphore, #tpu.memory_space<semaphore_mem>>)
      %dma_wait3A_88 = arith.constant 0 : i32
      %dma_wait3A_89 = tpu.memref_slice %arg5[%mul3A_6, %dma_wait3A_88] : memref<20000x64xf32, #tpu.memory_space<vmem_shared>> -> memref<1250x64xf32, #tpu.memory_space<vmem_shared>>
      %dma_wait3A_90 = arith.constant 0 : i32
      %dma_wait3A_91 = tpu.memref_slice %arg2[%mul3A_4, %dma_wait3A_90] : memref<20000x64xf32, #tpu.memory_space<hbm>> -> memref<1250x64xf32, #tpu.memory_space<hbm>>
      tpu.wait_dma2 semaphore(%run_scoped3A_84 : memref<!tpu.dma_semaphore, #tpu.memory_space<semaphore_mem>>) src(%dma_wait3A_91 : memref<1250x64xf32, #tpu.memory_space<hbm>>) dst(%dma_wait3A_89 : memref<1250x64xf32, #tpu.memory_space<vmem_shared>>)
      tpu.yield
    }) : () -> ()
    %run_scoped3A = arith.constant 0 : i32
    %run_scoped3A_7 = arith.constant 0 : i32
    "tpu.region"() ({
      %run_scoped3A_84 = tpu.sem_alloc : memref<!tpu.dma_semaphore, #tpu.memory_space<semaphore_mem>>
      %dma_start3A = arith.constant 0 : i32
      %dma_start3A_85 = tpu.memref_slice %arg6[%run_scoped3A_7, %dma_start3A] : memref<2x5120xi32, #tpu.memory_space<vmem>> -> memref<1x5120xi32, #tpu.memory_space<vmem>>
      %dma_start3A_86 = tpu.memref_squeeze %dma_start3A_85 : memref<1x5120xi32, #tpu.memory_space<vmem>> -> memref<5120xi32, #tpu.memory_space<vmem>>
      %dma_start3A_87 = tpu.memref_slice %arg3[%run_scoped3A, %mul3A_2] : memref<2x163840xi32, #tpu.memory_space<hbm>> -> memref<1x5120xi32, #tpu.memory_space<hbm>>
      %dma_start3A_88 = tpu.memref_squeeze %dma_start3A_87 : memref<1x5120xi32, #tpu.memory_space<hbm>> -> memref<5120xi32, #tpu.memory_space<hbm>>
      %dma_start3A_89 = arith.constant 0 : i32
      %dma_start3A_90 = tpu.memref_slice %arg6[%run_scoped3A_7, %dma_start3A_89] : memref<2x5120xi32, #tpu.memory_space<vmem>> -> memref<1x5120xi32, #tpu.memory_space<vmem>>
      %dma_start3A_91 = tpu.memref_squeeze %dma_start3A_90 : memref<1x5120xi32, #tpu.memory_space<vmem>> -> memref<5120xi32, #tpu.memory_space<vmem>>
      %dma_start3A_92 = tpu.memref_slice %arg3[%run_scoped3A, %mul3A_2] : memref<2x163840xi32, #tpu.memory_space<hbm>> -> memref<1x5120xi32, #tpu.memory_space<hbm>>
      %dma_start3A_93 = tpu.memref_squeeze %dma_start3A_92 : memref<1x5120xi32, #tpu.memory_space<hbm>> -> memref<5120xi32, #tpu.memory_space<hbm>>
      tpu.enqueue_dma source(%dma_start3A_93 : memref<5120xi32, #tpu.memory_space<hbm>>) target(%dma_start3A_91 : memref<5120xi32, #tpu.memory_space<vmem>>) target_semaphore(%run_scoped3A_84 : memref<!tpu.dma_semaphore, #tpu.memory_space<semaphore_mem>>)
      %dma_wait3A_94 = arith.constant 0 : i32
      %dma_wait3A_95 = tpu.memref_slice %arg6[%run_scoped3A_7, %dma_wait3A_94] : memref<2x5120xi32, #tpu.memory_space<vmem>> -> memref<1x5120xi32, #tpu.memory_space<vmem>>
      %dma_wait3A_96 = tpu.memref_squeeze %dma_wait3A_95 : memref<1x5120xi32, #tpu.memory_space<vmem>> -> memref<5120xi32, #tpu.memory_space<vmem>>
      %dma_wait3A_97 = tpu.memref_slice %arg3[%run_scoped3A, %mul3A_2] : memref<2x163840xi32, #tpu.memory_space<hbm>> -> memref<1x5120xi32, #tpu.memory_space<hbm>>
      %dma_wait3A_98 = tpu.memref_squeeze %dma_wait3A_97 : memref<1x5120xi32, #tpu.memory_space<hbm>> -> memref<5120xi32, #tpu.memory_space<hbm>>
      %dma_wait3A_99 = arith.constant 0 : i32
      %dma_wait3A_100 = tpu.memref_slice %arg6[%run_scoped3A_7, %dma_wait3A_99] : memref<2x5120xi32, #tpu.memory_space<vmem>> -> memref<1x5120xi32, #tpu.memory_space<vmem>>
      %dma_wait3A_101 = tpu.memref_squeeze %dma_wait3A_100 : memref<1x5120xi32, #tpu.memory_space<vmem>> -> memref<5120xi32, #tpu.memory_space<vmem>>
      %dma_wait3A_102 = tpu.memref_slice %arg3[%run_scoped3A, %mul3A_2] : memref<2x163840xi32, #tpu.memory_space<hbm>> -> memref<1x5120xi32, #tpu.memory_space<hbm>>
      %dma_wait3A_103 = tpu.memref_squeeze %dma_wait3A_102 : memref<1x5120xi32, #tpu.memory_space<hbm>> -> memref<5120xi32, #tpu.memory_space<hbm>>
      tpu.wait_dma2 semaphore(%run_scoped3A_84 : memref<!tpu.dma_semaphore, #tpu.memory_space<semaphore_mem>>) src(%dma_wait3A_103 : memref<5120xi32, #tpu.memory_space<hbm>>) dst(%dma_wait3A_101 : memref<5120xi32, #tpu.memory_space<vmem>>)
      tpu.yield
    }) : () -> ()
    %run_scoped3A_8 = arith.constant 1 : i32
    %run_scoped3A_9 = arith.constant 1 : i32
    "tpu.region"() ({
      %run_scoped3A_84 = tpu.sem_alloc : memref<!tpu.dma_semaphore, #tpu.memory_space<semaphore_mem>>
      %dma_start3A = arith.constant 0 : i32
      %dma_start3A_85 = tpu.memref_slice %arg6[%run_scoped3A_9, %dma_start3A] : memref<2x5120xi32, #tpu.memory_space<vmem>> -> memref<1x5120xi32, #tpu.memory_space<vmem>>
      %dma_start3A_86 = tpu.memref_squeeze %dma_start3A_85 : memref<1x5120xi32, #tpu.memory_space<vmem>> -> memref<5120xi32, #tpu.memory_space<vmem>>
      %dma_start3A_87 = tpu.memref_slice %arg3[%run_scoped3A_8, %mul3A_2] : memref<2x163840xi32, #tpu.memory_space<hbm>> -> memref<1x5120xi32, #tpu.memory_space<hbm>>
      %dma_start3A_88 = tpu.memref_squeeze %dma_start3A_87 : memref<1x5120xi32, #tpu.memory_space<hbm>> -> memref<5120xi32, #tpu.memory_space<hbm>>
      %dma_start3A_89 = arith.constant 0 : i32
      %dma_start3A_90 = tpu.memref_slice %arg6[%run_scoped3A_9, %dma_start3A_89] : memref<2x5120xi32, #tpu.memory_space<vmem>> -> memref<1x5120xi32, #tpu.memory_space<vmem>>
      %dma_start3A_91 = tpu.memref_squeeze %dma_start3A_90 : memref<1x5120xi32, #tpu.memory_space<vmem>> -> memref<5120xi32, #tpu.memory_space<vmem>>
      %dma_start3A_92 = tpu.memref_slice %arg3[%run_scoped3A_8, %mul3A_2] : memref<2x163840xi32, #tpu.memory_space<hbm>> -> memref<1x5120xi32, #tpu.memory_space<hbm>>
      %dma_start3A_93 = tpu.memref_squeeze %dma_start3A_92 : memref<1x5120xi32, #tpu.memory_space<hbm>> -> memref<5120xi32, #tpu.memory_space<hbm>>
      tpu.enqueue_dma source(%dma_start3A_93 : memref<5120xi32, #tpu.memory_space<hbm>>) target(%dma_start3A_91 : memref<5120xi32, #tpu.memory_space<vmem>>) target_semaphore(%run_scoped3A_84 : memref<!tpu.dma_semaphore, #tpu.memory_space<semaphore_mem>>)
      %dma_wait3A_94 = arith.constant 0 : i32
      %dma_wait3A_95 = tpu.memref_slice %arg6[%run_scoped3A_9, %dma_wait3A_94] : memref<2x5120xi32, #tpu.memory_space<vmem>> -> memref<1x5120xi32, #tpu.memory_space<vmem>>
      %dma_wait3A_96 = tpu.memref_squeeze %dma_wait3A_95 : memref<1x5120xi32, #tpu.memory_space<vmem>> -> memref<5120xi32, #tpu.memory_space<vmem>>
      %dma_wait3A_97 = tpu.memref_slice %arg3[%run_scoped3A_8, %mul3A_2] : memref<2x163840xi32, #tpu.memory_space<hbm>> -> memref<1x5120xi32, #tpu.memory_space<hbm>>
      %dma_wait3A_98 = tpu.memref_squeeze %dma_wait3A_97 : memref<1x5120xi32, #tpu.memory_space<hbm>> -> memref<5120xi32, #tpu.memory_space<hbm>>
      %dma_wait3A_99 = arith.constant 0 : i32
      %dma_wait3A_100 = tpu.memref_slice %arg6[%run_scoped3A_9, %dma_wait3A_99] : memref<2x5120xi32, #tpu.memory_space<vmem>> -> memref<1x5120xi32, #tpu.memory_space<vmem>>
      %dma_wait3A_101 = tpu.memref_squeeze %dma_wait3A_100 : memref<1x5120xi32, #tpu.memory_space<vmem>> -> memref<5120xi32, #tpu.memory_space<vmem>>
      %dma_wait3A_102 = tpu.memref_slice %arg3[%run_scoped3A_8, %mul3A_2] : memref<2x163840xi32, #tpu.memory_space<hbm>> -> memref<1x5120xi32, #tpu.memory_space<hbm>>
      %dma_wait3A_103 = tpu.memref_squeeze %dma_wait3A_102 : memref<1x5120xi32, #tpu.memory_space<hbm>> -> memref<5120xi32, #tpu.memory_space<hbm>>
      tpu.wait_dma2 semaphore(%run_scoped3A_84 : memref<!tpu.dma_semaphore, #tpu.memory_space<semaphore_mem>>) src(%dma_wait3A_103 : memref<5120xi32, #tpu.memory_space<hbm>>) dst(%dma_wait3A_101 : memref<5120xi32, #tpu.memory_space<vmem>>)
      tpu.yield
    }) : () -> ()
    %scan3A = arith.constant 0 : i32
    %scan3A_10 = arith.constant 0 : i32
    %scan3A_11 = arith.constant 320 : i32
    %scan3A_12 = arith.addi %scan3A_10, %scan3A_11 : i32
    %scan3A_13 = arith.constant 1 : i32
    scf.for %scan3A_84 = %scan3A_10 to %scan3A_12 step %scan3A_13  : i32 {
      %mul3A_85 = arith.constant 16 : i32
      %mul3A_86 = arith.muli %scan3A_84, %mul3A_85 : i32
      %get3A = arith.constant 0 : i32
      %get3A_87 = arith.index_cast %get3A : i32 to index
      %get3A_88 = arith.index_cast %mul3A_86 : i32 to index
      %get3A_89 = tpu.vector_load %arg6[%get3A_87, %get3A_88] {strides = array<i32>} : memref<2x5120xi32, #tpu.memory_space<vmem>>, vector<1x16xi32>,
      %get3A_90 = vector.shape_cast %get3A_89 : vector<1x16xi32> to vector<16xi32>
      %mul3A_91 = arith.constant 2 : i32
      %mul3A_92 = vector.broadcast %mul3A_91 : i32 to vector<16xi32>
      %mul3A_93 = arith.muli %mul3A_92, %get3A_90 : vector<16xi32>
      %mul3A_94 = arith.constant 16 : i32
      %mul3A_95 = arith.muli %scan3A_84, %mul3A_94 : i32
      %swap3A = arith.constant 0 : i32
      %swap3A_96 = arith.index_cast %swap3A : i32 to index
      %swap3A_97 = arith.index_cast %mul3A_95 : i32 to index
      %swap3A_98 = tpu.vector_load %arg6[%swap3A_96, %swap3A_97] {strides = array<i32>} : memref<2x5120xi32, #tpu.memory_space<vmem>>, vector<1x16xi32>,
      %swap3A_99 = vector.shape_cast %swap3A_98 : vector<1x16xi32> to vector<16xi32>
      %swap3A_100 = vector.shape_cast %mul3A_93 : vector<16xi32> to vector<1x16xi32>
      tpu.vector_store %arg6[%swap3A_96, %swap3A_97], %swap3A_100 {strides = array<i32>} : memref<2x5120xi32, #tpu.memory_space<vmem>>, vector<1x16xi32>,
      %mul3A_101 = arith.constant 16 : i32
      %mul3A_102 = arith.muli %scan3A_84, %mul3A_101 : i32
      %get3A_103 = arith.constant 1 : i32
      %get3A_104 = arith.index_cast %get3A_103 : i32 to index
      %get3A_105 = arith.index_cast %mul3A_102 : i32 to index
      %get3A_106 = tpu.vector_load %arg6[%get3A_104, %get3A_105] {strides = array<i32>} : memref<2x5120xi32, #tpu.memory_space<vmem>>, vector<1x16xi32>,
      %get3A_107 = vector.shape_cast %get3A_106 : vector<1x16xi32> to vector<16xi32>
      %mul3A_108 = arith.constant 2 : i32
      %mul3A_109 = vector.broadcast %mul3A_108 : i32 to vector<16xi32>
      %mul3A_110 = arith.muli %mul3A_109, %get3A_107 : vector<16xi32>
      %add3A_111 = arith.constant 1 : i32
      %add3A_112 = vector.broadcast %add3A_111 : i32 to vector<16xi32>
      %add3A_113 = arith.addi %mul3A_110, %add3A_112 : vector<16xi32>
      %mul3A_114 = arith.constant 16 : i32
      %mul3A_115 = arith.muli %scan3A_84, %mul3A_114 : i32
      %swap3A_116 = arith.constant 1 : i32
      %swap3A_117 = arith.index_cast %swap3A_116 : i32 to index
      %swap3A_118 = arith.index_cast %mul3A_115 : i32 to index
      %swap3A_119 = tpu.vector_load %arg6[%swap3A_117, %swap3A_118] {strides = array<i32>} : memref<2x5120xi32, #tpu.memory_space<vmem>>, vector<1x16xi32>,
      %swap3A_120 = vector.shape_cast %swap3A_119 : vector<1x16xi32> to vector<16xi32>
      %swap3A_121 = vector.shape_cast %add3A_113 : vector<16xi32> to vector<1x16xi32>
      tpu.vector_store %arg6[%swap3A_117, %swap3A_118], %swap3A_121 {strides = array<i32>} : memref<2x5120xi32, #tpu.memory_space<vmem>>, vector<1x16xi32>,
    }
    %scan3A_14 = arith.constant 320 : i32
    %barrier3A = arith.constant 0 : index
    tpu.barrier barrier_id(%barrier3A)
    %scan3A_15 = arith.constant 0 : i32
    %scan3A_16 = arith.constant 0 : i32
    %scan3A_17 = arith.constant 20 : i32
    %scan3A_18 = arith.addi %scan3A_16, %scan3A_17 : i32
    %scan3A_19 = arith.constant 1 : i32
    scf.for %scan3A_84 = %scan3A_16 to %scan3A_18 step %scan3A_19  : i32 {
      %mul3A_85 = arith.constant 2 : i32
      %mul3A_86 = arith.muli %scan3A_84, %mul3A_85 : i32
      %add3A_87 = arith.constant 0 : i32
      %add3A_88 = arith.addi %mul3A_86, %add3A_87 : i32
      %gt3A = arith.constant 0 : i32
      %gt3A_89 = arith.cmpi sgt, %scan3A_84, %gt3A : i32
      %convert_element_type3A = arith.extui %gt3A_89 : i1 to i32
      %cond3A = arith.constant 0 : i32
      %cond3A_90 = arith.cmpi ne, %convert_element_type3A, %cond3A : i32
      scf.if %cond3A_90 {
        %sub3A = arith.constant 2 : i32
        %sub3A_287 = arith.subi %add3A_88, %sub3A : i32
        %mul3A_288 = arith.constant 128 : i32
        %mul3A_289 = arith.muli %sub3A_287, %mul3A_288 : i32
        %add3A_290 = arith.addi %mul3A_2, %mul3A_289 : i32
        %dma_wait3A_291 = arith.constant 0 : i32
        %dma_wait3A_292 = arith.constant 0 : i32
        %dma_wait3A_293 = arith.constant 0 : i32
        %dma_wait3A_294 = arith.constant 0 : i32
        %dma_wait3A_295 = tpu.memref_slice %arg7[%dma_wait3A_291, %dma_wait3A_292, %dma_wait3A_293, %dma_wait3A_294] : memref<2x2x128x64xf32, #tpu.memory_space<vmem>> -> memref<1x1x128x64xf32, #tpu.memory_space<vmem>>
        %dma_wait3A_296 = tpu.memref_squeeze %dma_wait3A_295 : memref<1x1x128x64xf32, #tpu.memory_space<vmem>> -> memref<128x64xf32, #tpu.memory_space<vmem>>
        %dma_wait3A_297 = arith.constant 0 : i32
        %dma_wait3A_298 = tpu.memref_slice %arg4[%add3A_290, %dma_wait3A_297] : memref<163840x128xf32, #tpu.memory_space<hbm>> -> memref<128x64xf32, #tpu.memory_space<hbm>>
        %dma_wait3A_299 = arith.constant 0 : i32
        %dma_wait3A_300 = tpu.memref_slice %arg4[%add3A_290, %dma_wait3A_299] : memref<163840x128xf32, #tpu.memory_space<hbm>> -> memref<128x64xf32, #tpu.memory_space<hbm>>
        %dma_wait3A_301 = arith.constant 0 : i32
        %dma_wait3A_302 = arith.constant 0 : i32
        %dma_wait3A_303 = tpu.memref_slice %arg7[%dma_wait3A_291, %dma_wait3A_292, %dma_wait3A_301, %dma_wait3A_302] : memref<2x2x128x64xf32, #tpu.memory_space<vmem>> -> memref<1x1x128x64xf32, #tpu.memory_space<vmem>>
        %dma_wait3A_304 = tpu.memref_squeeze %dma_wait3A_303 : memref<1x1x128x64xf32, #tpu.memory_space<vmem>> -> memref<128x64xf32, #tpu.memory_space<vmem>>
        tpu.wait_dma2 semaphore(%arg10 : memref<!tpu.dma_semaphore, #tpu.memory_space<semaphore_mem>>) src(%dma_wait3A_304 : memref<128x64xf32, #tpu.memory_space<vmem>>) dst(%dma_wait3A_300 : memref<128x64xf32, #tpu.memory_space<hbm>>)
        %sub3A_305 = arith.constant 2 : i32
        %sub3A_306 = arith.subi %add3A_88, %sub3A_305 : i32
        %mul3A_307 = arith.constant 128 : i32
        %mul3A_308 = arith.muli %sub3A_306, %mul3A_307 : i32
        %add3A_309 = arith.addi %mul3A_2, %mul3A_308 : i32
        %dma_wait3A_310 = arith.constant 0 : i32
        %dma_wait3A_311 = arith.constant 1 : i32
        %dma_wait3A_312 = arith.constant 0 : i32
        %dma_wait3A_313 = arith.constant 0 : i32
        %dma_wait3A_314 = tpu.memref_slice %arg7[%dma_wait3A_310, %dma_wait3A_311, %dma_wait3A_312, %dma_wait3A_313] : memref<2x2x128x64xf32, #tpu.memory_space<vmem>> -> memref<1x1x128x64xf32, #tpu.memory_space<vmem>>
        %dma_wait3A_315 = tpu.memref_squeeze %dma_wait3A_314 : memref<1x1x128x64xf32, #tpu.memory_space<vmem>> -> memref<128x64xf32, #tpu.memory_space<vmem>>
        %dma_wait3A_316 = arith.constant 64 : i32
        %dma_wait3A_317 = tpu.memref_slice %arg4[%add3A_309, %dma_wait3A_316] : memref<163840x128xf32, #tpu.memory_space<hbm>> -> memref<128x64xf32, #tpu.memory_space<hbm>>
        %dma_wait3A_318 = arith.constant 64 : i32
        %dma_wait3A_319 = tpu.memref_slice %arg4[%add3A_309, %dma_wait3A_318] : memref<163840x128xf32, #tpu.memory_space<hbm>> -> memref<128x64xf32, #tpu.memory_space<hbm>>
        %dma_wait3A_320 = arith.constant 0 : i32
        %dma_wait3A_321 = arith.constant 0 : i32
        %dma_wait3A_322 = tpu.memref_slice %arg7[%dma_wait3A_310, %dma_wait3A_311, %dma_wait3A_320, %dma_wait3A_321] : memref<2x2x128x64xf32, #tpu.memory_space<vmem>> -> memref<1x1x128x64xf32, #tpu.memory_space<vmem>>
        %dma_wait3A_323 = tpu.memref_squeeze %dma_wait3A_322 : memref<1x1x128x64xf32, #tpu.memory_space<vmem>> -> memref<128x64xf32, #tpu.memory_space<vmem>>
        tpu.wait_dma2 semaphore(%arg10 : memref<!tpu.dma_semaphore, #tpu.memory_space<semaphore_mem>>) src(%dma_wait3A_323 : memref<128x64xf32, #tpu.memory_space<vmem>>) dst(%dma_wait3A_319 : memref<128x64xf32, #tpu.memory_space<hbm>>)
      } else {
      }
      %mul3A_91 = arith.constant 128 : i32
      %mul3A_92 = arith.muli %add3A_88, %mul3A_91 : i32
      %dma_start3A = arith.constant 0 : i32
      %dma_start3A_93 = arith.constant 0 : i32
      %dma_start3A_94 = arith.constant 0 : i32
      %dma_start3A_95 = arith.constant 0 : i32
      %dma_start3A_96 = arith.constant 0 : i32
      %dma_start3A_97 = tpu.memref_slice %arg7[%dma_start3A_93, %dma_start3A_94, %dma_start3A_95, %dma_start3A_96] : memref<2x2x128x64xf32, #tpu.memory_space<vmem>> -> memref<1x1x128x64xf32, #tpu.memory_space<vmem>>
      %dma_start3A_98 = tpu.memref_squeeze %dma_start3A_97 : memref<1x1x128x64xf32, #tpu.memory_space<vmem>> -> memref<128x64xf32, #tpu.memory_space<vmem>>
      %dma_start3A_99 = tpu.memref_slice %arg6[%dma_start3A, %mul3A_92] : memref<2x5120xi32, #tpu.memory_space<vmem>> -> memref<1x128xi32, #tpu.memory_space<vmem>>
      %dma_start3A_100 = tpu.memref_squeeze %dma_start3A_99 : memref<1x128xi32, #tpu.memory_space<vmem>> -> memref<128xi32, #tpu.memory_space<vmem>>
      %dma_start3A_101 = arith.constant 0 : i32
      %dma_start3A_102 = arith.constant 0 : i32
      %dma_start3A_103 = tpu.memref_slice %arg5[%dma_start3A_101, %dma_start3A_102] : memref<20000x64xf32, #tpu.memory_space<vmem_shared>> -> memref<20000x64xf32, #tpu.memory_space<vmem_shared>>
      tpu.enqueue_indirect_dma source(%dma_start3A_103 : memref<20000x64xf32, #tpu.memory_space<vmem_shared>>) target(%dma_start3A_98 : memref<128x64xf32, #tpu.memory_space<vmem>>) offsets(%dma_start3A_100 : memref<128xi32, #tpu.memory_space<vmem>>) semaphore(%arg8 : memref<!tpu.dma_semaphore, #tpu.memory_space<semaphore_mem>>)
      %mul3A_104 = arith.constant 128 : i32
      %mul3A_105 = arith.muli %add3A_88, %mul3A_104 : i32
      %dma_start3A_106 = arith.constant 1 : i32
      %dma_start3A_107 = arith.constant 0 : i32
      %dma_start3A_108 = arith.constant 1 : i32
      %dma_start3A_109 = arith.constant 0 : i32
      %dma_start3A_110 = arith.constant 0 : i32
      %dma_start3A_111 = tpu.memref_slice %arg7[%dma_start3A_107, %dma_start3A_108, %dma_start3A_109, %dma_start3A_110] : memref<2x2x128x64xf32, #tpu.memory_space<vmem>> -> memref<1x1x128x64xf32, #tpu.memory_space<vmem>>
      %dma_start3A_112 = tpu.memref_squeeze %dma_start3A_111 : memref<1x1x128x64xf32, #tpu.memory_space<vmem>> -> memref<128x64xf32, #tpu.memory_space<vmem>>
      %dma_start3A_113 = tpu.memref_slice %arg6[%dma_start3A_106, %mul3A_105] : memref<2x5120xi32, #tpu.memory_space<vmem>> -> memref<1x128xi32, #tpu.memory_space<vmem>>
      %dma_start3A_114 = tpu.memref_squeeze %dma_start3A_113 : memref<1x128xi32, #tpu.memory_space<vmem>> -> memref<128xi32, #tpu.memory_space<vmem>>
      %dma_start3A_115 = arith.constant 0 : i32
      %dma_start3A_116 = arith.constant 0 : i32
      %dma_start3A_117 = tpu.memref_slice %arg5[%dma_start3A_115, %dma_start3A_116] : memref<20000x64xf32, #tpu.memory_space<vmem_shared>> -> memref<20000x64xf32, #tpu.memory_space<vmem_shared>>
      tpu.enqueue_indirect_dma source(%dma_start3A_117 : memref<20000x64xf32, #tpu.memory_space<vmem_shared>>) target(%dma_start3A_112 : memref<128x64xf32, #tpu.memory_space<vmem>>) offsets(%dma_start3A_114 : memref<128xi32, #tpu.memory_space<vmem>>) semaphore(%arg8 : memref<!tpu.dma_semaphore, #tpu.memory_space<semaphore_mem>>)
      %mul3A_118 = arith.constant 2 : i32
      %mul3A_119 = arith.muli %scan3A_84, %mul3A_118 : i32
      %add3A_120 = arith.constant 1 : i32
      %add3A_121 = arith.addi %mul3A_119, %add3A_120 : i32
      %gt3A_122 = arith.constant 0 : i32
      %gt3A_123 = arith.cmpi sgt, %scan3A_84, %gt3A_122 : i32
      %convert_element_type3A_124 = arith.extui %gt3A_123 : i1 to i32
      %cond3A_125 = arith.constant 0 : i32
      %cond3A_126 = arith.cmpi ne, %convert_element_type3A_124, %cond3A_125 : i32
      scf.if %cond3A_126 {
        %sub3A = arith.constant 2 : i32
        %sub3A_287 = arith.subi %add3A_121, %sub3A : i32
        %mul3A_288 = arith.constant 128 : i32
        %mul3A_289 = arith.muli %sub3A_287, %mul3A_288 : i32
        %add3A_290 = arith.addi %mul3A_2, %mul3A_289 : i32
        %dma_wait3A_291 = arith.constant 1 : i32
        %dma_wait3A_292 = arith.constant 0 : i32
        %dma_wait3A_293 = arith.constant 0 : i32
        %dma_wait3A_294 = arith.constant 0 : i32
        %dma_wait3A_295 = tpu.memref_slice %arg7[%dma_wait3A_291, %dma_wait3A_292, %dma_wait3A_293, %dma_wait3A_294] : memref<2x2x128x64xf32, #tpu.memory_space<vmem>> -> memref<1x1x128x64xf32, #tpu.memory_space<vmem>>
        %dma_wait3A_296 = tpu.memref_squeeze %dma_wait3A_295 : memref<1x1x128x64xf32, #tpu.memory_space<vmem>> -> memref<128x64xf32, #tpu.memory_space<vmem>>
        %dma_wait3A_297 = arith.constant 0 : i32
        %dma_wait3A_298 = tpu.memref_slice %arg4[%add3A_290, %dma_wait3A_297] : memref<163840x128xf32, #tpu.memory_space<hbm>> -> memref<128x64xf32, #tpu.memory_space<hbm>>
        %dma_wait3A_299 = arith.constant 0 : i32
        %dma_wait3A_300 = tpu.memref_slice %arg4[%add3A_290, %dma_wait3A_299] : memref<163840x128xf32, #tpu.memory_space<hbm>> -> memref<128x64xf32, #tpu.memory_space<hbm>>
        %dma_wait3A_301 = arith.constant 0 : i32
        %dma_wait3A_302 = arith.constant 0 : i32
        %dma_wait3A_303 = tpu.memref_slice %arg7[%dma_wait3A_291, %dma_wait3A_292, %dma_wait3A_301, %dma_wait3A_302] : memref<2x2x128x64xf32, #tpu.memory_space<vmem>> -> memref<1x1x128x64xf32, #tpu.memory_space<vmem>>
        %dma_wait3A_304 = tpu.memref_squeeze %dma_wait3A_303 : memref<1x1x128x64xf32, #tpu.memory_space<vmem>> -> memref<128x64xf32, #tpu.memory_space<vmem>>
        tpu.wait_dma2 semaphore(%arg11 : memref<!tpu.dma_semaphore, #tpu.memory_space<semaphore_mem>>) src(%dma_wait3A_304 : memref<128x64xf32, #tpu.memory_space<vmem>>) dst(%dma_wait3A_300 : memref<128x64xf32, #tpu.memory_space<hbm>>)
        %sub3A_305 = arith.constant 2 : i32
        %sub3A_306 = arith.subi %add3A_121, %sub3A_305 : i32
        %mul3A_307 = arith.constant 128 : i32
        %mul3A_308 = arith.muli %sub3A_306, %mul3A_307 : i32
        %add3A_309 = arith.addi %mul3A_2, %mul3A_308 : i32
        %dma_wait3A_310 = arith.constant 1 : i32
        %dma_wait3A_311 = arith.constant 1 : i32
        %dma_wait3A_312 = arith.constant 0 : i32
        %dma_wait3A_313 = arith.constant 0 : i32
        %dma_wait3A_314 = tpu.memref_slice %arg7[%dma_wait3A_310, %dma_wait3A_311, %dma_wait3A_312, %dma_wait3A_313] : memref<2x2x128x64xf32, #tpu.memory_space<vmem>> -> memref<1x1x128x64xf32, #tpu.memory_space<vmem>>
        %dma_wait3A_315 = tpu.memref_squeeze %dma_wait3A_314 : memref<1x1x128x64xf32, #tpu.memory_space<vmem>> -> memref<128x64xf32, #tpu.memory_space<vmem>>
        %dma_wait3A_316 = arith.constant 64 : i32
        %dma_wait3A_317 = tpu.memref_slice %arg4[%add3A_309, %dma_wait3A_316] : memref<163840x128xf32, #tpu.memory_space<hbm>> -> memref<128x64xf32, #tpu.memory_space<hbm>>
        %dma_wait3A_318 = arith.constant 64 : i32
        %dma_wait3A_319 = tpu.memref_slice %arg4[%add3A_309, %dma_wait3A_318] : memref<163840x128xf32, #tpu.memory_space<hbm>> -> memref<128x64xf32, #tpu.memory_space<hbm>>
        %dma_wait3A_320 = arith.constant 0 : i32
        %dma_wait3A_321 = arith.constant 0 : i32
        %dma_wait3A_322 = tpu.memref_slice %arg7[%dma_wait3A_310, %dma_wait3A_311, %dma_wait3A_320, %dma_wait3A_321] : memref<2x2x128x64xf32, #tpu.memory_space<vmem>> -> memref<1x1x128x64xf32, #tpu.memory_space<vmem>>
        %dma_wait3A_323 = tpu.memref_squeeze %dma_wait3A_322 : memref<1x1x128x64xf32, #tpu.memory_space<vmem>> -> memref<128x64xf32, #tpu.memory_space<vmem>>
        tpu.wait_dma2 semaphore(%arg11 : memref<!tpu.dma_semaphore, #tpu.memory_space<semaphore_mem>>) src(%dma_wait3A_323 : memref<128x64xf32, #tpu.memory_space<vmem>>) dst(%dma_wait3A_319 : memref<128x64xf32, #tpu.memory_space<hbm>>)
      } else {
      }
      %mul3A_127 = arith.constant 128 : i32
      %mul3A_128 = arith.muli %add3A_121, %mul3A_127 : i32
      %dma_start3A_129 = arith.constant 0 : i32
      %dma_start3A_130 = arith.constant 1 : i32
      %dma_start3A_131 = arith.constant 0 : i32
      %dma_start3A_132 = arith.constant 0 : i32
      %dma_start3A_133 = arith.constant 0 : i32
      %dma_start3A_134 = tpu.memref_slice %arg7[%dma_start3A_130, %dma_start3A_131, %dma_start3A_132, %dma_start3A_133] : memref<2x2x128x64xf32, #tpu.memory_space<vmem>> -> memref<1x1x128x64xf32, #tpu.memory_space<vmem>>
      %dma_start3A_135 = tpu.memref_squeeze %dma_start3A_134 : memref<1x1x128x64xf32, #tpu.memory_space<vmem>> -> memref<128x64xf32, #tpu.memory_space<vmem>>
      %dma_start3A_136 = tpu.memref_slice %arg6[%dma_start3A_129, %mul3A_128] : memref<2x5120xi32, #tpu.memory_space<vmem>> -> memref<1x128xi32, #tpu.memory_space<vmem>>
      %dma_start3A_137 = tpu.memref_squeeze %dma_start3A_136 : memref<1x128xi32, #tpu.memory_space<vmem>> -> memref<128xi32, #tpu.memory_space<vmem>>
      %dma_start3A_138 = arith.constant 0 : i32
      %dma_start3A_139 = arith.constant 0 : i32
      %dma_start3A_140 = tpu.memref_slice %arg5[%dma_start3A_138, %dma_start3A_139] : memref<20000x64xf32, #tpu.memory_space<vmem_shared>> -> memref<20000x64xf32, #tpu.memory_space<vmem_shared>>
      tpu.enqueue_indirect_dma source(%dma_start3A_140 : memref<20000x64xf32, #tpu.memory_space<vmem_shared>>) target(%dma_start3A_135 : memref<128x64xf32, #tpu.memory_space<vmem>>) offsets(%dma_start3A_137 : memref<128xi32, #tpu.memory_space<vmem>>) semaphore(%arg9 : memref<!tpu.dma_semaphore, #tpu.memory_space<semaphore_mem>>)
      %mul3A_141 = arith.constant 128 : i32
      %mul3A_142 = arith.muli %add3A_121, %mul3A_141 : i32
      %dma_start3A_143 = arith.constant 1 : i32
      %dma_start3A_144 = arith.constant 1 : i32
      %dma_start3A_145 = arith.constant 1 : i32
      %dma_start3A_146 = arith.constant 0 : i32
      %dma_start3A_147 = arith.constant 0 : i32
      %dma_start3A_148 = tpu.memref_slice %arg7[%dma_start3A_144, %dma_start3A_145, %dma_start3A_146, %dma_start3A_147] : memref<2x2x128x64xf32, #tpu.memory_space<vmem>> -> memref<1x1x128x64xf32, #tpu.memory_space<vmem>>
      %dma_start3A_149 = tpu.memref_squeeze %dma_start3A_148 : memref<1x1x128x64xf32, #tpu.memory_space<vmem>> -> memref<128x64xf32, #tpu.memory_space<vmem>>
      %dma_start3A_150 = tpu.memref_slice %arg6[%dma_start3A_143, %mul3A_142] : memref<2x5120xi32, #tpu.memory_space<vmem>> -> memref<1x128xi32, #tpu.memory_space<vmem>>
      %dma_start3A_151 = tpu.memref_squeeze %dma_start3A_150 : memref<1x128xi32, #tpu.memory_space<vmem>> -> memref<128xi32, #tpu.memory_space<vmem>>
      %dma_start3A_152 = arith.constant 0 : i32
      %dma_start3A_153 = arith.constant 0 : i32
      %dma_start3A_154 = tpu.memref_slice %arg5[%dma_start3A_152, %dma_start3A_153] : memref<20000x64xf32, #tpu.memory_space<vmem_shared>> -> memref<20000x64xf32, #tpu.memory_space<vmem_shared>>
      tpu.enqueue_indirect_dma source(%dma_start3A_154 : memref<20000x64xf32, #tpu.memory_space<vmem_shared>>) target(%dma_start3A_149 : memref<128x64xf32, #tpu.memory_space<vmem>>) offsets(%dma_start3A_151 : memref<128xi32, #tpu.memory_space<vmem>>) semaphore(%arg9 : memref<!tpu.dma_semaphore, #tpu.memory_space<semaphore_mem>>)
      %mul3A_155 = arith.constant 2 : i32
      %mul3A_156 = arith.muli %scan3A_84, %mul3A_155 : i32
      %add3A_157 = arith.constant 0 : i32
      %add3A_158 = arith.addi %mul3A_156, %add3A_157 : i32
      %mul3A_159 = arith.constant 128 : i32
      %mul3A_160 = arith.muli %add3A_158, %mul3A_159 : i32
      %dma_wait3A_161 = arith.constant 0 : i32
      %dma_wait3A_162 = arith.constant 0 : i32
      %dma_wait3A_163 = arith.constant 0 : i32
      %dma_wait3A_164 = arith.constant 0 : i32
      %dma_wait3A_165 = arith.constant 0 : i32
      %dma_wait3A_166 = tpu.memref_slice %arg7[%dma_wait3A_162, %dma_wait3A_163, %dma_wait3A_164, %dma_wait3A_165] : memref<2x2x128x64xf32, #tpu.memory_space<vmem>> -> memref<1x1x128x64xf32, #tpu.memory_space<vmem>>
      %dma_wait3A_167 = tpu.memref_squeeze %dma_wait3A_166 : memref<1x1x128x64xf32, #tpu.memory_space<vmem>> -> memref<128x64xf32, #tpu.memory_space<vmem>>
      %dma_wait3A_168 = tpu.memref_slice %arg6[%dma_wait3A_161, %mul3A_160] : memref<2x5120xi32, #tpu.memory_space<vmem>> -> memref<1x128xi32, #tpu.memory_space<vmem>>
      %dma_wait3A_169 = tpu.memref_squeeze %dma_wait3A_168 : memref<1x128xi32, #tpu.memory_space<vmem>> -> memref<128xi32, #tpu.memory_space<vmem>>
      %dma_wait3A_170 = arith.constant 0 : i32
      %dma_wait3A_171 = arith.constant 0 : i32
      %dma_wait3A_172 = tpu.memref_slice %arg5[%dma_wait3A_170, %dma_wait3A_171] : memref<20000x64xf32, #tpu.memory_space<vmem_shared>> -> memref<20000x64xf32, #tpu.memory_space<vmem_shared>>
      tpu.wait_indirect_dma semaphore(%arg8 : memref<!tpu.dma_semaphore, #tpu.memory_space<semaphore_mem>>) src(%dma_wait3A_172 : memref<20000x64xf32, #tpu.memory_space<vmem_shared>>) dst(%dma_wait3A_167 : memref<128x64xf32, #tpu.memory_space<vmem>>)
      %mul3A_173 = arith.constant 128 : i32
      %mul3A_174 = arith.muli %add3A_158, %mul3A_173 : i32
      %add3A_175 = arith.addi %mul3A_2, %mul3A_174 : i32
      %dma_start3A_176 = arith.constant 0 : i32
      %dma_start3A_177 = arith.constant 0 : i32
      %dma_start3A_178 = arith.constant 0 : i32
      %dma_start3A_179 = arith.constant 0 : i32
      %dma_start3A_180 = tpu.memref_slice %arg7[%dma_start3A_176, %dma_start3A_177, %dma_start3A_178, %dma_start3A_179] : memref<2x2x128x64xf32, #tpu.memory_space<vmem>> -> memref<1x1x128x64xf32, #tpu.memory_space<vmem>>
      %dma_start3A_181 = tpu.memref_squeeze %dma_start3A_180 : memref<1x1x128x64xf32, #tpu.memory_space<vmem>> -> memref<128x64xf32, #tpu.memory_space<vmem>>
      %dma_start3A_182 = arith.constant 0 : i32
      %dma_start3A_183 = tpu.memref_slice %arg4[%add3A_175, %dma_start3A_182] : memref<163840x128xf32, #tpu.memory_space<hbm>> -> memref<128x64xf32, #tpu.memory_space<hbm>>
      %dma_start3A_184 = arith.constant 0 : i32
      %dma_start3A_185 = tpu.memref_slice %arg4[%add3A_175, %dma_start3A_184] : memref<163840x128xf32, #tpu.memory_space<hbm>> -> memref<128x64xf32, #tpu.memory_space<hbm>>
      %dma_start3A_186 = arith.constant 0 : i32
      %dma_start3A_187 = arith.constant 0 : i32
      %dma_start3A_188 = tpu.memref_slice %arg7[%dma_start3A_176, %dma_start3A_177, %dma_start3A_186, %dma_start3A_187] : memref<2x2x128x64xf32, #tpu.memory_space<vmem>> -> memref<1x1x128x64xf32, #tpu.memory_space<vmem>>
      %dma_start3A_189 = tpu.memref_squeeze %dma_start3A_188 : memref<1x1x128x64xf32, #tpu.memory_space<vmem>> -> memref<128x64xf32, #tpu.memory_space<vmem>>
      tpu.enqueue_dma source(%dma_start3A_189 : memref<128x64xf32, #tpu.memory_space<vmem>>) target(%dma_start3A_185 : memref<128x64xf32, #tpu.memory_space<hbm>>) target_semaphore(%arg10 : memref<!tpu.dma_semaphore, #tpu.memory_space<semaphore_mem>>)
      %mul3A_190 = arith.constant 128 : i32
      %mul3A_191 = arith.muli %add3A_158, %mul3A_190 : i32
      %dma_wait3A_192 = arith.constant 1 : i32
      %dma_wait3A_193 = arith.constant 0 : i32
      %dma_wait3A_194 = arith.constant 1 : i32
      %dma_wait3A_195 = arith.constant 0 : i32
      %dma_wait3A_196 = arith.constant 0 : i32
      %dma_wait3A_197 = tpu.memref_slice %arg7[%dma_wait3A_193, %dma_wait3A_194, %dma_wait3A_195, %dma_wait3A_196] : memref<2x2x128x64xf32, #tpu.memory_space<vmem>> -> memref<1x1x128x64xf32, #tpu.memory_space<vmem>>
      %dma_wait3A_198 = tpu.memref_squeeze %dma_wait3A_197 : memref<1x1x128x64xf32, #tpu.memory_space<vmem>> -> memref<128x64xf32, #tpu.memory_space<vmem>>
      %dma_wait3A_199 = tpu.memref_slice %arg6[%dma_wait3A_192, %mul3A_191] : memref<2x5120xi32, #tpu.memory_space<vmem>> -> memref<1x128xi32, #tpu.memory_space<vmem>>
      %dma_wait3A_200 = tpu.memref_squeeze %dma_wait3A_199 : memref<1x128xi32, #tpu.memory_space<vmem>> -> memref<128xi32, #tpu.memory_space<vmem>>
      %dma_wait3A_201 = arith.constant 0 : i32
      %dma_wait3A_202 = arith.constant 0 : i32
      %dma_wait3A_203 = tpu.memref_slice %arg5[%dma_wait3A_201, %dma_wait3A_202] : memref<20000x64xf32, #tpu.memory_space<vmem_shared>> -> memref<20000x64xf32, #tpu.memory_space<vmem_shared>>
      tpu.wait_indirect_dma semaphore(%arg8 : memref<!tpu.dma_semaphore, #tpu.memory_space<semaphore_mem>>) src(%dma_wait3A_203 : memref<20000x64xf32, #tpu.memory_space<vmem_shared>>) dst(%dma_wait3A_198 : memref<128x64xf32, #tpu.memory_space<vmem>>)
      %mul3A_204 = arith.constant 128 : i32
      %mul3A_205 = arith.muli %add3A_158, %mul3A_204 : i32
      %add3A_206 = arith.addi %mul3A_2, %mul3A_205 : i32
      %dma_start3A_207 = arith.constant 0 : i32
      %dma_start3A_208 = arith.constant 1 : i32
      %dma_start3A_209 = arith.constant 0 : i32
      %dma_start3A_210 = arith.constant 0 : i32
      %dma_start3A_211 = tpu.memref_slice %arg7[%dma_start3A_207, %dma_start3A_208, %dma_start3A_209, %dma_start3A_210] : memref<2x2x128x64xf32, #tpu.memory_space<vmem>> -> memref<1x1x128x64xf32, #tpu.memory_space<vmem>>
      %dma_start3A_212 = tpu.memref_squeeze %dma_start3A_211 : memref<1x1x128x64xf32, #tpu.memory_space<vmem>> -> memref<128x64xf32, #tpu.memory_space<vmem>>
      %dma_start3A_213 = arith.constant 64 : i32
      %dma_start3A_214 = tpu.memref_slice %arg4[%add3A_206, %dma_start3A_213] : memref<163840x128xf32, #tpu.memory_space<hbm>> -> memref<128x64xf32, #tpu.memory_space<hbm>>
      %dma_start3A_215 = arith.constant 64 : i32
      %dma_start3A_216 = tpu.memref_slice %arg4[%add3A_206, %dma_start3A_215] : memref<163840x128xf32, #tpu.memory_space<hbm>> -> memref<128x64xf32, #tpu.memory_space<hbm>>
      %dma_start3A_217 = arith.constant 0 : i32
      %dma_start3A_218 = arith.constant 0 : i32
      %dma_start3A_219 = tpu.memref_slice %arg7[%dma_start3A_207, %dma_start3A_208, %dma_start3A_217, %dma_start3A_218] : memref<2x2x128x64xf32, #tpu.memory_space<vmem>> -> memref<1x1x128x64xf32, #tpu.memory_space<vmem>>
      %dma_start3A_220 = tpu.memref_squeeze %dma_start3A_219 : memref<1x1x128x64xf32, #tpu.memory_space<vmem>> -> memref<128x64xf32, #tpu.memory_space<vmem>>
      tpu.enqueue_dma source(%dma_start3A_220 : memref<128x64xf32, #tpu.memory_space<vmem>>) target(%dma_start3A_216 : memref<128x64xf32, #tpu.memory_space<hbm>>) target_semaphore(%arg10 : memref<!tpu.dma_semaphore, #tpu.memory_space<semaphore_mem>>)
      %mul3A_221 = arith.constant 2 : i32
      %mul3A_222 = arith.muli %scan3A_84, %mul3A_221 : i32
      %add3A_223 = arith.constant 1 : i32
      %add3A_224 = arith.addi %mul3A_222, %add3A_223 : i32
      %mul3A_225 = arith.constant 128 : i32
      %mul3A_226 = arith.muli %add3A_224, %mul3A_225 : i32
      %dma_wait3A_227 = arith.constant 0 : i32
      %dma_wait3A_228 = arith.constant 1 : i32
      %dma_wait3A_229 = arith.constant 0 : i32
      %dma_wait3A_230 = arith.constant 0 : i32
      %dma_wait3A_231 = arith.constant 0 : i32
      %dma_wait3A_232 = tpu.memref_slice %arg7[%dma_wait3A_228, %dma_wait3A_229, %dma_wait3A_230, %dma_wait3A_231] : memref<2x2x128x64xf32, #tpu.memory_space<vmem>> -> memref<1x1x128x64xf32, #tpu.memory_space<vmem>>
      %dma_wait3A_233 = tpu.memref_squeeze %dma_wait3A_232 : memref<1x1x128x64xf32, #tpu.memory_space<vmem>> -> memref<128x64xf32, #tpu.memory_space<vmem>>
      %dma_wait3A_234 = tpu.memref_slice %arg6[%dma_wait3A_227, %mul3A_226] : memref<2x5120xi32, #tpu.memory_space<vmem>> -> memref<1x128xi32, #tpu.memory_space<vmem>>
      %dma_wait3A_235 = tpu.memref_squeeze %dma_wait3A_234 : memref<1x128xi32, #tpu.memory_space<vmem>> -> memref<128xi32, #tpu.memory_space<vmem>>
      %dma_wait3A_236 = arith.constant 0 : i32
      %dma_wait3A_237 = arith.constant 0 : i32
      %dma_wait3A_238 = tpu.memref_slice %arg5[%dma_wait3A_236, %dma_wait3A_237] : memref<20000x64xf32, #tpu.memory_space<vmem_shared>> -> memref<20000x64xf32, #tpu.memory_space<vmem_shared>>
      tpu.wait_indirect_dma semaphore(%arg9 : memref<!tpu.dma_semaphore, #tpu.memory_space<semaphore_mem>>) src(%dma_wait3A_238 : memref<20000x64xf32, #tpu.memory_space<vmem_shared>>) dst(%dma_wait3A_233 : memref<128x64xf32, #tpu.memory_space<vmem>>)
      %mul3A_239 = arith.constant 128 : i32
      %mul3A_240 = arith.muli %add3A_224, %mul3A_239 : i32
      %add3A_241 = arith.addi %mul3A_2, %mul3A_240 : i32
      %dma_start3A_242 = arith.constant 1 : i32
      %dma_start3A_243 = arith.constant 0 : i32
      %dma_start3A_244 = arith.constant 0 : i32
      %dma_start3A_245 = arith.constant 0 : i32
      %dma_start3A_246 = tpu.memref_slice %arg7[%dma_start3A_242, %dma_start3A_243, %dma_start3A_244, %dma_start3A_245] : memref<2x2x128x64xf32, #tpu.memory_space<vmem>> -> memref<1x1x128x64xf32, #tpu.memory_space<vmem>>
      %dma_start3A_247 = tpu.memref_squeeze %dma_start3A_246 : memref<1x1x128x64xf32, #tpu.memory_space<vmem>> -> memref<128x64xf32, #tpu.memory_space<vmem>>
      %dma_start3A_248 = arith.constant 0 : i32
      %dma_start3A_249 = tpu.memref_slice %arg4[%add3A_241, %dma_start3A_248] : memref<163840x128xf32, #tpu.memory_space<hbm>> -> memref<128x64xf32, #tpu.memory_space<hbm>>
      %dma_start3A_250 = arith.constant 0 : i32
      %dma_start3A_251 = tpu.memref_slice %arg4[%add3A_241, %dma_start3A_250] : memref<163840x128xf32, #tpu.memory_space<hbm>> -> memref<128x64xf32, #tpu.memory_space<hbm>>
      %dma_start3A_252 = arith.constant 0 : i32
      %dma_start3A_253 = arith.constant 0 : i32
      %dma_start3A_254 = tpu.memref_slice %arg7[%dma_start3A_242, %dma_start3A_243, %dma_start3A_252, %dma_start3A_253] : memref<2x2x128x64xf32, #tpu.memory_space<vmem>> -> memref<1x1x128x64xf32, #tpu.memory_space<vmem>>
      %dma_start3A_255 = tpu.memref_squeeze %dma_start3A_254 : memref<1x1x128x64xf32, #tpu.memory_space<vmem>> -> memref<128x64xf32, #tpu.memory_space<vmem>>
      tpu.enqueue_dma source(%dma_start3A_255 : memref<128x64xf32, #tpu.memory_space<vmem>>) target(%dma_start3A_251 : memref<128x64xf32, #tpu.memory_space<hbm>>) target_semaphore(%arg11 : memref<!tpu.dma_semaphore, #tpu.memory_space<semaphore_mem>>)
      %mul3A_256 = arith.constant 128 : i32
      %mul3A_257 = arith.muli %add3A_224, %mul3A_256 : i32
      %dma_wait3A_258 = arith.constant 1 : i32
      %dma_wait3A_259 = arith.constant 1 : i32
      %dma_wait3A_260 = arith.constant 1 : i32
      %dma_wait3A_261 = arith.constant 0 : i32
      %dma_wait3A_262 = arith.constant 0 : i32
      %dma_wait3A_263 = tpu.memref_slice %arg7[%dma_wait3A_259, %dma_wait3A_260, %dma_wait3A_261, %dma_wait3A_262] : memref<2x2x128x64xf32, #tpu.memory_space<vmem>> -> memref<1x1x128x64xf32, #tpu.memory_space<vmem>>
      %dma_wait3A_264 = tpu.memref_squeeze %dma_wait3A_263 : memref<1x1x128x64xf32, #tpu.memory_space<vmem>> -> memref<128x64xf32, #tpu.memory_space<vmem>>
      %dma_wait3A_265 = tpu.memref_slice %arg6[%dma_wait3A_258, %mul3A_257] : memref<2x5120xi32, #tpu.memory_space<vmem>> -> memref<1x128xi32, #tpu.memory_space<vmem>>
      %dma_wait3A_266 = tpu.memref_squeeze %dma_wait3A_265 : memref<1x128xi32, #tpu.memory_space<vmem>> -> memref<128xi32, #tpu.memory_space<vmem>>
      %dma_wait3A_267 = arith.constant 0 : i32
      %dma_wait3A_268 = arith.constant 0 : i32
      %dma_wait3A_269 = tpu.memref_slice %arg5[%dma_wait3A_267, %dma_wait3A_268] : memref<20000x64xf32, #tpu.memory_space<vmem_shared>> -> memref<20000x64xf32, #tpu.memory_space<vmem_shared>>
      tpu.wait_indirect_dma semaphore(%arg9 : memref<!tpu.dma_semaphore, #tpu.memory_space<semaphore_mem>>) src(%dma_wait3A_269 : memref<20000x64xf32, #tpu.memory_space<vmem_shared>>) dst(%dma_wait3A_264 : memref<128x64xf32, #tpu.memory_space<vmem>>)
      %mul3A_270 = arith.constant 128 : i32
      %mul3A_271 = arith.muli %add3A_224, %mul3A_270 : i32
      %add3A_272 = arith.addi %mul3A_2, %mul3A_271 : i32
      %dma_start3A_273 = arith.constant 1 : i32
      %dma_start3A_274 = arith.constant 1 : i32
      %dma_start3A_275 = arith.constant 0 : i32
      %dma_start3A_276 = arith.constant 0 : i32
      %dma_start3A_277 = tpu.memref_slice %arg7[%dma_start3A_273, %dma_start3A_274, %dma_start3A_275, %dma_start3A_276] : memref<2x2x128x64xf32, #tpu.memory_space<vmem>> -> memref<1x1x128x64xf32, #tpu.memory_space<vmem>>
      %dma_start3A_278 = tpu.memref_squeeze %dma_start3A_277 : memref<1x1x128x64xf32, #tpu.memory_space<vmem>> -> memref<128x64xf32, #tpu.memory_space<vmem>>
      %dma_start3A_279 = arith.constant 64 : i32
      %dma_start3A_280 = tpu.memref_slice %arg4[%add3A_272, %dma_start3A_279] : memref<163840x128xf32, #tpu.memory_space<hbm>> -> memref<128x64xf32, #tpu.memory_space<hbm>>
      %dma_start3A_281 = arith.constant 64 : i32
      %dma_start3A_282 = tpu.memref_slice %arg4[%add3A_272, %dma_start3A_281] : memref<163840x128xf32, #tpu.memory_space<hbm>> -> memref<128x64xf32, #tpu.memory_space<hbm>>
      %dma_start3A_283 = arith.constant 0 : i32
      %dma_start3A_284 = arith.constant 0 : i32
      %dma_start3A_285 = tpu.memref_slice %arg7[%dma_start3A_273, %dma_start3A_274, %dma_start3A_283, %dma_start3A_284] : memref<2x2x128x64xf32, #tpu.memory_space<vmem>> -> memref<1x1x128x64xf32, #tpu.memory_space<vmem>>
      %dma_start3A_286 = tpu.memref_squeeze %dma_start3A_285 : memref<1x1x128x64xf32, #tpu.memory_space<vmem>> -> memref<128x64xf32, #tpu.memory_space<vmem>>
      tpu.enqueue_dma source(%dma_start3A_286 : memref<128x64xf32, #tpu.memory_space<vmem>>) target(%dma_start3A_282 : memref<128x64xf32, #tpu.memory_space<hbm>>) target_semaphore(%arg11 : memref<!tpu.dma_semaphore, #tpu.memory_space<semaphore_mem>>)
    }
    %scan3A_20 = arith.constant 20 : i32
    %add3A_21 = arith.constant 4864 : i32
    %add3A_22 = arith.addi %mul3A_2, %add3A_21 : i32
    %dma_wait3A = arith.constant 0 : i32
    %dma_wait3A_23 = arith.constant 0 : i32
    %dma_wait3A_24 = arith.constant 0 : i32
    %dma_wait3A_25 = arith.constant 0 : i32
    %dma_wait3A_26 = tpu.memref_slice %arg7[%dma_wait3A, %dma_wait3A_23, %dma_wait3A_24, %dma_wait3A_25] : memref<2x2x128x64xf32, #tpu.memory_space<vmem>> -> memref<1x1x128x64xf32, #tpu.memory_space<vmem>>
    %dma_wait3A_27 = tpu.memref_squeeze %dma_wait3A_26 : memref<1x1x128x64xf32, #tpu.memory_space<vmem>> -> memref<128x64xf32, #tpu.memory_space<vmem>>
    %dma_wait3A_28 = arith.constant 0 : i32
    %dma_wait3A_29 = tpu.memref_slice %arg4[%add3A_22, %dma_wait3A_28] : memref<163840x128xf32, #tpu.memory_space<hbm>> -> memref<128x64xf32, #tpu.memory_space<hbm>>
    %dma_wait3A_30 = arith.constant 0 : i32
    %dma_wait3A_31 = tpu.memref_slice %arg4[%add3A_22, %dma_wait3A_30] : memref<163840x128xf32, #tpu.memory_space<hbm>> -> memref<128x64xf32, #tpu.memory_space<hbm>>
    %dma_wait3A_32 = arith.constant 0 : i32
    %dma_wait3A_33 = arith.constant 0 : i32
    %dma_wait3A_34 = tpu.memref_slice %arg7[%dma_wait3A, %dma_wait3A_23, %dma_wait3A_32, %dma_wait3A_33] : memref<2x2x128x64xf32, #tpu.memory_space<vmem>> -> memref<1x1x128x64xf32, #tpu.memory_space<vmem>>
    %dma_wait3A_35 = tpu.memref_squeeze %dma_wait3A_34 : memref<1x1x128x64xf32, #tpu.memory_space<vmem>> -> memref<128x64xf32, #tpu.memory_space<vmem>>
    tpu.wait_dma2 semaphore(%arg10 : memref<!tpu.dma_semaphore, #tpu.memory_space<semaphore_mem>>) src(%dma_wait3A_35 : memref<128x64xf32, #tpu.memory_space<vmem>>) dst(%dma_wait3A_31 : memref<128x64xf32, #tpu.memory_space<hbm>>)
    %add3A_36 = arith.constant 4864 : i32
    %add3A_37 = arith.addi %mul3A_2, %add3A_36 : i32
    %dma_wait3A_38 = arith.constant 0 : i32
    %dma_wait3A_39 = arith.constant 1 : i32
    %dma_wait3A_40 = arith.constant 0 : i32
    %dma_wait3A_41 = arith.constant 0 : i32
    %dma_wait3A_42 = tpu.memref_slice %arg7[%dma_wait3A_38, %dma_wait3A_39, %dma_wait3A_40, %dma_wait3A_41] : memref<2x2x128x64xf32, #tpu.memory_space<vmem>> -> memref<1x1x128x64xf32, #tpu.memory_space<vmem>>
    %dma_wait3A_43 = tpu.memref_squeeze %dma_wait3A_42 : memref<1x1x128x64xf32, #tpu.memory_space<vmem>> -> memref<128x64xf32, #tpu.memory_space<vmem>>
    %dma_wait3A_44 = arith.constant 64 : i32
    %dma_wait3A_45 = tpu.memref_slice %arg4[%add3A_37, %dma_wait3A_44] : memref<163840x128xf32, #tpu.memory_space<hbm>> -> memref<128x64xf32, #tpu.memory_space<hbm>>
    %dma_wait3A_46 = arith.constant 64 : i32
    %dma_wait3A_47 = tpu.memref_slice %arg4[%add3A_37, %dma_wait3A_46] : memref<163840x128xf32, #tpu.memory_space<hbm>> -> memref<128x64xf32, #tpu.memory_space<hbm>>
    %dma_wait3A_48 = arith.constant 0 : i32
    %dma_wait3A_49 = arith.constant 0 : i32
    %dma_wait3A_50 = tpu.memref_slice %arg7[%dma_wait3A_38, %dma_wait3A_39, %dma_wait3A_48, %dma_wait3A_49] : memref<2x2x128x64xf32, #tpu.memory_space<vmem>> -> memref<1x1x128x64xf32, #tpu.memory_space<vmem>>
    %dma_wait3A_51 = tpu.memref_squeeze %dma_wait3A_50 : memref<1x1x128x64xf32, #tpu.memory_space<vmem>> -> memref<128x64xf32, #tpu.memory_space<vmem>>
    tpu.wait_dma2 semaphore(%arg10 : memref<!tpu.dma_semaphore, #tpu.memory_space<semaphore_mem>>) src(%dma_wait3A_51 : memref<128x64xf32, #tpu.memory_space<vmem>>) dst(%dma_wait3A_47 : memref<128x64xf32, #tpu.memory_space<hbm>>)
    %add3A_52 = arith.constant 4992 : i32
    %add3A_53 = arith.addi %mul3A_2, %add3A_52 : i32
    %dma_wait3A_54 = arith.constant 1 : i32
    %dma_wait3A_55 = arith.constant 0 : i32
    %dma_wait3A_56 = arith.constant 0 : i32
    %dma_wait3A_57 = arith.constant 0 : i32
    %dma_wait3A_58 = tpu.memref_slice %arg7[%dma_wait3A_54, %dma_wait3A_55, %dma_wait3A_56, %dma_wait3A_57] : memref<2x2x128x64xf32, #tpu.memory_space<vmem>> -> memref<1x1x128x64xf32, #tpu.memory_space<vmem>>
    %dma_wait3A_59 = tpu.memref_squeeze %dma_wait3A_58 : memref<1x1x128x64xf32, #tpu.memory_space<vmem>> -> memref<128x64xf32, #tpu.memory_space<vmem>>
    %dma_wait3A_60 = arith.constant 0 : i32
    %dma_wait3A_61 = tpu.memref_slice %arg4[%add3A_53, %dma_wait3A_60] : memref<163840x128xf32, #tpu.memory_space<hbm>> -> memref<128x64xf32, #tpu.memory_space<hbm>>
    %dma_wait3A_62 = arith.constant 0 : i32
    %dma_wait3A_63 = tpu.memref_slice %arg4[%add3A_53, %dma_wait3A_62] : memref<163840x128xf32, #tpu.memory_space<hbm>> -> memref<128x64xf32, #tpu.memory_space<hbm>>
    %dma_wait3A_64 = arith.constant 0 : i32
    %dma_wait3A_65 = arith.constant 0 : i32
    %dma_wait3A_66 = tpu.memref_slice %arg7[%dma_wait3A_54, %dma_wait3A_55, %dma_wait3A_64, %dma_wait3A_65] : memref<2x2x128x64xf32, #tpu.memory_space<vmem>> -> memref<1x1x128x64xf32, #tpu.memory_space<vmem>>
    %dma_wait3A_67 = tpu.memref_squeeze %dma_wait3A_66 : memref<1x1x128x64xf32, #tpu.memory_space<vmem>> -> memref<128x64xf32, #tpu.memory_space<vmem>>
    tpu.wait_dma2 semaphore(%arg11 : memref<!tpu.dma_semaphore, #tpu.memory_space<semaphore_mem>>) src(%dma_wait3A_67 : memref<128x64xf32, #tpu.memory_space<vmem>>) dst(%dma_wait3A_63 : memref<128x64xf32, #tpu.memory_space<hbm>>)
    %add3A_68 = arith.constant 4992 : i32
    %add3A_69 = arith.addi %mul3A_2, %add3A_68 : i32
    %dma_wait3A_70 = arith.constant 1 : i32
    %dma_wait3A_71 = arith.constant 1 : i32
    %dma_wait3A_72 = arith.constant 0 : i32
    %dma_wait3A_73 = arith.constant 0 : i32
    %dma_wait3A_74 = tpu.memref_slice %arg7[%dma_wait3A_70, %dma_wait3A_71, %dma_wait3A_72, %dma_wait3A_73] : memref<2x2x128x64xf32, #tpu.memory_space<vmem>> -> memref<1x1x128x64xf32, #tpu.memory_space<vmem>>
    %dma_wait3A_75 = tpu.memref_squeeze %dma_wait3A_74 : memref<1x1x128x64xf32, #tpu.memory_space<vmem>> -> memref<128x64xf32, #tpu.memory_space<vmem>>
    %dma_wait3A_76 = arith.constant 64 : i32
    %dma_wait3A_77 = tpu.memref_slice %arg4[%add3A_69, %dma_wait3A_76] : memref<163840x128xf32, #tpu.memory_space<hbm>> -> memref<128x64xf32, #tpu.memory_space<hbm>>
    %dma_wait3A_78 = arith.constant 64 : i32
    %dma_wait3A_79 = tpu.memref_slice %arg4[%add3A_69, %dma_wait3A_78] : memref<163840x128xf32, #tpu.memory_space<hbm>> -> memref<128x64xf32, #tpu.memory_space<hbm>>
    %dma_wait3A_80 = arith.constant 0 : i32
    %dma_wait3A_81 = arith.constant 0 : i32
    %dma_wait3A_82 = tpu.memref_slice %arg7[%dma_wait3A_70, %dma_wait3A_71, %dma_wait3A_80, %dma_wait3A_81] : memref<2x2x128x64xf32, #tpu.memory_space<vmem>> -> memref<1x1x128x64xf32, #tpu.memory_space<vmem>>
    %dma_wait3A_83 = tpu.memref_squeeze %dma_wait3A_82 : memref<1x1x128x64xf32, #tpu.memory_space<vmem>> -> memref<128x64xf32, #tpu.memory_space<vmem>>
    tpu.wait_dma2 semaphore(%arg11 : memref<!tpu.dma_semaphore, #tpu.memory_space<semaphore_mem>>) src(%dma_wait3A_83 : memref<128x64xf32, #tpu.memory_space<vmem>>) dst(%dma_wait3A_79 : memref<128x64xf32, #tpu.memory_space<hbm>>)
    return
  }
}

#map = affine_map<(d0, d1) -> (0, 0)>
module attributes {stable_mosaic.version = 14 : i64} {
  func.func @sc_gather(%arg0: i32, %arg1: i32, %arg2: memref<20000x64xf32, #tpu.memory_space<hbm>>, %arg3: memref<2x163840xi32, #tpu.memory_space<hbm>>, %arg4: memref<163840x128xf32, #tpu.memory_space<hbm>>, %arg5: memref<20000x64xf32, #tpu.memory_space<vmem_shared>>, %arg6: memref<2x5120xi32, #tpu.memory_space<vmem>>, %arg7: memref<2x2x128x64xf32, #tpu.memory_space<vmem>>, %arg8: memref<!tpu.dma_semaphore, #tpu.memory_space<semaphore_mem>>, %arg9: memref<!tpu.dma_semaphore, #tpu.memory_space<semaphore_mem>>, %arg10: memref<!tpu.dma_semaphore, #tpu.memory_space<semaphore_mem>>, %arg11: memref<!tpu.dma_semaphore, #tpu.memory_space<semaphore_mem>>) attributes {dimension_semantics = [#tpu.dimension_semantics<core_parallel>, #tpu.dimension_semantics<subcore_parallel>], iteration_bounds = array<i64: 2, 16>, scalar_prefetch = 0 : i64, scratch_operands = 7 : i64, tpu.core_type = #tpu.core_type<sc_vector_subcore>, window_params = [{transform_indices = #map}, {transform_indices = #map}, {transform_indices = #map}]} {
    %mul3A = arith.constant 2 : i32
    %mul3A_0 = arith.muli %arg1, %mul3A : i32
    %add3A = arith.addi %mul3A_0, %arg0 : i32
    %mul3A_1 = arith.constant 5120 : i32
    %mul3A_2 = arith.muli %add3A, %mul3A_1 : i32
    %mul3A_3 = arith.constant 1250 : i32
    %mul3A_4 = arith.muli %arg1, %mul3A_3 : i32
    %mul3A_5 = arith.constant 1250 : i32
    %mul3A_6 = arith.muli %arg1, %mul3A_5 : i32
    "tpu.region"() ({
      %run_scoped3A_84 = tpu.sem_alloc : memref<!tpu.dma_semaphore, #tpu.memory_space<semaphore_mem>>
      %dma_start3A = arith.constant 0 : i32
      %dma_start3A_85 = tpu.memref_slice %arg5[%mul3A_6, %dma_start3A] : memref<20000x64xf32, #tpu.memory_space<vmem_shared>> -> memref<1250x64xf32, #tpu.memory_space<vmem_shared>>
      %dma_start3A_86 = arith.constant 0 : i32
      %dma_start3A_87 = tpu.memref_slice %arg2[%mul3A_4, %dma_start3A_86] : memref<20000x64xf32, #tpu.memory_space<hbm>> -> memref<1250x64xf32, #tpu.memory_space<hbm>>
      tpu.enqueue_dma source(%dma_start3A_87 : memref<1250x64xf32, #tpu.memory_space<hbm>>) target(%dma_start3A_85 : memref<1250x64xf32, #tpu.memory_space<vmem_shared>>) target_semaphore(%run_scoped3A_84 : memref<!tpu.dma_semaphore, #tpu.memory_space<semaphore_mem>>)
      %dma_wait3A_88 = arith.constant 0 : i32
      %dma_wait3A_89 = tpu.memref_slice %arg5[%mul3A_6, %dma_wait3A_88] : memref<20000x64xf32, #tpu.memory_space<vmem_shared>> -> memref<1250x64xf32, #tpu.memory_space<vmem_shared>>
      %dma_wait3A_90 = arith.constant 0 : i32
      %dma_wait3A_91 = tpu.memref_slice %arg2[%mul3A_4, %dma_wait3A_90] : memref<20000x64xf32, #tpu.memory_space<hbm>> -> memref<1250x64xf32, #tpu.memory_space<hbm>>
      tpu.wait_dma2 semaphore(%run_scoped3A_84 : memref<!tpu.dma_semaphore, #tpu.memory_space<semaphore_mem>>) src(%dma_wait3A_91 : memref<1250x64xf32, #tpu.memory_space<hbm>>) dst(%dma_wait3A_89 : memref<1250x64xf32, #tpu.memory_space<vmem_shared>>)
      tpu.yield
    }) : () -> ()
    %run_scoped3A = arith.constant 0 : i32
    %run_scoped3A_7 = arith.constant 0 : i32
    "tpu.region"() ({
      %run_scoped3A_84 = tpu.sem_alloc : memref<!tpu.dma_semaphore, #tpu.memory_space<semaphore_mem>>
      %dma_start3A = arith.constant 0 : i32
      %dma_start3A_85 = tpu.memref_slice %arg6[%run_scoped3A_7, %dma_start3A] : memref<2x5120xi32, #tpu.memory_space<vmem>> -> memref<1x5120xi32, #tpu.memory_space<vmem>>
      %dma_start3A_86 = tpu.memref_squeeze %dma_start3A_85 : memref<1x5120xi32, #tpu.memory_space<vmem>> -> memref<5120xi32, #tpu.memory_space<vmem>>
      %dma_start3A_87 = tpu.memref_slice %arg3[%run_scoped3A, %mul3A_2] : memref<2x163840xi32, #tpu.memory_space<hbm>> -> memref<1x5120xi32, #tpu.memory_space<hbm>>
      %dma_start3A_88 = tpu.memref_squeeze %dma_start3A_87 : memref<1x5120xi32, #tpu.memory_space<hbm>> -> memref<5120xi32, #tpu.memory_space<hbm>>
      %dma_start3A_89 = arith.constant 0 : i32
      %dma_start3A_90 = tpu.memref_slice %arg6[%run_scoped3A_7, %dma_start3A_89] : memref<2x5120xi32, #tpu.memory_space<vmem>> -> memref<1x5120xi32, #tpu.memory_space<vmem>>
      %dma_start3A_91 = tpu.memref_squeeze %dma_start3A_90 : memref<1x5120xi32, #tpu.memory_space<vmem>> -> memref<5120xi32, #tpu.memory_space<vmem>>
      %dma_start3A_92 = tpu.memref_slice %arg3[%run_scoped3A, %mul3A_2] : memref<2x163840xi32, #tpu.memory_space<hbm>> -> memref<1x5120xi32, #tpu.memory_space<hbm>>
      %dma_start3A_93 = tpu.memref_squeeze %dma_start3A_92 : memref<1x5120xi32, #tpu.memory_space<hbm>> -> memref<5120xi32, #tpu.memory_space<hbm>>
      tpu.enqueue_dma source(%dma_start3A_93 : memref<5120xi32, #tpu.memory_space<hbm>>) target(%dma_start3A_91 : memref<5120xi32, #tpu.memory_space<vmem>>) target_semaphore(%run_scoped3A_84 : memref<!tpu.dma_semaphore, #tpu.memory_space<semaphore_mem>>)
      %dma_wait3A_94 = arith.constant 0 : i32
      %dma_wait3A_95 = tpu.memref_slice %arg6[%run_scoped3A_7, %dma_wait3A_94] : memref<2x5120xi32, #tpu.memory_space<vmem>> -> memref<1x5120xi32, #tpu.memory_space<vmem>>
      %dma_wait3A_96 = tpu.memref_squeeze %dma_wait3A_95 : memref<1x5120xi32, #tpu.memory_space<vmem>> -> memref<5120xi32, #tpu.memory_space<vmem>>
      %dma_wait3A_97 = tpu.memref_slice %arg3[%run_scoped3A, %mul3A_2] : memref<2x163840xi32, #tpu.memory_space<hbm>> -> memref<1x5120xi32, #tpu.memory_space<hbm>>
      %dma_wait3A_98 = tpu.memref_squeeze %dma_wait3A_97 : memref<1x5120xi32, #tpu.memory_space<hbm>> -> memref<5120xi32, #tpu.memory_space<hbm>>
      %dma_wait3A_99 = arith.constant 0 : i32
      %dma_wait3A_100 = tpu.memref_slice %arg6[%run_scoped3A_7, %dma_wait3A_99] : memref<2x5120xi32, #tpu.memory_space<vmem>> -> memref<1x5120xi32, #tpu.memory_space<vmem>>
      %dma_wait3A_101 = tpu.memref_squeeze %dma_wait3A_100 : memref<1x5120xi32, #tpu.memory_space<vmem>> -> memref<5120xi32, #tpu.memory_space<vmem>>
      %dma_wait3A_102 = tpu.memref_slice %arg3[%run_scoped3A, %mul3A_2] : memref<2x163840xi32, #tpu.memory_space<hbm>> -> memref<1x5120xi32, #tpu.memory_space<hbm>>
      %dma_wait3A_103 = tpu.memref_squeeze %dma_wait3A_102 : memref<1x5120xi32, #tpu.memory_space<hbm>> -> memref<5120xi32, #tpu.memory_space<hbm>>
      tpu.wait_dma2 semaphore(%run_scoped3A_84 : memref<!tpu.dma_semaphore, #tpu.memory_space<semaphore_mem>>) src(%dma_wait3A_103 : memref<5120xi32, #tpu.memory_space<hbm>>) dst(%dma_wait3A_101 : memref<5120xi32, #tpu.memory_space<vmem>>)
      tpu.yield
    }) : () -> ()
    %run_scoped3A_8 = arith.constant 1 : i32
    %run_scoped3A_9 = arith.constant 1 : i32
    "tpu.region"() ({
      %run_scoped3A_84 = tpu.sem_alloc : memref<!tpu.dma_semaphore, #tpu.memory_space<semaphore_mem>>
      %dma_start3A = arith.constant 0 : i32
      %dma_start3A_85 = tpu.memref_slice %arg6[%run_scoped3A_9, %dma_start3A] : memref<2x5120xi32, #tpu.memory_space<vmem>> -> memref<1x5120xi32, #tpu.memory_space<vmem>>
      %dma_start3A_86 = tpu.memref_squeeze %dma_start3A_85 : memref<1x5120xi32, #tpu.memory_space<vmem>> -> memref<5120xi32, #tpu.memory_space<vmem>>
      %dma_start3A_87 = tpu.memref_slice %arg3[%run_scoped3A_8, %mul3A_2] : memref<2x163840xi32, #tpu.memory_space<hbm>> -> memref<1x5120xi32, #tpu.memory_space<hbm>>
      %dma_start3A_88 = tpu.memref_squeeze %dma_start3A_87 : memref<1x5120xi32, #tpu.memory_space<hbm>> -> memref<5120xi32, #tpu.memory_space<hbm>>
      %dma_start3A_89 = arith.constant 0 : i32
      %dma_start3A_90 = tpu.memref_slice %arg6[%run_scoped3A_9, %dma_start3A_89] : memref<2x5120xi32, #tpu.memory_space<vmem>> -> memref<1x5120xi32, #tpu.memory_space<vmem>>
      %dma_start3A_91 = tpu.memref_squeeze %dma_start3A_90 : memref<1x5120xi32, #tpu.memory_space<vmem>> -> memref<5120xi32, #tpu.memory_space<vmem>>
      %dma_start3A_92 = tpu.memref_slice %arg3[%run_scoped3A_8, %mul3A_2] : memref<2x163840xi32, #tpu.memory_space<hbm>> -> memref<1x5120xi32, #tpu.memory_space<hbm>>
      %dma_start3A_93 = tpu.memref_squeeze %dma_start3A_92 : memref<1x5120xi32, #tpu.memory_space<hbm>> -> memref<5120xi32, #tpu.memory_space<hbm>>
      tpu.enqueue_dma source(%dma_start3A_93 : memref<5120xi32, #tpu.memory_space<hbm>>) target(%dma_start3A_91 : memref<5120xi32, #tpu.memory_space<vmem>>) target_semaphore(%run_scoped3A_84 : memref<!tpu.dma_semaphore, #tpu.memory_space<semaphore_mem>>)
      %dma_wait3A_94 = arith.constant 0 : i32
      %dma_wait3A_95 = tpu.memref_slice %arg6[%run_scoped3A_9, %dma_wait3A_94] : memref<2x5120xi32, #tpu.memory_space<vmem>> -> memref<1x5120xi32, #tpu.memory_space<vmem>>
      %dma_wait3A_96 = tpu.memref_squeeze %dma_wait3A_95 : memref<1x5120xi32, #tpu.memory_space<vmem>> -> memref<5120xi32, #tpu.memory_space<vmem>>
      %dma_wait3A_97 = tpu.memref_slice %arg3[%run_scoped3A_8, %mul3A_2] : memref<2x163840xi32, #tpu.memory_space<hbm>> -> memref<1x5120xi32, #tpu.memory_space<hbm>>
      %dma_wait3A_98 = tpu.memref_squeeze %dma_wait3A_97 : memref<1x5120xi32, #tpu.memory_space<hbm>> -> memref<5120xi32, #tpu.memory_space<hbm>>
      %dma_wait3A_99 = arith.constant 0 : i32
      %dma_wait3A_100 = tpu.memref_slice %arg6[%run_scoped3A_9, %dma_wait3A_99] : memref<2x5120xi32, #tpu.memory_space<vmem>> -> memref<1x5120xi32, #tpu.memory_space<vmem>>
      %dma_wait3A_101 = tpu.memref_squeeze %dma_wait3A_100 : memref<1x5120xi32, #tpu.memory_space<vmem>> -> memref<5120xi32, #tpu.memory_space<vmem>>
      %dma_wait3A_102 = tpu.memref_slice %arg3[%run_scoped3A_8, %mul3A_2] : memref<2x163840xi32, #tpu.memory_space<hbm>> -> memref<1x5120xi32, #tpu.memory_space<hbm>>
      %dma_wait3A_103 = tpu.memref_squeeze %dma_wait3A_102 : memref<1x5120xi32, #tpu.memory_space<hbm>> -> memref<5120xi32, #tpu.memory_space<hbm>>
      tpu.wait_dma2 semaphore(%run_scoped3A_84 : memref<!tpu.dma_semaphore, #tpu.memory_space<semaphore_mem>>) src(%dma_wait3A_103 : memref<5120xi32, #tpu.memory_space<hbm>>) dst(%dma_wait3A_101 : memref<5120xi32, #tpu.memory_space<vmem>>)
      tpu.yield
    }) : () -> ()
    %scan3A = arith.constant 0 : i32
    %scan3A_10 = arith.constant 0 : i32
    %scan3A_11 = arith.constant 320 : i32
    %scan3A_12 = arith.addi %scan3A_10, %scan3A_11 : i32
    %scan3A_13 = arith.constant 1 : i32
    scf.for %scan3A_84 = %scan3A_10 to %scan3A_12 step %scan3A_13  : i32 {
      %mul3A_85 = arith.constant 16 : i32
      %mul3A_86 = arith.muli %scan3A_84, %mul3A_85 : i32
      %get3A = arith.constant 0 : i32
      %get3A_87 = arith.index_cast %get3A : i32 to index
      %get3A_88 = arith.index_cast %mul3A_86 : i32 to index
      %get3A_89 = tpu.vector_load %arg6[%get3A_87, %get3A_88] {strides = array<i32>} : memref<2x5120xi32, #tpu.memory_space<vmem>>, vector<1x16xi32>,
      %get3A_90 = vector.shape_cast %get3A_89 : vector<1x16xi32> to vector<16xi32>
      %mul3A_91 = arith.constant 2 : i32
      %mul3A_92 = vector.broadcast %mul3A_91 : i32 to vector<16xi32>
      %mul3A_93 = arith.muli %mul3A_92, %get3A_90 : vector<16xi32>
      %mul3A_94 = arith.constant 16 : i32
      %mul3A_95 = arith.muli %scan3A_84, %mul3A_94 : i32
      %swap3A = arith.constant 0 : i32
      %swap3A_96 = arith.index_cast %swap3A : i32 to index
      %swap3A_97 = arith.index_cast %mul3A_95 : i32 to index
      %swap3A_98 = tpu.vector_load %arg6[%swap3A_96, %swap3A_97] {strides = array<i32>} : memref<2x5120xi32, #tpu.memory_space<vmem>>, vector<1x16xi32>,
      %swap3A_99 = vector.shape_cast %swap3A_98 : vector<1x16xi32> to vector<16xi32>
      %swap3A_100 = vector.shape_cast %mul3A_93 : vector<16xi32> to vector<1x16xi32>
      tpu.vector_store %arg6[%swap3A_96, %swap3A_97], %swap3A_100 {strides = array<i32>} : memref<2x5120xi32, #tpu.memory_space<vmem>>, vector<1x16xi32>,
      %mul3A_101 = arith.constant 16 : i32
      %mul3A_102 = arith.muli %scan3A_84, %mul3A_101 : i32
      %get3A_103 = arith.constant 1 : i32
      %get3A_104 = arith.index_cast %get3A_103 : i32 to index
      %get3A_105 = arith.index_cast %mul3A_102 : i32 to index
      %get3A_106 = tpu.vector_load %arg6[%get3A_104, %get3A_105] {strides = array<i32>} : memref<2x5120xi32, #tpu.memory_space<vmem>>, vector<1x16xi32>,
      %get3A_107 = vector.shape_cast %get3A_106 : vector<1x16xi32> to vector<16xi32>
      %mul3A_108 = arith.constant 2 : i32
      %mul3A_109 = vector.broadcast %mul3A_108 : i32 to vector<16xi32>
      %mul3A_110 = arith.muli %mul3A_109, %get3A_107 : vector<16xi32>
      %add3A_111 = arith.constant 1 : i32
      %add3A_112 = vector.broadcast %add3A_111 : i32 to vector<16xi32>
      %add3A_113 = arith.addi %mul3A_110, %add3A_112 : vector<16xi32>
      %mul3A_114 = arith.constant 16 : i32
      %mul3A_115 = arith.muli %scan3A_84, %mul3A_114 : i32
      %swap3A_116 = arith.constant 1 : i32
      %swap3A_117 = arith.index_cast %swap3A_116 : i32 to index
      %swap3A_118 = arith.index_cast %mul3A_115 : i32 to index
      %swap3A_119 = tpu.vector_load %arg6[%swap3A_117, %swap3A_118] {strides = array<i32>} : memref<2x5120xi32, #tpu.memory_space<vmem>>, vector<1x16xi32>,
      %swap3A_120 = vector.shape_cast %swap3A_119 : vector<1x16xi32> to vector<16xi32>
      %swap3A_121 = vector.shape_cast %add3A_113 : vector<16xi32> to vector<1x16xi32>
      tpu.vector_store %arg6[%swap3A_117, %swap3A_118], %swap3A_121 {strides = array<i32>} : memref<2x5120xi32, #tpu.memory_space<vmem>>, vector<1x16xi32>,
    }
    %scan3A_14 = arith.constant 320 : i32
    %barrier3A = arith.constant 0 : index
    tpu.barrier barrier_id(%barrier3A)
    %scan3A_15 = arith.constant 0 : i32
    %scan3A_16 = arith.constant 0 : i32
    %scan3A_17 = arith.constant 20 : i32
    %scan3A_18 = arith.addi %scan3A_16, %scan3A_17 : i32
    %scan3A_19 = arith.constant 1 : i32
    scf.for %scan3A_84 = %scan3A_16 to %scan3A_18 step %scan3A_19  : i32 {
      %mul3A_85 = arith.constant 2 : i32
      %mul3A_86 = arith.muli %scan3A_84, %mul3A_85 : i32
      %add3A_87 = arith.constant 0 : i32
      %add3A_88 = arith.addi %mul3A_86, %add3A_87 : i32
      %gt3A = arith.constant 0 : i32
      %gt3A_89 = arith.cmpi sgt, %scan3A_84, %gt3A : i32
      %convert_element_type3A = arith.extui %gt3A_89 : i1 to i32
      %cond3A = arith.constant 0 : i32
      %cond3A_90 = arith.cmpi ne, %convert_element_type3A, %cond3A : i32
      scf.if %cond3A_90 {
        %sub3A = arith.constant 2 : i32
        %sub3A_287 = arith.subi %add3A_88, %sub3A : i32
        %mul3A_288 = arith.constant 128 : i32
        %mul3A_289 = arith.muli %sub3A_287, %mul3A_288 : i32
        %add3A_290 = arith.addi %mul3A_2, %mul3A_289 : i32
        %dma_wait3A_291 = arith.constant 0 : i32
        %dma_wait3A_292 = arith.constant 0 : i32
        %dma_wait3A_293 = arith.constant 0 : i32
        %dma_wait3A_294 = arith.constant 0 : i32
        %dma_wait3A_295 = tpu.memref_slice %arg7[%dma_wait3A_291, %dma_wait3A_292, %dma_wait3A_293, %dma_wait3A_294] : memref<2x2x128x64xf32, #tpu.memory_space<vmem>> -> memref<1x1x128x64xf32, #tpu.memory_space<vmem>>
        %dma_wait3A_296 = tpu.memref_squeeze %dma_wait3A_295 : memref<1x1x128x64xf32, #tpu.memory_space<vmem>> -> memref<128x64xf32, #tpu.memory_space<vmem>>
        %dma_wait3A_297 = arith.constant 0 : i32
        %dma_wait3A_298 = tpu.memref_slice %arg4[%add3A_290, %dma_wait3A_297] : memref<163840x128xf32, #tpu.memory_space<hbm>> -> memref<128x64xf32, #tpu.memory_space<hbm>>
        %dma_wait3A_299 = arith.constant 0 : i32
        %dma_wait3A_300 = tpu.memref_slice %arg4[%add3A_290, %dma_wait3A_299] : memref<163840x128xf32, #tpu.memory_space<hbm>> -> memref<128x64xf32, #tpu.memory_space<hbm>>
        %dma_wait3A_301 = arith.constant 0 : i32
        %dma_wait3A_302 = arith.constant 0 : i32
        %dma_wait3A_303 = tpu.memref_slice %arg7[%dma_wait3A_291, %dma_wait3A_292, %dma_wait3A_301, %dma_wait3A_302] : memref<2x2x128x64xf32, #tpu.memory_space<vmem>> -> memref<1x1x128x64xf32, #tpu.memory_space<vmem>>
        %dma_wait3A_304 = tpu.memref_squeeze %dma_wait3A_303 : memref<1x1x128x64xf32, #tpu.memory_space<vmem>> -> memref<128x64xf32, #tpu.memory_space<vmem>>
        tpu.wait_dma2 semaphore(%arg10 : memref<!tpu.dma_semaphore, #tpu.memory_space<semaphore_mem>>) src(%dma_wait3A_304 : memref<128x64xf32, #tpu.memory_space<vmem>>) dst(%dma_wait3A_300 : memref<128x64xf32, #tpu.memory_space<hbm>>)
        %sub3A_305 = arith.constant 2 : i32
        %sub3A_306 = arith.subi %add3A_88, %sub3A_305 : i32
        %mul3A_307 = arith.constant 128 : i32
        %mul3A_308 = arith.muli %sub3A_306, %mul3A_307 : i32
        %add3A_309 = arith.addi %mul3A_2, %mul3A_308 : i32
        %dma_wait3A_310 = arith.constant 0 : i32
        %dma_wait3A_311 = arith.constant 1 : i32
        %dma_wait3A_312 = arith.constant 0 : i32
        %dma_wait3A_313 = arith.constant 0 : i32
        %dma_wait3A_314 = tpu.memref_slice %arg7[%dma_wait3A_310, %dma_wait3A_311, %dma_wait3A_312, %dma_wait3A_313] : memref<2x2x128x64xf32, #tpu.memory_space<vmem>> -> memref<1x1x128x64xf32, #tpu.memory_space<vmem>>
        %dma_wait3A_315 = tpu.memref_squeeze %dma_wait3A_314 : memref<1x1x128x64xf32, #tpu.memory_space<vmem>> -> memref<128x64xf32, #tpu.memory_space<vmem>>
        %dma_wait3A_316 = arith.constant 64 : i32
        %dma_wait3A_317 = tpu.memref_slice %arg4[%add3A_309, %dma_wait3A_316] : memref<163840x128xf32, #tpu.memory_space<hbm>> -> memref<128x64xf32, #tpu.memory_space<hbm>>
        %dma_wait3A_318 = arith.constant 64 : i32
        %dma_wait3A_319 = tpu.memref_slice %arg4[%add3A_309, %dma_wait3A_318] : memref<163840x128xf32, #tpu.memory_space<hbm>> -> memref<128x64xf32, #tpu.memory_space<hbm>>
        %dma_wait3A_320 = arith.constant 0 : i32
        %dma_wait3A_321 = arith.constant 0 : i32
        %dma_wait3A_322 = tpu.memref_slice %arg7[%dma_wait3A_310, %dma_wait3A_311, %dma_wait3A_320, %dma_wait3A_321] : memref<2x2x128x64xf32, #tpu.memory_space<vmem>> -> memref<1x1x128x64xf32, #tpu.memory_space<vmem>>
        %dma_wait3A_323 = tpu.memref_squeeze %dma_wait3A_322 : memref<1x1x128x64xf32, #tpu.memory_space<vmem>> -> memref<128x64xf32, #tpu.memory_space<vmem>>
        tpu.wait_dma2 semaphore(%arg10 : memref<!tpu.dma_semaphore, #tpu.memory_space<semaphore_mem>>) src(%dma_wait3A_323 : memref<128x64xf32, #tpu.memory_space<vmem>>) dst(%dma_wait3A_319 : memref<128x64xf32, #tpu.memory_space<hbm>>)
      } else {
      }
      %mul3A_91 = arith.constant 128 : i32
      %mul3A_92 = arith.muli %add3A_88, %mul3A_91 : i32
      %dma_start3A = arith.constant 0 : i32
      %dma_start3A_93 = arith.constant 0 : i32
      %dma_start3A_94 = arith.constant 0 : i32
      %dma_start3A_95 = arith.constant 0 : i32
      %dma_start3A_96 = arith.constant 0 : i32
      %dma_start3A_97 = tpu.memref_slice %arg7[%dma_start3A_93, %dma_start3A_94, %dma_start3A_95, %dma_start3A_96] : memref<2x2x128x64xf32, #tpu.memory_space<vmem>> -> memref<1x1x128x64xf32, #tpu.memory_space<vmem>>
      %dma_start3A_98 = tpu.memref_squeeze %dma_start3A_97 : memref<1x1x128x64xf32, #tpu.memory_space<vmem>> -> memref<128x64xf32, #tpu.memory_space<vmem>>
      %dma_start3A_99 = tpu.memref_slice %arg6[%dma_start3A, %mul3A_92] : memref<2x5120xi32, #tpu.memory_space<vmem>> -> memref<1x128xi32, #tpu.memory_space<vmem>>
      %dma_start3A_100 = tpu.memref_squeeze %dma_start3A_99 : memref<1x128xi32, #tpu.memory_space<vmem>> -> memref<128xi32, #tpu.memory_space<vmem>>
      %dma_start3A_101 = arith.constant 0 : i32
      %dma_start3A_102 = arith.constant 0 : i32
      %dma_start3A_103 = tpu.memref_slice %arg5[%dma_start3A_101, %dma_start3A_102] : memref<20000x64xf32, #tpu.memory_space<vmem_shared>> -> memref<20000x64xf32, #tpu.memory_space<vmem_shared>>
      tpu.enqueue_indirect_dma source(%dma_start3A_103 : memref<20000x64xf32, #tpu.memory_space<vmem_shared>>) target(%dma_start3A_98 : memref<128x64xf32, #tpu.memory_space<vmem>>) offsets(%dma_start3A_100 : memref<128xi32, #tpu.memory_space<vmem>>) semaphore(%arg8 : memref<!tpu.dma_semaphore, #tpu.memory_space<semaphore_mem>>)
      %mul3A_104 = arith.constant 128 : i32
      %mul3A_105 = arith.muli %add3A_88, %mul3A_104 : i32
      %dma_start3A_106 = arith.constant 1 : i32
      %dma_start3A_107 = arith.constant 0 : i32
      %dma_start3A_108 = arith.constant 1 : i32
      %dma_start3A_109 = arith.constant 0 : i32
      %dma_start3A_110 = arith.constant 0 : i32
      %dma_start3A_111 = tpu.memref_slice %arg7[%dma_start3A_107, %dma_start3A_108, %dma_start3A_109, %dma_start3A_110] : memref<2x2x128x64xf32, #tpu.memory_space<vmem>> -> memref<1x1x128x64xf32, #tpu.memory_space<vmem>>
      %dma_start3A_112 = tpu.memref_squeeze %dma_start3A_111 : memref<1x1x128x64xf32, #tpu.memory_space<vmem>> -> memref<128x64xf32, #tpu.memory_space<vmem>>
      %dma_start3A_113 = tpu.memref_slice %arg6[%dma_start3A_106, %mul3A_105] : memref<2x5120xi32, #tpu.memory_space<vmem>> -> memref<1x128xi32, #tpu.memory_space<vmem>>
      %dma_start3A_114 = tpu.memref_squeeze %dma_start3A_113 : memref<1x128xi32, #tpu.memory_space<vmem>> -> memref<128xi32, #tpu.memory_space<vmem>>
      %dma_start3A_115 = arith.constant 0 : i32
      %dma_start3A_116 = arith.constant 0 : i32
      %dma_start3A_117 = tpu.memref_slice %arg5[%dma_start3A_115, %dma_start3A_116] : memref<20000x64xf32, #tpu.memory_space<vmem_shared>> -> memref<20000x64xf32, #tpu.memory_space<vmem_shared>>
      tpu.enqueue_indirect_dma source(%dma_start3A_117 : memref<20000x64xf32, #tpu.memory_space<vmem_shared>>) target(%dma_start3A_112 : memref<128x64xf32, #tpu.memory_space<vmem>>) offsets(%dma_start3A_114 : memref<128xi32, #tpu.memory_space<vmem>>) semaphore(%arg8 : memref<!tpu.dma_semaphore, #tpu.memory_space<semaphore_mem>>)
      %mul3A_118 = arith.constant 2 : i32
      %mul3A_119 = arith.muli %scan3A_84, %mul3A_118 : i32
      %add3A_120 = arith.constant 1 : i32
      %add3A_121 = arith.addi %mul3A_119, %add3A_120 : i32
      %gt3A_122 = arith.constant 0 : i32
      %gt3A_123 = arith.cmpi sgt, %scan3A_84, %gt3A_122 : i32
      %convert_element_type3A_124 = arith.extui %gt3A_123 : i1 to i32
      %cond3A_125 = arith.constant 0 : i32
      %cond3A_126 = arith.cmpi ne, %convert_element_type3A_124, %cond3A_125 : i32
      scf.if %cond3A_126 {
        %sub3A = arith.constant 2 : i32
        %sub3A_287 = arith.subi %add3A_121, %sub3A : i32
        %mul3A_288 = arith.constant 128 : i32
        %mul3A_289 = arith.muli %sub3A_287, %mul3A_288 : i32
        %add3A_290 = arith.addi %mul3A_2, %mul3A_289 : i32
        %dma_wait3A_291 = arith.constant 1 : i32
        %dma_wait3A_292 = arith.constant 0 : i32
        %dma_wait3A_293 = arith.constant 0 : i32
        %dma_wait3A_294 = arith.constant 0 : i32
        %dma_wait3A_295 = tpu.memref_slice %arg7[%dma_wait3A_291, %dma_wait3A_292, %dma_wait3A_293, %dma_wait3A_294] : memref<2x2x128x64xf32, #tpu.memory_space<vmem>> -> memref<1x1x128x64xf32, #tpu.memory_space<vmem>>
        %dma_wait3A_296 = tpu.memref_squeeze %dma_wait3A_295 : memref<1x1x128x64xf32, #tpu.memory_space<vmem>> -> memref<128x64xf32, #tpu.memory_space<vmem>>
        %dma_wait3A_297 = arith.constant 0 : i32
        %dma_wait3A_298 = tpu.memref_slice %arg4[%add3A_290, %dma_wait3A_297] : memref<163840x128xf32, #tpu.memory_space<hbm>> -> memref<128x64xf32, #tpu.memory_space<hbm>>
        %dma_wait3A_299 = arith.constant 0 : i32
        %dma_wait3A_300 = tpu.memref_slice %arg4[%add3A_290, %dma_wait3A_299] : memref<163840x128xf32, #tpu.memory_space<hbm>> -> memref<128x64xf32, #tpu.memory_space<hbm>>
        %dma_wait3A_301 = arith.constant 0 : i32
        %dma_wait3A_302 = arith.constant 0 : i32
        %dma_wait3A_303 = tpu.memref_slice %arg7[%dma_wait3A_291, %dma_wait3A_292, %dma_wait3A_301, %dma_wait3A_302] : memref<2x2x128x64xf32, #tpu.memory_space<vmem>> -> memref<1x1x128x64xf32, #tpu.memory_space<vmem>>
        %dma_wait3A_304 = tpu.memref_squeeze %dma_wait3A_303 : memref<1x1x128x64xf32, #tpu.memory_space<vmem>> -> memref<128x64xf32, #tpu.memory_space<vmem>>
        tpu.wait_dma2 semaphore(%arg11 : memref<!tpu.dma_semaphore, #tpu.memory_space<semaphore_mem>>) src(%dma_wait3A_304 : memref<128x64xf32, #tpu.memory_space<vmem>>) dst(%dma_wait3A_300 : memref<128x64xf32, #tpu.memory_space<hbm>>)
        %sub3A_305 = arith.constant 2 : i32
        %sub3A_306 = arith.subi %add3A_121, %sub3A_305 : i32
        %mul3A_307 = arith.constant 128 : i32
        %mul3A_308 = arith.muli %sub3A_306, %mul3A_307 : i32
        %add3A_309 = arith.addi %mul3A_2, %mul3A_308 : i32
        %dma_wait3A_310 = arith.constant 1 : i32
        %dma_wait3A_311 = arith.constant 1 : i32
        %dma_wait3A_312 = arith.constant 0 : i32
        %dma_wait3A_313 = arith.constant 0 : i32
        %dma_wait3A_314 = tpu.memref_slice %arg7[%dma_wait3A_310, %dma_wait3A_311, %dma_wait3A_312, %dma_wait3A_313] : memref<2x2x128x64xf32, #tpu.memory_space<vmem>> -> memref<1x1x128x64xf32, #tpu.memory_space<vmem>>
        %dma_wait3A_315 = tpu.memref_squeeze %dma_wait3A_314 : memref<1x1x128x64xf32, #tpu.memory_space<vmem>> -> memref<128x64xf32, #tpu.memory_space<vmem>>
        %dma_wait3A_316 = arith.constant 64 : i32
        %dma_wait3A_317 = tpu.memref_slice %arg4[%add3A_309, %dma_wait3A_316] : memref<163840x128xf32, #tpu.memory_space<hbm>> -> memref<128x64xf32, #tpu.memory_space<hbm>>
        %dma_wait3A_318 = arith.constant 64 : i32
        %dma_wait3A_319 = tpu.memref_slice %arg4[%add3A_309, %dma_wait3A_318] : memref<163840x128xf32, #tpu.memory_space<hbm>> -> memref<128x64xf32, #tpu.memory_space<hbm>>
        %dma_wait3A_320 = arith.constant 0 : i32
        %dma_wait3A_321 = arith.constant 0 : i32
        %dma_wait3A_322 = tpu.memref_slice %arg7[%dma_wait3A_310, %dma_wait3A_311, %dma_wait3A_320, %dma_wait3A_321] : memref<2x2x128x64xf32, #tpu.memory_space<vmem>> -> memref<1x1x128x64xf32, #tpu.memory_space<vmem>>
        %dma_wait3A_323 = tpu.memref_squeeze %dma_wait3A_322 : memref<1x1x128x64xf32, #tpu.memory_space<vmem>> -> memref<128x64xf32, #tpu.memory_space<vmem>>
        tpu.wait_dma2 semaphore(%arg11 : memref<!tpu.dma_semaphore, #tpu.memory_space<semaphore_mem>>) src(%dma_wait3A_323 : memref<128x64xf32, #tpu.memory_space<vmem>>) dst(%dma_wait3A_319 : memref<128x64xf32, #tpu.memory_space<hbm>>)
      } else {
      }
      %mul3A_127 = arith.constant 128 : i32
      %mul3A_128 = arith.muli %add3A_121, %mul3A_127 : i32
      %dma_start3A_129 = arith.constant 0 : i32
      %dma_start3A_130 = arith.constant 1 : i32
      %dma_start3A_131 = arith.constant 0 : i32
      %dma_start3A_132 = arith.constant 0 : i32
      %dma_start3A_133 = arith.constant 0 : i32
      %dma_start3A_134 = tpu.memref_slice %arg7[%dma_start3A_130, %dma_start3A_131, %dma_start3A_132, %dma_start3A_133] : memref<2x2x128x64xf32, #tpu.memory_space<vmem>> -> memref<1x1x128x64xf32, #tpu.memory_space<vmem>>
      %dma_start3A_135 = tpu.memref_squeeze %dma_start3A_134 : memref<1x1x128x64xf32, #tpu.memory_space<vmem>> -> memref<128x64xf32, #tpu.memory_space<vmem>>
      %dma_start3A_136 = tpu.memref_slice %arg6[%dma_start3A_129, %mul3A_128] : memref<2x5120xi32, #tpu.memory_space<vmem>> -> memref<1x128xi32, #tpu.memory_space<vmem>>
      %dma_start3A_137 = tpu.memref_squeeze %dma_start3A_136 : memref<1x128xi32, #tpu.memory_space<vmem>> -> memref<128xi32, #tpu.memory_space<vmem>>
      %dma_start3A_138 = arith.constant 0 : i32
      %dma_start3A_139 = arith.constant 0 : i32
      %dma_start3A_140 = tpu.memref_slice %arg5[%dma_start3A_138, %dma_start3A_139] : memref<20000x64xf32, #tpu.memory_space<vmem_shared>> -> memref<20000x64xf32, #tpu.memory_space<vmem_shared>>
      tpu.enqueue_indirect_dma source(%dma_start3A_140 : memref<20000x64xf32, #tpu.memory_space<vmem_shared>>) target(%dma_start3A_135 : memref<128x64xf32, #tpu.memory_space<vmem>>) offsets(%dma_start3A_137 : memref<128xi32, #tpu.memory_space<vmem>>) semaphore(%arg9 : memref<!tpu.dma_semaphore, #tpu.memory_space<semaphore_mem>>)
      %mul3A_141 = arith.constant 128 : i32
      %mul3A_142 = arith.muli %add3A_121, %mul3A_141 : i32
      %dma_start3A_143 = arith.constant 1 : i32
      %dma_start3A_144 = arith.constant 1 : i32
      %dma_start3A_145 = arith.constant 1 : i32
      %dma_start3A_146 = arith.constant 0 : i32
      %dma_start3A_147 = arith.constant 0 : i32
      %dma_start3A_148 = tpu.memref_slice %arg7[%dma_start3A_144, %dma_start3A_145, %dma_start3A_146, %dma_start3A_147] : memref<2x2x128x64xf32, #tpu.memory_space<vmem>> -> memref<1x1x128x64xf32, #tpu.memory_space<vmem>>
      %dma_start3A_149 = tpu.memref_squeeze %dma_start3A_148 : memref<1x1x128x64xf32, #tpu.memory_space<vmem>> -> memref<128x64xf32, #tpu.memory_space<vmem>>
      %dma_start3A_150 = tpu.memref_slice %arg6[%dma_start3A_143, %mul3A_142] : memref<2x5120xi32, #tpu.memory_space<vmem>> -> memref<1x128xi32, #tpu.memory_space<vmem>>
      %dma_start3A_151 = tpu.memref_squeeze %dma_start3A_150 : memref<1x128xi32, #tpu.memory_space<vmem>> -> memref<128xi32, #tpu.memory_space<vmem>>
      %dma_start3A_152 = arith.constant 0 : i32
      %dma_start3A_153 = arith.constant 0 : i32
      %dma_start3A_154 = tpu.memref_slice %arg5[%dma_start3A_152, %dma_start3A_153] : memref<20000x64xf32, #tpu.memory_space<vmem_shared>> -> memref<20000x64xf32, #tpu.memory_space<vmem_shared>>
      tpu.enqueue_indirect_dma source(%dma_start3A_154 : memref<20000x64xf32, #tpu.memory_space<vmem_shared>>) target(%dma_start3A_149 : memref<128x64xf32, #tpu.memory_space<vmem>>) offsets(%dma_start3A_151 : memref<128xi32, #tpu.memory_space<vmem>>) semaphore(%arg9 : memref<!tpu.dma_semaphore, #tpu.memory_space<semaphore_mem>>)
      %mul3A_155 = arith.constant 2 : i32
      %mul3A_156 = arith.muli %scan3A_84, %mul3A_155 : i32
      %add3A_157 = arith.constant 0 : i32
      %add3A_158 = arith.addi %mul3A_156, %add3A_157 : i32
      %mul3A_159 = arith.constant 128 : i32
      %mul3A_160 = arith.muli %add3A_158, %mul3A_159 : i32
      %dma_wait3A_161 = arith.constant 0 : i32
      %dma_wait3A_162 = arith.constant 0 : i32
      %dma_wait3A_163 = arith.constant 0 : i32
      %dma_wait3A_164 = arith.constant 0 : i32
      %dma_wait3A_165 = arith.constant 0 : i32
      %dma_wait3A_166 = tpu.memref_slice %arg7[%dma_wait3A_162, %dma_wait3A_163, %dma_wait3A_164, %dma_wait3A_165] : memref<2x2x128x64xf32, #tpu.memory_space<vmem>> -> memref<1x1x128x64xf32, #tpu.memory_space<vmem>>
      %dma_wait3A_167 = tpu.memref_squeeze %dma_wait3A_166 : memref<1x1x128x64xf32, #tpu.memory_space<vmem>> -> memref<128x64xf32, #tpu.memory_space<vmem>>
      %dma_wait3A_168 = tpu.memref_slice %arg6[%dma_wait3A_161, %mul3A_160] : memref<2x5120xi32, #tpu.memory_space<vmem>> -> memref<1x128xi32, #tpu.memory_space<vmem>>
      %dma_wait3A_169 = tpu.memref_squeeze %dma_wait3A_168 : memref<1x128xi32, #tpu.memory_space<vmem>> -> memref<128xi32, #tpu.memory_space<vmem>>
      %dma_wait3A_170 = arith.constant 0 : i32
      %dma_wait3A_171 = arith.constant 0 : i32
      %dma_wait3A_172 = tpu.memref_slice %arg5[%dma_wait3A_170, %dma_wait3A_171] : memref<20000x64xf32, #tpu.memory_space<vmem_shared>> -> memref<20000x64xf32, #tpu.memory_space<vmem_shared>>
      tpu.wait_indirect_dma semaphore(%arg8 : memref<!tpu.dma_semaphore, #tpu.memory_space<semaphore_mem>>) src(%dma_wait3A_172 : memref<20000x64xf32, #tpu.memory_space<vmem_shared>>) dst(%dma_wait3A_167 : memref<128x64xf32, #tpu.memory_space<vmem>>)
      %mul3A_173 = arith.constant 128 : i32
      %mul3A_174 = arith.muli %add3A_158, %mul3A_173 : i32
      %add3A_175 = arith.addi %mul3A_2, %mul3A_174 : i32
      %dma_start3A_176 = arith.constant 0 : i32
      %dma_start3A_177 = arith.constant 0 : i32
      %dma_start3A_178 = arith.constant 0 : i32
      %dma_start3A_179 = arith.constant 0 : i32
      %dma_start3A_180 = tpu.memref_slice %arg7[%dma_start3A_176, %dma_start3A_177, %dma_start3A_178, %dma_start3A_179] : memref<2x2x128x64xf32, #tpu.memory_space<vmem>> -> memref<1x1x128x64xf32, #tpu.memory_space<vmem>>
      %dma_start3A_181 = tpu.memref_squeeze %dma_start3A_180 : memref<1x1x128x64xf32, #tpu.memory_space<vmem>> -> memref<128x64xf32, #tpu.memory_space<vmem>>
      %dma_start3A_182 = arith.constant 0 : i32
      %dma_start3A_183 = tpu.memref_slice %arg4[%add3A_175, %dma_start3A_182] : memref<163840x128xf32, #tpu.memory_space<hbm>> -> memref<128x64xf32, #tpu.memory_space<hbm>>
      %dma_start3A_184 = arith.constant 0 : i32
      %dma_start3A_185 = tpu.memref_slice %arg4[%add3A_175, %dma_start3A_184] : memref<163840x128xf32, #tpu.memory_space<hbm>> -> memref<128x64xf32, #tpu.memory_space<hbm>>
      %dma_start3A_186 = arith.constant 0 : i32
      %dma_start3A_187 = arith.constant 0 : i32
      %dma_start3A_188 = tpu.memref_slice %arg7[%dma_start3A_176, %dma_start3A_177, %dma_start3A_186, %dma_start3A_187] : memref<2x2x128x64xf32, #tpu.memory_space<vmem>> -> memref<1x1x128x64xf32, #tpu.memory_space<vmem>>
      %dma_start3A_189 = tpu.memref_squeeze %dma_start3A_188 : memref<1x1x128x64xf32, #tpu.memory_space<vmem>> -> memref<128x64xf32, #tpu.memory_space<vmem>>
      tpu.enqueue_dma source(%dma_start3A_189 : memref<128x64xf32, #tpu.memory_space<vmem>>) target(%dma_start3A_185 : memref<128x64xf32, #tpu.memory_space<hbm>>) target_semaphore(%arg10 : memref<!tpu.dma_semaphore, #tpu.memory_space<semaphore_mem>>)
      %mul3A_190 = arith.constant 128 : i32
      %mul3A_191 = arith.muli %add3A_158, %mul3A_190 : i32
      %dma_wait3A_192 = arith.constant 1 : i32
      %dma_wait3A_193 = arith.constant 0 : i32
      %dma_wait3A_194 = arith.constant 1 : i32
      %dma_wait3A_195 = arith.constant 0 : i32
      %dma_wait3A_196 = arith.constant 0 : i32
      %dma_wait3A_197 = tpu.memref_slice %arg7[%dma_wait3A_193, %dma_wait3A_194, %dma_wait3A_195, %dma_wait3A_196] : memref<2x2x128x64xf32, #tpu.memory_space<vmem>> -> memref<1x1x128x64xf32, #tpu.memory_space<vmem>>
      %dma_wait3A_198 = tpu.memref_squeeze %dma_wait3A_197 : memref<1x1x128x64xf32, #tpu.memory_space<vmem>> -> memref<128x64xf32, #tpu.memory_space<vmem>>
      %dma_wait3A_199 = tpu.memref_slice %arg6[%dma_wait3A_192, %mul3A_191] : memref<2x5120xi32, #tpu.memory_space<vmem>> -> memref<1x128xi32, #tpu.memory_space<vmem>>
      %dma_wait3A_200 = tpu.memref_squeeze %dma_wait3A_199 : memref<1x128xi32, #tpu.memory_space<vmem>> -> memref<128xi32, #tpu.memory_space<vmem>>
      %dma_wait3A_201 = arith.constant 0 : i32
      %dma_wait3A_202 = arith.constant 0 : i32
      %dma_wait3A_203 = tpu.memref_slice %arg5[%dma_wait3A_201, %dma_wait3A_202] : memref<20000x64xf32, #tpu.memory_space<vmem_shared>> -> memref<20000x64xf32, #tpu.memory_space<vmem_shared>>
      tpu.wait_indirect_dma semaphore(%arg8 : memref<!tpu.dma_semaphore, #tpu.memory_space<semaphore_mem>>) src(%dma_wait3A_203 : memref<20000x64xf32, #tpu.memory_space<vmem_shared>>) dst(%dma_wait3A_198 : memref<128x64xf32, #tpu.memory_space<vmem>>)
      %mul3A_204 = arith.constant 128 : i32
      %mul3A_205 = arith.muli %add3A_158, %mul3A_204 : i32
      %add3A_206 = arith.addi %mul3A_2, %mul3A_205 : i32
      %dma_start3A_207 = arith.constant 0 : i32
      %dma_start3A_208 = arith.constant 1 : i32
      %dma_start3A_209 = arith.constant 0 : i32
      %dma_start3A_210 = arith.constant 0 : i32
      %dma_start3A_211 = tpu.memref_slice %arg7[%dma_start3A_207, %dma_start3A_208, %dma_start3A_209, %dma_start3A_210] : memref<2x2x128x64xf32, #tpu.memory_space<vmem>> -> memref<1x1x128x64xf32, #tpu.memory_space<vmem>>
      %dma_start3A_212 = tpu.memref_squeeze %dma_start3A_211 : memref<1x1x128x64xf32, #tpu.memory_space<vmem>> -> memref<128x64xf32, #tpu.memory_space<vmem>>
      %dma_start3A_213 = arith.constant 64 : i32
      %dma_start3A_214 = tpu.memref_slice %arg4[%add3A_206, %dma_start3A_213] : memref<163840x128xf32, #tpu.memory_space<hbm>> -> memref<128x64xf32, #tpu.memory_space<hbm>>
      %dma_start3A_215 = arith.constant 64 : i32
      %dma_start3A_216 = tpu.memref_slice %arg4[%add3A_206, %dma_start3A_215] : memref<163840x128xf32, #tpu.memory_space<hbm>> -> memref<128x64xf32, #tpu.memory_space<hbm>>
      %dma_start3A_217 = arith.constant 0 : i32
      %dma_start3A_218 = arith.constant 0 : i32
      %dma_start3A_219 = tpu.memref_slice %arg7[%dma_start3A_207, %dma_start3A_208, %dma_start3A_217, %dma_start3A_218] : memref<2x2x128x64xf32, #tpu.memory_space<vmem>> -> memref<1x1x128x64xf32, #tpu.memory_space<vmem>>
      %dma_start3A_220 = tpu.memref_squeeze %dma_start3A_219 : memref<1x1x128x64xf32, #tpu.memory_space<vmem>> -> memref<128x64xf32, #tpu.memory_space<vmem>>
      tpu.enqueue_dma source(%dma_start3A_220 : memref<128x64xf32, #tpu.memory_space<vmem>>) target(%dma_start3A_216 : memref<128x64xf32, #tpu.memory_space<hbm>>) target_semaphore(%arg10 : memref<!tpu.dma_semaphore, #tpu.memory_space<semaphore_mem>>)
      %mul3A_221 = arith.constant 2 : i32
      %mul3A_222 = arith.muli %scan3A_84, %mul3A_221 : i32
      %add3A_223 = arith.constant 1 : i32
      %add3A_224 = arith.addi %mul3A_222, %add3A_223 : i32
      %mul3A_225 = arith.constant 128 : i32
      %mul3A_226 = arith.muli %add3A_224, %mul3A_225 : i32
      %dma_wait3A_227 = arith.constant 0 : i32
      %dma_wait3A_228 = arith.constant 1 : i32
      %dma_wait3A_229 = arith.constant 0 : i32
      %dma_wait3A_230 = arith.constant 0 : i32
      %dma_wait3A_231 = arith.constant 0 : i32
      %dma_wait3A_232 = tpu.memref_slice %arg7[%dma_wait3A_228, %dma_wait3A_229, %dma_wait3A_230, %dma_wait3A_231] : memref<2x2x128x64xf32, #tpu.memory_space<vmem>> -> memref<1x1x128x64xf32, #tpu.memory_space<vmem>>
      %dma_wait3A_233 = tpu.memref_squeeze %dma_wait3A_232 : memref<1x1x128x64xf32, #tpu.memory_space<vmem>> -> memref<128x64xf32, #tpu.memory_space<vmem>>
      %dma_wait3A_234 = tpu.memref_slice %arg6[%dma_wait3A_227, %mul3A_226] : memref<2x5120xi32, #tpu.memory_space<vmem>> -> memref<1x128xi32, #tpu.memory_space<vmem>>
      %dma_wait3A_235 = tpu.memref_squeeze %dma_wait3A_234 : memref<1x128xi32, #tpu.memory_space<vmem>> -> memref<128xi32, #tpu.memory_space<vmem>>
      %dma_wait3A_236 = arith.constant 0 : i32
      %dma_wait3A_237 = arith.constant 0 : i32
      %dma_wait3A_238 = tpu.memref_slice %arg5[%dma_wait3A_236, %dma_wait3A_237] : memref<20000x64xf32, #tpu.memory_space<vmem_shared>> -> memref<20000x64xf32, #tpu.memory_space<vmem_shared>>
      tpu.wait_indirect_dma semaphore(%arg9 : memref<!tpu.dma_semaphore, #tpu.memory_space<semaphore_mem>>) src(%dma_wait3A_238 : memref<20000x64xf32, #tpu.memory_space<vmem_shared>>) dst(%dma_wait3A_233 : memref<128x64xf32, #tpu.memory_space<vmem>>)
      %mul3A_239 = arith.constant 128 : i32
      %mul3A_240 = arith.muli %add3A_224, %mul3A_239 : i32
      %add3A_241 = arith.addi %mul3A_2, %mul3A_240 : i32
      %dma_start3A_242 = arith.constant 1 : i32
      %dma_start3A_243 = arith.constant 0 : i32
      %dma_start3A_244 = arith.constant 0 : i32
      %dma_start3A_245 = arith.constant 0 : i32
      %dma_start3A_246 = tpu.memref_slice %arg7[%dma_start3A_242, %dma_start3A_243, %dma_start3A_244, %dma_start3A_245] : memref<2x2x128x64xf32, #tpu.memory_space<vmem>> -> memref<1x1x128x64xf32, #tpu.memory_space<vmem>>
      %dma_start3A_247 = tpu.memref_squeeze %dma_start3A_246 : memref<1x1x128x64xf32, #tpu.memory_space<vmem>> -> memref<128x64xf32, #tpu.memory_space<vmem>>
      %dma_start3A_248 = arith.constant 0 : i32
      %dma_start3A_249 = tpu.memref_slice %arg4[%add3A_241, %dma_start3A_248] : memref<163840x128xf32, #tpu.memory_space<hbm>> -> memref<128x64xf32, #tpu.memory_space<hbm>>
      %dma_start3A_250 = arith.constant 0 : i32
      %dma_start3A_251 = tpu.memref_slice %arg4[%add3A_241, %dma_start3A_250] : memref<163840x128xf32, #tpu.memory_space<hbm>> -> memref<128x64xf32, #tpu.memory_space<hbm>>
      %dma_start3A_252 = arith.constant 0 : i32
      %dma_start3A_253 = arith.constant 0 : i32
      %dma_start3A_254 = tpu.memref_slice %arg7[%dma_start3A_242, %dma_start3A_243, %dma_start3A_252, %dma_start3A_253] : memref<2x2x128x64xf32, #tpu.memory_space<vmem>> -> memref<1x1x128x64xf32, #tpu.memory_space<vmem>>
      %dma_start3A_255 = tpu.memref_squeeze %dma_start3A_254 : memref<1x1x128x64xf32, #tpu.memory_space<vmem>> -> memref<128x64xf32, #tpu.memory_space<vmem>>
      tpu.enqueue_dma source(%dma_start3A_255 : memref<128x64xf32, #tpu.memory_space<vmem>>) target(%dma_start3A_251 : memref<128x64xf32, #tpu.memory_space<hbm>>) target_semaphore(%arg11 : memref<!tpu.dma_semaphore, #tpu.memory_space<semaphore_mem>>)
      %mul3A_256 = arith.constant 128 : i32
      %mul3A_257 = arith.muli %add3A_224, %mul3A_256 : i32
      %dma_wait3A_258 = arith.constant 1 : i32
      %dma_wait3A_259 = arith.constant 1 : i32
      %dma_wait3A_260 = arith.constant 1 : i32
      %dma_wait3A_261 = arith.constant 0 : i32
      %dma_wait3A_262 = arith.constant 0 : i32
      %dma_wait3A_263 = tpu.memref_slice %arg7[%dma_wait3A_259, %dma_wait3A_260, %dma_wait3A_261, %dma_wait3A_262] : memref<2x2x128x64xf32, #tpu.memory_space<vmem>> -> memref<1x1x128x64xf32, #tpu.memory_space<vmem>>
      %dma_wait3A_264 = tpu.memref_squeeze %dma_wait3A_263 : memref<1x1x128x64xf32, #tpu.memory_space<vmem>> -> memref<128x64xf32, #tpu.memory_space<vmem>>
      %dma_wait3A_265 = tpu.memref_slice %arg6[%dma_wait3A_258, %mul3A_257] : memref<2x5120xi32, #tpu.memory_space<vmem>> -> memref<1x128xi32, #tpu.memory_space<vmem>>
      %dma_wait3A_266 = tpu.memref_squeeze %dma_wait3A_265 : memref<1x128xi32, #tpu.memory_space<vmem>> -> memref<128xi32, #tpu.memory_space<vmem>>
      %dma_wait3A_267 = arith.constant 0 : i32
      %dma_wait3A_268 = arith.constant 0 : i32
      %dma_wait3A_269 = tpu.memref_slice %arg5[%dma_wait3A_267, %dma_wait3A_268] : memref<20000x64xf32, #tpu.memory_space<vmem_shared>> -> memref<20000x64xf32, #tpu.memory_space<vmem_shared>>
      tpu.wait_indirect_dma semaphore(%arg9 : memref<!tpu.dma_semaphore, #tpu.memory_space<semaphore_mem>>) src(%dma_wait3A_269 : memref<20000x64xf32, #tpu.memory_space<vmem_shared>>) dst(%dma_wait3A_264 : memref<128x64xf32, #tpu.memory_space<vmem>>)
      %mul3A_270 = arith.constant 128 : i32
      %mul3A_271 = arith.muli %add3A_224, %mul3A_270 : i32
      %add3A_272 = arith.addi %mul3A_2, %mul3A_271 : i32
      %dma_start3A_273 = arith.constant 1 : i32
      %dma_start3A_274 = arith.constant 1 : i32
      %dma_start3A_275 = arith.constant 0 : i32
      %dma_start3A_276 = arith.constant 0 : i32
      %dma_start3A_277 = tpu.memref_slice %arg7[%dma_start3A_273, %dma_start3A_274, %dma_start3A_275, %dma_start3A_276] : memref<2x2x128x64xf32, #tpu.memory_space<vmem>> -> memref<1x1x128x64xf32, #tpu.memory_space<vmem>>
      %dma_start3A_278 = tpu.memref_squeeze %dma_start3A_277 : memref<1x1x128x64xf32, #tpu.memory_space<vmem>> -> memref<128x64xf32, #tpu.memory_space<vmem>>
      %dma_start3A_279 = arith.constant 64 : i32
      %dma_start3A_280 = tpu.memref_slice %arg4[%add3A_272, %dma_start3A_279] : memref<163840x128xf32, #tpu.memory_space<hbm>> -> memref<128x64xf32, #tpu.memory_space<hbm>>
      %dma_start3A_281 = arith.constant 64 : i32
      %dma_start3A_282 = tpu.memref_slice %arg4[%add3A_272, %dma_start3A_281] : memref<163840x128xf32, #tpu.memory_space<hbm>> -> memref<128x64xf32, #tpu.memory_space<hbm>>
      %dma_start3A_283 = arith.constant 0 : i32
      %dma_start3A_284 = arith.constant 0 : i32
      %dma_start3A_285 = tpu.memref_slice %arg7[%dma_start3A_273, %dma_start3A_274, %dma_start3A_283, %dma_start3A_284] : memref<2x2x128x64xf32, #tpu.memory_space<vmem>> -> memref<1x1x128x64xf32, #tpu.memory_space<vmem>>
      %dma_start3A_286 = tpu.memref_squeeze %dma_start3A_285 : memref<1x1x128x64xf32, #tpu.memory_space<vmem>> -> memref<128x64xf32, #tpu.memory_space<vmem>>
      tpu.enqueue_dma source(%dma_start3A_286 : memref<128x64xf32, #tpu.memory_space<vmem>>) target(%dma_start3A_282 : memref<128x64xf32, #tpu.memory_space<hbm>>) target_semaphore(%arg11 : memref<!tpu.dma_semaphore, #tpu.memory_space<semaphore_mem>>)
    }
    %scan3A_20 = arith.constant 20 : i32
    %add3A_21 = arith.constant 4864 : i32
    %add3A_22 = arith.addi %mul3A_2, %add3A_21 : i32
    %dma_wait3A = arith.constant 0 : i32
    %dma_wait3A_23 = arith.constant 0 : i32
    %dma_wait3A_24 = arith.constant 0 : i32
    %dma_wait3A_25 = arith.constant 0 : i32
    %dma_wait3A_26 = tpu.memref_slice %arg7[%dma_wait3A, %dma_wait3A_23, %dma_wait3A_24, %dma_wait3A_25] : memref<2x2x128x64xf32, #tpu.memory_space<vmem>> -> memref<1x1x128x64xf32, #tpu.memory_space<vmem>>
    %dma_wait3A_27 = tpu.memref_squeeze %dma_wait3A_26 : memref<1x1x128x64xf32, #tpu.memory_space<vmem>> -> memref<128x64xf32, #tpu.memory_space<vmem>>
    %dma_wait3A_28 = arith.constant 0 : i32
    %dma_wait3A_29 = tpu.memref_slice %arg4[%add3A_22, %dma_wait3A_28] : memref<163840x128xf32, #tpu.memory_space<hbm>> -> memref<128x64xf32, #tpu.memory_space<hbm>>
    %dma_wait3A_30 = arith.constant 0 : i32
    %dma_wait3A_31 = tpu.memref_slice %arg4[%add3A_22, %dma_wait3A_30] : memref<163840x128xf32, #tpu.memory_space<hbm>> -> memref<128x64xf32, #tpu.memory_space<hbm>>
    %dma_wait3A_32 = arith.constant 0 : i32
    %dma_wait3A_33 = arith.constant 0 : i32
    %dma_wait3A_34 = tpu.memref_slice %arg7[%dma_wait3A, %dma_wait3A_23, %dma_wait3A_32, %dma_wait3A_33] : memref<2x2x128x64xf32, #tpu.memory_space<vmem>> -> memref<1x1x128x64xf32, #tpu.memory_space<vmem>>
    %dma_wait3A_35 = tpu.memref_squeeze %dma_wait3A_34 : memref<1x1x128x64xf32, #tpu.memory_space<vmem>> -> memref<128x64xf32, #tpu.memory_space<vmem>>
    tpu.wait_dma2 semaphore(%arg10 : memref<!tpu.dma_semaphore, #tpu.memory_space<semaphore_mem>>) src(%dma_wait3A_35 : memref<128x64xf32, #tpu.memory_space<vmem>>) dst(%dma_wait3A_31 : memref<128x64xf32, #tpu.memory_space<hbm>>)
    %add3A_36 = arith.constant 4864 : i32
    %add3A_37 = arith.addi %mul3A_2, %add3A_36 : i32
    %dma_wait3A_38 = arith.constant 0 : i32
    %dma_wait3A_39 = arith.constant 1 : i32
    %dma_wait3A_40 = arith.constant 0 : i32
    %dma_wait3A_41 = arith.constant 0 : i32
    %dma_wait3A_42 = tpu.memref_slice %arg7[%dma_wait3A_38, %dma_wait3A_39, %dma_wait3A_40, %dma_wait3A_41] : memref<2x2x128x64xf32, #tpu.memory_space<vmem>> -> memref<1x1x128x64xf32, #tpu.memory_space<vmem>>
    %dma_wait3A_43 = tpu.memref_squeeze %dma_wait3A_42 : memref<1x1x128x64xf32, #tpu.memory_space<vmem>> -> memref<128x64xf32, #tpu.memory_space<vmem>>
    %dma_wait3A_44 = arith.constant 64 : i32
    %dma_wait3A_45 = tpu.memref_slice %arg4[%add3A_37, %dma_wait3A_44] : memref<163840x128xf32, #tpu.memory_space<hbm>> -> memref<128x64xf32, #tpu.memory_space<hbm>>
    %dma_wait3A_46 = arith.constant 64 : i32
    %dma_wait3A_47 = tpu.memref_slice %arg4[%add3A_37, %dma_wait3A_46] : memref<163840x128xf32, #tpu.memory_space<hbm>> -> memref<128x64xf32, #tpu.memory_space<hbm>>
    %dma_wait3A_48 = arith.constant 0 : i32
    %dma_wait3A_49 = arith.constant 0 : i32
    %dma_wait3A_50 = tpu.memref_slice %arg7[%dma_wait3A_38, %dma_wait3A_39, %dma_wait3A_48, %dma_wait3A_49] : memref<2x2x128x64xf32, #tpu.memory_space<vmem>> -> memref<1x1x128x64xf32, #tpu.memory_space<vmem>>
    %dma_wait3A_51 = tpu.memref_squeeze %dma_wait3A_50 : memref<1x1x128x64xf32, #tpu.memory_space<vmem>> -> memref<128x64xf32, #tpu.memory_space<vmem>>
    tpu.wait_dma2 semaphore(%arg10 : memref<!tpu.dma_semaphore, #tpu.memory_space<semaphore_mem>>) src(%dma_wait3A_51 : memref<128x64xf32, #tpu.memory_space<vmem>>) dst(%dma_wait3A_47 : memref<128x64xf32, #tpu.memory_space<hbm>>)
    %add3A_52 = arith.constant 4992 : i32
    %add3A_53 = arith.addi %mul3A_2, %add3A_52 : i32
    %dma_wait3A_54 = arith.constant 1 : i32
    %dma_wait3A_55 = arith.constant 0 : i32
    %dma_wait3A_56 = arith.constant 0 : i32
    %dma_wait3A_57 = arith.constant 0 : i32
    %dma_wait3A_58 = tpu.memref_slice %arg7[%dma_wait3A_54, %dma_wait3A_55, %dma_wait3A_56, %dma_wait3A_57] : memref<2x2x128x64xf32, #tpu.memory_space<vmem>> -> memref<1x1x128x64xf32, #tpu.memory_space<vmem>>
    %dma_wait3A_59 = tpu.memref_squeeze %dma_wait3A_58 : memref<1x1x128x64xf32, #tpu.memory_space<vmem>> -> memref<128x64xf32, #tpu.memory_space<vmem>>
    %dma_wait3A_60 = arith.constant 0 : i32
    %dma_wait3A_61 = tpu.memref_slice %arg4[%add3A_53, %dma_wait3A_60] : memref<163840x128xf32, #tpu.memory_space<hbm>> -> memref<128x64xf32, #tpu.memory_space<hbm>>
    %dma_wait3A_62 = arith.constant 0 : i32
    %dma_wait3A_63 = tpu.memref_slice %arg4[%add3A_53, %dma_wait3A_62] : memref<163840x128xf32, #tpu.memory_space<hbm>> -> memref<128x64xf32, #tpu.memory_space<hbm>>
    %dma_wait3A_64 = arith.constant 0 : i32
    %dma_wait3A_65 = arith.constant 0 : i32
    %dma_wait3A_66 = tpu.memref_slice %arg7[%dma_wait3A_54, %dma_wait3A_55, %dma_wait3A_64, %dma_wait3A_65] : memref<2x2x128x64xf32, #tpu.memory_space<vmem>> -> memref<1x1x128x64xf32, #tpu.memory_space<vmem>>
    %dma_wait3A_67 = tpu.memref_squeeze %dma_wait3A_66 : memref<1x1x128x64xf32, #tpu.memory_space<vmem>> -> memref<128x64xf32, #tpu.memory_space<vmem>>
    tpu.wait_dma2 semaphore(%arg11 : memref<!tpu.dma_semaphore, #tpu.memory_space<semaphore_mem>>) src(%dma_wait3A_67 : memref<128x64xf32, #tpu.memory_space<vmem>>) dst(%dma_wait3A_63 : memref<128x64xf32, #tpu.memory_space<hbm>>)
    %add3A_68 = arith.constant 4992 : i32
    %add3A_69 = arith.addi %mul3A_2, %add3A_68 : i32
    %dma_wait3A_70 = arith.constant 1 : i32
    %dma_wait3A_71 = arith.constant 1 : i32
    %dma_wait3A_72 = arith.constant 0 : i32
    %dma_wait3A_73 = arith.constant 0 : i32
    %dma_wait3A_74 = tpu.memref_slice %arg7[%dma_wait3A_70, %dma_wait3A_71, %dma_wait3A_72, %dma_wait3A_73] : memref<2x2x128x64xf32, #tpu.memory_space<vmem>> -> memref<1x1x128x64xf32, #tpu.memory_space<vmem>>
    %dma_wait3A_75 = tpu.memref_squeeze %dma_wait3A_74 : memref<1x1x128x64xf32, #tpu.memory_space<vmem>> -> memref<128x64xf32, #tpu.memory_space<vmem>>
    %dma_wait3A_76 = arith.constant 64 : i32
    %dma_wait3A_77 = tpu.memref_slice %arg4[%add3A_69, %dma_wait3A_76] : memref<163840x128xf32, #tpu.memory_space<hbm>> -> memref<128x64xf32, #tpu.memory_space<hbm>>
    %dma_wait3A_78 = arith.constant 64 : i32
    %dma_wait3A_79 = tpu.memref_slice %arg4[%add3A_69, %dma_wait3A_78] : memref<163840x128xf32, #tpu.memory_space<hbm>> -> memref<128x64xf32, #tpu.memory_space<hbm>>
    %dma_wait3A_80 = arith.constant 0 : i32
    %dma_wait3A_81 = arith.constant 0 : i32
    %dma_wait3A_82 = tpu.memref_slice %arg7[%dma_wait3A_70, %dma_wait3A_71, %dma_wait3A_80, %dma_wait3A_81] : memref<2x2x128x64xf32, #tpu.memory_space<vmem>> -> memref<1x1x128x64xf32, #tpu.memory_space<vmem>>
    %dma_wait3A_83 = tpu.memref_squeeze %dma_wait3A_82 : memref<1x1x128x64xf32, #tpu.memory_space<vmem>> -> memref<128x64xf32, #tpu.memory_space<vmem>>
    tpu.wait_dma2 semaphore(%arg11 : memref<!tpu.dma_semaphore, #tpu.memory_space<semaphore_mem>>) src(%dma_wait3A_83 : memref<128x64xf32, #tpu.memory_space<vmem>>) dst(%dma_wait3A_79 : memref<128x64xf32, #tpu.memory_space<hbm>>)
    return
  }
}

#map = affine_map<(d0, d1) -> (0, 0)>
#map1 = affine_map<(d0, d1) -> (0, 0, 0)>
module attributes {stable_mosaic.version = 14 : i64} {
  func.func @sc_scatter(%arg0: i32, %arg1: i32, %arg2: memref<163840x64xf32, #tpu.memory_space<hbm>>, %arg3: memref<32x40x128xi32, #tpu.memory_space<hbm>>, %arg4: memref<10016x64xf32, #tpu.memory_space<hbm>>, %arg5: memref<2x10000x64xf32, #tpu.memory_space<hbm>>, %arg6: memref<10016x64xf32, #tpu.memory_space<vmem_shared>>, %arg7: memref<40x128xi32, #tpu.memory_space<vmem>>, %arg8: memref<4x128x64xf32, #tpu.memory_space<vmem>>, %arg9: memref<!tpu.dma_semaphore, #tpu.memory_space<semaphore_mem>>, %arg10: memref<!tpu.dma_semaphore, #tpu.memory_space<semaphore_mem>>, %arg11: memref<!tpu.dma_semaphore, #tpu.memory_space<semaphore_mem>>, %arg12: memref<!tpu.dma_semaphore, #tpu.memory_space<semaphore_mem>>, %arg13: memref<!tpu.dma_semaphore, #tpu.memory_space<semaphore_mem>>, %arg14: memref<!tpu.dma_semaphore, #tpu.memory_space<semaphore_mem>>, %arg15: memref<!tpu.dma_semaphore, #tpu.memory_space<semaphore_mem>>, %arg16: memref<!tpu.dma_semaphore, #tpu.memory_space<semaphore_mem>>) attributes {dimension_semantics = [#tpu.dimension_semantics<core_parallel>, #tpu.dimension_semantics<subcore_parallel>], iteration_bounds = array<i64: 2, 16>, scalar_prefetch = 0 : i64, scratch_operands = 11 : i64, tpu.core_type = #tpu.core_type<sc_vector_subcore>, window_params = [{transform_indices = #map}, {transform_indices = #map1}, {transform_indices = #map}, {transform_indices = #map1}]} {
    %mul3A = arith.constant 2 : i32
    %mul3A_0 = arith.muli %arg1, %mul3A : i32
    %add3A = arith.addi %mul3A_0, %arg0 : i32
    %mul3A_1 = arith.constant 626 : i32
    %mul3A_2 = arith.muli %arg1, %mul3A_1 : i32
    %mul3A_3 = arith.constant 626 : i32
    %mul3A_4 = arith.muli %arg1, %mul3A_3 : i32
    "tpu.region"() ({
      %run_scoped3A = tpu.sem_alloc : memref<!tpu.dma_semaphore, #tpu.memory_space<semaphore_mem>>
      %dma_start3A = arith.constant 0 : i32
      %dma_start3A_64 = tpu.memref_slice %arg6[%mul3A_4, %dma_start3A] : memref<10016x64xf32, #tpu.memory_space<vmem_shared>> -> memref<626x64xf32, #tpu.memory_space<vmem_shared>>
      %dma_start3A_65 = arith.constant 0 : i32
      %dma_start3A_66 = tpu.memref_slice %arg4[%mul3A_2, %dma_start3A_65] : memref<10016x64xf32, #tpu.memory_space<hbm>> -> memref<626x64xf32, #tpu.memory_space<hbm>>
      tpu.enqueue_dma source(%dma_start3A_66 : memref<626x64xf32, #tpu.memory_space<hbm>>) target(%dma_start3A_64 : memref<626x64xf32, #tpu.memory_space<vmem_shared>>) target_semaphore(%run_scoped3A : memref<!tpu.dma_semaphore, #tpu.memory_space<semaphore_mem>>)
      %dma_wait3A_67 = arith.constant 0 : i32
      %dma_wait3A_68 = tpu.memref_slice %arg6[%mul3A_4, %dma_wait3A_67] : memref<10016x64xf32, #tpu.memory_space<vmem_shared>> -> memref<626x64xf32, #tpu.memory_space<vmem_shared>>
      %dma_wait3A_69 = arith.constant 0 : i32
      %dma_wait3A_70 = tpu.memref_slice %arg4[%mul3A_2, %dma_wait3A_69] : memref<10016x64xf32, #tpu.memory_space<hbm>> -> memref<626x64xf32, #tpu.memory_space<hbm>>
      tpu.wait_dma2 semaphore(%run_scoped3A : memref<!tpu.dma_semaphore, #tpu.memory_space<semaphore_mem>>) src(%dma_wait3A_70 : memref<626x64xf32, #tpu.memory_space<hbm>>) dst(%dma_wait3A_68 : memref<626x64xf32, #tpu.memory_space<vmem_shared>>)
      tpu.yield
    }) : () -> ()
    "tpu.region"() ({
      %run_scoped3A = tpu.sem_alloc : memref<!tpu.dma_semaphore, #tpu.memory_space<semaphore_mem>>
      %dma_start3A = arith.constant 0 : i32
      %dma_start3A_64 = arith.constant 0 : i32
      %dma_start3A_65 = tpu.memref_slice %arg3[%add3A, %dma_start3A, %dma_start3A_64] : memref<32x40x128xi32, #tpu.memory_space<hbm>> -> memref<1x40x128xi32, #tpu.memory_space<hbm>>
      %dma_start3A_66 = tpu.memref_squeeze %dma_start3A_65 : memref<1x40x128xi32, #tpu.memory_space<hbm>> -> memref<40x128xi32, #tpu.memory_space<hbm>>
      %dma_start3A_67 = arith.constant 0 : i32
      %dma_start3A_68 = arith.constant 0 : i32
      %dma_start3A_69 = tpu.memref_slice %arg3[%add3A, %dma_start3A_67, %dma_start3A_68] : memref<32x40x128xi32, #tpu.memory_space<hbm>> -> memref<1x40x128xi32, #tpu.memory_space<hbm>>
      %dma_start3A_70 = tpu.memref_squeeze %dma_start3A_69 : memref<1x40x128xi32, #tpu.memory_space<hbm>> -> memref<40x128xi32, #tpu.memory_space<hbm>>
      tpu.enqueue_dma source(%dma_start3A_70 : memref<40x128xi32, #tpu.memory_space<hbm>>) target(%arg7 : memref<40x128xi32, #tpu.memory_space<vmem>>) target_semaphore(%run_scoped3A : memref<!tpu.dma_semaphore, #tpu.memory_space<semaphore_mem>>)
      %dma_wait3A_71 = arith.constant 0 : i32
      %dma_wait3A_72 = arith.constant 0 : i32
      %dma_wait3A_73 = tpu.memref_slice %arg3[%add3A, %dma_wait3A_71, %dma_wait3A_72] : memref<32x40x128xi32, #tpu.memory_space<hbm>> -> memref<1x40x128xi32, #tpu.memory_space<hbm>>
      %dma_wait3A_74 = tpu.memref_squeeze %dma_wait3A_73 : memref<1x40x128xi32, #tpu.memory_space<hbm>> -> memref<40x128xi32, #tpu.memory_space<hbm>>
      %dma_wait3A_75 = arith.constant 0 : i32
      %dma_wait3A_76 = arith.constant 0 : i32
      %dma_wait3A_77 = tpu.memref_slice %arg3[%add3A, %dma_wait3A_75, %dma_wait3A_76] : memref<32x40x128xi32, #tpu.memory_space<hbm>> -> memref<1x40x128xi32, #tpu.memory_space<hbm>>
      %dma_wait3A_78 = tpu.memref_squeeze %dma_wait3A_77 : memref<1x40x128xi32, #tpu.memory_space<hbm>> -> memref<40x128xi32, #tpu.memory_space<hbm>>
      tpu.wait_dma2 semaphore(%run_scoped3A : memref<!tpu.dma_semaphore, #tpu.memory_space<semaphore_mem>>) src(%dma_wait3A_78 : memref<40x128xi32, #tpu.memory_space<hbm>>) dst(%arg7 : memref<40x128xi32, #tpu.memory_space<vmem>>)
      tpu.yield
    }) : () -> ()
    %barrier3A = arith.constant 0 : index
    tpu.barrier barrier_id(%barrier3A)
    %mul3A_5 = arith.constant 5120 : i32
    %mul3A_6 = arith.muli %add3A, %mul3A_5 : i32
    %scan3A = arith.constant 0 : i32
    %scan3A_7 = arith.constant 0 : i32
    %scan3A_8 = arith.constant 10 : i32
    %scan3A_9 = arith.addi %scan3A_7, %scan3A_8 : i32
    %scan3A_10 = arith.constant 1 : i32
    scf.for %scan3A_64 = %scan3A_7 to %scan3A_9 step %scan3A_10  : i32 {
      %mul3A_65 = arith.constant 4 : i32
      %mul3A_66 = arith.muli %scan3A_64, %mul3A_65 : i32
      %add3A_67 = arith.constant 0 : i32
      %add3A_68 = arith.addi %mul3A_66, %add3A_67 : i32
      %gt3A = arith.constant 0 : i32
      %gt3A_69 = arith.cmpi sgt, %scan3A_64, %gt3A : i32
      %convert_element_type3A = arith.extui %gt3A_69 : i1 to i32
      %cond3A = arith.constant 0 : i32
      %cond3A_70 = arith.cmpi ne, %convert_element_type3A, %cond3A : i32
      scf.if %cond3A_70 {
        %sub3A = arith.constant 4 : i32
        %sub3A_285 = arith.subi %add3A_68, %sub3A : i32
        %dma_wait3A_286 = arith.constant 0 : i32
        %dma_wait3A_287 = arith.constant 0 : i32
        %dma_wait3A_288 = arith.constant 0 : i32
        %dma_wait3A_289 = tpu.memref_slice %arg8[%dma_wait3A_286, %dma_wait3A_287, %dma_wait3A_288] : memref<4x128x64xf32, #tpu.memory_space<vmem>> -> memref<1x128x64xf32, #tpu.memory_space<vmem>>
        %dma_wait3A_290 = tpu.memref_squeeze %dma_wait3A_289 : memref<1x128x64xf32, #tpu.memory_space<vmem>> -> memref<128x64xf32, #tpu.memory_space<vmem>>
        %dma_wait3A_291 = arith.constant 0 : i32
        %dma_wait3A_292 = tpu.memref_slice %arg7[%sub3A_285, %dma_wait3A_291] : memref<40x128xi32, #tpu.memory_space<vmem>> -> memref<1x128xi32, #tpu.memory_space<vmem>>
        %dma_wait3A_293 = tpu.memref_squeeze %dma_wait3A_292 : memref<1x128xi32, #tpu.memory_space<vmem>> -> memref<128xi32, #tpu.memory_space<vmem>>
        %dma_wait3A_294 = arith.constant 0 : i32
        %dma_wait3A_295 = arith.constant 0 : i32
        %dma_wait3A_296 = tpu.memref_slice %arg6[%dma_wait3A_294, %dma_wait3A_295] : memref<10016x64xf32, #tpu.memory_space<vmem_shared>> -> memref<10016x64xf32, #tpu.memory_space<vmem_shared>>
        tpu.wait_indirect_dma semaphore(%arg13 : memref<!tpu.dma_semaphore, #tpu.memory_space<semaphore_mem>>) src(%dma_wait3A_290 : memref<128x64xf32, #tpu.memory_space<vmem>>) dst(%dma_wait3A_296 : memref<10016x64xf32, #tpu.memory_space<vmem_shared>>)
      } else {
      }
      %mul3A_71 = arith.constant 128 : i32
      %mul3A_72 = arith.muli %add3A_68, %mul3A_71 : i32
      %add3A_73 = arith.addi %mul3A_6, %mul3A_72 : i32
      %dma_start3A = arith.constant 0 : i32
      %dma_start3A_74 = arith.constant 0 : i32
      %dma_start3A_75 = arith.constant 0 : i32
      %dma_start3A_76 = tpu.memref_slice %arg8[%dma_start3A, %dma_start3A_74, %dma_start3A_75] : memref<4x128x64xf32, #tpu.memory_space<vmem>> -> memref<1x128x64xf32, #tpu.memory_space<vmem>>
      %dma_start3A_77 = tpu.memref_squeeze %dma_start3A_76 : memref<1x128x64xf32, #tpu.memory_space<vmem>> -> memref<128x64xf32, #tpu.memory_space<vmem>>
      %dma_start3A_78 = arith.constant 0 : i32
      %dma_start3A_79 = tpu.memref_slice %arg2[%add3A_73, %dma_start3A_78] : memref<163840x64xf32, #tpu.memory_space<hbm>> -> memref<128x64xf32, #tpu.memory_space<hbm>>
      %dma_start3A_80 = arith.constant 0 : i32
      %dma_start3A_81 = arith.constant 0 : i32
      %dma_start3A_82 = tpu.memref_slice %arg8[%dma_start3A, %dma_start3A_80, %dma_start3A_81] : memref<4x128x64xf32, #tpu.memory_space<vmem>> -> memref<1x128x64xf32, #tpu.memory_space<vmem>>
      %dma_start3A_83 = tpu.memref_squeeze %dma_start3A_82 : memref<1x128x64xf32, #tpu.memory_space<vmem>> -> memref<128x64xf32, #tpu.memory_space<vmem>>
      %dma_start3A_84 = arith.constant 0 : i32
      %dma_start3A_85 = tpu.memref_slice %arg2[%add3A_73, %dma_start3A_84] : memref<163840x64xf32, #tpu.memory_space<hbm>> -> memref<128x64xf32, #tpu.memory_space<hbm>>
      tpu.enqueue_dma source(%dma_start3A_85 : memref<128x64xf32, #tpu.memory_space<hbm>>) target(%dma_start3A_83 : memref<128x64xf32, #tpu.memory_space<vmem>>) target_semaphore(%arg9 : memref<!tpu.dma_semaphore, #tpu.memory_space<semaphore_mem>>)
      %mul3A_86 = arith.constant 4 : i32
      %mul3A_87 = arith.muli %scan3A_64, %mul3A_86 : i32
      %add3A_88 = arith.constant 1 : i32
      %add3A_89 = arith.addi %mul3A_87, %add3A_88 : i32
      %gt3A_90 = arith.constant 0 : i32
      %gt3A_91 = arith.cmpi sgt, %scan3A_64, %gt3A_90 : i32
      %convert_element_type3A_92 = arith.extui %gt3A_91 : i1 to i32
      %cond3A_93 = arith.constant 0 : i32
      %cond3A_94 = arith.cmpi ne, %convert_element_type3A_92, %cond3A_93 : i32
      scf.if %cond3A_94 {
        %sub3A = arith.constant 4 : i32
        %sub3A_285 = arith.subi %add3A_89, %sub3A : i32
        %dma_wait3A_286 = arith.constant 1 : i32
        %dma_wait3A_287 = arith.constant 0 : i32
        %dma_wait3A_288 = arith.constant 0 : i32
        %dma_wait3A_289 = tpu.memref_slice %arg8[%dma_wait3A_286, %dma_wait3A_287, %dma_wait3A_288] : memref<4x128x64xf32, #tpu.memory_space<vmem>> -> memref<1x128x64xf32, #tpu.memory_space<vmem>>
        %dma_wait3A_290 = tpu.memref_squeeze %dma_wait3A_289 : memref<1x128x64xf32, #tpu.memory_space<vmem>> -> memref<128x64xf32, #tpu.memory_space<vmem>>
        %dma_wait3A_291 = arith.constant 0 : i32
        %dma_wait3A_292 = tpu.memref_slice %arg7[%sub3A_285, %dma_wait3A_291] : memref<40x128xi32, #tpu.memory_space<vmem>> -> memref<1x128xi32, #tpu.memory_space<vmem>>
        %dma_wait3A_293 = tpu.memref_squeeze %dma_wait3A_292 : memref<1x128xi32, #tpu.memory_space<vmem>> -> memref<128xi32, #tpu.memory_space<vmem>>
        %dma_wait3A_294 = arith.constant 0 : i32
        %dma_wait3A_295 = arith.constant 0 : i32
        %dma_wait3A_296 = tpu.memref_slice %arg6[%dma_wait3A_294, %dma_wait3A_295] : memref<10016x64xf32, #tpu.memory_space<vmem_shared>> -> memref<10016x64xf32, #tpu.memory_space<vmem_shared>>
        tpu.wait_indirect_dma semaphore(%arg14 : memref<!tpu.dma_semaphore, #tpu.memory_space<semaphore_mem>>) src(%dma_wait3A_290 : memref<128x64xf32, #tpu.memory_space<vmem>>) dst(%dma_wait3A_296 : memref<10016x64xf32, #tpu.memory_space<vmem_shared>>)
      } else {
      }
      %mul3A_95 = arith.constant 128 : i32
      %mul3A_96 = arith.muli %add3A_89, %mul3A_95 : i32
      %add3A_97 = arith.addi %mul3A_6, %mul3A_96 : i32
      %dma_start3A_98 = arith.constant 1 : i32
      %dma_start3A_99 = arith.constant 0 : i32
      %dma_start3A_100 = arith.constant 0 : i32
      %dma_start3A_101 = tpu.memref_slice %arg8[%dma_start3A_98, %dma_start3A_99, %dma_start3A_100] : memref<4x128x64xf32, #tpu.memory_space<vmem>> -> memref<1x128x64xf32, #tpu.memory_space<vmem>>
      %dma_start3A_102 = tpu.memref_squeeze %dma_start3A_101 : memref<1x128x64xf32, #tpu.memory_space<vmem>> -> memref<128x64xf32, #tpu.memory_space<vmem>>
      %dma_start3A_103 = arith.constant 0 : i32
      %dma_start3A_104 = tpu.memref_slice %arg2[%add3A_97, %dma_start3A_103] : memref<163840x64xf32, #tpu.memory_space<hbm>> -> memref<128x64xf32, #tpu.memory_space<hbm>>
      %dma_start3A_105 = arith.constant 0 : i32
      %dma_start3A_106 = arith.constant 0 : i32
      %dma_start3A_107 = tpu.memref_slice %arg8[%dma_start3A_98, %dma_start3A_105, %dma_start3A_106] : memref<4x128x64xf32, #tpu.memory_space<vmem>> -> memref<1x128x64xf32, #tpu.memory_space<vmem>>
      %dma_start3A_108 = tpu.memref_squeeze %dma_start3A_107 : memref<1x128x64xf32, #tpu.memory_space<vmem>> -> memref<128x64xf32, #tpu.memory_space<vmem>>
      %dma_start3A_109 = arith.constant 0 : i32
      %dma_start3A_110 = tpu.memref_slice %arg2[%add3A_97, %dma_start3A_109] : memref<163840x64xf32, #tpu.memory_space<hbm>> -> memref<128x64xf32, #tpu.memory_space<hbm>>
      tpu.enqueue_dma source(%dma_start3A_110 : memref<128x64xf32, #tpu.memory_space<hbm>>) target(%dma_start3A_108 : memref<128x64xf32, #tpu.memory_space<vmem>>) target_semaphore(%arg10 : memref<!tpu.dma_semaphore, #tpu.memory_space<semaphore_mem>>)
      %mul3A_111 = arith.constant 4 : i32
      %mul3A_112 = arith.muli %scan3A_64, %mul3A_111 : i32
      %add3A_113 = arith.constant 2 : i32
      %add3A_114 = arith.addi %mul3A_112, %add3A_113 : i32
      %gt3A_115 = arith.constant 0 : i32
      %gt3A_116 = arith.cmpi sgt, %scan3A_64, %gt3A_115 : i32
      %convert_element_type3A_117 = arith.extui %gt3A_116 : i1 to i32
      %cond3A_118 = arith.constant 0 : i32
      %cond3A_119 = arith.cmpi ne, %convert_element_type3A_117, %cond3A_118 : i32
      scf.if %cond3A_119 {
        %sub3A = arith.constant 4 : i32
        %sub3A_285 = arith.subi %add3A_114, %sub3A : i32
        %dma_wait3A_286 = arith.constant 2 : i32
        %dma_wait3A_287 = arith.constant 0 : i32
        %dma_wait3A_288 = arith.constant 0 : i32
        %dma_wait3A_289 = tpu.memref_slice %arg8[%dma_wait3A_286, %dma_wait3A_287, %dma_wait3A_288] : memref<4x128x64xf32, #tpu.memory_space<vmem>> -> memref<1x128x64xf32, #tpu.memory_space<vmem>>
        %dma_wait3A_290 = tpu.memref_squeeze %dma_wait3A_289 : memref<1x128x64xf32, #tpu.memory_space<vmem>> -> memref<128x64xf32, #tpu.memory_space<vmem>>
        %dma_wait3A_291 = arith.constant 0 : i32
        %dma_wait3A_292 = tpu.memref_slice %arg7[%sub3A_285, %dma_wait3A_291] : memref<40x128xi32, #tpu.memory_space<vmem>> -> memref<1x128xi32, #tpu.memory_space<vmem>>
        %dma_wait3A_293 = tpu.memref_squeeze %dma_wait3A_292 : memref<1x128xi32, #tpu.memory_space<vmem>> -> memref<128xi32, #tpu.memory_space<vmem>>
        %dma_wait3A_294 = arith.constant 0 : i32
        %dma_wait3A_295 = arith.constant 0 : i32
        %dma_wait3A_296 = tpu.memref_slice %arg6[%dma_wait3A_294, %dma_wait3A_295] : memref<10016x64xf32, #tpu.memory_space<vmem_shared>> -> memref<10016x64xf32, #tpu.memory_space<vmem_shared>>
        tpu.wait_indirect_dma semaphore(%arg15 : memref<!tpu.dma_semaphore, #tpu.memory_space<semaphore_mem>>) src(%dma_wait3A_290 : memref<128x64xf32, #tpu.memory_space<vmem>>) dst(%dma_wait3A_296 : memref<10016x64xf32, #tpu.memory_space<vmem_shared>>)
      } else {
      }
      %mul3A_120 = arith.constant 128 : i32
      %mul3A_121 = arith.muli %add3A_114, %mul3A_120 : i32
      %add3A_122 = arith.addi %mul3A_6, %mul3A_121 : i32
      %dma_start3A_123 = arith.constant 2 : i32
      %dma_start3A_124 = arith.constant 0 : i32
      %dma_start3A_125 = arith.constant 0 : i32
      %dma_start3A_126 = tpu.memref_slice %arg8[%dma_start3A_123, %dma_start3A_124, %dma_start3A_125] : memref<4x128x64xf32, #tpu.memory_space<vmem>> -> memref<1x128x64xf32, #tpu.memory_space<vmem>>
      %dma_start3A_127 = tpu.memref_squeeze %dma_start3A_126 : memref<1x128x64xf32, #tpu.memory_space<vmem>> -> memref<128x64xf32, #tpu.memory_space<vmem>>
      %dma_start3A_128 = arith.constant 0 : i32
      %dma_start3A_129 = tpu.memref_slice %arg2[%add3A_122, %dma_start3A_128] : memref<163840x64xf32, #tpu.memory_space<hbm>> -> memref<128x64xf32, #tpu.memory_space<hbm>>
      %dma_start3A_130 = arith.constant 0 : i32
      %dma_start3A_131 = arith.constant 0 : i32
      %dma_start3A_132 = tpu.memref_slice %arg8[%dma_start3A_123, %dma_start3A_130, %dma_start3A_131] : memref<4x128x64xf32, #tpu.memory_space<vmem>> -> memref<1x128x64xf32, #tpu.memory_space<vmem>>
      %dma_start3A_133 = tpu.memref_squeeze %dma_start3A_132 : memref<1x128x64xf32, #tpu.memory_space<vmem>> -> memref<128x64xf32, #tpu.memory_space<vmem>>
      %dma_start3A_134 = arith.constant 0 : i32
      %dma_start3A_135 = tpu.memref_slice %arg2[%add3A_122, %dma_start3A_134] : memref<163840x64xf32, #tpu.memory_space<hbm>> -> memref<128x64xf32, #tpu.memory_space<hbm>>
      tpu.enqueue_dma source(%dma_start3A_135 : memref<128x64xf32, #tpu.memory_space<hbm>>) target(%dma_start3A_133 : memref<128x64xf32, #tpu.memory_space<vmem>>) target_semaphore(%arg11 : memref<!tpu.dma_semaphore, #tpu.memory_space<semaphore_mem>>)
      %mul3A_136 = arith.constant 4 : i32
      %mul3A_137 = arith.muli %scan3A_64, %mul3A_136 : i32
      %add3A_138 = arith.constant 3 : i32
      %add3A_139 = arith.addi %mul3A_137, %add3A_138 : i32
      %gt3A_140 = arith.constant 0 : i32
      %gt3A_141 = arith.cmpi sgt, %scan3A_64, %gt3A_140 : i32
      %convert_element_type3A_142 = arith.extui %gt3A_141 : i1 to i32
      %cond3A_143 = arith.constant 0 : i32
      %cond3A_144 = arith.cmpi ne, %convert_element_type3A_142, %cond3A_143 : i32
      scf.if %cond3A_144 {
        %sub3A = arith.constant 4 : i32
        %sub3A_285 = arith.subi %add3A_139, %sub3A : i32
        %dma_wait3A_286 = arith.constant 3 : i32
        %dma_wait3A_287 = arith.constant 0 : i32
        %dma_wait3A_288 = arith.constant 0 : i32
        %dma_wait3A_289 = tpu.memref_slice %arg8[%dma_wait3A_286, %dma_wait3A_287, %dma_wait3A_288] : memref<4x128x64xf32, #tpu.memory_space<vmem>> -> memref<1x128x64xf32, #tpu.memory_space<vmem>>
        %dma_wait3A_290 = tpu.memref_squeeze %dma_wait3A_289 : memref<1x128x64xf32, #tpu.memory_space<vmem>> -> memref<128x64xf32, #tpu.memory_space<vmem>>
        %dma_wait3A_291 = arith.constant 0 : i32
        %dma_wait3A_292 = tpu.memref_slice %arg7[%sub3A_285, %dma_wait3A_291] : memref<40x128xi32, #tpu.memory_space<vmem>> -> memref<1x128xi32, #tpu.memory_space<vmem>>
        %dma_wait3A_293 = tpu.memref_squeeze %dma_wait3A_292 : memref<1x128xi32, #tpu.memory_space<vmem>> -> memref<128xi32, #tpu.memory_space<vmem>>
        %dma_wait3A_294 = arith.constant 0 : i32
        %dma_wait3A_295 = arith.constant 0 : i32
        %dma_wait3A_296 = tpu.memref_slice %arg6[%dma_wait3A_294, %dma_wait3A_295] : memref<10016x64xf32, #tpu.memory_space<vmem_shared>> -> memref<10016x64xf32, #tpu.memory_space<vmem_shared>>
        tpu.wait_indirect_dma semaphore(%arg16 : memref<!tpu.dma_semaphore, #tpu.memory_space<semaphore_mem>>) src(%dma_wait3A_290 : memref<128x64xf32, #tpu.memory_space<vmem>>) dst(%dma_wait3A_296 : memref<10016x64xf32, #tpu.memory_space<vmem_shared>>)
      } else {
      }
      %mul3A_145 = arith.constant 128 : i32
      %mul3A_146 = arith.muli %add3A_139, %mul3A_145 : i32
      %add3A_147 = arith.addi %mul3A_6, %mul3A_146 : i32
      %dma_start3A_148 = arith.constant 3 : i32
      %dma_start3A_149 = arith.constant 0 : i32
      %dma_start3A_150 = arith.constant 0 : i32
      %dma_start3A_151 = tpu.memref_slice %arg8[%dma_start3A_148, %dma_start3A_149, %dma_start3A_150] : memref<4x128x64xf32, #tpu.memory_space<vmem>> -> memref<1x128x64xf32, #tpu.memory_space<vmem>>
      %dma_start3A_152 = tpu.memref_squeeze %dma_start3A_151 : memref<1x128x64xf32, #tpu.memory_space<vmem>> -> memref<128x64xf32, #tpu.memory_space<vmem>>
      %dma_start3A_153 = arith.constant 0 : i32
      %dma_start3A_154 = tpu.memref_slice %arg2[%add3A_147, %dma_start3A_153] : memref<163840x64xf32, #tpu.memory_space<hbm>> -> memref<128x64xf32, #tpu.memory_space<hbm>>
      %dma_start3A_155 = arith.constant 0 : i32
      %dma_start3A_156 = arith.constant 0 : i32
      %dma_start3A_157 = tpu.memref_slice %arg8[%dma_start3A_148, %dma_start3A_155, %dma_start3A_156] : memref<4x128x64xf32, #tpu.memory_space<vmem>> -> memref<1x128x64xf32, #tpu.memory_space<vmem>>
      %dma_start3A_158 = tpu.memref_squeeze %dma_start3A_157 : memref<1x128x64xf32, #tpu.memory_space<vmem>> -> memref<128x64xf32, #tpu.memory_space<vmem>>
      %dma_start3A_159 = arith.constant 0 : i32
      %dma_start3A_160 = tpu.memref_slice %arg2[%add3A_147, %dma_start3A_159] : memref<163840x64xf32, #tpu.memory_space<hbm>> -> memref<128x64xf32, #tpu.memory_space<hbm>>
      tpu.enqueue_dma source(%dma_start3A_160 : memref<128x64xf32, #tpu.memory_space<hbm>>) target(%dma_start3A_158 : memref<128x64xf32, #tpu.memory_space<vmem>>) target_semaphore(%arg12 : memref<!tpu.dma_semaphore, #tpu.memory_space<semaphore_mem>>)
      %mul3A_161 = arith.constant 4 : i32
      %mul3A_162 = arith.muli %scan3A_64, %mul3A_161 : i32
      %add3A_163 = arith.constant 0 : i32
      %add3A_164 = arith.addi %mul3A_162, %add3A_163 : i32
      %mul3A_165 = arith.constant 128 : i32
      %mul3A_166 = arith.muli %add3A_164, %mul3A_165 : i32
      %add3A_167 = arith.addi %mul3A_6, %mul3A_166 : i32
      %dma_wait3A_168 = arith.constant 0 : i32
      %dma_wait3A_169 = arith.constant 0 : i32
      %dma_wait3A_170 = arith.constant 0 : i32
      %dma_wait3A_171 = tpu.memref_slice %arg8[%dma_wait3A_168, %dma_wait3A_169, %dma_wait3A_170] : memref<4x128x64xf32, #tpu.memory_space<vmem>> -> memref<1x128x64xf32, #tpu.memory_space<vmem>>
      %dma_wait3A_172 = tpu.memref_squeeze %dma_wait3A_171 : memref<1x128x64xf32, #tpu.memory_space<vmem>> -> memref<128x64xf32, #tpu.memory_space<vmem>>
      %dma_wait3A_173 = arith.constant 0 : i32
      %dma_wait3A_174 = tpu.memref_slice %arg2[%add3A_167, %dma_wait3A_173] : memref<163840x64xf32, #tpu.memory_space<hbm>> -> memref<128x64xf32, #tpu.memory_space<hbm>>
      %dma_wait3A_175 = arith.constant 0 : i32
      %dma_wait3A_176 = arith.constant 0 : i32
      %dma_wait3A_177 = tpu.memref_slice %arg8[%dma_wait3A_168, %dma_wait3A_175, %dma_wait3A_176] : memref<4x128x64xf32, #tpu.memory_space<vmem>> -> memref<1x128x64xf32, #tpu.memory_space<vmem>>
      %dma_wait3A_178 = tpu.memref_squeeze %dma_wait3A_177 : memref<1x128x64xf32, #tpu.memory_space<vmem>> -> memref<128x64xf32, #tpu.memory_space<vmem>>
      %dma_wait3A_179 = arith.constant 0 : i32
      %dma_wait3A_180 = tpu.memref_slice %arg2[%add3A_167, %dma_wait3A_179] : memref<163840x64xf32, #tpu.memory_space<hbm>> -> memref<128x64xf32, #tpu.memory_space<hbm>>
      tpu.wait_dma2 semaphore(%arg9 : memref<!tpu.dma_semaphore, #tpu.memory_space<semaphore_mem>>) src(%dma_wait3A_180 : memref<128x64xf32, #tpu.memory_space<hbm>>) dst(%dma_wait3A_178 : memref<128x64xf32, #tpu.memory_space<vmem>>)
      %dma_start3A_181 = arith.constant 0 : i32
      %dma_start3A_182 = arith.constant 0 : i32
      %dma_start3A_183 = arith.constant 0 : i32
      %dma_start3A_184 = tpu.memref_slice %arg8[%dma_start3A_181, %dma_start3A_182, %dma_start3A_183] : memref<4x128x64xf32, #tpu.memory_space<vmem>> -> memref<1x128x64xf32, #tpu.memory_space<vmem>>
      %dma_start3A_185 = tpu.memref_squeeze %dma_start3A_184 : memref<1x128x64xf32, #tpu.memory_space<vmem>> -> memref<128x64xf32, #tpu.memory_space<vmem>>
      %dma_start3A_186 = arith.constant 0 : i32
      %dma_start3A_187 = tpu.memref_slice %arg7[%add3A_164, %dma_start3A_186] : memref<40x128xi32, #tpu.memory_space<vmem>> -> memref<1x128xi32, #tpu.memory_space<vmem>>
      %dma_start3A_188 = tpu.memref_squeeze %dma_start3A_187 : memref<1x128xi32, #tpu.memory_space<vmem>> -> memref<128xi32, #tpu.memory_space<vmem>>
      %dma_start3A_189 = arith.constant 0 : i32
      %dma_start3A_190 = arith.constant 0 : i32
      %dma_start3A_191 = tpu.memref_slice %arg6[%dma_start3A_189, %dma_start3A_190] : memref<10016x64xf32, #tpu.memory_space<vmem_shared>> -> memref<10016x64xf32, #tpu.memory_space<vmem_shared>>
      tpu.enqueue_indirect_dma source(%dma_start3A_185 : memref<128x64xf32, #tpu.memory_space<vmem>>) target(%dma_start3A_191 : memref<10016x64xf32, #tpu.memory_space<vmem_shared>>) offsets(%dma_start3A_188 : memref<128xi32, #tpu.memory_space<vmem>>) semaphore(%arg13 : memref<!tpu.dma_semaphore, #tpu.memory_space<semaphore_mem>>) {add = true}
      %mul3A_192 = arith.constant 4 : i32
      %mul3A_193 = arith.muli %scan3A_64, %mul3A_192 : i32
      %add3A_194 = arith.constant 1 : i32
      %add3A_195 = arith.addi %mul3A_193, %add3A_194 : i32
      %mul3A_196 = arith.constant 128 : i32
      %mul3A_197 = arith.muli %add3A_195, %mul3A_196 : i32
      %add3A_198 = arith.addi %mul3A_6, %mul3A_197 : i32
      %dma_wait3A_199 = arith.constant 1 : i32
      %dma_wait3A_200 = arith.constant 0 : i32
      %dma_wait3A_201 = arith.constant 0 : i32
      %dma_wait3A_202 = tpu.memref_slice %arg8[%dma_wait3A_199, %dma_wait3A_200, %dma_wait3A_201] : memref<4x128x64xf32, #tpu.memory_space<vmem>> -> memref<1x128x64xf32, #tpu.memory_space<vmem>>
      %dma_wait3A_203 = tpu.memref_squeeze %dma_wait3A_202 : memref<1x128x64xf32, #tpu.memory_space<vmem>> -> memref<128x64xf32, #tpu.memory_space<vmem>>
      %dma_wait3A_204 = arith.constant 0 : i32
      %dma_wait3A_205 = tpu.memref_slice %arg2[%add3A_198, %dma_wait3A_204] : memref<163840x64xf32, #tpu.memory_space<hbm>> -> memref<128x64xf32, #tpu.memory_space<hbm>>
      %dma_wait3A_206 = arith.constant 0 : i32
      %dma_wait3A_207 = arith.constant 0 : i32
      %dma_wait3A_208 = tpu.memref_slice %arg8[%dma_wait3A_199, %dma_wait3A_206, %dma_wait3A_207] : memref<4x128x64xf32, #tpu.memory_space<vmem>> -> memref<1x128x64xf32, #tpu.memory_space<vmem>>
      %dma_wait3A_209 = tpu.memref_squeeze %dma_wait3A_208 : memref<1x128x64xf32, #tpu.memory_space<vmem>> -> memref<128x64xf32, #tpu.memory_space<vmem>>
      %dma_wait3A_210 = arith.constant 0 : i32
      %dma_wait3A_211 = tpu.memref_slice %arg2[%add3A_198, %dma_wait3A_210] : memref<163840x64xf32, #tpu.memory_space<hbm>> -> memref<128x64xf32, #tpu.memory_space<hbm>>
      tpu.wait_dma2 semaphore(%arg10 : memref<!tpu.dma_semaphore, #tpu.memory_space<semaphore_mem>>) src(%dma_wait3A_211 : memref<128x64xf32, #tpu.memory_space<hbm>>) dst(%dma_wait3A_209 : memref<128x64xf32, #tpu.memory_space<vmem>>)
      %dma_start3A_212 = arith.constant 1 : i32
      %dma_start3A_213 = arith.constant 0 : i32
      %dma_start3A_214 = arith.constant 0 : i32
      %dma_start3A_215 = tpu.memref_slice %arg8[%dma_start3A_212, %dma_start3A_213, %dma_start3A_214] : memref<4x128x64xf32, #tpu.memory_space<vmem>> -> memref<1x128x64xf32, #tpu.memory_space<vmem>>
      %dma_start3A_216 = tpu.memref_squeeze %dma_start3A_215 : memref<1x128x64xf32, #tpu.memory_space<vmem>> -> memref<128x64xf32, #tpu.memory_space<vmem>>
      %dma_start3A_217 = arith.constant 0 : i32
      %dma_start3A_218 = tpu.memref_slice %arg7[%add3A_195, %dma_start3A_217] : memref<40x128xi32, #tpu.memory_space<vmem>> -> memref<1x128xi32, #tpu.memory_space<vmem>>
      %dma_start3A_219 = tpu.memref_squeeze %dma_start3A_218 : memref<1x128xi32, #tpu.memory_space<vmem>> -> memref<128xi32, #tpu.memory_space<vmem>>
      %dma_start3A_220 = arith.constant 0 : i32
      %dma_start3A_221 = arith.constant 0 : i32
      %dma_start3A_222 = tpu.memref_slice %arg6[%dma_start3A_220, %dma_start3A_221] : memref<10016x64xf32, #tpu.memory_space<vmem_shared>> -> memref<10016x64xf32, #tpu.memory_space<vmem_shared>>
      tpu.enqueue_indirect_dma source(%dma_start3A_216 : memref<128x64xf32, #tpu.memory_space<vmem>>) target(%dma_start3A_222 : memref<10016x64xf32, #tpu.memory_space<vmem_shared>>) offsets(%dma_start3A_219 : memref<128xi32, #tpu.memory_space<vmem>>) semaphore(%arg14 : memref<!tpu.dma_semaphore, #tpu.memory_space<semaphore_mem>>) {add = true}
      %mul3A_223 = arith.constant 4 : i32
      %mul3A_224 = arith.muli %scan3A_64, %mul3A_223 : i32
      %add3A_225 = arith.constant 2 : i32
      %add3A_226 = arith.addi %mul3A_224, %add3A_225 : i32
      %mul3A_227 = arith.constant 128 : i32
      %mul3A_228 = arith.muli %add3A_226, %mul3A_227 : i32
      %add3A_229 = arith.addi %mul3A_6, %mul3A_228 : i32
      %dma_wait3A_230 = arith.constant 2 : i32
      %dma_wait3A_231 = arith.constant 0 : i32
      %dma_wait3A_232 = arith.constant 0 : i32
      %dma_wait3A_233 = tpu.memref_slice %arg8[%dma_wait3A_230, %dma_wait3A_231, %dma_wait3A_232] : memref<4x128x64xf32, #tpu.memory_space<vmem>> -> memref<1x128x64xf32, #tpu.memory_space<vmem>>
      %dma_wait3A_234 = tpu.memref_squeeze %dma_wait3A_233 : memref<1x128x64xf32, #tpu.memory_space<vmem>> -> memref<128x64xf32, #tpu.memory_space<vmem>>
      %dma_wait3A_235 = arith.constant 0 : i32
      %dma_wait3A_236 = tpu.memref_slice %arg2[%add3A_229, %dma_wait3A_235] : memref<163840x64xf32, #tpu.memory_space<hbm>> -> memref<128x64xf32, #tpu.memory_space<hbm>>
      %dma_wait3A_237 = arith.constant 0 : i32
      %dma_wait3A_238 = arith.constant 0 : i32
      %dma_wait3A_239 = tpu.memref_slice %arg8[%dma_wait3A_230, %dma_wait3A_237, %dma_wait3A_238] : memref<4x128x64xf32, #tpu.memory_space<vmem>> -> memref<1x128x64xf32, #tpu.memory_space<vmem>>
      %dma_wait3A_240 = tpu.memref_squeeze %dma_wait3A_239 : memref<1x128x64xf32, #tpu.memory_space<vmem>> -> memref<128x64xf32, #tpu.memory_space<vmem>>
      %dma_wait3A_241 = arith.constant 0 : i32
      %dma_wait3A_242 = tpu.memref_slice %arg2[%add3A_229, %dma_wait3A_241] : memref<163840x64xf32, #tpu.memory_space<hbm>> -> memref<128x64xf32, #tpu.memory_space<hbm>>
      tpu.wait_dma2 semaphore(%arg11 : memref<!tpu.dma_semaphore, #tpu.memory_space<semaphore_mem>>) src(%dma_wait3A_242 : memref<128x64xf32, #tpu.memory_space<hbm>>) dst(%dma_wait3A_240 : memref<128x64xf32, #tpu.memory_space<vmem>>)
      %dma_start3A_243 = arith.constant 2 : i32
      %dma_start3A_244 = arith.constant 0 : i32
      %dma_start3A_245 = arith.constant 0 : i32
      %dma_start3A_246 = tpu.memref_slice %arg8[%dma_start3A_243, %dma_start3A_244, %dma_start3A_245] : memref<4x128x64xf32, #tpu.memory_space<vmem>> -> memref<1x128x64xf32, #tpu.memory_space<vmem>>
      %dma_start3A_247 = tpu.memref_squeeze %dma_start3A_246 : memref<1x128x64xf32, #tpu.memory_space<vmem>> -> memref<128x64xf32, #tpu.memory_space<vmem>>
      %dma_start3A_248 = arith.constant 0 : i32
      %dma_start3A_249 = tpu.memref_slice %arg7[%add3A_226, %dma_start3A_248] : memref<40x128xi32, #tpu.memory_space<vmem>> -> memref<1x128xi32, #tpu.memory_space<vmem>>
      %dma_start3A_250 = tpu.memref_squeeze %dma_start3A_249 : memref<1x128xi32, #tpu.memory_space<vmem>> -> memref<128xi32, #tpu.memory_space<vmem>>
      %dma_start3A_251 = arith.constant 0 : i32
      %dma_start3A_252 = arith.constant 0 : i32
      %dma_start3A_253 = tpu.memref_slice %arg6[%dma_start3A_251, %dma_start3A_252] : memref<10016x64xf32, #tpu.memory_space<vmem_shared>> -> memref<10016x64xf32, #tpu.memory_space<vmem_shared>>
      tpu.enqueue_indirect_dma source(%dma_start3A_247 : memref<128x64xf32, #tpu.memory_space<vmem>>) target(%dma_start3A_253 : memref<10016x64xf32, #tpu.memory_space<vmem_shared>>) offsets(%dma_start3A_250 : memref<128xi32, #tpu.memory_space<vmem>>) semaphore(%arg15 : memref<!tpu.dma_semaphore, #tpu.memory_space<semaphore_mem>>) {add = true}
      %mul3A_254 = arith.constant 4 : i32
      %mul3A_255 = arith.muli %scan3A_64, %mul3A_254 : i32
      %add3A_256 = arith.constant 3 : i32
      %add3A_257 = arith.addi %mul3A_255, %add3A_256 : i32
      %mul3A_258 = arith.constant 128 : i32
      %mul3A_259 = arith.muli %add3A_257, %mul3A_258 : i32
      %add3A_260 = arith.addi %mul3A_6, %mul3A_259 : i32
      %dma_wait3A_261 = arith.constant 3 : i32
      %dma_wait3A_262 = arith.constant 0 : i32
      %dma_wait3A_263 = arith.constant 0 : i32
      %dma_wait3A_264 = tpu.memref_slice %arg8[%dma_wait3A_261, %dma_wait3A_262, %dma_wait3A_263] : memref<4x128x64xf32, #tpu.memory_space<vmem>> -> memref<1x128x64xf32, #tpu.memory_space<vmem>>
      %dma_wait3A_265 = tpu.memref_squeeze %dma_wait3A_264 : memref<1x128x64xf32, #tpu.memory_space<vmem>> -> memref<128x64xf32, #tpu.memory_space<vmem>>
      %dma_wait3A_266 = arith.constant 0 : i32
      %dma_wait3A_267 = tpu.memref_slice %arg2[%add3A_260, %dma_wait3A_266] : memref<163840x64xf32, #tpu.memory_space<hbm>> -> memref<128x64xf32, #tpu.memory_space<hbm>>
      %dma_wait3A_268 = arith.constant 0 : i32
      %dma_wait3A_269 = arith.constant 0 : i32
      %dma_wait3A_270 = tpu.memref_slice %arg8[%dma_wait3A_261, %dma_wait3A_268, %dma_wait3A_269] : memref<4x128x64xf32, #tpu.memory_space<vmem>> -> memref<1x128x64xf32, #tpu.memory_space<vmem>>
      %dma_wait3A_271 = tpu.memref_squeeze %dma_wait3A_270 : memref<1x128x64xf32, #tpu.memory_space<vmem>> -> memref<128x64xf32, #tpu.memory_space<vmem>>
      %dma_wait3A_272 = arith.constant 0 : i32
      %dma_wait3A_273 = tpu.memref_slice %arg2[%add3A_260, %dma_wait3A_272] : memref<163840x64xf32, #tpu.memory_space<hbm>> -> memref<128x64xf32, #tpu.memory_space<hbm>>
      tpu.wait_dma2 semaphore(%arg12 : memref<!tpu.dma_semaphore, #tpu.memory_space<semaphore_mem>>) src(%dma_wait3A_273 : memref<128x64xf32, #tpu.memory_space<hbm>>) dst(%dma_wait3A_271 : memref<128x64xf32, #tpu.memory_space<vmem>>)
      %dma_start3A_274 = arith.constant 3 : i32
      %dma_start3A_275 = arith.constant 0 : i32
      %dma_start3A_276 = arith.constant 0 : i32
      %dma_start3A_277 = tpu.memref_slice %arg8[%dma_start3A_274, %dma_start3A_275, %dma_start3A_276] : memref<4x128x64xf32, #tpu.memory_space<vmem>> -> memref<1x128x64xf32, #tpu.memory_space<vmem>>
      %dma_start3A_278 = tpu.memref_squeeze %dma_start3A_277 : memref<1x128x64xf32, #tpu.memory_space<vmem>> -> memref<128x64xf32, #tpu.memory_space<vmem>>
      %dma_start3A_279 = arith.constant 0 : i32
      %dma_start3A_280 = tpu.memref_slice %arg7[%add3A_257, %dma_start3A_279] : memref<40x128xi32, #tpu.memory_space<vmem>> -> memref<1x128xi32, #tpu.memory_space<vmem>>
      %dma_start3A_281 = tpu.memref_squeeze %dma_start3A_280 : memref<1x128xi32, #tpu.memory_space<vmem>> -> memref<128xi32, #tpu.memory_space<vmem>>
      %dma_start3A_282 = arith.constant 0 : i32
      %dma_start3A_283 = arith.constant 0 : i32
      %dma_start3A_284 = tpu.memref_slice %arg6[%dma_start3A_282, %dma_start3A_283] : memref<10016x64xf32, #tpu.memory_space<vmem_shared>> -> memref<10016x64xf32, #tpu.memory_space<vmem_shared>>
      tpu.enqueue_indirect_dma source(%dma_start3A_278 : memref<128x64xf32, #tpu.memory_space<vmem>>) target(%dma_start3A_284 : memref<10016x64xf32, #tpu.memory_space<vmem_shared>>) offsets(%dma_start3A_281 : memref<128xi32, #tpu.memory_space<vmem>>) semaphore(%arg16 : memref<!tpu.dma_semaphore, #tpu.memory_space<semaphore_mem>>) {add = true}
    }
    %scan3A_11 = arith.constant 10 : i32
    %dma_wait3A = arith.constant 0 : i32
    %dma_wait3A_12 = arith.constant 36 : i32
    %dma_wait3A_13 = arith.constant 0 : i32
    %dma_wait3A_14 = arith.constant 0 : i32
    %dma_wait3A_15 = tpu.memref_slice %arg8[%dma_wait3A, %dma_wait3A_13, %dma_wait3A_14] : memref<4x128x64xf32, #tpu.memory_space<vmem>> -> memref<1x128x64xf32, #tpu.memory_space<vmem>>
    %dma_wait3A_16 = tpu.memref_squeeze %dma_wait3A_15 : memref<1x128x64xf32, #tpu.memory_space<vmem>> -> memref<128x64xf32, #tpu.memory_space<vmem>>
    %dma_wait3A_17 = arith.constant 0 : i32
    %dma_wait3A_18 = tpu.memref_slice %arg7[%dma_wait3A_12, %dma_wait3A_17] : memref<40x128xi32, #tpu.memory_space<vmem>> -> memref<1x128xi32, #tpu.memory_space<vmem>>
    %dma_wait3A_19 = tpu.memref_squeeze %dma_wait3A_18 : memref<1x128xi32, #tpu.memory_space<vmem>> -> memref<128xi32, #tpu.memory_space<vmem>>
    %dma_wait3A_20 = arith.constant 0 : i32
    %dma_wait3A_21 = arith.constant 0 : i32
    %dma_wait3A_22 = tpu.memref_slice %arg6[%dma_wait3A_20, %dma_wait3A_21] : memref<10016x64xf32, #tpu.memory_space<vmem_shared>> -> memref<10016x64xf32, #tpu.memory_space<vmem_shared>>
    tpu.wait_indirect_dma semaphore(%arg13 : memref<!tpu.dma_semaphore, #tpu.memory_space<semaphore_mem>>) src(%dma_wait3A_16 : memref<128x64xf32, #tpu.memory_space<vmem>>) dst(%dma_wait3A_22 : memref<10016x64xf32, #tpu.memory_space<vmem_shared>>)
    %dma_wait3A_23 = arith.constant 1 : i32
    %dma_wait3A_24 = arith.constant 37 : i32
    %dma_wait3A_25 = arith.constant 0 : i32
    %dma_wait3A_26 = arith.constant 0 : i32
    %dma_wait3A_27 = tpu.memref_slice %arg8[%dma_wait3A_23, %dma_wait3A_25, %dma_wait3A_26] : memref<4x128x64xf32, #tpu.memory_space<vmem>> -> memref<1x128x64xf32, #tpu.memory_space<vmem>>
    %dma_wait3A_28 = tpu.memref_squeeze %dma_wait3A_27 : memref<1x128x64xf32, #tpu.memory_space<vmem>> -> memref<128x64xf32, #tpu.memory_space<vmem>>
    %dma_wait3A_29 = arith.constant 0 : i32
    %dma_wait3A_30 = tpu.memref_slice %arg7[%dma_wait3A_24, %dma_wait3A_29] : memref<40x128xi32, #tpu.memory_space<vmem>> -> memref<1x128xi32, #tpu.memory_space<vmem>>
    %dma_wait3A_31 = tpu.memref_squeeze %dma_wait3A_30 : memref<1x128xi32, #tpu.memory_space<vmem>> -> memref<128xi32, #tpu.memory_space<vmem>>
    %dma_wait3A_32 = arith.constant 0 : i32
    %dma_wait3A_33 = arith.constant 0 : i32
    %dma_wait3A_34 = tpu.memref_slice %arg6[%dma_wait3A_32, %dma_wait3A_33] : memref<10016x64xf32, #tpu.memory_space<vmem_shared>> -> memref<10016x64xf32, #tpu.memory_space<vmem_shared>>
    tpu.wait_indirect_dma semaphore(%arg14 : memref<!tpu.dma_semaphore, #tpu.memory_space<semaphore_mem>>) src(%dma_wait3A_28 : memref<128x64xf32, #tpu.memory_space<vmem>>) dst(%dma_wait3A_34 : memref<10016x64xf32, #tpu.memory_space<vmem_shared>>)
    %dma_wait3A_35 = arith.constant 2 : i32
    %dma_wait3A_36 = arith.constant 38 : i32
    %dma_wait3A_37 = arith.constant 0 : i32
    %dma_wait3A_38 = arith.constant 0 : i32
    %dma_wait3A_39 = tpu.memref_slice %arg8[%dma_wait3A_35, %dma_wait3A_37, %dma_wait3A_38] : memref<4x128x64xf32, #tpu.memory_space<vmem>> -> memref<1x128x64xf32, #tpu.memory_space<vmem>>
    %dma_wait3A_40 = tpu.memref_squeeze %dma_wait3A_39 : memref<1x128x64xf32, #tpu.memory_space<vmem>> -> memref<128x64xf32, #tpu.memory_space<vmem>>
    %dma_wait3A_41 = arith.constant 0 : i32
    %dma_wait3A_42 = tpu.memref_slice %arg7[%dma_wait3A_36, %dma_wait3A_41] : memref<40x128xi32, #tpu.memory_space<vmem>> -> memref<1x128xi32, #tpu.memory_space<vmem>>
    %dma_wait3A_43 = tpu.memref_squeeze %dma_wait3A_42 : memref<1x128xi32, #tpu.memory_space<vmem>> -> memref<128xi32, #tpu.memory_space<vmem>>
    %dma_wait3A_44 = arith.constant 0 : i32
    %dma_wait3A_45 = arith.constant 0 : i32
    %dma_wait3A_46 = tpu.memref_slice %arg6[%dma_wait3A_44, %dma_wait3A_45] : memref<10016x64xf32, #tpu.memory_space<vmem_shared>> -> memref<10016x64xf32, #tpu.memory_space<vmem_shared>>
    tpu.wait_indirect_dma semaphore(%arg15 : memref<!tpu.dma_semaphore, #tpu.memory_space<semaphore_mem>>) src(%dma_wait3A_40 : memref<128x64xf32, #tpu.memory_space<vmem>>) dst(%dma_wait3A_46 : memref<10016x64xf32, #tpu.memory_space<vmem_shared>>)
    %dma_wait3A_47 = arith.constant 3 : i32
    %dma_wait3A_48 = arith.constant 39 : i32
    %dma_wait3A_49 = arith.constant 0 : i32
    %dma_wait3A_50 = arith.constant 0 : i32
    %dma_wait3A_51 = tpu.memref_slice %arg8[%dma_wait3A_47, %dma_wait3A_49, %dma_wait3A_50] : memref<4x128x64xf32, #tpu.memory_space<vmem>> -> memref<1x128x64xf32, #tpu.memory_space<vmem>>
    %dma_wait3A_52 = tpu.memref_squeeze %dma_wait3A_51 : memref<1x128x64xf32, #tpu.memory_space<vmem>> -> memref<128x64xf32, #tpu.memory_space<vmem>>
    %dma_wait3A_53 = arith.constant 0 : i32
    %dma_wait3A_54 = tpu.memref_slice %arg7[%dma_wait3A_48, %dma_wait3A_53] : memref<40x128xi32, #tpu.memory_space<vmem>> -> memref<1x128xi32, #tpu.memory_space<vmem>>
    %dma_wait3A_55 = tpu.memref_squeeze %dma_wait3A_54 : memref<1x128xi32, #tpu.memory_space<vmem>> -> memref<128xi32, #tpu.memory_space<vmem>>
    %dma_wait3A_56 = arith.constant 0 : i32
    %dma_wait3A_57 = arith.constant 0 : i32
    %dma_wait3A_58 = tpu.memref_slice %arg6[%dma_wait3A_56, %dma_wait3A_57] : memref<10016x64xf32, #tpu.memory_space<vmem_shared>> -> memref<10016x64xf32, #tpu.memory_space<vmem_shared>>
    tpu.wait_indirect_dma semaphore(%arg16 : memref<!tpu.dma_semaphore, #tpu.memory_space<semaphore_mem>>) src(%dma_wait3A_52 : memref<128x64xf32, #tpu.memory_space<vmem>>) dst(%dma_wait3A_58 : memref<10016x64xf32, #tpu.memory_space<vmem_shared>>)
    %barrier3A_59 = arith.constant 0 : index
    tpu.barrier barrier_id(%barrier3A_59)
    %mul3A_60 = arith.constant 625 : i32
    %mul3A_61 = arith.muli %arg1, %mul3A_60 : i32
    %mul3A_62 = arith.constant 625 : i32
    %mul3A_63 = arith.muli %arg1, %mul3A_62 : i32
    "tpu.region"() ({
      %run_scoped3A = tpu.sem_alloc : memref<!tpu.dma_semaphore, #tpu.memory_space<semaphore_mem>>
      %dma_start3A = arith.constant 0 : i32
      %dma_start3A_64 = tpu.memref_slice %arg5[%arg0, %mul3A_63, %dma_start3A] : memref<2x10000x64xf32, #tpu.memory_space<hbm>> -> memref<1x625x64xf32, #tpu.memory_space<hbm>>
      %dma_start3A_65 = tpu.memref_squeeze %dma_start3A_64 : memref<1x625x64xf32, #tpu.memory_space<hbm>> -> memref<625x64xf32, #tpu.memory_space<hbm>>
      %dma_start3A_66 = arith.constant 0 : i32
      %dma_start3A_67 = tpu.memref_slice %arg6[%mul3A_61, %dma_start3A_66] : memref<10016x64xf32, #tpu.memory_space<vmem_shared>> -> memref<625x64xf32, #tpu.memory_space<vmem_shared>>
      tpu.enqueue_dma source(%dma_start3A_67 : memref<625x64xf32, #tpu.memory_space<vmem_shared>>) target(%dma_start3A_65 : memref<625x64xf32, #tpu.memory_space<hbm>>) target_semaphore(%run_scoped3A : memref<!tpu.dma_semaphore, #tpu.memory_space<semaphore_mem>>)
      %dma_wait3A_68 = arith.constant 0 : i32
      %dma_wait3A_69 = tpu.memref_slice %arg5[%arg0, %mul3A_63, %dma_wait3A_68] : memref<2x10000x64xf32, #tpu.memory_space<hbm>> -> memref<1x625x64xf32, #tpu.memory_space<hbm>>
      %dma_wait3A_70 = tpu.memref_squeeze %dma_wait3A_69 : memref<1x625x64xf32, #tpu.memory_space<hbm>> -> memref<625x64xf32, #tpu.memory_space<hbm>>
      %dma_wait3A_71 = arith.constant 0 : i32
      %dma_wait3A_72 = tpu.memref_slice %arg6[%mul3A_61, %dma_wait3A_71] : memref<10016x64xf32, #tpu.memory_space<vmem_shared>> -> memref<625x64xf32, #tpu.memory_space<vmem_shared>>
      tpu.wait_dma2 semaphore(%run_scoped3A : memref<!tpu.dma_semaphore, #tpu.memory_space<semaphore_mem>>) src(%dma_wait3A_72 : memref<625x64xf32, #tpu.memory_space<vmem_shared>>) dst(%dma_wait3A_70 : memref<625x64xf32, #tpu.memory_space<hbm>>)
      tpu.yield
    }) : () -> ()
    return
  }
}

#map = affine_map<(d0, d1) -> (0, 0)>
#map1 = affine_map<(d0, d1) -> (0, 0, 0)>
module attributes {stable_mosaic.version = 14 : i64} {
  func.func @sc_scatter(%arg0: i32, %arg1: i32, %arg2: memref<163840x64xf32, #tpu.memory_space<hbm>>, %arg3: memref<32x40x128xi32, #tpu.memory_space<hbm>>, %arg4: memref<10016x64xf32, #tpu.memory_space<hbm>>, %arg5: memref<2x10000x64xf32, #tpu.memory_space<hbm>>, %arg6: memref<10016x64xf32, #tpu.memory_space<vmem_shared>>, %arg7: memref<40x128xi32, #tpu.memory_space<vmem>>, %arg8: memref<4x128x64xf32, #tpu.memory_space<vmem>>, %arg9: memref<!tpu.dma_semaphore, #tpu.memory_space<semaphore_mem>>, %arg10: memref<!tpu.dma_semaphore, #tpu.memory_space<semaphore_mem>>, %arg11: memref<!tpu.dma_semaphore, #tpu.memory_space<semaphore_mem>>, %arg12: memref<!tpu.dma_semaphore, #tpu.memory_space<semaphore_mem>>, %arg13: memref<!tpu.dma_semaphore, #tpu.memory_space<semaphore_mem>>, %arg14: memref<!tpu.dma_semaphore, #tpu.memory_space<semaphore_mem>>, %arg15: memref<!tpu.dma_semaphore, #tpu.memory_space<semaphore_mem>>, %arg16: memref<!tpu.dma_semaphore, #tpu.memory_space<semaphore_mem>>) attributes {dimension_semantics = [#tpu.dimension_semantics<core_parallel>, #tpu.dimension_semantics<subcore_parallel>], iteration_bounds = array<i64: 2, 16>, scalar_prefetch = 0 : i64, scratch_operands = 11 : i64, tpu.core_type = #tpu.core_type<sc_vector_subcore>, window_params = [{transform_indices = #map}, {transform_indices = #map1}, {transform_indices = #map}, {transform_indices = #map1}]} {
    %mul3A = arith.constant 2 : i32
    %mul3A_0 = arith.muli %arg1, %mul3A : i32
    %add3A = arith.addi %mul3A_0, %arg0 : i32
    %mul3A_1 = arith.constant 626 : i32
    %mul3A_2 = arith.muli %arg1, %mul3A_1 : i32
    %mul3A_3 = arith.constant 626 : i32
    %mul3A_4 = arith.muli %arg1, %mul3A_3 : i32
    "tpu.region"() ({
      %run_scoped3A = tpu.sem_alloc : memref<!tpu.dma_semaphore, #tpu.memory_space<semaphore_mem>>
      %dma_start3A = arith.constant 0 : i32
      %dma_start3A_64 = tpu.memref_slice %arg6[%mul3A_4, %dma_start3A] : memref<10016x64xf32, #tpu.memory_space<vmem_shared>> -> memref<626x64xf32, #tpu.memory_space<vmem_shared>>
      %dma_start3A_65 = arith.constant 0 : i32
      %dma_start3A_66 = tpu.memref_slice %arg4[%mul3A_2, %dma_start3A_65] : memref<10016x64xf32, #tpu.memory_space<hbm>> -> memref<626x64xf32, #tpu.memory_space<hbm>>
      tpu.enqueue_dma source(%dma_start3A_66 : memref<626x64xf32, #tpu.memory_space<hbm>>) target(%dma_start3A_64 : memref<626x64xf32, #tpu.memory_space<vmem_shared>>) target_semaphore(%run_scoped3A : memref<!tpu.dma_semaphore, #tpu.memory_space<semaphore_mem>>)
      %dma_wait3A_67 = arith.constant 0 : i32
      %dma_wait3A_68 = tpu.memref_slice %arg6[%mul3A_4, %dma_wait3A_67] : memref<10016x64xf32, #tpu.memory_space<vmem_shared>> -> memref<626x64xf32, #tpu.memory_space<vmem_shared>>
      %dma_wait3A_69 = arith.constant 0 : i32
      %dma_wait3A_70 = tpu.memref_slice %arg4[%mul3A_2, %dma_wait3A_69] : memref<10016x64xf32, #tpu.memory_space<hbm>> -> memref<626x64xf32, #tpu.memory_space<hbm>>
      tpu.wait_dma2 semaphore(%run_scoped3A : memref<!tpu.dma_semaphore, #tpu.memory_space<semaphore_mem>>) src(%dma_wait3A_70 : memref<626x64xf32, #tpu.memory_space<hbm>>) dst(%dma_wait3A_68 : memref<626x64xf32, #tpu.memory_space<vmem_shared>>)
      tpu.yield
    }) : () -> ()
    "tpu.region"() ({
      %run_scoped3A = tpu.sem_alloc : memref<!tpu.dma_semaphore, #tpu.memory_space<semaphore_mem>>
      %dma_start3A = arith.constant 0 : i32
      %dma_start3A_64 = arith.constant 0 : i32
      %dma_start3A_65 = tpu.memref_slice %arg3[%add3A, %dma_start3A, %dma_start3A_64] : memref<32x40x128xi32, #tpu.memory_space<hbm>> -> memref<1x40x128xi32, #tpu.memory_space<hbm>>
      %dma_start3A_66 = tpu.memref_squeeze %dma_start3A_65 : memref<1x40x128xi32, #tpu.memory_space<hbm>> -> memref<40x128xi32, #tpu.memory_space<hbm>>
      %dma_start3A_67 = arith.constant 0 : i32
      %dma_start3A_68 = arith.constant 0 : i32
      %dma_start3A_69 = tpu.memref_slice %arg3[%add3A, %dma_start3A_67, %dma_start3A_68] : memref<32x40x128xi32, #tpu.memory_space<hbm>> -> memref<1x40x128xi32, #tpu.memory_space<hbm>>
      %dma_start3A_70 = tpu.memref_squeeze %dma_start3A_69 : memref<1x40x128xi32, #tpu.memory_space<hbm>> -> memref<40x128xi32, #tpu.memory_space<hbm>>
      tpu.enqueue_dma source(%dma_start3A_70 : memref<40x128xi32, #tpu.memory_space<hbm>>) target(%arg7 : memref<40x128xi32, #tpu.memory_space<vmem>>) target_semaphore(%run_scoped3A : memref<!tpu.dma_semaphore, #tpu.memory_space<semaphore_mem>>)
      %dma_wait3A_71 = arith.constant 0 : i32
      %dma_wait3A_72 = arith.constant 0 : i32
      %dma_wait3A_73 = tpu.memref_slice %arg3[%add3A, %dma_wait3A_71, %dma_wait3A_72] : memref<32x40x128xi32, #tpu.memory_space<hbm>> -> memref<1x40x128xi32, #tpu.memory_space<hbm>>
      %dma_wait3A_74 = tpu.memref_squeeze %dma_wait3A_73 : memref<1x40x128xi32, #tpu.memory_space<hbm>> -> memref<40x128xi32, #tpu.memory_space<hbm>>
      %dma_wait3A_75 = arith.constant 0 : i32
      %dma_wait3A_76 = arith.constant 0 : i32
      %dma_wait3A_77 = tpu.memref_slice %arg3[%add3A, %dma_wait3A_75, %dma_wait3A_76] : memref<32x40x128xi32, #tpu.memory_space<hbm>> -> memref<1x40x128xi32, #tpu.memory_space<hbm>>
      %dma_wait3A_78 = tpu.memref_squeeze %dma_wait3A_77 : memref<1x40x128xi32, #tpu.memory_space<hbm>> -> memref<40x128xi32, #tpu.memory_space<hbm>>
      tpu.wait_dma2 semaphore(%run_scoped3A : memref<!tpu.dma_semaphore, #tpu.memory_space<semaphore_mem>>) src(%dma_wait3A_78 : memref<40x128xi32, #tpu.memory_space<hbm>>) dst(%arg7 : memref<40x128xi32, #tpu.memory_space<vmem>>)
      tpu.yield
    }) : () -> ()
    %barrier3A = arith.constant 0 : index
    tpu.barrier barrier_id(%barrier3A)
    %mul3A_5 = arith.constant 5120 : i32
    %mul3A_6 = arith.muli %add3A, %mul3A_5 : i32
    %scan3A = arith.constant 0 : i32
    %scan3A_7 = arith.constant 0 : i32
    %scan3A_8 = arith.constant 10 : i32
    %scan3A_9 = arith.addi %scan3A_7, %scan3A_8 : i32
    %scan3A_10 = arith.constant 1 : i32
    scf.for %scan3A_64 = %scan3A_7 to %scan3A_9 step %scan3A_10  : i32 {
      %mul3A_65 = arith.constant 4 : i32
      %mul3A_66 = arith.muli %scan3A_64, %mul3A_65 : i32
      %add3A_67 = arith.constant 0 : i32
      %add3A_68 = arith.addi %mul3A_66, %add3A_67 : i32
      %gt3A = arith.constant 0 : i32
      %gt3A_69 = arith.cmpi sgt, %scan3A_64, %gt3A : i32
      %convert_element_type3A = arith.extui %gt3A_69 : i1 to i32
      %cond3A = arith.constant 0 : i32
      %cond3A_70 = arith.cmpi ne, %convert_element_type3A, %cond3A : i32
      scf.if %cond3A_70 {
        %sub3A = arith.constant 4 : i32
        %sub3A_285 = arith.subi %add3A_68, %sub3A : i32
        %dma_wait3A_286 = arith.constant 0 : i32
        %dma_wait3A_287 = arith.constant 0 : i32
        %dma_wait3A_288 = arith.constant 0 : i32
        %dma_wait3A_289 = tpu.memref_slice %arg8[%dma_wait3A_286, %dma_wait3A_287, %dma_wait3A_288] : memref<4x128x64xf32, #tpu.memory_space<vmem>> -> memref<1x128x64xf32, #tpu.memory_space<vmem>>
        %dma_wait3A_290 = tpu.memref_squeeze %dma_wait3A_289 : memref<1x128x64xf32, #tpu.memory_space<vmem>> -> memref<128x64xf32, #tpu.memory_space<vmem>>
        %dma_wait3A_291 = arith.constant 0 : i32
        %dma_wait3A_292 = tpu.memref_slice %arg7[%sub3A_285, %dma_wait3A_291] : memref<40x128xi32, #tpu.memory_space<vmem>> -> memref<1x128xi32, #tpu.memory_space<vmem>>
        %dma_wait3A_293 = tpu.memref_squeeze %dma_wait3A_292 : memref<1x128xi32, #tpu.memory_space<vmem>> -> memref<128xi32, #tpu.memory_space<vmem>>
        %dma_wait3A_294 = arith.constant 0 : i32
        %dma_wait3A_295 = arith.constant 0 : i32
        %dma_wait3A_296 = tpu.memref_slice %arg6[%dma_wait3A_294, %dma_wait3A_295] : memref<10016x64xf32, #tpu.memory_space<vmem_shared>> -> memref<10016x64xf32, #tpu.memory_space<vmem_shared>>
        tpu.wait_indirect_dma semaphore(%arg13 : memref<!tpu.dma_semaphore, #tpu.memory_space<semaphore_mem>>) src(%dma_wait3A_290 : memref<128x64xf32, #tpu.memory_space<vmem>>) dst(%dma_wait3A_296 : memref<10016x64xf32, #tpu.memory_space<vmem_shared>>)
      } else {
      }
      %mul3A_71 = arith.constant 128 : i32
      %mul3A_72 = arith.muli %add3A_68, %mul3A_71 : i32
      %add3A_73 = arith.addi %mul3A_6, %mul3A_72 : i32
      %dma_start3A = arith.constant 0 : i32
      %dma_start3A_74 = arith.constant 0 : i32
      %dma_start3A_75 = arith.constant 0 : i32
      %dma_start3A_76 = tpu.memref_slice %arg8[%dma_start3A, %dma_start3A_74, %dma_start3A_75] : memref<4x128x64xf32, #tpu.memory_space<vmem>> -> memref<1x128x64xf32, #tpu.memory_space<vmem>>
      %dma_start3A_77 = tpu.memref_squeeze %dma_start3A_76 : memref<1x128x64xf32, #tpu.memory_space<vmem>> -> memref<128x64xf32, #tpu.memory_space<vmem>>
      %dma_start3A_78 = arith.constant 0 : i32
      %dma_start3A_79 = tpu.memref_slice %arg2[%add3A_73, %dma_start3A_78] : memref<163840x64xf32, #tpu.memory_space<hbm>> -> memref<128x64xf32, #tpu.memory_space<hbm>>
      %dma_start3A_80 = arith.constant 0 : i32
      %dma_start3A_81 = arith.constant 0 : i32
      %dma_start3A_82 = tpu.memref_slice %arg8[%dma_start3A, %dma_start3A_80, %dma_start3A_81] : memref<4x128x64xf32, #tpu.memory_space<vmem>> -> memref<1x128x64xf32, #tpu.memory_space<vmem>>
      %dma_start3A_83 = tpu.memref_squeeze %dma_start3A_82 : memref<1x128x64xf32, #tpu.memory_space<vmem>> -> memref<128x64xf32, #tpu.memory_space<vmem>>
      %dma_start3A_84 = arith.constant 0 : i32
      %dma_start3A_85 = tpu.memref_slice %arg2[%add3A_73, %dma_start3A_84] : memref<163840x64xf32, #tpu.memory_space<hbm>> -> memref<128x64xf32, #tpu.memory_space<hbm>>
      tpu.enqueue_dma source(%dma_start3A_85 : memref<128x64xf32, #tpu.memory_space<hbm>>) target(%dma_start3A_83 : memref<128x64xf32, #tpu.memory_space<vmem>>) target_semaphore(%arg9 : memref<!tpu.dma_semaphore, #tpu.memory_space<semaphore_mem>>)
      %mul3A_86 = arith.constant 4 : i32
      %mul3A_87 = arith.muli %scan3A_64, %mul3A_86 : i32
      %add3A_88 = arith.constant 1 : i32
      %add3A_89 = arith.addi %mul3A_87, %add3A_88 : i32
      %gt3A_90 = arith.constant 0 : i32
      %gt3A_91 = arith.cmpi sgt, %scan3A_64, %gt3A_90 : i32
      %convert_element_type3A_92 = arith.extui %gt3A_91 : i1 to i32
      %cond3A_93 = arith.constant 0 : i32
      %cond3A_94 = arith.cmpi ne, %convert_element_type3A_92, %cond3A_93 : i32
      scf.if %cond3A_94 {
        %sub3A = arith.constant 4 : i32
        %sub3A_285 = arith.subi %add3A_89, %sub3A : i32
        %dma_wait3A_286 = arith.constant 1 : i32
        %dma_wait3A_287 = arith.constant 0 : i32
        %dma_wait3A_288 = arith.constant 0 : i32
        %dma_wait3A_289 = tpu.memref_slice %arg8[%dma_wait3A_286, %dma_wait3A_287, %dma_wait3A_288] : memref<4x128x64xf32, #tpu.memory_space<vmem>> -> memref<1x128x64xf32, #tpu.memory_space<vmem>>
        %dma_wait3A_290 = tpu.memref_squeeze %dma_wait3A_289 : memref<1x128x64xf32, #tpu.memory_space<vmem>> -> memref<128x64xf32, #tpu.memory_space<vmem>>
        %dma_wait3A_291 = arith.constant 0 : i32
        %dma_wait3A_292 = tpu.memref_slice %arg7[%sub3A_285, %dma_wait3A_291] : memref<40x128xi32, #tpu.memory_space<vmem>> -> memref<1x128xi32, #tpu.memory_space<vmem>>
        %dma_wait3A_293 = tpu.memref_squeeze %dma_wait3A_292 : memref<1x128xi32, #tpu.memory_space<vmem>> -> memref<128xi32, #tpu.memory_space<vmem>>
        %dma_wait3A_294 = arith.constant 0 : i32
        %dma_wait3A_295 = arith.constant 0 : i32
        %dma_wait3A_296 = tpu.memref_slice %arg6[%dma_wait3A_294, %dma_wait3A_295] : memref<10016x64xf32, #tpu.memory_space<vmem_shared>> -> memref<10016x64xf32, #tpu.memory_space<vmem_shared>>
        tpu.wait_indirect_dma semaphore(%arg14 : memref<!tpu.dma_semaphore, #tpu.memory_space<semaphore_mem>>) src(%dma_wait3A_290 : memref<128x64xf32, #tpu.memory_space<vmem>>) dst(%dma_wait3A_296 : memref<10016x64xf32, #tpu.memory_space<vmem_shared>>)
      } else {
      }
      %mul3A_95 = arith.constant 128 : i32
      %mul3A_96 = arith.muli %add3A_89, %mul3A_95 : i32
      %add3A_97 = arith.addi %mul3A_6, %mul3A_96 : i32
      %dma_start3A_98 = arith.constant 1 : i32
      %dma_start3A_99 = arith.constant 0 : i32
      %dma_start3A_100 = arith.constant 0 : i32
      %dma_start3A_101 = tpu.memref_slice %arg8[%dma_start3A_98, %dma_start3A_99, %dma_start3A_100] : memref<4x128x64xf32, #tpu.memory_space<vmem>> -> memref<1x128x64xf32, #tpu.memory_space<vmem>>
      %dma_start3A_102 = tpu.memref_squeeze %dma_start3A_101 : memref<1x128x64xf32, #tpu.memory_space<vmem>> -> memref<128x64xf32, #tpu.memory_space<vmem>>
      %dma_start3A_103 = arith.constant 0 : i32
      %dma_start3A_104 = tpu.memref_slice %arg2[%add3A_97, %dma_start3A_103] : memref<163840x64xf32, #tpu.memory_space<hbm>> -> memref<128x64xf32, #tpu.memory_space<hbm>>
      %dma_start3A_105 = arith.constant 0 : i32
      %dma_start3A_106 = arith.constant 0 : i32
      %dma_start3A_107 = tpu.memref_slice %arg8[%dma_start3A_98, %dma_start3A_105, %dma_start3A_106] : memref<4x128x64xf32, #tpu.memory_space<vmem>> -> memref<1x128x64xf32, #tpu.memory_space<vmem>>
      %dma_start3A_108 = tpu.memref_squeeze %dma_start3A_107 : memref<1x128x64xf32, #tpu.memory_space<vmem>> -> memref<128x64xf32, #tpu.memory_space<vmem>>
      %dma_start3A_109 = arith.constant 0 : i32
      %dma_start3A_110 = tpu.memref_slice %arg2[%add3A_97, %dma_start3A_109] : memref<163840x64xf32, #tpu.memory_space<hbm>> -> memref<128x64xf32, #tpu.memory_space<hbm>>
      tpu.enqueue_dma source(%dma_start3A_110 : memref<128x64xf32, #tpu.memory_space<hbm>>) target(%dma_start3A_108 : memref<128x64xf32, #tpu.memory_space<vmem>>) target_semaphore(%arg10 : memref<!tpu.dma_semaphore, #tpu.memory_space<semaphore_mem>>)
      %mul3A_111 = arith.constant 4 : i32
      %mul3A_112 = arith.muli %scan3A_64, %mul3A_111 : i32
      %add3A_113 = arith.constant 2 : i32
      %add3A_114 = arith.addi %mul3A_112, %add3A_113 : i32
      %gt3A_115 = arith.constant 0 : i32
      %gt3A_116 = arith.cmpi sgt, %scan3A_64, %gt3A_115 : i32
      %convert_element_type3A_117 = arith.extui %gt3A_116 : i1 to i32
      %cond3A_118 = arith.constant 0 : i32
      %cond3A_119 = arith.cmpi ne, %convert_element_type3A_117, %cond3A_118 : i32
      scf.if %cond3A_119 {
        %sub3A = arith.constant 4 : i32
        %sub3A_285 = arith.subi %add3A_114, %sub3A : i32
        %dma_wait3A_286 = arith.constant 2 : i32
        %dma_wait3A_287 = arith.constant 0 : i32
        %dma_wait3A_288 = arith.constant 0 : i32
        %dma_wait3A_289 = tpu.memref_slice %arg8[%dma_wait3A_286, %dma_wait3A_287, %dma_wait3A_288] : memref<4x128x64xf32, #tpu.memory_space<vmem>> -> memref<1x128x64xf32, #tpu.memory_space<vmem>>
        %dma_wait3A_290 = tpu.memref_squeeze %dma_wait3A_289 : memref<1x128x64xf32, #tpu.memory_space<vmem>> -> memref<128x64xf32, #tpu.memory_space<vmem>>
        %dma_wait3A_291 = arith.constant 0 : i32
        %dma_wait3A_292 = tpu.memref_slice %arg7[%sub3A_285, %dma_wait3A_291] : memref<40x128xi32, #tpu.memory_space<vmem>> -> memref<1x128xi32, #tpu.memory_space<vmem>>
        %dma_wait3A_293 = tpu.memref_squeeze %dma_wait3A_292 : memref<1x128xi32, #tpu.memory_space<vmem>> -> memref<128xi32, #tpu.memory_space<vmem>>
        %dma_wait3A_294 = arith.constant 0 : i32
        %dma_wait3A_295 = arith.constant 0 : i32
        %dma_wait3A_296 = tpu.memref_slice %arg6[%dma_wait3A_294, %dma_wait3A_295] : memref<10016x64xf32, #tpu.memory_space<vmem_shared>> -> memref<10016x64xf32, #tpu.memory_space<vmem_shared>>
        tpu.wait_indirect_dma semaphore(%arg15 : memref<!tpu.dma_semaphore, #tpu.memory_space<semaphore_mem>>) src(%dma_wait3A_290 : memref<128x64xf32, #tpu.memory_space<vmem>>) dst(%dma_wait3A_296 : memref<10016x64xf32, #tpu.memory_space<vmem_shared>>)
      } else {
      }
      %mul3A_120 = arith.constant 128 : i32
      %mul3A_121 = arith.muli %add3A_114, %mul3A_120 : i32
      %add3A_122 = arith.addi %mul3A_6, %mul3A_121 : i32
      %dma_start3A_123 = arith.constant 2 : i32
      %dma_start3A_124 = arith.constant 0 : i32
      %dma_start3A_125 = arith.constant 0 : i32
      %dma_start3A_126 = tpu.memref_slice %arg8[%dma_start3A_123, %dma_start3A_124, %dma_start3A_125] : memref<4x128x64xf32, #tpu.memory_space<vmem>> -> memref<1x128x64xf32, #tpu.memory_space<vmem>>
      %dma_start3A_127 = tpu.memref_squeeze %dma_start3A_126 : memref<1x128x64xf32, #tpu.memory_space<vmem>> -> memref<128x64xf32, #tpu.memory_space<vmem>>
      %dma_start3A_128 = arith.constant 0 : i32
      %dma_start3A_129 = tpu.memref_slice %arg2[%add3A_122, %dma_start3A_128] : memref<163840x64xf32, #tpu.memory_space<hbm>> -> memref<128x64xf32, #tpu.memory_space<hbm>>
      %dma_start3A_130 = arith.constant 0 : i32
      %dma_start3A_131 = arith.constant 0 : i32
      %dma_start3A_132 = tpu.memref_slice %arg8[%dma_start3A_123, %dma_start3A_130, %dma_start3A_131] : memref<4x128x64xf32, #tpu.memory_space<vmem>> -> memref<1x128x64xf32, #tpu.memory_space<vmem>>
      %dma_start3A_133 = tpu.memref_squeeze %dma_start3A_132 : memref<1x128x64xf32, #tpu.memory_space<vmem>> -> memref<128x64xf32, #tpu.memory_space<vmem>>
      %dma_start3A_134 = arith.constant 0 : i32
      %dma_start3A_135 = tpu.memref_slice %arg2[%add3A_122, %dma_start3A_134] : memref<163840x64xf32, #tpu.memory_space<hbm>> -> memref<128x64xf32, #tpu.memory_space<hbm>>
      tpu.enqueue_dma source(%dma_start3A_135 : memref<128x64xf32, #tpu.memory_space<hbm>>) target(%dma_start3A_133 : memref<128x64xf32, #tpu.memory_space<vmem>>) target_semaphore(%arg11 : memref<!tpu.dma_semaphore, #tpu.memory_space<semaphore_mem>>)
      %mul3A_136 = arith.constant 4 : i32
      %mul3A_137 = arith.muli %scan3A_64, %mul3A_136 : i32
      %add3A_138 = arith.constant 3 : i32
      %add3A_139 = arith.addi %mul3A_137, %add3A_138 : i32
      %gt3A_140 = arith.constant 0 : i32
      %gt3A_141 = arith.cmpi sgt, %scan3A_64, %gt3A_140 : i32
      %convert_element_type3A_142 = arith.extui %gt3A_141 : i1 to i32
      %cond3A_143 = arith.constant 0 : i32
      %cond3A_144 = arith.cmpi ne, %convert_element_type3A_142, %cond3A_143 : i32
      scf.if %cond3A_144 {
        %sub3A = arith.constant 4 : i32
        %sub3A_285 = arith.subi %add3A_139, %sub3A : i32
        %dma_wait3A_286 = arith.constant 3 : i32
        %dma_wait3A_287 = arith.constant 0 : i32
        %dma_wait3A_288 = arith.constant 0 : i32
        %dma_wait3A_289 = tpu.memref_slice %arg8[%dma_wait3A_286, %dma_wait3A_287, %dma_wait3A_288] : memref<4x128x64xf32, #tpu.memory_space<vmem>> -> memref<1x128x64xf32, #tpu.memory_space<vmem>>
        %dma_wait3A_290 = tpu.memref_squeeze %dma_wait3A_289 : memref<1x128x64xf32, #tpu.memory_space<vmem>> -> memref<128x64xf32, #tpu.memory_space<vmem>>
        %dma_wait3A_291 = arith.constant 0 : i32
        %dma_wait3A_292 = tpu.memref_slice %arg7[%sub3A_285, %dma_wait3A_291] : memref<40x128xi32, #tpu.memory_space<vmem>> -> memref<1x128xi32, #tpu.memory_space<vmem>>
        %dma_wait3A_293 = tpu.memref_squeeze %dma_wait3A_292 : memref<1x128xi32, #tpu.memory_space<vmem>> -> memref<128xi32, #tpu.memory_space<vmem>>
        %dma_wait3A_294 = arith.constant 0 : i32
        %dma_wait3A_295 = arith.constant 0 : i32
        %dma_wait3A_296 = tpu.memref_slice %arg6[%dma_wait3A_294, %dma_wait3A_295] : memref<10016x64xf32, #tpu.memory_space<vmem_shared>> -> memref<10016x64xf32, #tpu.memory_space<vmem_shared>>
        tpu.wait_indirect_dma semaphore(%arg16 : memref<!tpu.dma_semaphore, #tpu.memory_space<semaphore_mem>>) src(%dma_wait3A_290 : memref<128x64xf32, #tpu.memory_space<vmem>>) dst(%dma_wait3A_296 : memref<10016x64xf32, #tpu.memory_space<vmem_shared>>)
      } else {
      }
      %mul3A_145 = arith.constant 128 : i32
      %mul3A_146 = arith.muli %add3A_139, %mul3A_145 : i32
      %add3A_147 = arith.addi %mul3A_6, %mul3A_146 : i32
      %dma_start3A_148 = arith.constant 3 : i32
      %dma_start3A_149 = arith.constant 0 : i32
      %dma_start3A_150 = arith.constant 0 : i32
      %dma_start3A_151 = tpu.memref_slice %arg8[%dma_start3A_148, %dma_start3A_149, %dma_start3A_150] : memref<4x128x64xf32, #tpu.memory_space<vmem>> -> memref<1x128x64xf32, #tpu.memory_space<vmem>>
      %dma_start3A_152 = tpu.memref_squeeze %dma_start3A_151 : memref<1x128x64xf32, #tpu.memory_space<vmem>> -> memref<128x64xf32, #tpu.memory_space<vmem>>
      %dma_start3A_153 = arith.constant 0 : i32
      %dma_start3A_154 = tpu.memref_slice %arg2[%add3A_147, %dma_start3A_153] : memref<163840x64xf32, #tpu.memory_space<hbm>> -> memref<128x64xf32, #tpu.memory_space<hbm>>
      %dma_start3A_155 = arith.constant 0 : i32
      %dma_start3A_156 = arith.constant 0 : i32
      %dma_start3A_157 = tpu.memref_slice %arg8[%dma_start3A_148, %dma_start3A_155, %dma_start3A_156] : memref<4x128x64xf32, #tpu.memory_space<vmem>> -> memref<1x128x64xf32, #tpu.memory_space<vmem>>
      %dma_start3A_158 = tpu.memref_squeeze %dma_start3A_157 : memref<1x128x64xf32, #tpu.memory_space<vmem>> -> memref<128x64xf32, #tpu.memory_space<vmem>>
      %dma_start3A_159 = arith.constant 0 : i32
      %dma_start3A_160 = tpu.memref_slice %arg2[%add3A_147, %dma_start3A_159] : memref<163840x64xf32, #tpu.memory_space<hbm>> -> memref<128x64xf32, #tpu.memory_space<hbm>>
      tpu.enqueue_dma source(%dma_start3A_160 : memref<128x64xf32, #tpu.memory_space<hbm>>) target(%dma_start3A_158 : memref<128x64xf32, #tpu.memory_space<vmem>>) target_semaphore(%arg12 : memref<!tpu.dma_semaphore, #tpu.memory_space<semaphore_mem>>)
      %mul3A_161 = arith.constant 4 : i32
      %mul3A_162 = arith.muli %scan3A_64, %mul3A_161 : i32
      %add3A_163 = arith.constant 0 : i32
      %add3A_164 = arith.addi %mul3A_162, %add3A_163 : i32
      %mul3A_165 = arith.constant 128 : i32
      %mul3A_166 = arith.muli %add3A_164, %mul3A_165 : i32
      %add3A_167 = arith.addi %mul3A_6, %mul3A_166 : i32
      %dma_wait3A_168 = arith.constant 0 : i32
      %dma_wait3A_169 = arith.constant 0 : i32
      %dma_wait3A_170 = arith.constant 0 : i32
      %dma_wait3A_171 = tpu.memref_slice %arg8[%dma_wait3A_168, %dma_wait3A_169, %dma_wait3A_170] : memref<4x128x64xf32, #tpu.memory_space<vmem>> -> memref<1x128x64xf32, #tpu.memory_space<vmem>>
      %dma_wait3A_172 = tpu.memref_squeeze %dma_wait3A_171 : memref<1x128x64xf32, #tpu.memory_space<vmem>> -> memref<128x64xf32, #tpu.memory_space<vmem>>
      %dma_wait3A_173 = arith.constant 0 : i32
      %dma_wait3A_174 = tpu.memref_slice %arg2[%add3A_167, %dma_wait3A_173] : memref<163840x64xf32, #tpu.memory_space<hbm>> -> memref<128x64xf32, #tpu.memory_space<hbm>>
      %dma_wait3A_175 = arith.constant 0 : i32
      %dma_wait3A_176 = arith.constant 0 : i32
      %dma_wait3A_177 = tpu.memref_slice %arg8[%dma_wait3A_168, %dma_wait3A_175, %dma_wait3A_176] : memref<4x128x64xf32, #tpu.memory_space<vmem>> -> memref<1x128x64xf32, #tpu.memory_space<vmem>>
      %dma_wait3A_178 = tpu.memref_squeeze %dma_wait3A_177 : memref<1x128x64xf32, #tpu.memory_space<vmem>> -> memref<128x64xf32, #tpu.memory_space<vmem>>
      %dma_wait3A_179 = arith.constant 0 : i32
      %dma_wait3A_180 = tpu.memref_slice %arg2[%add3A_167, %dma_wait3A_179] : memref<163840x64xf32, #tpu.memory_space<hbm>> -> memref<128x64xf32, #tpu.memory_space<hbm>>
      tpu.wait_dma2 semaphore(%arg9 : memref<!tpu.dma_semaphore, #tpu.memory_space<semaphore_mem>>) src(%dma_wait3A_180 : memref<128x64xf32, #tpu.memory_space<hbm>>) dst(%dma_wait3A_178 : memref<128x64xf32, #tpu.memory_space<vmem>>)
      %dma_start3A_181 = arith.constant 0 : i32
      %dma_start3A_182 = arith.constant 0 : i32
      %dma_start3A_183 = arith.constant 0 : i32
      %dma_start3A_184 = tpu.memref_slice %arg8[%dma_start3A_181, %dma_start3A_182, %dma_start3A_183] : memref<4x128x64xf32, #tpu.memory_space<vmem>> -> memref<1x128x64xf32, #tpu.memory_space<vmem>>
      %dma_start3A_185 = tpu.memref_squeeze %dma_start3A_184 : memref<1x128x64xf32, #tpu.memory_space<vmem>> -> memref<128x64xf32, #tpu.memory_space<vmem>>
      %dma_start3A_186 = arith.constant 0 : i32
      %dma_start3A_187 = tpu.memref_slice %arg7[%add3A_164, %dma_start3A_186] : memref<40x128xi32, #tpu.memory_space<vmem>> -> memref<1x128xi32, #tpu.memory_space<vmem>>
      %dma_start3A_188 = tpu.memref_squeeze %dma_start3A_187 : memref<1x128xi32, #tpu.memory_space<vmem>> -> memref<128xi32, #tpu.memory_space<vmem>>
      %dma_start3A_189 = arith.constant 0 : i32
      %dma_start3A_190 = arith.constant 0 : i32
      %dma_start3A_191 = tpu.memref_slice %arg6[%dma_start3A_189, %dma_start3A_190] : memref<10016x64xf32, #tpu.memory_space<vmem_shared>> -> memref<10016x64xf32, #tpu.memory_space<vmem_shared>>
      tpu.enqueue_indirect_dma source(%dma_start3A_185 : memref<128x64xf32, #tpu.memory_space<vmem>>) target(%dma_start3A_191 : memref<10016x64xf32, #tpu.memory_space<vmem_shared>>) offsets(%dma_start3A_188 : memref<128xi32, #tpu.memory_space<vmem>>) semaphore(%arg13 : memref<!tpu.dma_semaphore, #tpu.memory_space<semaphore_mem>>) {add = true}
      %mul3A_192 = arith.constant 4 : i32
      %mul3A_193 = arith.muli %scan3A_64, %mul3A_192 : i32
      %add3A_194 = arith.constant 1 : i32
      %add3A_195 = arith.addi %mul3A_193, %add3A_194 : i32
      %mul3A_196 = arith.constant 128 : i32
      %mul3A_197 = arith.muli %add3A_195, %mul3A_196 : i32
      %add3A_198 = arith.addi %mul3A_6, %mul3A_197 : i32
      %dma_wait3A_199 = arith.constant 1 : i32
      %dma_wait3A_200 = arith.constant 0 : i32
      %dma_wait3A_201 = arith.constant 0 : i32
      %dma_wait3A_202 = tpu.memref_slice %arg8[%dma_wait3A_199, %dma_wait3A_200, %dma_wait3A_201] : memref<4x128x64xf32, #tpu.memory_space<vmem>> -> memref<1x128x64xf32, #tpu.memory_space<vmem>>
      %dma_wait3A_203 = tpu.memref_squeeze %dma_wait3A_202 : memref<1x128x64xf32, #tpu.memory_space<vmem>> -> memref<128x64xf32, #tpu.memory_space<vmem>>
      %dma_wait3A_204 = arith.constant 0 : i32
      %dma_wait3A_205 = tpu.memref_slice %arg2[%add3A_198, %dma_wait3A_204] : memref<163840x64xf32, #tpu.memory_space<hbm>> -> memref<128x64xf32, #tpu.memory_space<hbm>>
      %dma_wait3A_206 = arith.constant 0 : i32
      %dma_wait3A_207 = arith.constant 0 : i32
      %dma_wait3A_208 = tpu.memref_slice %arg8[%dma_wait3A_199, %dma_wait3A_206, %dma_wait3A_207] : memref<4x128x64xf32, #tpu.memory_space<vmem>> -> memref<1x128x64xf32, #tpu.memory_space<vmem>>
      %dma_wait3A_209 = tpu.memref_squeeze %dma_wait3A_208 : memref<1x128x64xf32, #tpu.memory_space<vmem>> -> memref<128x64xf32, #tpu.memory_space<vmem>>
      %dma_wait3A_210 = arith.constant 0 : i32
      %dma_wait3A_211 = tpu.memref_slice %arg2[%add3A_198, %dma_wait3A_210] : memref<163840x64xf32, #tpu.memory_space<hbm>> -> memref<128x64xf32, #tpu.memory_space<hbm>>
      tpu.wait_dma2 semaphore(%arg10 : memref<!tpu.dma_semaphore, #tpu.memory_space<semaphore_mem>>) src(%dma_wait3A_211 : memref<128x64xf32, #tpu.memory_space<hbm>>) dst(%dma_wait3A_209 : memref<128x64xf32, #tpu.memory_space<vmem>>)
      %dma_start3A_212 = arith.constant 1 : i32
      %dma_start3A_213 = arith.constant 0 : i32
      %dma_start3A_214 = arith.constant 0 : i32
      %dma_start3A_215 = tpu.memref_slice %arg8[%dma_start3A_212, %dma_start3A_213, %dma_start3A_214] : memref<4x128x64xf32, #tpu.memory_space<vmem>> -> memref<1x128x64xf32, #tpu.memory_space<vmem>>
      %dma_start3A_216 = tpu.memref_squeeze %dma_start3A_215 : memref<1x128x64xf32, #tpu.memory_space<vmem>> -> memref<128x64xf32, #tpu.memory_space<vmem>>
      %dma_start3A_217 = arith.constant 0 : i32
      %dma_start3A_218 = tpu.memref_slice %arg7[%add3A_195, %dma_start3A_217] : memref<40x128xi32, #tpu.memory_space<vmem>> -> memref<1x128xi32, #tpu.memory_space<vmem>>
      %dma_start3A_219 = tpu.memref_squeeze %dma_start3A_218 : memref<1x128xi32, #tpu.memory_space<vmem>> -> memref<128xi32, #tpu.memory_space<vmem>>
      %dma_start3A_220 = arith.constant 0 : i32
      %dma_start3A_221 = arith.constant 0 : i32
      %dma_start3A_222 = tpu.memref_slice %arg6[%dma_start3A_220, %dma_start3A_221] : memref<10016x64xf32, #tpu.memory_space<vmem_shared>> -> memref<10016x64xf32, #tpu.memory_space<vmem_shared>>
      tpu.enqueue_indirect_dma source(%dma_start3A_216 : memref<128x64xf32, #tpu.memory_space<vmem>>) target(%dma_start3A_222 : memref<10016x64xf32, #tpu.memory_space<vmem_shared>>) offsets(%dma_start3A_219 : memref<128xi32, #tpu.memory_space<vmem>>) semaphore(%arg14 : memref<!tpu.dma_semaphore, #tpu.memory_space<semaphore_mem>>) {add = true}
      %mul3A_223 = arith.constant 4 : i32
      %mul3A_224 = arith.muli %scan3A_64, %mul3A_223 : i32
      %add3A_225 = arith.constant 2 : i32
      %add3A_226 = arith.addi %mul3A_224, %add3A_225 : i32
      %mul3A_227 = arith.constant 128 : i32
      %mul3A_228 = arith.muli %add3A_226, %mul3A_227 : i32
      %add3A_229 = arith.addi %mul3A_6, %mul3A_228 : i32
      %dma_wait3A_230 = arith.constant 2 : i32
      %dma_wait3A_231 = arith.constant 0 : i32
      %dma_wait3A_232 = arith.constant 0 : i32
      %dma_wait3A_233 = tpu.memref_slice %arg8[%dma_wait3A_230, %dma_wait3A_231, %dma_wait3A_232] : memref<4x128x64xf32, #tpu.memory_space<vmem>> -> memref<1x128x64xf32, #tpu.memory_space<vmem>>
      %dma_wait3A_234 = tpu.memref_squeeze %dma_wait3A_233 : memref<1x128x64xf32, #tpu.memory_space<vmem>> -> memref<128x64xf32, #tpu.memory_space<vmem>>
      %dma_wait3A_235 = arith.constant 0 : i32
      %dma_wait3A_236 = tpu.memref_slice %arg2[%add3A_229, %dma_wait3A_235] : memref<163840x64xf32, #tpu.memory_space<hbm>> -> memref<128x64xf32, #tpu.memory_space<hbm>>
      %dma_wait3A_237 = arith.constant 0 : i32
      %dma_wait3A_238 = arith.constant 0 : i32
      %dma_wait3A_239 = tpu.memref_slice %arg8[%dma_wait3A_230, %dma_wait3A_237, %dma_wait3A_238] : memref<4x128x64xf32, #tpu.memory_space<vmem>> -> memref<1x128x64xf32, #tpu.memory_space<vmem>>
      %dma_wait3A_240 = tpu.memref_squeeze %dma_wait3A_239 : memref<1x128x64xf32, #tpu.memory_space<vmem>> -> memref<128x64xf32, #tpu.memory_space<vmem>>
      %dma_wait3A_241 = arith.constant 0 : i32
      %dma_wait3A_242 = tpu.memref_slice %arg2[%add3A_229, %dma_wait3A_241] : memref<163840x64xf32, #tpu.memory_space<hbm>> -> memref<128x64xf32, #tpu.memory_space<hbm>>
      tpu.wait_dma2 semaphore(%arg11 : memref<!tpu.dma_semaphore, #tpu.memory_space<semaphore_mem>>) src(%dma_wait3A_242 : memref<128x64xf32, #tpu.memory_space<hbm>>) dst(%dma_wait3A_240 : memref<128x64xf32, #tpu.memory_space<vmem>>)
      %dma_start3A_243 = arith.constant 2 : i32
      %dma_start3A_244 = arith.constant 0 : i32
      %dma_start3A_245 = arith.constant 0 : i32
      %dma_start3A_246 = tpu.memref_slice %arg8[%dma_start3A_243, %dma_start3A_244, %dma_start3A_245] : memref<4x128x64xf32, #tpu.memory_space<vmem>> -> memref<1x128x64xf32, #tpu.memory_space<vmem>>
      %dma_start3A_247 = tpu.memref_squeeze %dma_start3A_246 : memref<1x128x64xf32, #tpu.memory_space<vmem>> -> memref<128x64xf32, #tpu.memory_space<vmem>>
      %dma_start3A_248 = arith.constant 0 : i32
      %dma_start3A_249 = tpu.memref_slice %arg7[%add3A_226, %dma_start3A_248] : memref<40x128xi32, #tpu.memory_space<vmem>> -> memref<1x128xi32, #tpu.memory_space<vmem>>
      %dma_start3A_250 = tpu.memref_squeeze %dma_start3A_249 : memref<1x128xi32, #tpu.memory_space<vmem>> -> memref<128xi32, #tpu.memory_space<vmem>>
      %dma_start3A_251 = arith.constant 0 : i32
      %dma_start3A_252 = arith.constant 0 : i32
      %dma_start3A_253 = tpu.memref_slice %arg6[%dma_start3A_251, %dma_start3A_252] : memref<10016x64xf32, #tpu.memory_space<vmem_shared>> -> memref<10016x64xf32, #tpu.memory_space<vmem_shared>>
      tpu.enqueue_indirect_dma source(%dma_start3A_247 : memref<128x64xf32, #tpu.memory_space<vmem>>) target(%dma_start3A_253 : memref<10016x64xf32, #tpu.memory_space<vmem_shared>>) offsets(%dma_start3A_250 : memref<128xi32, #tpu.memory_space<vmem>>) semaphore(%arg15 : memref<!tpu.dma_semaphore, #tpu.memory_space<semaphore_mem>>) {add = true}
      %mul3A_254 = arith.constant 4 : i32
      %mul3A_255 = arith.muli %scan3A_64, %mul3A_254 : i32
      %add3A_256 = arith.constant 3 : i32
      %add3A_257 = arith.addi %mul3A_255, %add3A_256 : i32
      %mul3A_258 = arith.constant 128 : i32
      %mul3A_259 = arith.muli %add3A_257, %mul3A_258 : i32
      %add3A_260 = arith.addi %mul3A_6, %mul3A_259 : i32
      %dma_wait3A_261 = arith.constant 3 : i32
      %dma_wait3A_262 = arith.constant 0 : i32
      %dma_wait3A_263 = arith.constant 0 : i32
      %dma_wait3A_264 = tpu.memref_slice %arg8[%dma_wait3A_261, %dma_wait3A_262, %dma_wait3A_263] : memref<4x128x64xf32, #tpu.memory_space<vmem>> -> memref<1x128x64xf32, #tpu.memory_space<vmem>>
      %dma_wait3A_265 = tpu.memref_squeeze %dma_wait3A_264 : memref<1x128x64xf32, #tpu.memory_space<vmem>> -> memref<128x64xf32, #tpu.memory_space<vmem>>
      %dma_wait3A_266 = arith.constant 0 : i32
      %dma_wait3A_267 = tpu.memref_slice %arg2[%add3A_260, %dma_wait3A_266] : memref<163840x64xf32, #tpu.memory_space<hbm>> -> memref<128x64xf32, #tpu.memory_space<hbm>>
      %dma_wait3A_268 = arith.constant 0 : i32
      %dma_wait3A_269 = arith.constant 0 : i32
      %dma_wait3A_270 = tpu.memref_slice %arg8[%dma_wait3A_261, %dma_wait3A_268, %dma_wait3A_269] : memref<4x128x64xf32, #tpu.memory_space<vmem>> -> memref<1x128x64xf32, #tpu.memory_space<vmem>>
      %dma_wait3A_271 = tpu.memref_squeeze %dma_wait3A_270 : memref<1x128x64xf32, #tpu.memory_space<vmem>> -> memref<128x64xf32, #tpu.memory_space<vmem>>
      %dma_wait3A_272 = arith.constant 0 : i32
      %dma_wait3A_273 = tpu.memref_slice %arg2[%add3A_260, %dma_wait3A_272] : memref<163840x64xf32, #tpu.memory_space<hbm>> -> memref<128x64xf32, #tpu.memory_space<hbm>>
      tpu.wait_dma2 semaphore(%arg12 : memref<!tpu.dma_semaphore, #tpu.memory_space<semaphore_mem>>) src(%dma_wait3A_273 : memref<128x64xf32, #tpu.memory_space<hbm>>) dst(%dma_wait3A_271 : memref<128x64xf32, #tpu.memory_space<vmem>>)
      %dma_start3A_274 = arith.constant 3 : i32
      %dma_start3A_275 = arith.constant 0 : i32
      %dma_start3A_276 = arith.constant 0 : i32
      %dma_start3A_277 = tpu.memref_slice %arg8[%dma_start3A_274, %dma_start3A_275, %dma_start3A_276] : memref<4x128x64xf32, #tpu.memory_space<vmem>> -> memref<1x128x64xf32, #tpu.memory_space<vmem>>
      %dma_start3A_278 = tpu.memref_squeeze %dma_start3A_277 : memref<1x128x64xf32, #tpu.memory_space<vmem>> -> memref<128x64xf32, #tpu.memory_space<vmem>>
      %dma_start3A_279 = arith.constant 0 : i32
      %dma_start3A_280 = tpu.memref_slice %arg7[%add3A_257, %dma_start3A_279] : memref<40x128xi32, #tpu.memory_space<vmem>> -> memref<1x128xi32, #tpu.memory_space<vmem>>
      %dma_start3A_281 = tpu.memref_squeeze %dma_start3A_280 : memref<1x128xi32, #tpu.memory_space<vmem>> -> memref<128xi32, #tpu.memory_space<vmem>>
      %dma_start3A_282 = arith.constant 0 : i32
      %dma_start3A_283 = arith.constant 0 : i32
      %dma_start3A_284 = tpu.memref_slice %arg6[%dma_start3A_282, %dma_start3A_283] : memref<10016x64xf32, #tpu.memory_space<vmem_shared>> -> memref<10016x64xf32, #tpu.memory_space<vmem_shared>>
      tpu.enqueue_indirect_dma source(%dma_start3A_278 : memref<128x64xf32, #tpu.memory_space<vmem>>) target(%dma_start3A_284 : memref<10016x64xf32, #tpu.memory_space<vmem_shared>>) offsets(%dma_start3A_281 : memref<128xi32, #tpu.memory_space<vmem>>) semaphore(%arg16 : memref<!tpu.dma_semaphore, #tpu.memory_space<semaphore_mem>>) {add = true}
    }
    %scan3A_11 = arith.constant 10 : i32
    %dma_wait3A = arith.constant 0 : i32
    %dma_wait3A_12 = arith.constant 36 : i32
    %dma_wait3A_13 = arith.constant 0 : i32
    %dma_wait3A_14 = arith.constant 0 : i32
    %dma_wait3A_15 = tpu.memref_slice %arg8[%dma_wait3A, %dma_wait3A_13, %dma_wait3A_14] : memref<4x128x64xf32, #tpu.memory_space<vmem>> -> memref<1x128x64xf32, #tpu.memory_space<vmem>>
    %dma_wait3A_16 = tpu.memref_squeeze %dma_wait3A_15 : memref<1x128x64xf32, #tpu.memory_space<vmem>> -> memref<128x64xf32, #tpu.memory_space<vmem>>
    %dma_wait3A_17 = arith.constant 0 : i32
    %dma_wait3A_18 = tpu.memref_slice %arg7[%dma_wait3A_12, %dma_wait3A_17] : memref<40x128xi32, #tpu.memory_space<vmem>> -> memref<1x128xi32, #tpu.memory_space<vmem>>
    %dma_wait3A_19 = tpu.memref_squeeze %dma_wait3A_18 : memref<1x128xi32, #tpu.memory_space<vmem>> -> memref<128xi32, #tpu.memory_space<vmem>>
    %dma_wait3A_20 = arith.constant 0 : i32
    %dma_wait3A_21 = arith.constant 0 : i32
    %dma_wait3A_22 = tpu.memref_slice %arg6[%dma_wait3A_20, %dma_wait3A_21] : memref<10016x64xf32, #tpu.memory_space<vmem_shared>> -> memref<10016x64xf32, #tpu.memory_space<vmem_shared>>
    tpu.wait_indirect_dma semaphore(%arg13 : memref<!tpu.dma_semaphore, #tpu.memory_space<semaphore_mem>>) src(%dma_wait3A_16 : memref<128x64xf32, #tpu.memory_space<vmem>>) dst(%dma_wait3A_22 : memref<10016x64xf32, #tpu.memory_space<vmem_shared>>)
    %dma_wait3A_23 = arith.constant 1 : i32
    %dma_wait3A_24 = arith.constant 37 : i32
    %dma_wait3A_25 = arith.constant 0 : i32
    %dma_wait3A_26 = arith.constant 0 : i32
    %dma_wait3A_27 = tpu.memref_slice %arg8[%dma_wait3A_23, %dma_wait3A_25, %dma_wait3A_26] : memref<4x128x64xf32, #tpu.memory_space<vmem>> -> memref<1x128x64xf32, #tpu.memory_space<vmem>>
    %dma_wait3A_28 = tpu.memref_squeeze %dma_wait3A_27 : memref<1x128x64xf32, #tpu.memory_space<vmem>> -> memref<128x64xf32, #tpu.memory_space<vmem>>
    %dma_wait3A_29 = arith.constant 0 : i32
    %dma_wait3A_30 = tpu.memref_slice %arg7[%dma_wait3A_24, %dma_wait3A_29] : memref<40x128xi32, #tpu.memory_space<vmem>> -> memref<1x128xi32, #tpu.memory_space<vmem>>
    %dma_wait3A_31 = tpu.memref_squeeze %dma_wait3A_30 : memref<1x128xi32, #tpu.memory_space<vmem>> -> memref<128xi32, #tpu.memory_space<vmem>>
    %dma_wait3A_32 = arith.constant 0 : i32
    %dma_wait3A_33 = arith.constant 0 : i32
    %dma_wait3A_34 = tpu.memref_slice %arg6[%dma_wait3A_32, %dma_wait3A_33] : memref<10016x64xf32, #tpu.memory_space<vmem_shared>> -> memref<10016x64xf32, #tpu.memory_space<vmem_shared>>
    tpu.wait_indirect_dma semaphore(%arg14 : memref<!tpu.dma_semaphore, #tpu.memory_space<semaphore_mem>>) src(%dma_wait3A_28 : memref<128x64xf32, #tpu.memory_space<vmem>>) dst(%dma_wait3A_34 : memref<10016x64xf32, #tpu.memory_space<vmem_shared>>)
    %dma_wait3A_35 = arith.constant 2 : i32
    %dma_wait3A_36 = arith.constant 38 : i32
    %dma_wait3A_37 = arith.constant 0 : i32
    %dma_wait3A_38 = arith.constant 0 : i32
    %dma_wait3A_39 = tpu.memref_slice %arg8[%dma_wait3A_35, %dma_wait3A_37, %dma_wait3A_38] : memref<4x128x64xf32, #tpu.memory_space<vmem>> -> memref<1x128x64xf32, #tpu.memory_space<vmem>>
    %dma_wait3A_40 = tpu.memref_squeeze %dma_wait3A_39 : memref<1x128x64xf32, #tpu.memory_space<vmem>> -> memref<128x64xf32, #tpu.memory_space<vmem>>
    %dma_wait3A_41 = arith.constant 0 : i32
    %dma_wait3A_42 = tpu.memref_slice %arg7[%dma_wait3A_36, %dma_wait3A_41] : memref<40x128xi32, #tpu.memory_space<vmem>> -> memref<1x128xi32, #tpu.memory_space<vmem>>
    %dma_wait3A_43 = tpu.memref_squeeze %dma_wait3A_42 : memref<1x128xi32, #tpu.memory_space<vmem>> -> memref<128xi32, #tpu.memory_space<vmem>>
    %dma_wait3A_44 = arith.constant 0 : i32
    %dma_wait3A_45 = arith.constant 0 : i32
    %dma_wait3A_46 = tpu.memref_slice %arg6[%dma_wait3A_44, %dma_wait3A_45] : memref<10016x64xf32, #tpu.memory_space<vmem_shared>> -> memref<10016x64xf32, #tpu.memory_space<vmem_shared>>
    tpu.wait_indirect_dma semaphore(%arg15 : memref<!tpu.dma_semaphore, #tpu.memory_space<semaphore_mem>>) src(%dma_wait3A_40 : memref<128x64xf32, #tpu.memory_space<vmem>>) dst(%dma_wait3A_46 : memref<10016x64xf32, #tpu.memory_space<vmem_shared>>)
    %dma_wait3A_47 = arith.constant 3 : i32
    %dma_wait3A_48 = arith.constant 39 : i32
    %dma_wait3A_49 = arith.constant 0 : i32
    %dma_wait3A_50 = arith.constant 0 : i32
    %dma_wait3A_51 = tpu.memref_slice %arg8[%dma_wait3A_47, %dma_wait3A_49, %dma_wait3A_50] : memref<4x128x64xf32, #tpu.memory_space<vmem>> -> memref<1x128x64xf32, #tpu.memory_space<vmem>>
    %dma_wait3A_52 = tpu.memref_squeeze %dma_wait3A_51 : memref<1x128x64xf32, #tpu.memory_space<vmem>> -> memref<128x64xf32, #tpu.memory_space<vmem>>
    %dma_wait3A_53 = arith.constant 0 : i32
    %dma_wait3A_54 = tpu.memref_slice %arg7[%dma_wait3A_48, %dma_wait3A_53] : memref<40x128xi32, #tpu.memory_space<vmem>> -> memref<1x128xi32, #tpu.memory_space<vmem>>
    %dma_wait3A_55 = tpu.memref_squeeze %dma_wait3A_54 : memref<1x128xi32, #tpu.memory_space<vmem>> -> memref<128xi32, #tpu.memory_space<vmem>>
    %dma_wait3A_56 = arith.constant 0 : i32
    %dma_wait3A_57 = arith.constant 0 : i32
    %dma_wait3A_58 = tpu.memref_slice %arg6[%dma_wait3A_56, %dma_wait3A_57] : memref<10016x64xf32, #tpu.memory_space<vmem_shared>> -> memref<10016x64xf32, #tpu.memory_space<vmem_shared>>
    tpu.wait_indirect_dma semaphore(%arg16 : memref<!tpu.dma_semaphore, #tpu.memory_space<semaphore_mem>>) src(%dma_wait3A_52 : memref<128x64xf32, #tpu.memory_space<vmem>>) dst(%dma_wait3A_58 : memref<10016x64xf32, #tpu.memory_space<vmem_shared>>)
    %barrier3A_59 = arith.constant 0 : index
    tpu.barrier barrier_id(%barrier3A_59)
    %mul3A_60 = arith.constant 625 : i32
    %mul3A_61 = arith.muli %arg1, %mul3A_60 : i32
    %mul3A_62 = arith.constant 625 : i32
    %mul3A_63 = arith.muli %arg1, %mul3A_62 : i32
    "tpu.region"() ({
      %run_scoped3A = tpu.sem_alloc : memref<!tpu.dma_semaphore, #tpu.memory_space<semaphore_mem>>
      %dma_start3A = arith.constant 0 : i32
      %dma_start3A_64 = tpu.memref_slice %arg5[%arg0, %mul3A_63, %dma_start3A] : memref<2x10000x64xf32, #tpu.memory_space<hbm>> -> memref<1x625x64xf32, #tpu.memory_space<hbm>>
      %dma_start3A_65 = tpu.memref_squeeze %dma_start3A_64 : memref<1x625x64xf32, #tpu.memory_space<hbm>> -> memref<625x64xf32, #tpu.memory_space<hbm>>
      %dma_start3A_66 = arith.constant 0 : i32
      %dma_start3A_67 = tpu.memref_slice %arg6[%mul3A_61, %dma_start3A_66] : memref<10016x64xf32, #tpu.memory_space<vmem_shared>> -> memref<625x64xf32, #tpu.memory_space<vmem_shared>>
      tpu.enqueue_dma source(%dma_start3A_67 : memref<625x64xf32, #tpu.memory_space<vmem_shared>>) target(%dma_start3A_65 : memref<625x64xf32, #tpu.memory_space<hbm>>) target_semaphore(%run_scoped3A : memref<!tpu.dma_semaphore, #tpu.memory_space<semaphore_mem>>)
      %dma_wait3A_68 = arith.constant 0 : i32
      %dma_wait3A_69 = tpu.memref_slice %arg5[%arg0, %mul3A_63, %dma_wait3A_68] : memref<2x10000x64xf32, #tpu.memory_space<hbm>> -> memref<1x625x64xf32, #tpu.memory_space<hbm>>
      %dma_wait3A_70 = tpu.memref_squeeze %dma_wait3A_69 : memref<1x625x64xf32, #tpu.memory_space<hbm>> -> memref<625x64xf32, #tpu.memory_space<hbm>>
      %dma_wait3A_71 = arith.constant 0 : i32
      %dma_wait3A_72 = tpu.memref_slice %arg6[%mul3A_61, %dma_wait3A_71] : memref<10016x64xf32, #tpu.memory_space<vmem_shared>> -> memref<625x64xf32, #tpu.memory_space<vmem_shared>>
      tpu.wait_dma2 semaphore(%run_scoped3A : memref<!tpu.dma_semaphore, #tpu.memory_space<semaphore_mem>>) src(%dma_wait3A_72 : memref<625x64xf32, #tpu.memory_space<vmem_shared>>) dst(%dma_wait3A_70 : memref<625x64xf32, #tpu.memory_space<hbm>>)
      tpu.yield
    }) : () -> ()
    return
  }
}

module attributes {stable_mosaic.version = 14 : i64} {
  func.func @_enc_x_body(%arg0: i32, %arg1: memref<2000x128xf32, #tpu.memory_space<vmem>>, %arg2: memref<128x64xf32, #tpu.memory_space<vmem>>, %arg3: memref<1x64xf32, #tpu.memory_space<vmem>>, %arg4: memref<128x64xf32, #tpu.memory_space<vmem>>, %arg5: memref<128x64xf32, #tpu.memory_space<vmem>>, %arg6: memref<2000x64xf32, #tpu.memory_space<vmem>>, %arg7: memref<2000x128xf32, #tpu.memory_space<vmem>>) attributes {dimension_semantics = [#tpu.dimension_semantics<arbitrary>], iteration_bounds = array<i64: 5>, scalar_prefetch = 0 : i64, scratch_operands = 0 : i64, tpu.core_type = #tpu.core_type<tc>, window_params = [{transform_indices = @transform_0, window_bounds = array<i64: 2000, 128>}, {pipeline_mode = #tpu.pipeline_mode<synchronous>, transform_indices = @transform_1, window_bounds = array<i64: 128, 64>}, {pipeline_mode = #tpu.pipeline_mode<synchronous>, transform_indices = @transform_2, window_bounds = array<i64: 1, 64>}, {pipeline_mode = #tpu.pipeline_mode<synchronous>, transform_indices = @transform_3, window_bounds = array<i64: 128, 64>}, {pipeline_mode = #tpu.pipeline_mode<synchronous>, transform_indices = @transform_4, window_bounds = array<i64: 128, 64>}, {transform_indices = @transform_5, window_bounds = array<i64: 2000, 64>}, {transform_indices = @transform_6, window_bounds = array<i64: 2000, 128>}]} {
    %get3A = arith.constant 0 : index
    %get3A_0 = arith.constant 0 : index
    %get3A_1 = vector.load %arg1[%get3A, %get3A_0] : memref<2000x128xf32, #tpu.memory_space<vmem>>, vector<2000x128xf32>
    %get3A_2 = arith.constant 0 : index
    %get3A_3 = arith.constant 0 : index
    %get3A_4 = vector.load %arg2[%get3A_2, %get3A_3] : memref<128x64xf32, #tpu.memory_space<vmem>>, vector<128x64xf32>
    %dot_general3A = arith.constant dense<0.000000e+00> : vector<2000x64xf32>
    %dot_general3A_5 = tpu.matmul %get3A_1, %get3A_4, %dot_general3A {dimension_numbers = #tpu.dot_dimension_numbers<[1], [0], [0], [1], [0, 0, 1, 1], [], []>, transpose_lhs_hint = false} : vector<2000x128xf32>, vector<128x64xf32>, vector<2000x64xf32> -> vector<2000x64xf32>
    %get3A_6 = arith.constant 0 : index
    %get3A_7 = arith.constant 0 : index
    %get3A_8 = vector.load %arg3[%get3A_6, %get3A_7] : memref<1x64xf32, #tpu.memory_space<vmem>>, vector<1x64xf32>
    %add3A = vector.broadcast %get3A_8 : vector<1x64xf32> to vector<2000x64xf32>
    %add3A_9 = arith.addf %dot_general3A_5, %add3A : vector<2000x64xf32>
    %max3A = arith.constant 0.000000e+00 : f32
    %max3A_10 = vector.broadcast %max3A : f32 to vector<2000x64xf32>
    %max3A_11 = arith.maximumf %add3A_9, %max3A_10 : vector<2000x64xf32>
    %swap3A = arith.constant 0 : index
    %swap3A_12 = arith.constant 0 : index
    %swap3A_13 = vector.load %arg6[%swap3A, %swap3A_12] : memref<2000x64xf32, #tpu.memory_space<vmem>>, vector<2000x64xf32>
    tpu.vector_store %arg6[%swap3A, %swap3A_12], %max3A_11 {strides = array<i32>} : memref<2000x64xf32, #tpu.memory_space<vmem>>, vector<2000x64xf32>,
    %concatenate3A = tpu.concatenate %max3A_11, %max3A_11 in 1 : vector<2000x64xf32>, vector<2000x64xf32> -> vector<2000x128xf32>
    %get3A_14 = arith.constant 0 : index
    %get3A_15 = arith.constant 0 : index
    %get3A_16 = vector.load %arg4[%get3A_14, %get3A_15] : memref<128x64xf32, #tpu.memory_space<vmem>>, vector<128x64xf32>
    %dot_general3A_17 = arith.constant dense<0.000000e+00> : vector<2000x64xf32>
    %dot_general3A_18 = tpu.matmul %concatenate3A, %get3A_16, %dot_general3A_17 {dimension_numbers = #tpu.dot_dimension_numbers<[1], [0], [0], [1], [0, 0, 1, 1], [], []>, transpose_lhs_hint = false} : vector<2000x128xf32>, vector<128x64xf32>, vector<2000x64xf32> -> vector<2000x64xf32>
    %get3A_19 = arith.constant 0 : index
    %get3A_20 = arith.constant 0 : index
    %get3A_21 = vector.load %arg5[%get3A_19, %get3A_20] : memref<128x64xf32, #tpu.memory_space<vmem>>, vector<128x64xf32>
    %dot_general3A_22 = arith.constant dense<0.000000e+00> : vector<2000x64xf32>
    %dot_general3A_23 = tpu.matmul %concatenate3A, %get3A_21, %dot_general3A_22 {dimension_numbers = #tpu.dot_dimension_numbers<[1], [0], [0], [1], [0, 0, 1, 1], [], []>, transpose_lhs_hint = false} : vector<2000x128xf32>, vector<128x64xf32>, vector<2000x64xf32> -> vector<2000x64xf32>
    %concatenate3A_24 = tpu.concatenate %dot_general3A_18, %dot_general3A_23 in 1 : vector<2000x64xf32>, vector<2000x64xf32> -> vector<2000x128xf32>
    %swap3A_25 = arith.constant 0 : index
    %swap3A_26 = arith.constant 0 : index
    %swap3A_27 = vector.load %arg7[%swap3A_25, %swap3A_26] : memref<2000x128xf32, #tpu.memory_space<vmem>>, vector<2000x128xf32>
    tpu.vector_store %arg7[%swap3A_25, %swap3A_26], %concatenate3A_24 {strides = array<i32>} : memref<2000x128xf32, #tpu.memory_space<vmem>>, vector<2000x128xf32>,
    return
  }
  func.func @transform_0(%arg0: i32) -> (i32, i32) {
    %c0_i32 = arith.constant 0 : i32
    %c0_i32_0 = arith.constant 0 : i32
    return %arg0, %c0_i32 : i32, i32
  }
  func.func @transform_1(%arg0: i32) -> (i32, i32) {
    %c0_i32 = arith.constant 0 : i32
    %c0_i32_0 = arith.constant 0 : i32
    %c0_i32_1 = arith.constant 0 : i32
    return %c0_i32, %c0_i32_0 : i32, i32
  }
  func.func @transform_2(%arg0: i32) -> (i32, i32) {
    %c0_i32 = arith.constant 0 : i32
    %c0_i32_0 = arith.constant 0 : i32
    %c0_i32_1 = arith.constant 0 : i32
    return %c0_i32, %c0_i32_0 : i32, i32
  }
  func.func @transform_3(%arg0: i32) -> (i32, i32) {
    %c0_i32 = arith.constant 0 : i32
    %c0_i32_0 = arith.constant 0 : i32
    %c0_i32_1 = arith.constant 0 : i32
    return %c0_i32, %c0_i32_0 : i32, i32
  }
  func.func @transform_4(%arg0: i32) -> (i32, i32) {
    %c0_i32 = arith.constant 0 : i32
    %c0_i32_0 = arith.constant 0 : i32
    %c0_i32_1 = arith.constant 0 : i32
    return %c0_i32, %c0_i32_0 : i32, i32
  }
  func.func @transform_5(%arg0: i32) -> (i32, i32) {
    %c0_i32 = arith.constant 0 : i32
    %c0_i32_0 = arith.constant 0 : i32
    return %arg0, %c0_i32 : i32, i32
  }
  func.func @transform_6(%arg0: i32) -> (i32, i32) {
    %c0_i32 = arith.constant 0 : i32
    %c0_i32_0 = arith.constant 0 : i32
    return %arg0, %c0_i32 : i32, i32
  }
}

module attributes {stable_mosaic.version = 14 : i64} {
  func.func @_prep_g_body(%arg0: memref<1x16xf32, #tpu.memory_space<vmem>>, %arg1: memref<16x64xf32, #tpu.memory_space<vmem>>, %arg2: memref<1x64xf32, #tpu.memory_space<vmem>>, %arg3: memref<128x64xf32, #tpu.memory_space<vmem>>, %arg4: memref<1x64xf32, #tpu.memory_space<vmem>>, %arg5: memref<128x64xf32, #tpu.memory_space<vmem>>, %arg6: memref<1x64xf32, #tpu.memory_space<vmem>>, %arg7: memref<1x64xf32, #tpu.memory_space<vmem>>, %arg8: memref<1x64xf32, #tpu.memory_space<vmem>>, %arg9: memref<1x64xf32, #tpu.memory_space<vmem>>) attributes {dimension_semantics = [], scalar_prefetch = 0 : i64, scratch_operands = 0 : i64, tpu.core_type = #tpu.core_type<tc>} {
    %get3A = arith.constant 0 : index
    %get3A_0 = arith.constant 0 : index
    %get3A_1 = vector.load %arg0[%get3A, %get3A_0] : memref<1x16xf32, #tpu.memory_space<vmem>>, vector<1x16xf32>
    %get3A_2 = arith.constant 0 : index
    %get3A_3 = arith.constant 0 : index
    %get3A_4 = vector.load %arg1[%get3A_2, %get3A_3] : memref<16x64xf32, #tpu.memory_space<vmem>>, vector<16x64xf32>
    %dot_general3A = arith.constant dense<0.000000e+00> : vector<1x64xf32>
    %dot_general3A_5 = tpu.matmul %get3A_1, %get3A_4, %dot_general3A {dimension_numbers = #tpu.dot_dimension_numbers<[1], [0], [0], [1], [0, 0, 1, 1], [], []>, transpose_lhs_hint = false} : vector<1x16xf32>, vector<16x64xf32>, vector<1x64xf32> -> vector<1x64xf32>
    %get3A_6 = arith.constant 0 : index
    %get3A_7 = arith.constant 0 : index
    %get3A_8 = vector.load %arg2[%get3A_6, %get3A_7] : memref<1x64xf32, #tpu.memory_space<vmem>>, vector<1x64xf32>
    %add3A = arith.addf %dot_general3A_5, %get3A_8 : vector<1x64xf32>
    %max3A = arith.constant 0.000000e+00 : f32
    %max3A_9 = vector.broadcast %max3A : f32 to vector<1x64xf32>
    %max3A_10 = arith.maximumf %add3A, %max3A_9 : vector<1x64xf32>
    %swap3A = arith.constant 0 : index
    %swap3A_11 = arith.constant 0 : index
    %swap3A_12 = vector.load %arg7[%swap3A, %swap3A_11] : memref<1x64xf32, #tpu.memory_space<vmem>>, vector<1x64xf32>
    tpu.vector_store %arg7[%swap3A, %swap3A_11], %max3A_10 {strides = array<i32>} : memref<1x64xf32, #tpu.memory_space<vmem>>, vector<1x64xf32>,
    %concatenate3A = tpu.concatenate %max3A_10, %max3A_10 in 1 : vector<1x64xf32>, vector<1x64xf32> -> vector<1x128xf32>
    %get3A_13 = arith.constant 0 : index
    %get3A_14 = arith.constant 0 : index
    %get3A_15 = vector.load %arg3[%get3A_13, %get3A_14] : memref<128x64xf32, #tpu.memory_space<vmem>>, vector<128x64xf32>
    %dot_general3A_16 = arith.constant dense<0.000000e+00> : vector<1x64xf32>
    %dot_general3A_17 = tpu.matmul %concatenate3A, %get3A_15, %dot_general3A_16 {dimension_numbers = #tpu.dot_dimension_numbers<[1], [0], [0], [1], [0, 0, 1, 1], [], []>, transpose_lhs_hint = false} : vector<1x128xf32>, vector<128x64xf32>, vector<1x64xf32> -> vector<1x64xf32>
    %get3A_18 = arith.constant 0 : index
    %get3A_19 = arith.constant 0 : index
    %get3A_20 = vector.load %arg4[%get3A_18, %get3A_19] : memref<1x64xf32, #tpu.memory_space<vmem>>, vector<1x64xf32>
    %add3A_21 = arith.addf %dot_general3A_17, %get3A_20 : vector<1x64xf32>
    %swap3A_22 = arith.constant 0 : index
    %swap3A_23 = arith.constant 0 : index
    %swap3A_24 = vector.load %arg8[%swap3A_22, %swap3A_23] : memref<1x64xf32, #tpu.memory_space<vmem>>, vector<1x64xf32>
    tpu.vector_store %arg8[%swap3A_22, %swap3A_23], %add3A_21 {strides = array<i32>} : memref<1x64xf32, #tpu.memory_space<vmem>>, vector<1x64xf32>,
    %get3A_25 = arith.constant 0 : index
    %get3A_26 = arith.constant 0 : index
    %get3A_27 = vector.load %arg5[%get3A_25, %get3A_26] : memref<128x64xf32, #tpu.memory_space<vmem>>, vector<128x64xf32>
    %dot_general3A_28 = arith.constant dense<0.000000e+00> : vector<1x64xf32>
    %dot_general3A_29 = tpu.matmul %concatenate3A, %get3A_27, %dot_general3A_28 {dimension_numbers = #tpu.dot_dimension_numbers<[1], [0], [0], [1], [0, 0, 1, 1], [], []>, transpose_lhs_hint = false} : vector<1x128xf32>, vector<128x64xf32>, vector<1x64xf32> -> vector<1x64xf32>
    %get3A_30 = arith.constant 0 : index
    %get3A_31 = arith.constant 0 : index
    %get3A_32 = vector.load %arg6[%get3A_30, %get3A_31] : memref<1x64xf32, #tpu.memory_space<vmem>>, vector<1x64xf32>
    %add3A_33 = arith.addf %dot_general3A_29, %get3A_32 : vector<1x64xf32>
    %swap3A_34 = arith.constant 0 : index
    %swap3A_35 = arith.constant 0 : index
    %swap3A_36 = vector.load %arg9[%swap3A_34, %swap3A_35] : memref<1x64xf32, #tpu.memory_space<vmem>>, vector<1x64xf32>
    tpu.vector_store %arg9[%swap3A_34, %swap3A_35], %add3A_33 {strides = array<i32>} : memref<1x64xf32, #tpu.memory_space<vmem>>, vector<1x64xf32>,
    return
  }
}

module attributes {stable_mosaic.version = 14 : i64} {
  func.func @_edge_body(%arg0: i32, %arg1: memref<2048x16xf32, #tpu.memory_space<vmem>>, %arg2: memref<2048x128xf32, #tpu.memory_space<vmem>>, %arg3: memref<16x64xf32, #tpu.memory_space<vmem>>, %arg4: memref<1x64xf32, #tpu.memory_space<vmem>>, %arg5: memref<128x64xf32, #tpu.memory_space<vmem>>, %arg6: memref<1x64xf32, #tpu.memory_space<vmem>>, %arg7: memref<64x64xf32, #tpu.memory_space<vmem>>, %arg8: memref<1x64xf32, #tpu.memory_space<vmem>>, %arg9: memref<64x64xf32, #tpu.memory_space<vmem>>, %arg10: memref<1x64xf32, #tpu.memory_space<vmem>>, %arg11: memref<64x16xf32, #tpu.memory_space<vmem>>, %arg12: memref<1x16xf32, #tpu.memory_space<vmem>>, %arg13: memref<1024x128xf32, #tpu.memory_space<vmem>>, %arg14: memref<1024x128xf32, #tpu.memory_space<vmem>>, %arg15: memref<1x64xf32, #tpu.memory_space<vmem>>) attributes {dimension_semantics = [#tpu.dimension_semantics<arbitrary>], iteration_bounds = array<i64: 80>, scalar_prefetch = 0 : i64, scratch_operands = 0 : i64, tpu.core_type = #tpu.core_type<tc>, window_params = [{transform_indices = @transform_0, window_bounds = array<i64: 2048, 16>}, {transform_indices = @transform_1, window_bounds = array<i64: 2048, 128>}, {pipeline_mode = #tpu.pipeline_mode<synchronous>, transform_indices = @transform_2, window_bounds = array<i64: 16, 64>}, {pipeline_mode = #tpu.pipeline_mode<synchronous>, transform_indices = @transform_3, window_bounds = array<i64: 1, 64>}, {pipeline_mode = #tpu.pipeline_mode<synchronous>, transform_indices = @transform_4, window_bounds = array<i64: 128, 64>}, {pipeline_mode = #tpu.pipeline_mode<synchronous>, transform_indices = @transform_5, window_bounds = array<i64: 1, 64>}, {pipeline_mode = #tpu.pipeline_mode<synchronous>, transform_indices = @transform_6, window_bounds = array<i64: 64, 64>}, {pipeline_mode = #tpu.pipeline_mode<synchronous>, transform_indices = @transform_7, window_bounds = array<i64: 1, 64>}, {pipeline_mode = #tpu.pipeline_mode<synchronous>, transform_indices = @transform_8, window_bounds = array<i64: 64, 64>}, {pipeline_mode = #tpu.pipeline_mode<synchronous>, transform_indices = @transform_9, window_bounds = array<i64: 1, 64>}, {pipeline_mode = #tpu.pipeline_mode<synchronous>, transform_indices = @transform_10, window_bounds = array<i64: 64, 16>}, {pipeline_mode = #tpu.pipeline_mode<synchronous>, transform_indices = @transform_11, window_bounds = array<i64: 1, 16>}, {transform_indices = @transform_12, window_bounds = array<i64: 1024, 128>}, {transform_indices = @transform_13, window_bounds = array<i64: 1024, 128>}, {pipeline_mode = #tpu.pipeline_mode<synchronous>, transform_indices = @transform_14, window_bounds = array<i64: 1, 64>}]} {
    %get3A = arith.constant 0 : index
    %get3A_0 = arith.constant 0 : index
    %get3A_1 = vector.load %arg1[%get3A, %get3A_0] : memref<2048x16xf32, #tpu.memory_space<vmem>>, vector<2048x16xf32>
    %get3A_2 = arith.constant 0 : index
    %get3A_3 = arith.constant 0 : index
    %get3A_4 = vector.load %arg3[%get3A_2, %get3A_3] : memref<16x64xf32, #tpu.memory_space<vmem>>, vector<16x64xf32>
    %dot_general3A = arith.constant dense<0.000000e+00> : vector<2048x64xf32>
    %dot_general3A_5 = tpu.matmul %get3A_1, %get3A_4, %dot_general3A {dimension_numbers = #tpu.dot_dimension_numbers<[1], [0], [0], [1], [0, 0, 1, 1], [], []>, transpose_lhs_hint = false} : vector<2048x16xf32>, vector<16x64xf32>, vector<2048x64xf32> -> vector<2048x64xf32>
    %get3A_6 = arith.constant 0 : index
    %get3A_7 = arith.constant 0 : index
    %get3A_8 = vector.load %arg4[%get3A_6, %get3A_7] : memref<1x64xf32, #tpu.memory_space<vmem>>, vector<1x64xf32>
    %add3A = vector.broadcast %get3A_8 : vector<1x64xf32> to vector<2048x64xf32>
    %add3A_9 = arith.addf %dot_general3A_5, %add3A : vector<2048x64xf32>
    %max3A = arith.constant 0.000000e+00 : f32
    %max3A_10 = vector.broadcast %max3A : f32 to vector<2048x64xf32>
    %max3A_11 = arith.maximumf %add3A_9, %max3A_10 : vector<2048x64xf32>
    %get3A_12 = arith.constant 0 : index
    %get3A_13 = arith.constant 0 : index
    %get3A_14 = vector.load %arg2[%get3A_12, %get3A_13] : memref<2048x128xf32, #tpu.memory_space<vmem>>, vector<2048x128xf32>
    %concatenate3A = tpu.concatenate %max3A_11, %max3A_11 in 1 : vector<2048x64xf32>, vector<2048x64xf32> -> vector<2048x128xf32>
    %get3A_15 = arith.constant 0 : index
    %get3A_16 = arith.constant 0 : index
    %get3A_17 = vector.load %arg5[%get3A_15, %get3A_16] : memref<128x64xf32, #tpu.memory_space<vmem>>, vector<128x64xf32>
    %dot_general3A_18 = arith.constant dense<0.000000e+00> : vector<2048x64xf32>
    %dot_general3A_19 = tpu.matmul %concatenate3A, %get3A_17, %dot_general3A_18 {dimension_numbers = #tpu.dot_dimension_numbers<[1], [0], [0], [1], [0, 0, 1, 1], [], []>, transpose_lhs_hint = false} : vector<2048x128xf32>, vector<128x64xf32>, vector<2048x64xf32> -> vector<2048x64xf32>
    %slice3A = vector.extract_strided_slice %get3A_14 {offsets = [0, 0], sizes = [2048, 64], strides = [1, 1]} : vector<2048x128xf32> to vector<2048x64xf32>
    %add3A_20 = arith.addf %dot_general3A_19, %slice3A : vector<2048x64xf32>
    %slice3A_21 = vector.extract_strided_slice %get3A_14 {offsets = [0, 64], sizes = [2048, 64], strides = [1, 1]} : vector<2048x128xf32> to vector<2048x64xf32>
    %add3A_22 = arith.addf %add3A_20, %slice3A_21 : vector<2048x64xf32>
    %get3A_23 = arith.constant 0 : index
    %get3A_24 = arith.constant 0 : index
    %get3A_25 = vector.load %arg6[%get3A_23, %get3A_24] : memref<1x64xf32, #tpu.memory_space<vmem>>, vector<1x64xf32>
    %add3A_26 = vector.broadcast %get3A_25 : vector<1x64xf32> to vector<2048x64xf32>
    %add3A_27 = arith.addf %add3A_22, %add3A_26 : vector<2048x64xf32>
    %max3A_28 = arith.constant 0.000000e+00 : f32
    %max3A_29 = vector.broadcast %max3A_28 : f32 to vector<2048x64xf32>
    %max3A_30 = arith.maximumf %add3A_27, %max3A_29 : vector<2048x64xf32>
    %get3A_31 = arith.constant 0 : index
    %get3A_32 = arith.constant 0 : index
    %get3A_33 = vector.load %arg7[%get3A_31, %get3A_32] : memref<64x64xf32, #tpu.memory_space<vmem>>, vector<64x64xf32>
    %dot_general3A_34 = arith.constant dense<0.000000e+00> : vector<2048x64xf32>
    %dot_general3A_35 = tpu.matmul %max3A_30, %get3A_33, %dot_general3A_34 {dimension_numbers = #tpu.dot_dimension_numbers<[1], [0], [0], [1], [0, 0, 1, 1], [], []>, transpose_lhs_hint = false} : vector<2048x64xf32>, vector<64x64xf32>, vector<2048x64xf32> -> vector<2048x64xf32>
    %get3A_36 = arith.constant 0 : index
    %get3A_37 = arith.constant 0 : index
    %get3A_38 = vector.load %arg8[%get3A_36, %get3A_37] : memref<1x64xf32, #tpu.memory_space<vmem>>, vector<1x64xf32>
    %add3A_39 = vector.broadcast %get3A_38 : vector<1x64xf32> to vector<2048x64xf32>
    %add3A_40 = arith.addf %dot_general3A_35, %add3A_39 : vector<2048x64xf32>
    %max3A_41 = arith.constant 0.000000e+00 : f32
    %max3A_42 = vector.broadcast %max3A_41 : f32 to vector<2048x64xf32>
    %max3A_43 = arith.maximumf %add3A_40, %max3A_42 : vector<2048x64xf32>
    %reduce_sum3A = arith.constant dense<0.000000e+00> : vector<2048xf32>
    %reduce_sum3A_44 = vector.multi_reduction <add>, %max3A_43, %reduce_sum3A [1] : vector<2048x64xf32> to vector<2048xf32>
    %broadcast_in_dim3A = vector.shape_cast %reduce_sum3A_44 : vector<2048xf32> to vector<2048x1xf32>
    %div3A = arith.constant 6.400000e+01 : f32
    %div3A_45 = vector.broadcast %div3A : f32 to vector<2048x1xf32>
    %div3A_46 = arith.divf %broadcast_in_dim3A, %div3A_45 : vector<2048x1xf32>
    %jit3A = arith.constant 0 : i32
    %reduce_sum3A_47 = arith.constant dense<0.000000e+00> : vector<2048xf32>
    %reduce_sum3A_48 = vector.multi_reduction <add>, %max3A_43, %reduce_sum3A_47 [1] : vector<2048x64xf32> to vector<2048xf32>
    %broadcast_in_dim3A_49 = vector.shape_cast %reduce_sum3A_48 : vector<2048xf32> to vector<2048x1xf32>
    %div3A_50 = arith.constant 6.400000e+01 : f32
    %div3A_51 = vector.broadcast %div3A_50 : f32 to vector<2048x1xf32>
    %div3A_52 = arith.divf %broadcast_in_dim3A_49, %div3A_51 : vector<2048x1xf32>
    %sub3A = vector.broadcast %div3A_52 : vector<2048x1xf32> to vector<2048x64xf32>
    %sub3A_53 = arith.subf %max3A_43, %sub3A : vector<2048x64xf32>
    %square3A = arith.mulf %sub3A_53, %sub3A_53 : vector<2048x64xf32>
    %convert_element_type3A = arith.sitofp %jit3A : i32 to f32
    %sub3A_54 = arith.constant 6.400000e+01 : f32
    %sub3A_55 = arith.subf %sub3A_54, %convert_element_type3A : f32
    %reduce_sum3A_56 = arith.constant dense<0.000000e+00> : vector<2048xf32>
    %reduce_sum3A_57 = vector.multi_reduction <add>, %square3A, %reduce_sum3A_56 [1] : vector<2048x64xf32> to vector<2048xf32>
    %broadcast_in_dim3A_58 = vector.shape_cast %reduce_sum3A_57 : vector<2048xf32> to vector<2048x1xf32>
    %div3A_59 = vector.broadcast %sub3A_55 : f32 to vector<2048x1xf32>
    %div3A_60 = arith.divf %broadcast_in_dim3A_58, %div3A_59 : vector<2048x1xf32>
    %gt3A = arith.constant 0.000000e+00 : f32
    %gt3A_61 = arith.cmpf ogt, %sub3A_55, %gt3A : f32
    %jit3A_62 = arith.constant 0x7FC00000 : f32
    %broadcast_in_dim3A_63 = vector.broadcast %jit3A_62 : f32 to vector<2048x1xf32>
    %select_n3A = arith.select %gt3A_61, %div3A_60, %broadcast_in_dim3A_63 : vector<2048x1xf32>
    %sub3A_64 = vector.broadcast %div3A_46 : vector<2048x1xf32> to vector<2048x64xf32>
    %sub3A_65 = arith.subf %max3A_43, %sub3A_64 : vector<2048x64xf32>
    %add3A_66 = arith.constant 9.99999974E-6 : f32
    %add3A_67 = vector.broadcast %add3A_66 : f32 to vector<2048x1xf32>
    %add3A_68 = arith.addf %select_n3A, %add3A_67 : vector<2048x1xf32>
    %sqrt3A = math.sqrt %add3A_68 : vector<2048x1xf32>
    %div3A_69 = vector.broadcast %sqrt3A : vector<2048x1xf32> to vector<2048x64xf32>
    %div3A_70 = arith.divf %sub3A_65, %div3A_69 : vector<2048x64xf32>
    %slice3A_71 = vector.extract_strided_slice %div3A_70 {offsets = [0, 0], sizes = [1024, 64], strides = [1, 1]} : vector<2048x64xf32> to vector<1024x64xf32>
    %slice3A_72 = vector.extract_strided_slice %div3A_70 {offsets = [1024, 0], sizes = [1024, 64], strides = [1, 1]} : vector<2048x64xf32> to vector<1024x64xf32>
    %concatenate3A_73 = tpu.concatenate %slice3A_71, %slice3A_72 in 1 : vector<1024x64xf32>, vector<1024x64xf32> -> vector<1024x128xf32>
    %swap3A = arith.constant 0 : index
    %swap3A_74 = arith.constant 0 : index
    %swap3A_75 = vector.load %arg13[%swap3A, %swap3A_74] : memref<1024x128xf32, #tpu.memory_space<vmem>>, vector<1024x128xf32>
    tpu.vector_store %arg13[%swap3A, %swap3A_74], %concatenate3A_73 {strides = array<i32>} : memref<1024x128xf32, #tpu.memory_space<vmem>>, vector<1024x128xf32>,
    %get3A_76 = arith.constant 0 : index
    %get3A_77 = arith.constant 0 : index
    %get3A_78 = vector.load %arg9[%get3A_76, %get3A_77] : memref<64x64xf32, #tpu.memory_space<vmem>>, vector<64x64xf32>
    %dot_general3A_79 = arith.constant dense<0.000000e+00> : vector<2048x64xf32>
    %dot_general3A_80 = tpu.matmul %div3A_70, %get3A_78, %dot_general3A_79 {dimension_numbers = #tpu.dot_dimension_numbers<[1], [0], [0], [1], [0, 0, 1, 1], [], []>, transpose_lhs_hint = false} : vector<2048x64xf32>, vector<64x64xf32>, vector<2048x64xf32> -> vector<2048x64xf32>
    %get3A_81 = arith.constant 0 : index
    %get3A_82 = arith.constant 0 : index
    %get3A_83 = vector.load %arg10[%get3A_81, %get3A_82] : memref<1x64xf32, #tpu.memory_space<vmem>>, vector<1x64xf32>
    %add3A_84 = vector.broadcast %get3A_83 : vector<1x64xf32> to vector<2048x64xf32>
    %add3A_85 = arith.addf %dot_general3A_80, %add3A_84 : vector<2048x64xf32>
    %max3A_86 = arith.constant 0.000000e+00 : f32
    %max3A_87 = vector.broadcast %max3A_86 : f32 to vector<2048x64xf32>
    %max3A_88 = arith.maximumf %add3A_85, %max3A_87 : vector<2048x64xf32>
    %slice3A_89 = vector.extract_strided_slice %max3A_88 {offsets = [0, 0], sizes = [1024, 64], strides = [1, 1]} : vector<2048x64xf32> to vector<1024x64xf32>
    %slice3A_90 = vector.extract_strided_slice %max3A_88 {offsets = [1024, 0], sizes = [1024, 64], strides = [1, 1]} : vector<2048x64xf32> to vector<1024x64xf32>
    %concatenate3A_91 = tpu.concatenate %slice3A_89, %slice3A_90 in 1 : vector<1024x64xf32>, vector<1024x64xf32> -> vector<1024x128xf32>
    %swap3A_92 = arith.constant 0 : index
    %swap3A_93 = arith.constant 0 : index
    %swap3A_94 = vector.load %arg14[%swap3A_92, %swap3A_93] : memref<1024x128xf32, #tpu.memory_space<vmem>>, vector<1024x128xf32>
    tpu.vector_store %arg14[%swap3A_92, %swap3A_93], %concatenate3A_91 {strides = array<i32>} : memref<1024x128xf32, #tpu.memory_space<vmem>>, vector<1024x128xf32>,
    %mul3A = arith.constant 2048 : i32
    %mul3A_95 = arith.muli %arg0, %mul3A : i32
    %iota3A = tpu.iota {dimensions = array<i32: 0>} : vector<2048x1xi32>
    %add3A_96 = vector.broadcast %mul3A_95 : i32 to vector<2048x1xi32>
    %add3A_97 = arith.addi %add3A_96, %iota3A : vector<2048x1xi32>
    %lt3A = arith.constant 160000 : i32
    %lt3A_98 = vector.broadcast %lt3A : i32 to vector<2048x1xi32>
    %lt3A_99 = arith.cmpi slt, %add3A_97, %lt3A_98 : vector<2048x1xi32>
    %jit3A_100 = arith.constant 0.000000e+00 : f32
    %broadcast_in_dim3A_101 = vector.shape_cast %lt3A_99 : vector<2048x1xi1> to vector<2048x1xi1>
    %broadcast_in_dim3A_102 = vector.broadcast %broadcast_in_dim3A_101 : vector<2048x1xi1> to vector<2048x64xi1>
    %broadcast_in_dim3A_103 = vector.broadcast %jit3A_100 : f32 to vector<2048x64xf32>
    %select_n3A_104 = arith.select %broadcast_in_dim3A_102, %div3A_70, %broadcast_in_dim3A_103 : vector<2048x64xi1>, vector<2048x64xf32>
    %reduce_sum3A_105 = arith.constant dense<0.000000e+00> : vector<64xf32>
    %reduce_sum3A_106 = vector.multi_reduction <add>, %select_n3A_104, %reduce_sum3A_105 [0] : vector<2048x64xf32> to vector<64xf32>
    %broadcast_in_dim3A_107 = vector.shape_cast %reduce_sum3A_106 : vector<64xf32> to vector<1x64xf32>
    %eq3A = arith.constant 0 : i32
    %eq3A_108 = arith.cmpi eq, %arg0, %eq3A : i32
    %convert_element_type3A_109 = arith.extui %eq3A_108 : i1 to i32
    %cond3A = arith.constant 0 : i32
    %cond3A_110 = arith.cmpi ne, %convert_element_type3A_109, %cond3A : i32
    scf.if %cond3A_110 {
      %broadcast_in_dim3A_118 = arith.constant 0.000000e+00 : f32
      %broadcast_in_dim3A_119 = vector.broadcast %broadcast_in_dim3A_118 : f32 to vector<1x64xf32>
      %swap3A_120 = arith.constant 0 : index
      %swap3A_121 = arith.constant 0 : index
      %swap3A_122 = vector.load %arg15[%swap3A_120, %swap3A_121] : memref<1x64xf32, #tpu.memory_space<vmem>>, vector<1x64xf32>
      tpu.vector_store %arg15[%swap3A_120, %swap3A_121], %broadcast_in_dim3A_119 {strides = array<i32>} : memref<1x64xf32, #tpu.memory_space<vmem>>, vector<1x64xf32>,
    } else {
    }
    %get3A_111 = arith.constant 0 : index
    %get3A_112 = arith.constant 0 : index
    %get3A_113 = vector.load %arg15[%get3A_111, %get3A_112] : memref<1x64xf32, #tpu.memory_space<vmem>>, vector<1x64xf32>
    %add3A_114 = arith.addf %get3A_113, %broadcast_in_dim3A_107 : vector<1x64xf32>
    %swap3A_115 = arith.constant 0 : index
    %swap3A_116 = arith.constant 0 : index
    %swap3A_117 = vector.load %arg15[%swap3A_115, %swap3A_116] : memref<1x64xf32, #tpu.memory_space<vmem>>, vector<1x64xf32>
    tpu.vector_store %arg15[%swap3A_115, %swap3A_116], %add3A_114 {strides = array<i32>} : memref<1x64xf32, #tpu.memory_space<vmem>>, vector<1x64xf32>,
    return
  }
  func.func @transform_0(%arg0: i32) -> (i32, i32) {
    %c0_i32 = arith.constant 0 : i32
    %c0_i32_0 = arith.constant 0 : i32
    return %arg0, %c0_i32 : i32, i32
  }
  func.func @transform_1(%arg0: i32) -> (i32, i32) {
    %c0_i32 = arith.constant 0 : i32
    %c0_i32_0 = arith.constant 0 : i32
    return %arg0, %c0_i32 : i32, i32
  }
  func.func @transform_2(%arg0: i32) -> (i32, i32) {
    %c0_i32 = arith.constant 0 : i32
    %c0_i32_0 = arith.constant 0 : i32
    %c0_i32_1 = arith.constant 0 : i32
    return %c0_i32, %c0_i32_0 : i32, i32
  }
  func.func @transform_3(%arg0: i32) -> (i32, i32) {
    %c0_i32 = arith.constant 0 : i32
    %c0_i32_0 = arith.constant 0 : i32
    %c0_i32_1 = arith.constant 0 : i32
    return %c0_i32, %c0_i32_0 : i32, i32
  }
  func.func @transform_4(%arg0: i32) -> (i32, i32) {
    %c0_i32 = arith.constant 0 : i32
    %c0_i32_0 = arith.constant 0 : i32
    %c0_i32_1 = arith.constant 0 : i32
    return %c0_i32, %c0_i32_0 : i32, i32
  }
  func.func @transform_5(%arg0: i32) -> (i32, i32) {
    %c0_i32 = arith.constant 0 : i32
    %c0_i32_0 = arith.constant 0 : i32
    %c0_i32_1 = arith.constant 0 : i32
    return %c0_i32, %c0_i32_0 : i32, i32
  }
  func.func @transform_6(%arg0: i32) -> (i32, i32) {
    %c0_i32 = arith.constant 0 : i32
    %c0_i32_0 = arith.constant 0 : i32
    %c0_i32_1 = arith.constant 0 : i32
    return %c0_i32, %c0_i32_0 : i32, i32
  }
  func.func @transform_7(%arg0: i32) -> (i32, i32) {
    %c0_i32 = arith.constant 0 : i32
    %c0_i32_0 = arith.constant 0 : i32
    %c0_i32_1 = arith.constant 0 : i32
    return %c0_i32, %c0_i32_0 : i32, i32
  }
  func.func @transform_8(%arg0: i32) -> (i32, i32) {
    %c0_i32 = arith.constant 0 : i32
    %c0_i32_0 = arith.constant 0 : i32
    %c0_i32_1 = arith.constant 0 : i32
    return %c0_i32, %c0_i32_0 : i32, i32
  }
  func.func @transform_9(%arg0: i32) -> (i32, i32) {
    %c0_i32 = arith.constant 0 : i32
    %c0_i32_0 = arith.constant 0 : i32
    %c0_i32_1 = arith.constant 0 : i32
    return %c0_i32, %c0_i32_0 : i32, i32
  }
  func.func @transform_10(%arg0: i32) -> (i32, i32) {
    %c0_i32 = arith.constant 0 : i32
    %c0_i32_0 = arith.constant 0 : i32
    %c0_i32_1 = arith.constant 0 : i32
    return %c0_i32, %c0_i32_0 : i32, i32
  }
  func.func @transform_11(%arg0: i32) -> (i32, i32) {
    %c0_i32 = arith.constant 0 : i32
    %c0_i32_0 = arith.constant 0 : i32
    %c0_i32_1 = arith.constant 0 : i32
    return %c0_i32, %c0_i32_0 : i32, i32
  }
  func.func @transform_12(%arg0: i32) -> (i32, i32) {
    %c0_i32 = arith.constant 0 : i32
    %c0_i32_0 = arith.constant 0 : i32
    return %arg0, %c0_i32 : i32, i32
  }
  func.func @transform_13(%arg0: i32) -> (i32, i32) {
    %c0_i32 = arith.constant 0 : i32
    %c0_i32_0 = arith.constant 0 : i32
    return %arg0, %c0_i32 : i32, i32
  }
  func.func @transform_14(%arg0: i32) -> (i32, i32) {
    %c0_i32 = arith.constant 0 : i32
    %c0_i32_0 = arith.constant 0 : i32
    %c0_i32_1 = arith.constant 0 : i32
    return %c0_i32, %c0_i32_0 : i32, i32
  }
}

module attributes {stable_mosaic.version = 14 : i64} {
  func.func @_node_body(%arg0: i32, %arg1: memref<2000x64xf32, #tpu.memory_space<vmem>>, %arg2: memref<2x2000x64xf32, #tpu.memory_space<vmem>>, %arg3: memref<64x64xf32, #tpu.memory_space<vmem>>, %arg4: memref<64x64xf32, #tpu.memory_space<vmem>>, %arg5: memref<64x64xf32, #tpu.memory_space<vmem>>, %arg6: memref<1x64xf32, #tpu.memory_space<vmem>>, %arg7: memref<64x64xf32, #tpu.memory_space<vmem>>, %arg8: memref<1x64xf32, #tpu.memory_space<vmem>>, %arg9: memref<64x64xf32, #tpu.memory_space<vmem>>, %arg10: memref<1x64xf32, #tpu.memory_space<vmem>>, %arg11: memref<64x64xf32, #tpu.memory_space<vmem>>, %arg12: memref<64x64xf32, #tpu.memory_space<vmem>>, %arg13: memref<64x64xf32, #tpu.memory_space<vmem>>, %arg14: memref<64x64xf32, #tpu.memory_space<vmem>>, %arg15: memref<64x128xf32, #tpu.memory_space<vmem>>, %arg16: memref<1x128xf32, #tpu.memory_space<vmem>>, %arg17: memref<2000x64xf32, #tpu.memory_space<vmem>>, %arg18: memref<2000x128xf32, #tpu.memory_space<vmem>>, %arg19: memref<1x64xf32, #tpu.memory_space<vmem>>) attributes {dimension_semantics = [#tpu.dimension_semantics<arbitrary>], iteration_bounds = array<i64: 5>, scalar_prefetch = 0 : i64, scratch_operands = 0 : i64, tpu.core_type = #tpu.core_type<tc>, window_params = [{transform_indices = @transform_0, window_bounds = array<i64: 2000, 64>}, {transform_indices = @transform_1, window_bounds = array<i64: 2, 2000, 64>}, {pipeline_mode = #tpu.pipeline_mode<synchronous>, transform_indices = @transform_2, window_bounds = array<i64: 64, 64>}, {pipeline_mode = #tpu.pipeline_mode<synchronous>, transform_indices = @transform_3, window_bounds = array<i64: 64, 64>}, {pipeline_mode = #tpu.pipeline_mode<synchronous>, transform_indices = @transform_4, window_bounds = array<i64: 64, 64>}, {pipeline_mode = #tpu.pipeline_mode<synchronous>, transform_indices = @transform_5, window_bounds = array<i64: 1, 64>}, {pipeline_mode = #tpu.pipeline_mode<synchronous>, transform_indices = @transform_6, window_bounds = array<i64: 64, 64>}, {pipeline_mode = #tpu.pipeline_mode<synchronous>, transform_indices = @transform_7, window_bounds = array<i64: 1, 64>}, {pipeline_mode = #tpu.pipeline_mode<synchronous>, transform_indices = @transform_8, window_bounds = array<i64: 64, 64>}, {pipeline_mode = #tpu.pipeline_mode<synchronous>, transform_indices = @transform_9, window_bounds = array<i64: 1, 64>}, {pipeline_mode = #tpu.pipeline_mode<synchronous>, transform_indices = @transform_10, window_bounds = array<i64: 64, 64>}, {pipeline_mode = #tpu.pipeline_mode<synchronous>, transform_indices = @transform_11, window_bounds = array<i64: 64, 64>}, {pipeline_mode = #tpu.pipeline_mode<synchronous>, transform_indices = @transform_12, window_bounds = array<i64: 64, 64>}, {pipeline_mode = #tpu.pipeline_mode<synchronous>, transform_indices = @transform_13, window_bounds = array<i64: 64, 64>}, {pipeline_mode = #tpu.pipeline_mode<synchronous>, transform_indices = @transform_14, window_bounds = array<i64: 64, 128>}, {pipeline_mode = #tpu.pipeline_mode<synchronous>, transform_indices = @transform_15, window_bounds = array<i64: 1, 128>}, {transform_indices = @transform_16, window_bounds = array<i64: 2000, 64>}, {transform_indices = @transform_17, window_bounds = array<i64: 2000, 128>}, {pipeline_mode = #tpu.pipeline_mode<synchronous>, transform_indices = @transform_18, window_bounds = array<i64: 1, 64>}]} {
    %get3A = arith.constant 0 : index
    %get3A_0 = arith.constant 0 : index
    %get3A_1 = vector.load %arg1[%get3A, %get3A_0] : memref<2000x64xf32, #tpu.memory_space<vmem>>, vector<2000x64xf32>
    %get3A_2 = arith.constant 0 : index
    %get3A_3 = arith.constant 0 : index
    %get3A_4 = arith.constant 0 : index
    %get3A_5 = vector.load %arg2[%get3A_2, %get3A_3, %get3A_4] : memref<2x2000x64xf32, #tpu.memory_space<vmem>>, vector<1x2000x64xf32>
    %get3A_6 = vector.shape_cast %get3A_5 : vector<1x2000x64xf32> to vector<2000x64xf32>
    %get3A_7 = arith.constant 1 : index
    %get3A_8 = arith.constant 0 : index
    %get3A_9 = arith.constant 0 : index
    %get3A_10 = vector.load %arg2[%get3A_7, %get3A_8, %get3A_9] : memref<2x2000x64xf32, #tpu.memory_space<vmem>>, vector<1x2000x64xf32>
    %get3A_11 = vector.shape_cast %get3A_10 : vector<1x2000x64xf32> to vector<2000x64xf32>
    %add3A = arith.addf %get3A_6, %get3A_11 : vector<2000x64xf32>
    %get3A_12 = arith.constant 0 : index
    %get3A_13 = arith.constant 0 : index
    %get3A_14 = vector.load %arg3[%get3A_12, %get3A_13] : memref<64x64xf32, #tpu.memory_space<vmem>>, vector<64x64xf32>
    %dot_general3A = arith.constant dense<0.000000e+00> : vector<2000x64xf32>
    %dot_general3A_15 = tpu.matmul %get3A_1, %get3A_14, %dot_general3A {dimension_numbers = #tpu.dot_dimension_numbers<[1], [0], [0], [1], [0, 0, 1, 1], [], []>, transpose_lhs_hint = false} : vector<2000x64xf32>, vector<64x64xf32>, vector<2000x64xf32> -> vector<2000x64xf32>
    %get3A_16 = arith.constant 0 : index
    %get3A_17 = arith.constant 0 : index
    %get3A_18 = vector.load %arg1[%get3A_16, %get3A_17] : memref<2000x64xf32, #tpu.memory_space<vmem>>, vector<2000x64xf32>
    %get3A_19 = arith.constant 0 : index
    %get3A_20 = arith.constant 0 : index
    %get3A_21 = vector.load %arg4[%get3A_19, %get3A_20] : memref<64x64xf32, #tpu.memory_space<vmem>>, vector<64x64xf32>
    %dot_general3A_22 = arith.constant dense<0.000000e+00> : vector<2000x64xf32>
    %dot_general3A_23 = tpu.matmul %get3A_18, %get3A_21, %dot_general3A_22 {dimension_numbers = #tpu.dot_dimension_numbers<[1], [0], [0], [1], [0, 0, 1, 1], [], []>, transpose_lhs_hint = false} : vector<2000x64xf32>, vector<64x64xf32>, vector<2000x64xf32> -> vector<2000x64xf32>
    %add3A_24 = arith.addf %dot_general3A_15, %dot_general3A_23 : vector<2000x64xf32>
    %get3A_25 = arith.constant 0 : index
    %get3A_26 = arith.constant 0 : index
    %get3A_27 = vector.load %arg5[%get3A_25, %get3A_26] : memref<64x64xf32, #tpu.memory_space<vmem>>, vector<64x64xf32>
    %dot_general3A_28 = arith.constant dense<0.000000e+00> : vector<2000x64xf32>
    %dot_general3A_29 = tpu.matmul %add3A, %get3A_27, %dot_general3A_28 {dimension_numbers = #tpu.dot_dimension_numbers<[1], [0], [0], [1], [0, 0, 1, 1], [], []>, transpose_lhs_hint = false} : vector<2000x64xf32>, vector<64x64xf32>, vector<2000x64xf32> -> vector<2000x64xf32>
    %add3A_30 = arith.addf %add3A_24, %dot_general3A_29 : vector<2000x64xf32>
    %get3A_31 = arith.constant 0 : index
    %get3A_32 = arith.constant 0 : index
    %get3A_33 = vector.load %arg6[%get3A_31, %get3A_32] : memref<1x64xf32, #tpu.memory_space<vmem>>, vector<1x64xf32>
    %add3A_34 = vector.broadcast %get3A_33 : vector<1x64xf32> to vector<2000x64xf32>
    %add3A_35 = arith.addf %add3A_30, %add3A_34 : vector<2000x64xf32>
    %max3A = arith.constant 0.000000e+00 : f32
    %max3A_36 = vector.broadcast %max3A : f32 to vector<2000x64xf32>
    %max3A_37 = arith.maximumf %add3A_35, %max3A_36 : vector<2000x64xf32>
    %get3A_38 = arith.constant 0 : index
    %get3A_39 = arith.constant 0 : index
    %get3A_40 = vector.load %arg7[%get3A_38, %get3A_39] : memref<64x64xf32, #tpu.memory_space<vmem>>, vector<64x64xf32>
    %dot_general3A_41 = arith.constant dense<0.000000e+00> : vector<2000x64xf32>
    %dot_general3A_42 = tpu.matmul %max3A_37, %get3A_40, %dot_general3A_41 {dimension_numbers = #tpu.dot_dimension_numbers<[1], [0], [0], [1], [0, 0, 1, 1], [], []>, transpose_lhs_hint = false} : vector<2000x64xf32>, vector<64x64xf32>, vector<2000x64xf32> -> vector<2000x64xf32>
    %get3A_43 = arith.constant 0 : index
    %get3A_44 = arith.constant 0 : index
    %get3A_45 = vector.load %arg8[%get3A_43, %get3A_44] : memref<1x64xf32, #tpu.memory_space<vmem>>, vector<1x64xf32>
    %add3A_46 = vector.broadcast %get3A_45 : vector<1x64xf32> to vector<2000x64xf32>
    %add3A_47 = arith.addf %dot_general3A_42, %add3A_46 : vector<2000x64xf32>
    %max3A_48 = arith.constant 0.000000e+00 : f32
    %max3A_49 = vector.broadcast %max3A_48 : f32 to vector<2000x64xf32>
    %max3A_50 = arith.maximumf %add3A_47, %max3A_49 : vector<2000x64xf32>
    %reduce_sum3A = arith.constant dense<0.000000e+00> : vector<2000xf32>
    %reduce_sum3A_51 = vector.multi_reduction <add>, %max3A_50, %reduce_sum3A [1] : vector<2000x64xf32> to vector<2000xf32>
    %broadcast_in_dim3A = vector.shape_cast %reduce_sum3A_51 : vector<2000xf32> to vector<2000x1xf32>
    %div3A = arith.constant 6.400000e+01 : f32
    %div3A_52 = vector.broadcast %div3A : f32 to vector<2000x1xf32>
    %div3A_53 = arith.divf %broadcast_in_dim3A, %div3A_52 : vector<2000x1xf32>
    %jit3A = arith.constant 0 : i32
    %reduce_sum3A_54 = arith.constant dense<0.000000e+00> : vector<2000xf32>
    %reduce_sum3A_55 = vector.multi_reduction <add>, %max3A_50, %reduce_sum3A_54 [1] : vector<2000x64xf32> to vector<2000xf32>
    %broadcast_in_dim3A_56 = vector.shape_cast %reduce_sum3A_55 : vector<2000xf32> to vector<2000x1xf32>
    %div3A_57 = arith.constant 6.400000e+01 : f32
    %div3A_58 = vector.broadcast %div3A_57 : f32 to vector<2000x1xf32>
    %div3A_59 = arith.divf %broadcast_in_dim3A_56, %div3A_58 : vector<2000x1xf32>
    %sub3A = vector.broadcast %div3A_59 : vector<2000x1xf32> to vector<2000x64xf32>
    %sub3A_60 = arith.subf %max3A_50, %sub3A : vector<2000x64xf32>
    %square3A = arith.mulf %sub3A_60, %sub3A_60 : vector<2000x64xf32>
    %convert_element_type3A = arith.sitofp %jit3A : i32 to f32
    %sub3A_61 = arith.constant 6.400000e+01 : f32
    %sub3A_62 = arith.subf %sub3A_61, %convert_element_type3A : f32
    %reduce_sum3A_63 = arith.constant dense<0.000000e+00> : vector<2000xf32>
    %reduce_sum3A_64 = vector.multi_reduction <add>, %square3A, %reduce_sum3A_63 [1] : vector<2000x64xf32> to vector<2000xf32>
    %broadcast_in_dim3A_65 = vector.shape_cast %reduce_sum3A_64 : vector<2000xf32> to vector<2000x1xf32>
    %div3A_66 = vector.broadcast %sub3A_62 : f32 to vector<2000x1xf32>
    %div3A_67 = arith.divf %broadcast_in_dim3A_65, %div3A_66 : vector<2000x1xf32>
    %gt3A = arith.constant 0.000000e+00 : f32
    %gt3A_68 = arith.cmpf ogt, %sub3A_62, %gt3A : f32
    %jit3A_69 = arith.constant 0x7FC00000 : f32
    %broadcast_in_dim3A_70 = vector.broadcast %jit3A_69 : f32 to vector<2000x1xf32>
    %select_n3A = arith.select %gt3A_68, %div3A_67, %broadcast_in_dim3A_70 : vector<2000x1xf32>
    %sub3A_71 = vector.broadcast %div3A_53 : vector<2000x1xf32> to vector<2000x64xf32>
    %sub3A_72 = arith.subf %max3A_50, %sub3A_71 : vector<2000x64xf32>
    %add3A_73 = arith.constant 9.99999974E-6 : f32
    %add3A_74 = vector.broadcast %add3A_73 : f32 to vector<2000x1xf32>
    %add3A_75 = arith.addf %select_n3A, %add3A_74 : vector<2000x1xf32>
    %sqrt3A = math.sqrt %add3A_75 : vector<2000x1xf32>
    %div3A_76 = vector.broadcast %sqrt3A : vector<2000x1xf32> to vector<2000x64xf32>
    %div3A_77 = arith.divf %sub3A_72, %div3A_76 : vector<2000x64xf32>
    %get3A_78 = arith.constant 0 : index
    %get3A_79 = arith.constant 0 : index
    %get3A_80 = vector.load %arg9[%get3A_78, %get3A_79] : memref<64x64xf32, #tpu.memory_space<vmem>>, vector<64x64xf32>
    %dot_general3A_81 = arith.constant dense<0.000000e+00> : vector<2000x64xf32>
    %dot_general3A_82 = tpu.matmul %div3A_77, %get3A_80, %dot_general3A_81 {dimension_numbers = #tpu.dot_dimension_numbers<[1], [0], [0], [1], [0, 0, 1, 1], [], []>, transpose_lhs_hint = false} : vector<2000x64xf32>, vector<64x64xf32>, vector<2000x64xf32> -> vector<2000x64xf32>
    %get3A_83 = arith.constant 0 : index
    %get3A_84 = arith.constant 0 : index
    %get3A_85 = vector.load %arg10[%get3A_83, %get3A_84] : memref<1x64xf32, #tpu.memory_space<vmem>>, vector<1x64xf32>
    %add3A_86 = vector.broadcast %get3A_85 : vector<1x64xf32> to vector<2000x64xf32>
    %add3A_87 = arith.addf %dot_general3A_82, %add3A_86 : vector<2000x64xf32>
    %max3A_88 = arith.constant 0.000000e+00 : f32
    %max3A_89 = vector.broadcast %max3A_88 : f32 to vector<2000x64xf32>
    %max3A_90 = arith.maximumf %add3A_87, %max3A_89 : vector<2000x64xf32>
    %swap3A = arith.constant 0 : index
    %swap3A_91 = arith.constant 0 : index
    %swap3A_92 = vector.load %arg17[%swap3A, %swap3A_91] : memref<2000x64xf32, #tpu.memory_space<vmem>>, vector<2000x64xf32>
    tpu.vector_store %arg17[%swap3A, %swap3A_91], %max3A_90 {strides = array<i32>} : memref<2000x64xf32, #tpu.memory_space<vmem>>, vector<2000x64xf32>,
    %get3A_93 = arith.constant 0 : index
    %get3A_94 = arith.constant 0 : index
    %get3A_95 = vector.load %arg11[%get3A_93, %get3A_94] : memref<64x64xf32, #tpu.memory_space<vmem>>, vector<64x64xf32>
    %dot_general3A_96 = arith.constant dense<0.000000e+00> : vector<2000x64xf32>
    %dot_general3A_97 = tpu.matmul %get3A_1, %get3A_95, %dot_general3A_96 {dimension_numbers = #tpu.dot_dimension_numbers<[1], [0], [0], [1], [0, 0, 1, 1], [], []>, transpose_lhs_hint = false} : vector<2000x64xf32>, vector<64x64xf32>, vector<2000x64xf32> -> vector<2000x64xf32>
    %get3A_98 = arith.constant 0 : index
    %get3A_99 = arith.constant 0 : index
    %get3A_100 = vector.load %arg12[%get3A_98, %get3A_99] : memref<64x64xf32, #tpu.memory_space<vmem>>, vector<64x64xf32>
    %dot_general3A_101 = arith.constant dense<0.000000e+00> : vector<2000x64xf32>
    %dot_general3A_102 = tpu.matmul %max3A_90, %get3A_100, %dot_general3A_101 {dimension_numbers = #tpu.dot_dimension_numbers<[1], [0], [0], [1], [0, 0, 1, 1], [], []>, transpose_lhs_hint = false} : vector<2000x64xf32>, vector<64x64xf32>, vector<2000x64xf32> -> vector<2000x64xf32>
    %add3A_103 = arith.addf %dot_general3A_97, %dot_general3A_102 : vector<2000x64xf32>
    %get3A_104 = arith.constant 0 : index
    %get3A_105 = arith.constant 0 : index
    %get3A_106 = vector.load %arg13[%get3A_104, %get3A_105] : memref<64x64xf32, #tpu.memory_space<vmem>>, vector<64x64xf32>
    %dot_general3A_107 = arith.constant dense<0.000000e+00> : vector<2000x64xf32>
    %dot_general3A_108 = tpu.matmul %get3A_1, %get3A_106, %dot_general3A_107 {dimension_numbers = #tpu.dot_dimension_numbers<[1], [0], [0], [1], [0, 0, 1, 1], [], []>, transpose_lhs_hint = false} : vector<2000x64xf32>, vector<64x64xf32>, vector<2000x64xf32> -> vector<2000x64xf32>
    %get3A_109 = arith.constant 0 : index
    %get3A_110 = arith.constant 0 : index
    %get3A_111 = vector.load %arg14[%get3A_109, %get3A_110] : memref<64x64xf32, #tpu.memory_space<vmem>>, vector<64x64xf32>
    %dot_general3A_112 = arith.constant dense<0.000000e+00> : vector<2000x64xf32>
    %dot_general3A_113 = tpu.matmul %max3A_90, %get3A_111, %dot_general3A_112 {dimension_numbers = #tpu.dot_dimension_numbers<[1], [0], [0], [1], [0, 0, 1, 1], [], []>, transpose_lhs_hint = false} : vector<2000x64xf32>, vector<64x64xf32>, vector<2000x64xf32> -> vector<2000x64xf32>
    %add3A_114 = arith.addf %dot_general3A_108, %dot_general3A_113 : vector<2000x64xf32>
    %concatenate3A = tpu.concatenate %add3A_103, %add3A_114 in 1 : vector<2000x64xf32>, vector<2000x64xf32> -> vector<2000x128xf32>
    %swap3A_115 = arith.constant 0 : index
    %swap3A_116 = arith.constant 0 : index
    %swap3A_117 = vector.load %arg18[%swap3A_115, %swap3A_116] : memref<2000x128xf32, #tpu.memory_space<vmem>>, vector<2000x128xf32>
    tpu.vector_store %arg18[%swap3A_115, %swap3A_116], %concatenate3A {strides = array<i32>} : memref<2000x128xf32, #tpu.memory_space<vmem>>, vector<2000x128xf32>,
    %reduce_sum3A_118 = arith.constant dense<0.000000e+00> : vector<64xf32>
    %reduce_sum3A_119 = vector.multi_reduction <add>, %div3A_77, %reduce_sum3A_118 [0] : vector<2000x64xf32> to vector<64xf32>
    %broadcast_in_dim3A_120 = vector.shape_cast %reduce_sum3A_119 : vector<64xf32> to vector<1x64xf32>
    %eq3A = arith.constant 0 : i32
    %eq3A_121 = arith.cmpi eq, %arg0, %eq3A : i32
    %convert_element_type3A_122 = arith.extui %eq3A_121 : i1 to i32
    %cond3A = arith.constant 0 : i32
    %cond3A_123 = arith.cmpi ne, %convert_element_type3A_122, %cond3A : i32
    scf.if %cond3A_123 {
      %broadcast_in_dim3A_131 = arith.constant 0.000000e+00 : f32
      %broadcast_in_dim3A_132 = vector.broadcast %broadcast_in_dim3A_131 : f32 to vector<1x64xf32>
      %swap3A_133 = arith.constant 0 : index
      %swap3A_134 = arith.constant 0 : index
      %swap3A_135 = vector.load %arg19[%swap3A_133, %swap3A_134] : memref<1x64xf32, #tpu.memory_space<vmem>>, vector<1x64xf32>
      tpu.vector_store %arg19[%swap3A_133, %swap3A_134], %broadcast_in_dim3A_132 {strides = array<i32>} : memref<1x64xf32, #tpu.memory_space<vmem>>, vector<1x64xf32>,
    } else {
    }
    %get3A_124 = arith.constant 0 : index
    %get3A_125 = arith.constant 0 : index
    %get3A_126 = vector.load %arg19[%get3A_124, %get3A_125] : memref<1x64xf32, #tpu.memory_space<vmem>>, vector<1x64xf32>
    %add3A_127 = arith.addf %get3A_126, %broadcast_in_dim3A_120 : vector<1x64xf32>
    %swap3A_128 = arith.constant 0 : index
    %swap3A_129 = arith.constant 0 : index
    %swap3A_130 = vector.load %arg19[%swap3A_128, %swap3A_129] : memref<1x64xf32, #tpu.memory_space<vmem>>, vector<1x64xf32>
    tpu.vector_store %arg19[%swap3A_128, %swap3A_129], %add3A_127 {strides = array<i32>} : memref<1x64xf32, #tpu.memory_space<vmem>>, vector<1x64xf32>,
    return
  }
  func.func @transform_0(%arg0: i32) -> (i32, i32) {
    %c0_i32 = arith.constant 0 : i32
    %c0_i32_0 = arith.constant 0 : i32
    return %arg0, %c0_i32 : i32, i32
  }
  func.func @transform_1(%arg0: i32) -> (i32, i32, i32) {
    %c0_i32 = arith.constant 0 : i32
    %c0_i32_0 = arith.constant 0 : i32
    %c0_i32_1 = arith.constant 0 : i32
    return %c0_i32, %arg0, %c0_i32_0 : i32, i32, i32
  }
  func.func @transform_2(%arg0: i32) -> (i32, i32) {
    %c0_i32 = arith.constant 0 : i32
    %c0_i32_0 = arith.constant 0 : i32
    %c0_i32_1 = arith.constant 0 : i32
    return %c0_i32, %c0_i32_0 : i32, i32
  }
  func.func @transform_3(%arg0: i32) -> (i32, i32) {
    %c0_i32 = arith.constant 0 : i32
    %c0_i32_0 = arith.constant 0 : i32
    %c0_i32_1 = arith.constant 0 : i32
    return %c0_i32, %c0_i32_0 : i32, i32
  }
  func.func @transform_4(%arg0: i32) -> (i32, i32) {
    %c0_i32 = arith.constant 0 : i32
    %c0_i32_0 = arith.constant 0 : i32
    %c0_i32_1 = arith.constant 0 : i32
    return %c0_i32, %c0_i32_0 : i32, i32
  }
  func.func @transform_5(%arg0: i32) -> (i32, i32) {
    %c0_i32 = arith.constant 0 : i32
    %c0_i32_0 = arith.constant 0 : i32
    %c0_i32_1 = arith.constant 0 : i32
    return %c0_i32, %c0_i32_0 : i32, i32
  }
  func.func @transform_6(%arg0: i32) -> (i32, i32) {
    %c0_i32 = arith.constant 0 : i32
    %c0_i32_0 = arith.constant 0 : i32
    %c0_i32_1 = arith.constant 0 : i32
    return %c0_i32, %c0_i32_0 : i32, i32
  }
  func.func @transform_7(%arg0: i32) -> (i32, i32) {
    %c0_i32 = arith.constant 0 : i32
    %c0_i32_0 = arith.constant 0 : i32
    %c0_i32_1 = arith.constant 0 : i32
    return %c0_i32, %c0_i32_0 : i32, i32
  }
  func.func @transform_8(%arg0: i32) -> (i32, i32) {
    %c0_i32 = arith.constant 0 : i32
    %c0_i32_0 = arith.constant 0 : i32
    %c0_i32_1 = arith.constant 0 : i32
    return %c0_i32, %c0_i32_0 : i32, i32
  }
  func.func @transform_9(%arg0: i32) -> (i32, i32) {
    %c0_i32 = arith.constant 0 : i32
    %c0_i32_0 = arith.constant 0 : i32
    %c0_i32_1 = arith.constant 0 : i32
    return %c0_i32, %c0_i32_0 : i32, i32
  }
  func.func @transform_10(%arg0: i32) -> (i32, i32) {
    %c0_i32 = arith.constant 0 : i32
    %c0_i32_0 = arith.constant 0 : i32
    %c0_i32_1 = arith.constant 0 : i32
    return %c0_i32, %c0_i32_0 : i32, i32
  }
  func.func @transform_11(%arg0: i32) -> (i32, i32) {
    %c0_i32 = arith.constant 0 : i32
    %c0_i32_0 = arith.constant 0 : i32
    %c0_i32_1 = arith.constant 0 : i32
    return %c0_i32, %c0_i32_0 : i32, i32
  }
  func.func @transform_12(%arg0: i32) -> (i32, i32) {
    %c0_i32 = arith.constant 0 : i32
    %c0_i32_0 = arith.constant 0 : i32
    %c0_i32_1 = arith.constant 0 : i32
    return %c0_i32, %c0_i32_0 : i32, i32
  }
  func.func @transform_13(%arg0: i32) -> (i32, i32) {
    %c0_i32 = arith.constant 0 : i32
    %c0_i32_0 = arith.constant 0 : i32
    %c0_i32_1 = arith.constant 0 : i32
    return %c0_i32, %c0_i32_0 : i32, i32
  }
  func.func @transform_14(%arg0: i32) -> (i32, i32) {
    %c0_i32 = arith.constant 0 : i32
    %c0_i32_0 = arith.constant 0 : i32
    %c0_i32_1 = arith.constant 0 : i32
    return %c0_i32, %c0_i32_0 : i32, i32
  }
  func.func @transform_15(%arg0: i32) -> (i32, i32) {
    %c0_i32 = arith.constant 0 : i32
    %c0_i32_0 = arith.constant 0 : i32
    %c0_i32_1 = arith.constant 0 : i32
    return %c0_i32, %c0_i32_0 : i32, i32
  }
  func.func @transform_16(%arg0: i32) -> (i32, i32) {
    %c0_i32 = arith.constant 0 : i32
    %c0_i32_0 = arith.constant 0 : i32
    return %arg0, %c0_i32 : i32, i32
  }
  func.func @transform_17(%arg0: i32) -> (i32, i32) {
    %c0_i32 = arith.constant 0 : i32
    %c0_i32_0 = arith.constant 0 : i32
    return %arg0, %c0_i32 : i32, i32
  }
  func.func @transform_18(%arg0: i32) -> (i32, i32) {
    %c0_i32 = arith.constant 0 : i32
    %c0_i32_0 = arith.constant 0 : i32
    %c0_i32_1 = arith.constant 0 : i32
    return %c0_i32, %c0_i32_0 : i32, i32
  }
}

module attributes {stable_mosaic.version = 14 : i64} {
  func.func @_glob_body(%arg0: memref<1x64xf32, #tpu.memory_space<vmem>>, %arg1: memref<1x64xf32, #tpu.memory_space<vmem>>, %arg2: memref<1x64xf32, #tpu.memory_space<vmem>>, %arg3: memref<1x64xf32, #tpu.memory_space<vmem>>, %arg4: memref<256x64xf32, #tpu.memory_space<vmem>>, %arg5: memref<1x64xf32, #tpu.memory_space<vmem>>, %arg6: memref<64x64xf32, #tpu.memory_space<vmem>>, %arg7: memref<1x64xf32, #tpu.memory_space<vmem>>, %arg8: memref<64x64xf32, #tpu.memory_space<vmem>>, %arg9: memref<1x64xf32, #tpu.memory_space<vmem>>, %arg10: memref<128x64xf32, #tpu.memory_space<vmem>>, %arg11: memref<1x64xf32, #tpu.memory_space<vmem>>, %arg12: memref<128x64xf32, #tpu.memory_space<vmem>>, %arg13: memref<1x64xf32, #tpu.memory_space<vmem>>, %arg14: memref<64x16xf32, #tpu.memory_space<vmem>>, %arg15: memref<1x16xf32, #tpu.memory_space<vmem>>, %arg16: memref<1x64xf32, #tpu.memory_space<vmem>>, %arg17: memref<1x64xf32, #tpu.memory_space<vmem>>, %arg18: memref<1x64xf32, #tpu.memory_space<vmem>>) attributes {dimension_semantics = [], scalar_prefetch = 0 : i64, scratch_operands = 0 : i64, tpu.core_type = #tpu.core_type<tc>} {
    %get3A = arith.constant 0 : index
    %get3A_0 = arith.constant 0 : index
    %get3A_1 = vector.load %arg0[%get3A, %get3A_0] : memref<1x64xf32, #tpu.memory_space<vmem>>, vector<1x64xf32>
    %get3A_2 = arith.constant 0 : index
    %get3A_3 = arith.constant 0 : index
    %get3A_4 = vector.load %arg1[%get3A_2, %get3A_3] : memref<1x64xf32, #tpu.memory_space<vmem>>, vector<1x64xf32>
    %concatenate3A = tpu.concatenate %get3A_1, %get3A_4 in 1 : vector<1x64xf32>, vector<1x64xf32> -> vector<1x128xf32>
    %get3A_5 = arith.constant 0 : index
    %get3A_6 = arith.constant 0 : index
    %get3A_7 = vector.load %arg2[%get3A_5, %get3A_6] : memref<1x64xf32, #tpu.memory_space<vmem>>, vector<1x64xf32>
    %get3A_8 = arith.constant 0 : index
    %get3A_9 = arith.constant 0 : index
    %get3A_10 = vector.load %arg3[%get3A_8, %get3A_9] : memref<1x64xf32, #tpu.memory_space<vmem>>, vector<1x64xf32>
    %concatenate3A_11 = tpu.concatenate %concatenate3A, %get3A_7, %get3A_10 in 1 : vector<1x128xf32>, vector<1x64xf32>, vector<1x64xf32> -> vector<1x256xf32>
    %get3A_12 = arith.constant 0 : index
    %get3A_13 = arith.constant 0 : index
    %get3A_14 = vector.load %arg4[%get3A_12, %get3A_13] : memref<256x64xf32, #tpu.memory_space<vmem>>, vector<256x64xf32>
    %dot_general3A = arith.constant dense<0.000000e+00> : vector<1x64xf32>
    %dot_general3A_15 = tpu.matmul %concatenate3A_11, %get3A_14, %dot_general3A {dimension_numbers = #tpu.dot_dimension_numbers<[1], [0], [0], [1], [0, 0, 1, 1], [], []>, transpose_lhs_hint = false} : vector<1x256xf32>, vector<256x64xf32>, vector<1x64xf32> -> vector<1x64xf32>
    %get3A_16 = arith.constant 0 : index
    %get3A_17 = arith.constant 0 : index
    %get3A_18 = vector.load %arg5[%get3A_16, %get3A_17] : memref<1x64xf32, #tpu.memory_space<vmem>>, vector<1x64xf32>
    %add3A = arith.addf %dot_general3A_15, %get3A_18 : vector<1x64xf32>
    %max3A = arith.constant 0.000000e+00 : f32
    %max3A_19 = vector.broadcast %max3A : f32 to vector<1x64xf32>
    %max3A_20 = arith.maximumf %add3A, %max3A_19 : vector<1x64xf32>
    %get3A_21 = arith.constant 0 : index
    %get3A_22 = arith.constant 0 : index
    %get3A_23 = vector.load %arg6[%get3A_21, %get3A_22] : memref<64x64xf32, #tpu.memory_space<vmem>>, vector<64x64xf32>
    %dot_general3A_24 = arith.constant dense<0.000000e+00> : vector<1x64xf32>
    %dot_general3A_25 = tpu.matmul %max3A_20, %get3A_23, %dot_general3A_24 {dimension_numbers = #tpu.dot_dimension_numbers<[1], [0], [0], [1], [0, 0, 1, 1], [], []>, transpose_lhs_hint = false} : vector<1x64xf32>, vector<64x64xf32>, vector<1x64xf32> -> vector<1x64xf32>
    %get3A_26 = arith.constant 0 : index
    %get3A_27 = arith.constant 0 : index
    %get3A_28 = vector.load %arg7[%get3A_26, %get3A_27] : memref<1x64xf32, #tpu.memory_space<vmem>>, vector<1x64xf32>
    %add3A_29 = arith.addf %dot_general3A_25, %get3A_28 : vector<1x64xf32>
    %max3A_30 = arith.constant 0.000000e+00 : f32
    %max3A_31 = vector.broadcast %max3A_30 : f32 to vector<1x64xf32>
    %max3A_32 = arith.maximumf %add3A_29, %max3A_31 : vector<1x64xf32>
    %reduce_sum3A = arith.constant dense<0.000000e+00> : vector<1xf32>
    %reduce_sum3A_33 = vector.multi_reduction <add>, %max3A_32, %reduce_sum3A [1] : vector<1x64xf32> to vector<1xf32>
    %broadcast_in_dim3A = vector.shape_cast %reduce_sum3A_33 : vector<1xf32> to vector<1x1xf32>
    %div3A = arith.constant 6.400000e+01 : f32
    %div3A_34 = vector.broadcast %div3A : f32 to vector<1x1xf32>
    %div3A_35 = arith.divf %broadcast_in_dim3A, %div3A_34 : vector<1x1xf32>
    %jit3A = arith.constant 0 : i32
    %reduce_sum3A_36 = arith.constant dense<0.000000e+00> : vector<1xf32>
    %reduce_sum3A_37 = vector.multi_reduction <add>, %max3A_32, %reduce_sum3A_36 [1] : vector<1x64xf32> to vector<1xf32>
    %broadcast_in_dim3A_38 = vector.shape_cast %reduce_sum3A_37 : vector<1xf32> to vector<1x1xf32>
    %div3A_39 = arith.constant 6.400000e+01 : f32
    %div3A_40 = vector.broadcast %div3A_39 : f32 to vector<1x1xf32>
    %div3A_41 = arith.divf %broadcast_in_dim3A_38, %div3A_40 : vector<1x1xf32>
    %sub3A = vector.broadcast %div3A_41 : vector<1x1xf32> to vector<1x64xf32>
    %sub3A_42 = arith.subf %max3A_32, %sub3A : vector<1x64xf32>
    %square3A = arith.mulf %sub3A_42, %sub3A_42 : vector<1x64xf32>
    %convert_element_type3A = arith.sitofp %jit3A : i32 to f32
    %sub3A_43 = arith.constant 6.400000e+01 : f32
    %sub3A_44 = arith.subf %sub3A_43, %convert_element_type3A : f32
    %reduce_sum3A_45 = arith.constant dense<0.000000e+00> : vector<1xf32>
    %reduce_sum3A_46 = vector.multi_reduction <add>, %square3A, %reduce_sum3A_45 [1] : vector<1x64xf32> to vector<1xf32>
    %broadcast_in_dim3A_47 = vector.shape_cast %reduce_sum3A_46 : vector<1xf32> to vector<1x1xf32>
    %div3A_48 = vector.broadcast %sub3A_44 : f32 to vector<1x1xf32>
    %div3A_49 = arith.divf %broadcast_in_dim3A_47, %div3A_48 : vector<1x1xf32>
    %gt3A = arith.constant 0.000000e+00 : f32
    %gt3A_50 = arith.cmpf ogt, %sub3A_44, %gt3A : f32
    %jit3A_51 = arith.constant 0x7FC00000 : f32
    %broadcast_in_dim3A_52 = vector.broadcast %jit3A_51 : f32 to vector<1x1xf32>
    %select_n3A = arith.select %gt3A_50, %div3A_49, %broadcast_in_dim3A_52 : vector<1x1xf32>
    %sub3A_53 = vector.broadcast %div3A_35 : vector<1x1xf32> to vector<1x64xf32>
    %sub3A_54 = arith.subf %max3A_32, %sub3A_53 : vector<1x64xf32>
    %add3A_55 = arith.constant 9.99999974E-6 : f32
    %add3A_56 = vector.broadcast %add3A_55 : f32 to vector<1x1xf32>
    %add3A_57 = arith.addf %select_n3A, %add3A_56 : vector<1x1xf32>
    %sqrt3A = math.sqrt %add3A_57 : vector<1x1xf32>
    %div3A_58 = vector.broadcast %sqrt3A : vector<1x1xf32> to vector<1x64xf32>
    %div3A_59 = arith.divf %sub3A_54, %div3A_58 : vector<1x64xf32>
    %get3A_60 = arith.constant 0 : index
    %get3A_61 = arith.constant 0 : index
    %get3A_62 = vector.load %arg8[%get3A_60, %get3A_61] : memref<64x64xf32, #tpu.memory_space<vmem>>, vector<64x64xf32>
    %dot_general3A_63 = arith.constant dense<0.000000e+00> : vector<1x64xf32>
    %dot_general3A_64 = tpu.matmul %div3A_59, %get3A_62, %dot_general3A_63 {dimension_numbers = #tpu.dot_dimension_numbers<[1], [0], [0], [1], [0, 0, 1, 1], [], []>, transpose_lhs_hint = false} : vector<1x64xf32>, vector<64x64xf32>, vector<1x64xf32> -> vector<1x64xf32>
    %get3A_65 = arith.constant 0 : index
    %get3A_66 = arith.constant 0 : index
    %get3A_67 = vector.load %arg9[%get3A_65, %get3A_66] : memref<1x64xf32, #tpu.memory_space<vmem>>, vector<1x64xf32>
    %add3A_68 = arith.addf %dot_general3A_64, %get3A_67 : vector<1x64xf32>
    %max3A_69 = arith.constant 0.000000e+00 : f32
    %max3A_70 = vector.broadcast %max3A_69 : f32 to vector<1x64xf32>
    %max3A_71 = arith.maximumf %add3A_68, %max3A_70 : vector<1x64xf32>
    %swap3A = arith.constant 0 : index
    %swap3A_72 = arith.constant 0 : index
    %swap3A_73 = vector.load %arg16[%swap3A, %swap3A_72] : memref<1x64xf32, #tpu.memory_space<vmem>>, vector<1x64xf32>
    tpu.vector_store %arg16[%swap3A, %swap3A_72], %max3A_71 {strides = array<i32>} : memref<1x64xf32, #tpu.memory_space<vmem>>, vector<1x64xf32>,
    %get3A_74 = arith.constant 0 : index
    %get3A_75 = arith.constant 0 : index
    %get3A_76 = vector.load %arg0[%get3A_74, %get3A_75] : memref<1x64xf32, #tpu.memory_space<vmem>>, vector<1x64xf32>
    %concatenate3A_77 = tpu.concatenate %get3A_76, %max3A_71 in 1 : vector<1x64xf32>, vector<1x64xf32> -> vector<1x128xf32>
    %get3A_78 = arith.constant 0 : index
    %get3A_79 = arith.constant 0 : index
    %get3A_80 = vector.load %arg10[%get3A_78, %get3A_79] : memref<128x64xf32, #tpu.memory_space<vmem>>, vector<128x64xf32>
    %dot_general3A_81 = arith.constant dense<0.000000e+00> : vector<1x64xf32>
    %dot_general3A_82 = tpu.matmul %concatenate3A_77, %get3A_80, %dot_general3A_81 {dimension_numbers = #tpu.dot_dimension_numbers<[1], [0], [0], [1], [0, 0, 1, 1], [], []>, transpose_lhs_hint = false} : vector<1x128xf32>, vector<128x64xf32>, vector<1x64xf32> -> vector<1x64xf32>
    %get3A_83 = arith.constant 0 : index
    %get3A_84 = arith.constant 0 : index
    %get3A_85 = vector.load %arg11[%get3A_83, %get3A_84] : memref<1x64xf32, #tpu.memory_space<vmem>>, vector<1x64xf32>
    %add3A_86 = arith.addf %dot_general3A_82, %get3A_85 : vector<1x64xf32>
    %swap3A_87 = arith.constant 0 : index
    %swap3A_88 = arith.constant 0 : index
    %swap3A_89 = vector.load %arg17[%swap3A_87, %swap3A_88] : memref<1x64xf32, #tpu.memory_space<vmem>>, vector<1x64xf32>
    tpu.vector_store %arg17[%swap3A_87, %swap3A_88], %add3A_86 {strides = array<i32>} : memref<1x64xf32, #tpu.memory_space<vmem>>, vector<1x64xf32>,
    %get3A_90 = arith.constant 0 : index
    %get3A_91 = arith.constant 0 : index
    %get3A_92 = vector.load %arg12[%get3A_90, %get3A_91] : memref<128x64xf32, #tpu.memory_space<vmem>>, vector<128x64xf32>
    %dot_general3A_93 = arith.constant dense<0.000000e+00> : vector<1x64xf32>
    %dot_general3A_94 = tpu.matmul %concatenate3A_77, %get3A_92, %dot_general3A_93 {dimension_numbers = #tpu.dot_dimension_numbers<[1], [0], [0], [1], [0, 0, 1, 1], [], []>, transpose_lhs_hint = false} : vector<1x128xf32>, vector<128x64xf32>, vector<1x64xf32> -> vector<1x64xf32>
    %get3A_95 = arith.constant 0 : index
    %get3A_96 = arith.constant 0 : index
    %get3A_97 = vector.load %arg13[%get3A_95, %get3A_96] : memref<1x64xf32, #tpu.memory_space<vmem>>, vector<1x64xf32>
    %add3A_98 = arith.addf %dot_general3A_94, %get3A_97 : vector<1x64xf32>
    %swap3A_99 = arith.constant 0 : index
    %swap3A_100 = arith.constant 0 : index
    %swap3A_101 = vector.load %arg18[%swap3A_99, %swap3A_100] : memref<1x64xf32, #tpu.memory_space<vmem>>, vector<1x64xf32>
    tpu.vector_store %arg18[%swap3A_99, %swap3A_100], %add3A_98 {strides = array<i32>} : memref<1x64xf32, #tpu.memory_space<vmem>>, vector<1x64xf32>,
    return
  }
}

module attributes {stable_mosaic.version = 14 : i64} {
  func.func @_edge_body(%arg0: i32, %arg1: memref<2048x16xf32, #tpu.memory_space<vmem>>, %arg2: memref<1024x128xf32, #tpu.memory_space<vmem>>, %arg3: memref<2048x128xf32, #tpu.memory_space<vmem>>, %arg4: memref<16x64xf32, #tpu.memory_space<vmem>>, %arg5: memref<1x64xf32, #tpu.memory_space<vmem>>, %arg6: memref<128x64xf32, #tpu.memory_space<vmem>>, %arg7: memref<1x64xf32, #tpu.memory_space<vmem>>, %arg8: memref<64x64xf32, #tpu.memory_space<vmem>>, %arg9: memref<1x64xf32, #tpu.memory_space<vmem>>, %arg10: memref<64x64xf32, #tpu.memory_space<vmem>>, %arg11: memref<1x64xf32, #tpu.memory_space<vmem>>, %arg12: memref<64x16xf32, #tpu.memory_space<vmem>>, %arg13: memref<1x16xf32, #tpu.memory_space<vmem>>, %arg14: memref<1024x128xf32, #tpu.memory_space<vmem>>, %arg15: memref<1024x128xf32, #tpu.memory_space<vmem>>, %arg16: memref<1x64xf32, #tpu.memory_space<vmem>>, %arg17: memref<2048x16xf32, #tpu.memory_space<vmem>>) attributes {dimension_semantics = [#tpu.dimension_semantics<arbitrary>], iteration_bounds = array<i64: 80>, scalar_prefetch = 0 : i64, scratch_operands = 0 : i64, tpu.core_type = #tpu.core_type<tc>, window_params = [{transform_indices = @transform_0, window_bounds = array<i64: 2048, 16>}, {transform_indices = @transform_1, window_bounds = array<i64: 1024, 128>}, {transform_indices = @transform_2, window_bounds = array<i64: 2048, 128>}, {pipeline_mode = #tpu.pipeline_mode<synchronous>, transform_indices = @transform_3, window_bounds = array<i64: 16, 64>}, {pipeline_mode = #tpu.pipeline_mode<synchronous>, transform_indices = @transform_4, window_bounds = array<i64: 1, 64>}, {pipeline_mode = #tpu.pipeline_mode<synchronous>, transform_indices = @transform_5, window_bounds = array<i64: 128, 64>}, {pipeline_mode = #tpu.pipeline_mode<synchronous>, transform_indices = @transform_6, window_bounds = array<i64: 1, 64>}, {pipeline_mode = #tpu.pipeline_mode<synchronous>, transform_indices = @transform_7, window_bounds = array<i64: 64, 64>}, {pipeline_mode = #tpu.pipeline_mode<synchronous>, transform_indices = @transform_8, window_bounds = array<i64: 1, 64>}, {pipeline_mode = #tpu.pipeline_mode<synchronous>, transform_indices = @transform_9, window_bounds = array<i64: 64, 64>}, {pipeline_mode = #tpu.pipeline_mode<synchronous>, transform_indices = @transform_10, window_bounds = array<i64: 1, 64>}, {pipeline_mode = #tpu.pipeline_mode<synchronous>, transform_indices = @transform_11, window_bounds = array<i64: 64, 16>}, {pipeline_mode = #tpu.pipeline_mode<synchronous>, transform_indices = @transform_12, window_bounds = array<i64: 1, 16>}, {transform_indices = @transform_13, window_bounds = array<i64: 1024, 128>}, {transform_indices = @transform_14, window_bounds = array<i64: 1024, 128>}, {pipeline_mode = #tpu.pipeline_mode<synchronous>, transform_indices = @transform_15, window_bounds = array<i64: 1, 64>}, {transform_indices = @transform_16, window_bounds = array<i64: 2048, 16>}]} {
    %get3A = arith.constant 0 : index
    %get3A_0 = arith.constant 0 : index
    %get3A_1 = vector.load %arg1[%get3A, %get3A_0] : memref<2048x16xf32, #tpu.memory_space<vmem>>, vector<2048x16xf32>
    %get3A_2 = arith.constant 0 : index
    %get3A_3 = arith.constant 0 : index
    %get3A_4 = vector.load %arg4[%get3A_2, %get3A_3] : memref<16x64xf32, #tpu.memory_space<vmem>>, vector<16x64xf32>
    %dot_general3A = arith.constant dense<0.000000e+00> : vector<2048x64xf32>
    %dot_general3A_5 = tpu.matmul %get3A_1, %get3A_4, %dot_general3A {dimension_numbers = #tpu.dot_dimension_numbers<[1], [0], [0], [1], [0, 0, 1, 1], [], []>, transpose_lhs_hint = false} : vector<2048x16xf32>, vector<16x64xf32>, vector<2048x64xf32> -> vector<2048x64xf32>
    %get3A_6 = arith.constant 0 : index
    %get3A_7 = arith.constant 0 : index
    %get3A_8 = vector.load %arg5[%get3A_6, %get3A_7] : memref<1x64xf32, #tpu.memory_space<vmem>>, vector<1x64xf32>
    %add3A = vector.broadcast %get3A_8 : vector<1x64xf32> to vector<2048x64xf32>
    %add3A_9 = arith.addf %dot_general3A_5, %add3A : vector<2048x64xf32>
    %max3A = arith.constant 0.000000e+00 : f32
    %max3A_10 = vector.broadcast %max3A : f32 to vector<2048x64xf32>
    %max3A_11 = arith.maximumf %add3A_9, %max3A_10 : vector<2048x64xf32>
    %get3A_12 = arith.constant 0 : index
    %get3A_13 = arith.constant 0 : index
    %get3A_14 = vector.load %arg2[%get3A_12, %get3A_13] : memref<1024x128xf32, #tpu.memory_space<vmem>>, vector<1024x128xf32>
    %slice3A = vector.extract_strided_slice %get3A_14 {offsets = [0, 0], sizes = [1024, 64], strides = [1, 1]} : vector<1024x128xf32> to vector<1024x64xf32>
    %slice3A_15 = vector.extract_strided_slice %get3A_14 {offsets = [0, 64], sizes = [1024, 64], strides = [1, 1]} : vector<1024x128xf32> to vector<1024x64xf32>
    %concatenate3A = tpu.concatenate %slice3A, %slice3A_15 in 0 : vector<1024x64xf32>, vector<1024x64xf32> -> vector<2048x64xf32>
    %get3A_16 = arith.constant 0 : index
    %get3A_17 = arith.constant 0 : index
    %get3A_18 = vector.load %arg3[%get3A_16, %get3A_17] : memref<2048x128xf32, #tpu.memory_space<vmem>>, vector<2048x128xf32>
    %concatenate3A_19 = tpu.concatenate %max3A_11, %concatenate3A in 1 : vector<2048x64xf32>, vector<2048x64xf32> -> vector<2048x128xf32>
    %get3A_20 = arith.constant 0 : index
    %get3A_21 = arith.constant 0 : index
    %get3A_22 = vector.load %arg6[%get3A_20, %get3A_21] : memref<128x64xf32, #tpu.memory_space<vmem>>, vector<128x64xf32>
    %dot_general3A_23 = arith.constant dense<0.000000e+00> : vector<2048x64xf32>
    %dot_general3A_24 = tpu.matmul %concatenate3A_19, %get3A_22, %dot_general3A_23 {dimension_numbers = #tpu.dot_dimension_numbers<[1], [0], [0], [1], [0, 0, 1, 1], [], []>, transpose_lhs_hint = false} : vector<2048x128xf32>, vector<128x64xf32>, vector<2048x64xf32> -> vector<2048x64xf32>
    %slice3A_25 = vector.extract_strided_slice %get3A_18 {offsets = [0, 0], sizes = [2048, 64], strides = [1, 1]} : vector<2048x128xf32> to vector<2048x64xf32>
    %add3A_26 = arith.addf %dot_general3A_24, %slice3A_25 : vector<2048x64xf32>
    %slice3A_27 = vector.extract_strided_slice %get3A_18 {offsets = [0, 64], sizes = [2048, 64], strides = [1, 1]} : vector<2048x128xf32> to vector<2048x64xf32>
    %add3A_28 = arith.addf %add3A_26, %slice3A_27 : vector<2048x64xf32>
    %get3A_29 = arith.constant 0 : index
    %get3A_30 = arith.constant 0 : index
    %get3A_31 = vector.load %arg7[%get3A_29, %get3A_30] : memref<1x64xf32, #tpu.memory_space<vmem>>, vector<1x64xf32>
    %add3A_32 = vector.broadcast %get3A_31 : vector<1x64xf32> to vector<2048x64xf32>
    %add3A_33 = arith.addf %add3A_28, %add3A_32 : vector<2048x64xf32>
    %max3A_34 = arith.constant 0.000000e+00 : f32
    %max3A_35 = vector.broadcast %max3A_34 : f32 to vector<2048x64xf32>
    %max3A_36 = arith.maximumf %add3A_33, %max3A_35 : vector<2048x64xf32>
    %get3A_37 = arith.constant 0 : index
    %get3A_38 = arith.constant 0 : index
    %get3A_39 = vector.load %arg8[%get3A_37, %get3A_38] : memref<64x64xf32, #tpu.memory_space<vmem>>, vector<64x64xf32>
    %dot_general3A_40 = arith.constant dense<0.000000e+00> : vector<2048x64xf32>
    %dot_general3A_41 = tpu.matmul %max3A_36, %get3A_39, %dot_general3A_40 {dimension_numbers = #tpu.dot_dimension_numbers<[1], [0], [0], [1], [0, 0, 1, 1], [], []>, transpose_lhs_hint = false} : vector<2048x64xf32>, vector<64x64xf32>, vector<2048x64xf32> -> vector<2048x64xf32>
    %get3A_42 = arith.constant 0 : index
    %get3A_43 = arith.constant 0 : index
    %get3A_44 = vector.load %arg9[%get3A_42, %get3A_43] : memref<1x64xf32, #tpu.memory_space<vmem>>, vector<1x64xf32>
    %add3A_45 = vector.broadcast %get3A_44 : vector<1x64xf32> to vector<2048x64xf32>
    %add3A_46 = arith.addf %dot_general3A_41, %add3A_45 : vector<2048x64xf32>
    %max3A_47 = arith.constant 0.000000e+00 : f32
    %max3A_48 = vector.broadcast %max3A_47 : f32 to vector<2048x64xf32>
    %max3A_49 = arith.maximumf %add3A_46, %max3A_48 : vector<2048x64xf32>
    %reduce_sum3A = arith.constant dense<0.000000e+00> : vector<2048xf32>
    %reduce_sum3A_50 = vector.multi_reduction <add>, %max3A_49, %reduce_sum3A [1] : vector<2048x64xf32> to vector<2048xf32>
    %broadcast_in_dim3A = vector.shape_cast %reduce_sum3A_50 : vector<2048xf32> to vector<2048x1xf32>
    %div3A = arith.constant 6.400000e+01 : f32
    %div3A_51 = vector.broadcast %div3A : f32 to vector<2048x1xf32>
    %div3A_52 = arith.divf %broadcast_in_dim3A, %div3A_51 : vector<2048x1xf32>
    %jit3A = arith.constant 0 : i32
    %reduce_sum3A_53 = arith.constant dense<0.000000e+00> : vector<2048xf32>
    %reduce_sum3A_54 = vector.multi_reduction <add>, %max3A_49, %reduce_sum3A_53 [1] : vector<2048x64xf32> to vector<2048xf32>
    %broadcast_in_dim3A_55 = vector.shape_cast %reduce_sum3A_54 : vector<2048xf32> to vector<2048x1xf32>
    %div3A_56 = arith.constant 6.400000e+01 : f32
    %div3A_57 = vector.broadcast %div3A_56 : f32 to vector<2048x1xf32>
    %div3A_58 = arith.divf %broadcast_in_dim3A_55, %div3A_57 : vector<2048x1xf32>
    %sub3A = vector.broadcast %div3A_58 : vector<2048x1xf32> to vector<2048x64xf32>
    %sub3A_59 = arith.subf %max3A_49, %sub3A : vector<2048x64xf32>
    %square3A = arith.mulf %sub3A_59, %sub3A_59 : vector<2048x64xf32>
    %convert_element_type3A = arith.sitofp %jit3A : i32 to f32
    %sub3A_60 = arith.constant 6.400000e+01 : f32
    %sub3A_61 = arith.subf %sub3A_60, %convert_element_type3A : f32
    %reduce_sum3A_62 = arith.constant dense<0.000000e+00> : vector<2048xf32>
    %reduce_sum3A_63 = vector.multi_reduction <add>, %square3A, %reduce_sum3A_62 [1] : vector<2048x64xf32> to vector<2048xf32>
    %broadcast_in_dim3A_64 = vector.shape_cast %reduce_sum3A_63 : vector<2048xf32> to vector<2048x1xf32>
    %div3A_65 = vector.broadcast %sub3A_61 : f32 to vector<2048x1xf32>
    %div3A_66 = arith.divf %broadcast_in_dim3A_64, %div3A_65 : vector<2048x1xf32>
    %gt3A = arith.constant 0.000000e+00 : f32
    %gt3A_67 = arith.cmpf ogt, %sub3A_61, %gt3A : f32
    %jit3A_68 = arith.constant 0x7FC00000 : f32
    %broadcast_in_dim3A_69 = vector.broadcast %jit3A_68 : f32 to vector<2048x1xf32>
    %select_n3A = arith.select %gt3A_67, %div3A_66, %broadcast_in_dim3A_69 : vector<2048x1xf32>
    %sub3A_70 = vector.broadcast %div3A_52 : vector<2048x1xf32> to vector<2048x64xf32>
    %sub3A_71 = arith.subf %max3A_49, %sub3A_70 : vector<2048x64xf32>
    %add3A_72 = arith.constant 9.99999974E-6 : f32
    %add3A_73 = vector.broadcast %add3A_72 : f32 to vector<2048x1xf32>
    %add3A_74 = arith.addf %select_n3A, %add3A_73 : vector<2048x1xf32>
    %sqrt3A = math.sqrt %add3A_74 : vector<2048x1xf32>
    %div3A_75 = vector.broadcast %sqrt3A : vector<2048x1xf32> to vector<2048x64xf32>
    %div3A_76 = arith.divf %sub3A_71, %div3A_75 : vector<2048x64xf32>
    %slice3A_77 = vector.extract_strided_slice %div3A_76 {offsets = [0, 0], sizes = [1024, 64], strides = [1, 1]} : vector<2048x64xf32> to vector<1024x64xf32>
    %slice3A_78 = vector.extract_strided_slice %div3A_76 {offsets = [1024, 0], sizes = [1024, 64], strides = [1, 1]} : vector<2048x64xf32> to vector<1024x64xf32>
    %concatenate3A_79 = tpu.concatenate %slice3A_77, %slice3A_78 in 1 : vector<1024x64xf32>, vector<1024x64xf32> -> vector<1024x128xf32>
    %swap3A = arith.constant 0 : index
    %swap3A_80 = arith.constant 0 : index
    %swap3A_81 = vector.load %arg14[%swap3A, %swap3A_80] : memref<1024x128xf32, #tpu.memory_space<vmem>>, vector<1024x128xf32>
    tpu.vector_store %arg14[%swap3A, %swap3A_80], %concatenate3A_79 {strides = array<i32>} : memref<1024x128xf32, #tpu.memory_space<vmem>>, vector<1024x128xf32>,
    %get3A_82 = arith.constant 0 : index
    %get3A_83 = arith.constant 0 : index
    %get3A_84 = vector.load %arg10[%get3A_82, %get3A_83] : memref<64x64xf32, #tpu.memory_space<vmem>>, vector<64x64xf32>
    %dot_general3A_85 = arith.constant dense<0.000000e+00> : vector<2048x64xf32>
    %dot_general3A_86 = tpu.matmul %div3A_76, %get3A_84, %dot_general3A_85 {dimension_numbers = #tpu.dot_dimension_numbers<[1], [0], [0], [1], [0, 0, 1, 1], [], []>, transpose_lhs_hint = false} : vector<2048x64xf32>, vector<64x64xf32>, vector<2048x64xf32> -> vector<2048x64xf32>
    %get3A_87 = arith.constant 0 : index
    %get3A_88 = arith.constant 0 : index
    %get3A_89 = vector.load %arg11[%get3A_87, %get3A_88] : memref<1x64xf32, #tpu.memory_space<vmem>>, vector<1x64xf32>
    %add3A_90 = vector.broadcast %get3A_89 : vector<1x64xf32> to vector<2048x64xf32>
    %add3A_91 = arith.addf %dot_general3A_86, %add3A_90 : vector<2048x64xf32>
    %max3A_92 = arith.constant 0.000000e+00 : f32
    %max3A_93 = vector.broadcast %max3A_92 : f32 to vector<2048x64xf32>
    %max3A_94 = arith.maximumf %add3A_91, %max3A_93 : vector<2048x64xf32>
    %slice3A_95 = vector.extract_strided_slice %max3A_94 {offsets = [0, 0], sizes = [1024, 64], strides = [1, 1]} : vector<2048x64xf32> to vector<1024x64xf32>
    %slice3A_96 = vector.extract_strided_slice %max3A_94 {offsets = [1024, 0], sizes = [1024, 64], strides = [1, 1]} : vector<2048x64xf32> to vector<1024x64xf32>
    %concatenate3A_97 = tpu.concatenate %slice3A_95, %slice3A_96 in 1 : vector<1024x64xf32>, vector<1024x64xf32> -> vector<1024x128xf32>
    %swap3A_98 = arith.constant 0 : index
    %swap3A_99 = arith.constant 0 : index
    %swap3A_100 = vector.load %arg15[%swap3A_98, %swap3A_99] : memref<1024x128xf32, #tpu.memory_space<vmem>>, vector<1024x128xf32>
    tpu.vector_store %arg15[%swap3A_98, %swap3A_99], %concatenate3A_97 {strides = array<i32>} : memref<1024x128xf32, #tpu.memory_space<vmem>>, vector<1024x128xf32>,
    %mul3A = arith.constant 2048 : i32
    %mul3A_101 = arith.muli %arg0, %mul3A : i32
    %iota3A = tpu.iota {dimensions = array<i32: 0>} : vector<2048x1xi32>
    %add3A_102 = vector.broadcast %mul3A_101 : i32 to vector<2048x1xi32>
    %add3A_103 = arith.addi %add3A_102, %iota3A : vector<2048x1xi32>
    %lt3A = arith.constant 160000 : i32
    %lt3A_104 = vector.broadcast %lt3A : i32 to vector<2048x1xi32>
    %lt3A_105 = arith.cmpi slt, %add3A_103, %lt3A_104 : vector<2048x1xi32>
    %jit3A_106 = arith.constant 0.000000e+00 : f32
    %broadcast_in_dim3A_107 = vector.shape_cast %lt3A_105 : vector<2048x1xi1> to vector<2048x1xi1>
    %broadcast_in_dim3A_108 = vector.broadcast %broadcast_in_dim3A_107 : vector<2048x1xi1> to vector<2048x64xi1>
    %broadcast_in_dim3A_109 = vector.broadcast %jit3A_106 : f32 to vector<2048x64xf32>
    %select_n3A_110 = arith.select %broadcast_in_dim3A_108, %div3A_76, %broadcast_in_dim3A_109 : vector<2048x64xi1>, vector<2048x64xf32>
    %reduce_sum3A_111 = arith.constant dense<0.000000e+00> : vector<64xf32>
    %reduce_sum3A_112 = vector.multi_reduction <add>, %select_n3A_110, %reduce_sum3A_111 [0] : vector<2048x64xf32> to vector<64xf32>
    %broadcast_in_dim3A_113 = vector.shape_cast %reduce_sum3A_112 : vector<64xf32> to vector<1x64xf32>
    %eq3A = arith.constant 0 : i32
    %eq3A_114 = arith.cmpi eq, %arg0, %eq3A : i32
    %convert_element_type3A_115 = arith.extui %eq3A_114 : i1 to i32
    %cond3A = arith.constant 0 : i32
    %cond3A_116 = arith.cmpi ne, %convert_element_type3A_115, %cond3A : i32
    scf.if %cond3A_116 {
      %broadcast_in_dim3A_137 = arith.constant 0.000000e+00 : f32
      %broadcast_in_dim3A_138 = vector.broadcast %broadcast_in_dim3A_137 : f32 to vector<1x64xf32>
      %swap3A_139 = arith.constant 0 : index
      %swap3A_140 = arith.constant 0 : index
      %swap3A_141 = vector.load %arg16[%swap3A_139, %swap3A_140] : memref<1x64xf32, #tpu.memory_space<vmem>>, vector<1x64xf32>
      tpu.vector_store %arg16[%swap3A_139, %swap3A_140], %broadcast_in_dim3A_138 {strides = array<i32>} : memref<1x64xf32, #tpu.memory_space<vmem>>, vector<1x64xf32>,
    } else {
    }
    %get3A_117 = arith.constant 0 : index
    %get3A_118 = arith.constant 0 : index
    %get3A_119 = vector.load %arg16[%get3A_117, %get3A_118] : memref<1x64xf32, #tpu.memory_space<vmem>>, vector<1x64xf32>
    %add3A_120 = arith.addf %get3A_119, %broadcast_in_dim3A_113 : vector<1x64xf32>
    %swap3A_121 = arith.constant 0 : index
    %swap3A_122 = arith.constant 0 : index
    %swap3A_123 = vector.load %arg16[%swap3A_121, %swap3A_122] : memref<1x64xf32, #tpu.memory_space<vmem>>, vector<1x64xf32>
    tpu.vector_store %arg16[%swap3A_121, %swap3A_122], %add3A_120 {strides = array<i32>} : memref<1x64xf32, #tpu.memory_space<vmem>>, vector<1x64xf32>,
    %get3A_124 = arith.constant 0 : index
    %get3A_125 = arith.constant 0 : index
    %get3A_126 = vector.load %arg12[%get3A_124, %get3A_125] : memref<64x16xf32, #tpu.memory_space<vmem>>, vector<64x16xf32>
    %dot_general3A_127 = arith.constant dense<0.000000e+00> : vector<2048x16xf32>
    %dot_general3A_128 = tpu.matmul %max3A_94, %get3A_126, %dot_general3A_127 {dimension_numbers = #tpu.dot_dimension_numbers<[1], [0], [0], [1], [0, 0, 1, 1], [], []>, transpose_lhs_hint = false} : vector<2048x64xf32>, vector<64x16xf32>, vector<2048x16xf32> -> vector<2048x16xf32>
    %get3A_129 = arith.constant 0 : index
    %get3A_130 = arith.constant 0 : index
    %get3A_131 = vector.load %arg13[%get3A_129, %get3A_130] : memref<1x16xf32, #tpu.memory_space<vmem>>, vector<1x16xf32>
    %add3A_132 = vector.broadcast %get3A_131 : vector<1x16xf32> to vector<2048x16xf32>
    %add3A_133 = arith.addf %dot_general3A_128, %add3A_132 : vector<2048x16xf32>
    %swap3A_134 = arith.constant 0 : index
    %swap3A_135 = arith.constant 0 : index
    %swap3A_136 = vector.load %arg17[%swap3A_134, %swap3A_135] : memref<2048x16xf32, #tpu.memory_space<vmem>>, vector<2048x16xf32>
    tpu.vector_store %arg17[%swap3A_134, %swap3A_135], %add3A_133 {strides = array<i32>} : memref<2048x16xf32, #tpu.memory_space<vmem>>, vector<2048x16xf32>,
    return
  }
  func.func @transform_0(%arg0: i32) -> (i32, i32) {
    %c0_i32 = arith.constant 0 : i32
    %c0_i32_0 = arith.constant 0 : i32
    return %arg0, %c0_i32 : i32, i32
  }
  func.func @transform_1(%arg0: i32) -> (i32, i32) {
    %c0_i32 = arith.constant 0 : i32
    %c0_i32_0 = arith.constant 0 : i32
    return %arg0, %c0_i32 : i32, i32
  }
  func.func @transform_2(%arg0: i32) -> (i32, i32) {
    %c0_i32 = arith.constant 0 : i32
    %c0_i32_0 = arith.constant 0 : i32
    return %arg0, %c0_i32 : i32, i32
  }
  func.func @transform_3(%arg0: i32) -> (i32, i32) {
    %c0_i32 = arith.constant 0 : i32
    %c0_i32_0 = arith.constant 0 : i32
    %c0_i32_1 = arith.constant 0 : i32
    return %c0_i32, %c0_i32_0 : i32, i32
  }
  func.func @transform_4(%arg0: i32) -> (i32, i32) {
    %c0_i32 = arith.constant 0 : i32
    %c0_i32_0 = arith.constant 0 : i32
    %c0_i32_1 = arith.constant 0 : i32
    return %c0_i32, %c0_i32_0 : i32, i32
  }
  func.func @transform_5(%arg0: i32) -> (i32, i32) {
    %c0_i32 = arith.constant 0 : i32
    %c0_i32_0 = arith.constant 0 : i32
    %c0_i32_1 = arith.constant 0 : i32
    return %c0_i32, %c0_i32_0 : i32, i32
  }
  func.func @transform_6(%arg0: i32) -> (i32, i32) {
    %c0_i32 = arith.constant 0 : i32
    %c0_i32_0 = arith.constant 0 : i32
    %c0_i32_1 = arith.constant 0 : i32
    return %c0_i32, %c0_i32_0 : i32, i32
  }
  func.func @transform_7(%arg0: i32) -> (i32, i32) {
    %c0_i32 = arith.constant 0 : i32
    %c0_i32_0 = arith.constant 0 : i32
    %c0_i32_1 = arith.constant 0 : i32
    return %c0_i32, %c0_i32_0 : i32, i32
  }
  func.func @transform_8(%arg0: i32) -> (i32, i32) {
    %c0_i32 = arith.constant 0 : i32
    %c0_i32_0 = arith.constant 0 : i32
    %c0_i32_1 = arith.constant 0 : i32
    return %c0_i32, %c0_i32_0 : i32, i32
  }
  func.func @transform_9(%arg0: i32) -> (i32, i32) {
    %c0_i32 = arith.constant 0 : i32
    %c0_i32_0 = arith.constant 0 : i32
    %c0_i32_1 = arith.constant 0 : i32
    return %c0_i32, %c0_i32_0 : i32, i32
  }
  func.func @transform_10(%arg0: i32) -> (i32, i32) {
    %c0_i32 = arith.constant 0 : i32
    %c0_i32_0 = arith.constant 0 : i32
    %c0_i32_1 = arith.constant 0 : i32
    return %c0_i32, %c0_i32_0 : i32, i32
  }
  func.func @transform_11(%arg0: i32) -> (i32, i32) {
    %c0_i32 = arith.constant 0 : i32
    %c0_i32_0 = arith.constant 0 : i32
    %c0_i32_1 = arith.constant 0 : i32
    return %c0_i32, %c0_i32_0 : i32, i32
  }
  func.func @transform_12(%arg0: i32) -> (i32, i32) {
    %c0_i32 = arith.constant 0 : i32
    %c0_i32_0 = arith.constant 0 : i32
    %c0_i32_1 = arith.constant 0 : i32
    return %c0_i32, %c0_i32_0 : i32, i32
  }
  func.func @transform_13(%arg0: i32) -> (i32, i32) {
    %c0_i32 = arith.constant 0 : i32
    %c0_i32_0 = arith.constant 0 : i32
    return %arg0, %c0_i32 : i32, i32
  }
  func.func @transform_14(%arg0: i32) -> (i32, i32) {
    %c0_i32 = arith.constant 0 : i32
    %c0_i32_0 = arith.constant 0 : i32
    return %arg0, %c0_i32 : i32, i32
  }
  func.func @transform_15(%arg0: i32) -> (i32, i32) {
    %c0_i32 = arith.constant 0 : i32
    %c0_i32_0 = arith.constant 0 : i32
    %c0_i32_1 = arith.constant 0 : i32
    return %c0_i32, %c0_i32_0 : i32, i32
  }
  func.func @transform_16(%arg0: i32) -> (i32, i32) {
    %c0_i32 = arith.constant 0 : i32
    %c0_i32_0 = arith.constant 0 : i32
    return %arg0, %c0_i32 : i32, i32
  }
}

module attributes {stable_mosaic.version = 14 : i64} {
  func.func @_node_body(%arg0: i32, %arg1: memref<2000x64xf32, #tpu.memory_space<vmem>>, %arg2: memref<2000x64xf32, #tpu.memory_space<vmem>>, %arg3: memref<2x2000x64xf32, #tpu.memory_space<vmem>>, %arg4: memref<64x64xf32, #tpu.memory_space<vmem>>, %arg5: memref<64x64xf32, #tpu.memory_space<vmem>>, %arg6: memref<64x64xf32, #tpu.memory_space<vmem>>, %arg7: memref<1x64xf32, #tpu.memory_space<vmem>>, %arg8: memref<64x64xf32, #tpu.memory_space<vmem>>, %arg9: memref<1x64xf32, #tpu.memory_space<vmem>>, %arg10: memref<64x64xf32, #tpu.memory_space<vmem>>, %arg11: memref<1x64xf32, #tpu.memory_space<vmem>>, %arg12: memref<64x64xf32, #tpu.memory_space<vmem>>, %arg13: memref<64x64xf32, #tpu.memory_space<vmem>>, %arg14: memref<64x64xf32, #tpu.memory_space<vmem>>, %arg15: memref<64x64xf32, #tpu.memory_space<vmem>>, %arg16: memref<64x128xf32, #tpu.memory_space<vmem>>, %arg17: memref<1x128xf32, #tpu.memory_space<vmem>>, %arg18: memref<2000x64xf32, #tpu.memory_space<vmem>>, %arg19: memref<2000x128xf32, #tpu.memory_space<vmem>>, %arg20: memref<1x64xf32, #tpu.memory_space<vmem>>, %arg21: memref<2000x128xf32, #tpu.memory_space<vmem>>) attributes {dimension_semantics = [#tpu.dimension_semantics<arbitrary>], iteration_bounds = array<i64: 5>, scalar_prefetch = 0 : i64, scratch_operands = 0 : i64, tpu.core_type = #tpu.core_type<tc>, window_params = [{transform_indices = @transform_0, window_bounds = array<i64: 2000, 64>}, {transform_indices = @transform_1, window_bounds = array<i64: 2000, 64>}, {transform_indices = @transform_2, window_bounds = array<i64: 2, 2000, 64>}, {pipeline_mode = #tpu.pipeline_mode<synchronous>, transform_indices = @transform_3, window_bounds = array<i64: 64, 64>}, {pipeline_mode = #tpu.pipeline_mode<synchronous>, transform_indices = @transform_4, window_bounds = array<i64: 64, 64>}, {pipeline_mode = #tpu.pipeline_mode<synchronous>, transform_indices = @transform_5, window_bounds = array<i64: 64, 64>}, {pipeline_mode = #tpu.pipeline_mode<synchronous>, transform_indices = @transform_6, window_bounds = array<i64: 1, 64>}, {pipeline_mode = #tpu.pipeline_mode<synchronous>, transform_indices = @transform_7, window_bounds = array<i64: 64, 64>}, {pipeline_mode = #tpu.pipeline_mode<synchronous>, transform_indices = @transform_8, window_bounds = array<i64: 1, 64>}, {pipeline_mode = #tpu.pipeline_mode<synchronous>, transform_indices = @transform_9, window_bounds = array<i64: 64, 64>}, {pipeline_mode = #tpu.pipeline_mode<synchronous>, transform_indices = @transform_10, window_bounds = array<i64: 1, 64>}, {pipeline_mode = #tpu.pipeline_mode<synchronous>, transform_indices = @transform_11, window_bounds = array<i64: 64, 64>}, {pipeline_mode = #tpu.pipeline_mode<synchronous>, transform_indices = @transform_12, window_bounds = array<i64: 64, 64>}, {pipeline_mode = #tpu.pipeline_mode<synchronous>, transform_indices = @transform_13, window_bounds = array<i64: 64, 64>}, {pipeline_mode = #tpu.pipeline_mode<synchronous>, transform_indices = @transform_14, window_bounds = array<i64: 64, 64>}, {pipeline_mode = #tpu.pipeline_mode<synchronous>, transform_indices = @transform_15, window_bounds = array<i64: 64, 128>}, {pipeline_mode = #tpu.pipeline_mode<synchronous>, transform_indices = @transform_16, window_bounds = array<i64: 1, 128>}, {transform_indices = @transform_17, window_bounds = array<i64: 2000, 64>}, {transform_indices = @transform_18, window_bounds = array<i64: 2000, 128>}, {pipeline_mode = #tpu.pipeline_mode<synchronous>, transform_indices = @transform_19, window_bounds = array<i64: 1, 64>}, {transform_indices = @transform_20, window_bounds = array<i64: 2000, 128>}]} {
    %get3A = arith.constant 0 : index
    %get3A_0 = arith.constant 0 : index
    %get3A_1 = vector.load %arg1[%get3A, %get3A_0] : memref<2000x64xf32, #tpu.memory_space<vmem>>, vector<2000x64xf32>
    %get3A_2 = arith.constant 0 : index
    %get3A_3 = arith.constant 0 : index
    %get3A_4 = arith.constant 0 : index
    %get3A_5 = vector.load %arg3[%get3A_2, %get3A_3, %get3A_4] : memref<2x2000x64xf32, #tpu.memory_space<vmem>>, vector<1x2000x64xf32>
    %get3A_6 = vector.shape_cast %get3A_5 : vector<1x2000x64xf32> to vector<2000x64xf32>
    %get3A_7 = arith.constant 1 : index
    %get3A_8 = arith.constant 0 : index
    %get3A_9 = arith.constant 0 : index
    %get3A_10 = vector.load %arg3[%get3A_7, %get3A_8, %get3A_9] : memref<2x2000x64xf32, #tpu.memory_space<vmem>>, vector<1x2000x64xf32>
    %get3A_11 = vector.shape_cast %get3A_10 : vector<1x2000x64xf32> to vector<2000x64xf32>
    %add3A = arith.addf %get3A_6, %get3A_11 : vector<2000x64xf32>
    %get3A_12 = arith.constant 0 : index
    %get3A_13 = arith.constant 0 : index
    %get3A_14 = vector.load %arg4[%get3A_12, %get3A_13] : memref<64x64xf32, #tpu.memory_space<vmem>>, vector<64x64xf32>
    %dot_general3A = arith.constant dense<0.000000e+00> : vector<2000x64xf32>
    %dot_general3A_15 = tpu.matmul %get3A_1, %get3A_14, %dot_general3A {dimension_numbers = #tpu.dot_dimension_numbers<[1], [0], [0], [1], [0, 0, 1, 1], [], []>, transpose_lhs_hint = false} : vector<2000x64xf32>, vector<64x64xf32>, vector<2000x64xf32> -> vector<2000x64xf32>
    %get3A_16 = arith.constant 0 : index
    %get3A_17 = arith.constant 0 : index
    %get3A_18 = vector.load %arg2[%get3A_16, %get3A_17] : memref<2000x64xf32, #tpu.memory_space<vmem>>, vector<2000x64xf32>
    %get3A_19 = arith.constant 0 : index
    %get3A_20 = arith.constant 0 : index
    %get3A_21 = vector.load %arg5[%get3A_19, %get3A_20] : memref<64x64xf32, #tpu.memory_space<vmem>>, vector<64x64xf32>
    %dot_general3A_22 = arith.constant dense<0.000000e+00> : vector<2000x64xf32>
    %dot_general3A_23 = tpu.matmul %get3A_18, %get3A_21, %dot_general3A_22 {dimension_numbers = #tpu.dot_dimension_numbers<[1], [0], [0], [1], [0, 0, 1, 1], [], []>, transpose_lhs_hint = false} : vector<2000x64xf32>, vector<64x64xf32>, vector<2000x64xf32> -> vector<2000x64xf32>
    %add3A_24 = arith.addf %dot_general3A_15, %dot_general3A_23 : vector<2000x64xf32>
    %get3A_25 = arith.constant 0 : index
    %get3A_26 = arith.constant 0 : index
    %get3A_27 = vector.load %arg6[%get3A_25, %get3A_26] : memref<64x64xf32, #tpu.memory_space<vmem>>, vector<64x64xf32>
    %dot_general3A_28 = arith.constant dense<0.000000e+00> : vector<2000x64xf32>
    %dot_general3A_29 = tpu.matmul %add3A, %get3A_27, %dot_general3A_28 {dimension_numbers = #tpu.dot_dimension_numbers<[1], [0], [0], [1], [0, 0, 1, 1], [], []>, transpose_lhs_hint = false} : vector<2000x64xf32>, vector<64x64xf32>, vector<2000x64xf32> -> vector<2000x64xf32>
    %add3A_30 = arith.addf %add3A_24, %dot_general3A_29 : vector<2000x64xf32>
    %get3A_31 = arith.constant 0 : index
    %get3A_32 = arith.constant 0 : index
    %get3A_33 = vector.load %arg7[%get3A_31, %get3A_32] : memref<1x64xf32, #tpu.memory_space<vmem>>, vector<1x64xf32>
    %add3A_34 = vector.broadcast %get3A_33 : vector<1x64xf32> to vector<2000x64xf32>
    %add3A_35 = arith.addf %add3A_30, %add3A_34 : vector<2000x64xf32>
    %max3A = arith.constant 0.000000e+00 : f32
    %max3A_36 = vector.broadcast %max3A : f32 to vector<2000x64xf32>
    %max3A_37 = arith.maximumf %add3A_35, %max3A_36 : vector<2000x64xf32>
    %get3A_38 = arith.constant 0 : index
    %get3A_39 = arith.constant 0 : index
    %get3A_40 = vector.load %arg8[%get3A_38, %get3A_39] : memref<64x64xf32, #tpu.memory_space<vmem>>, vector<64x64xf32>
    %dot_general3A_41 = arith.constant dense<0.000000e+00> : vector<2000x64xf32>
    %dot_general3A_42 = tpu.matmul %max3A_37, %get3A_40, %dot_general3A_41 {dimension_numbers = #tpu.dot_dimension_numbers<[1], [0], [0], [1], [0, 0, 1, 1], [], []>, transpose_lhs_hint = false} : vector<2000x64xf32>, vector<64x64xf32>, vector<2000x64xf32> -> vector<2000x64xf32>
    %get3A_43 = arith.constant 0 : index
    %get3A_44 = arith.constant 0 : index
    %get3A_45 = vector.load %arg9[%get3A_43, %get3A_44] : memref<1x64xf32, #tpu.memory_space<vmem>>, vector<1x64xf32>
    %add3A_46 = vector.broadcast %get3A_45 : vector<1x64xf32> to vector<2000x64xf32>
    %add3A_47 = arith.addf %dot_general3A_42, %add3A_46 : vector<2000x64xf32>
    %max3A_48 = arith.constant 0.000000e+00 : f32
    %max3A_49 = vector.broadcast %max3A_48 : f32 to vector<2000x64xf32>
    %max3A_50 = arith.maximumf %add3A_47, %max3A_49 : vector<2000x64xf32>
    %reduce_sum3A = arith.constant dense<0.000000e+00> : vector<2000xf32>
    %reduce_sum3A_51 = vector.multi_reduction <add>, %max3A_50, %reduce_sum3A [1] : vector<2000x64xf32> to vector<2000xf32>
    %broadcast_in_dim3A = vector.shape_cast %reduce_sum3A_51 : vector<2000xf32> to vector<2000x1xf32>
    %div3A = arith.constant 6.400000e+01 : f32
    %div3A_52 = vector.broadcast %div3A : f32 to vector<2000x1xf32>
    %div3A_53 = arith.divf %broadcast_in_dim3A, %div3A_52 : vector<2000x1xf32>
    %jit3A = arith.constant 0 : i32
    %reduce_sum3A_54 = arith.constant dense<0.000000e+00> : vector<2000xf32>
    %reduce_sum3A_55 = vector.multi_reduction <add>, %max3A_50, %reduce_sum3A_54 [1] : vector<2000x64xf32> to vector<2000xf32>
    %broadcast_in_dim3A_56 = vector.shape_cast %reduce_sum3A_55 : vector<2000xf32> to vector<2000x1xf32>
    %div3A_57 = arith.constant 6.400000e+01 : f32
    %div3A_58 = vector.broadcast %div3A_57 : f32 to vector<2000x1xf32>
    %div3A_59 = arith.divf %broadcast_in_dim3A_56, %div3A_58 : vector<2000x1xf32>
    %sub3A = vector.broadcast %div3A_59 : vector<2000x1xf32> to vector<2000x64xf32>
    %sub3A_60 = arith.subf %max3A_50, %sub3A : vector<2000x64xf32>
    %square3A = arith.mulf %sub3A_60, %sub3A_60 : vector<2000x64xf32>
    %convert_element_type3A = arith.sitofp %jit3A : i32 to f32
    %sub3A_61 = arith.constant 6.400000e+01 : f32
    %sub3A_62 = arith.subf %sub3A_61, %convert_element_type3A : f32
    %reduce_sum3A_63 = arith.constant dense<0.000000e+00> : vector<2000xf32>
    %reduce_sum3A_64 = vector.multi_reduction <add>, %square3A, %reduce_sum3A_63 [1] : vector<2000x64xf32> to vector<2000xf32>
    %broadcast_in_dim3A_65 = vector.shape_cast %reduce_sum3A_64 : vector<2000xf32> to vector<2000x1xf32>
    %div3A_66 = vector.broadcast %sub3A_62 : f32 to vector<2000x1xf32>
    %div3A_67 = arith.divf %broadcast_in_dim3A_65, %div3A_66 : vector<2000x1xf32>
    %gt3A = arith.constant 0.000000e+00 : f32
    %gt3A_68 = arith.cmpf ogt, %sub3A_62, %gt3A : f32
    %jit3A_69 = arith.constant 0x7FC00000 : f32
    %broadcast_in_dim3A_70 = vector.broadcast %jit3A_69 : f32 to vector<2000x1xf32>
    %select_n3A = arith.select %gt3A_68, %div3A_67, %broadcast_in_dim3A_70 : vector<2000x1xf32>
    %sub3A_71 = vector.broadcast %div3A_53 : vector<2000x1xf32> to vector<2000x64xf32>
    %sub3A_72 = arith.subf %max3A_50, %sub3A_71 : vector<2000x64xf32>
    %add3A_73 = arith.constant 9.99999974E-6 : f32
    %add3A_74 = vector.broadcast %add3A_73 : f32 to vector<2000x1xf32>
    %add3A_75 = arith.addf %select_n3A, %add3A_74 : vector<2000x1xf32>
    %sqrt3A = math.sqrt %add3A_75 : vector<2000x1xf32>
    %div3A_76 = vector.broadcast %sqrt3A : vector<2000x1xf32> to vector<2000x64xf32>
    %div3A_77 = arith.divf %sub3A_72, %div3A_76 : vector<2000x64xf32>
    %get3A_78 = arith.constant 0 : index
    %get3A_79 = arith.constant 0 : index
    %get3A_80 = vector.load %arg10[%get3A_78, %get3A_79] : memref<64x64xf32, #tpu.memory_space<vmem>>, vector<64x64xf32>
    %dot_general3A_81 = arith.constant dense<0.000000e+00> : vector<2000x64xf32>
    %dot_general3A_82 = tpu.matmul %div3A_77, %get3A_80, %dot_general3A_81 {dimension_numbers = #tpu.dot_dimension_numbers<[1], [0], [0], [1], [0, 0, 1, 1], [], []>, transpose_lhs_hint = false} : vector<2000x64xf32>, vector<64x64xf32>, vector<2000x64xf32> -> vector<2000x64xf32>
    %get3A_83 = arith.constant 0 : index
    %get3A_84 = arith.constant 0 : index
    %get3A_85 = vector.load %arg11[%get3A_83, %get3A_84] : memref<1x64xf32, #tpu.memory_space<vmem>>, vector<1x64xf32>
    %add3A_86 = vector.broadcast %get3A_85 : vector<1x64xf32> to vector<2000x64xf32>
    %add3A_87 = arith.addf %dot_general3A_82, %add3A_86 : vector<2000x64xf32>
    %max3A_88 = arith.constant 0.000000e+00 : f32
    %max3A_89 = vector.broadcast %max3A_88 : f32 to vector<2000x64xf32>
    %max3A_90 = arith.maximumf %add3A_87, %max3A_89 : vector<2000x64xf32>
    %swap3A = arith.constant 0 : index
    %swap3A_91 = arith.constant 0 : index
    %swap3A_92 = vector.load %arg18[%swap3A, %swap3A_91] : memref<2000x64xf32, #tpu.memory_space<vmem>>, vector<2000x64xf32>
    tpu.vector_store %arg18[%swap3A, %swap3A_91], %max3A_90 {strides = array<i32>} : memref<2000x64xf32, #tpu.memory_space<vmem>>, vector<2000x64xf32>,
    %get3A_93 = arith.constant 0 : index
    %get3A_94 = arith.constant 0 : index
    %get3A_95 = vector.load %arg12[%get3A_93, %get3A_94] : memref<64x64xf32, #tpu.memory_space<vmem>>, vector<64x64xf32>
    %dot_general3A_96 = arith.constant dense<0.000000e+00> : vector<2000x64xf32>
    %dot_general3A_97 = tpu.matmul %get3A_1, %get3A_95, %dot_general3A_96 {dimension_numbers = #tpu.dot_dimension_numbers<[1], [0], [0], [1], [0, 0, 1, 1], [], []>, transpose_lhs_hint = false} : vector<2000x64xf32>, vector<64x64xf32>, vector<2000x64xf32> -> vector<2000x64xf32>
    %get3A_98 = arith.constant 0 : index
    %get3A_99 = arith.constant 0 : index
    %get3A_100 = vector.load %arg13[%get3A_98, %get3A_99] : memref<64x64xf32, #tpu.memory_space<vmem>>, vector<64x64xf32>
    %dot_general3A_101 = arith.constant dense<0.000000e+00> : vector<2000x64xf32>
    %dot_general3A_102 = tpu.matmul %max3A_90, %get3A_100, %dot_general3A_101 {dimension_numbers = #tpu.dot_dimension_numbers<[1], [0], [0], [1], [0, 0, 1, 1], [], []>, transpose_lhs_hint = false} : vector<2000x64xf32>, vector<64x64xf32>, vector<2000x64xf32> -> vector<2000x64xf32>
    %add3A_103 = arith.addf %dot_general3A_97, %dot_general3A_102 : vector<2000x64xf32>
    %get3A_104 = arith.constant 0 : index
    %get3A_105 = arith.constant 0 : index
    %get3A_106 = vector.load %arg14[%get3A_104, %get3A_105] : memref<64x64xf32, #tpu.memory_space<vmem>>, vector<64x64xf32>
    %dot_general3A_107 = arith.constant dense<0.000000e+00> : vector<2000x64xf32>
    %dot_general3A_108 = tpu.matmul %get3A_1, %get3A_106, %dot_general3A_107 {dimension_numbers = #tpu.dot_dimension_numbers<[1], [0], [0], [1], [0, 0, 1, 1], [], []>, transpose_lhs_hint = false} : vector<2000x64xf32>, vector<64x64xf32>, vector<2000x64xf32> -> vector<2000x64xf32>
    %get3A_109 = arith.constant 0 : index
    %get3A_110 = arith.constant 0 : index
    %get3A_111 = vector.load %arg15[%get3A_109, %get3A_110] : memref<64x64xf32, #tpu.memory_space<vmem>>, vector<64x64xf32>
    %dot_general3A_112 = arith.constant dense<0.000000e+00> : vector<2000x64xf32>
    %dot_general3A_113 = tpu.matmul %max3A_90, %get3A_111, %dot_general3A_112 {dimension_numbers = #tpu.dot_dimension_numbers<[1], [0], [0], [1], [0, 0, 1, 1], [], []>, transpose_lhs_hint = false} : vector<2000x64xf32>, vector<64x64xf32>, vector<2000x64xf32> -> vector<2000x64xf32>
    %add3A_114 = arith.addf %dot_general3A_108, %dot_general3A_113 : vector<2000x64xf32>
    %concatenate3A = tpu.concatenate %add3A_103, %add3A_114 in 1 : vector<2000x64xf32>, vector<2000x64xf32> -> vector<2000x128xf32>
    %swap3A_115 = arith.constant 0 : index
    %swap3A_116 = arith.constant 0 : index
    %swap3A_117 = vector.load %arg19[%swap3A_115, %swap3A_116] : memref<2000x128xf32, #tpu.memory_space<vmem>>, vector<2000x128xf32>
    tpu.vector_store %arg19[%swap3A_115, %swap3A_116], %concatenate3A {strides = array<i32>} : memref<2000x128xf32, #tpu.memory_space<vmem>>, vector<2000x128xf32>,
    %reduce_sum3A_118 = arith.constant dense<0.000000e+00> : vector<64xf32>
    %reduce_sum3A_119 = vector.multi_reduction <add>, %div3A_77, %reduce_sum3A_118 [0] : vector<2000x64xf32> to vector<64xf32>
    %broadcast_in_dim3A_120 = vector.shape_cast %reduce_sum3A_119 : vector<64xf32> to vector<1x64xf32>
    %eq3A = arith.constant 0 : i32
    %eq3A_121 = arith.cmpi eq, %arg0, %eq3A : i32
    %convert_element_type3A_122 = arith.extui %eq3A_121 : i1 to i32
    %cond3A = arith.constant 0 : i32
    %cond3A_123 = arith.cmpi ne, %convert_element_type3A_122, %cond3A : i32
    scf.if %cond3A_123 {
      %broadcast_in_dim3A_144 = arith.constant 0.000000e+00 : f32
      %broadcast_in_dim3A_145 = vector.broadcast %broadcast_in_dim3A_144 : f32 to vector<1x64xf32>
      %swap3A_146 = arith.constant 0 : index
      %swap3A_147 = arith.constant 0 : index
      %swap3A_148 = vector.load %arg20[%swap3A_146, %swap3A_147] : memref<1x64xf32, #tpu.memory_space<vmem>>, vector<1x64xf32>
      tpu.vector_store %arg20[%swap3A_146, %swap3A_147], %broadcast_in_dim3A_145 {strides = array<i32>} : memref<1x64xf32, #tpu.memory_space<vmem>>, vector<1x64xf32>,
    } else {
    }
    %get3A_124 = arith.constant 0 : index
    %get3A_125 = arith.constant 0 : index
    %get3A_126 = vector.load %arg20[%get3A_124, %get3A_125] : memref<1x64xf32, #tpu.memory_space<vmem>>, vector<1x64xf32>
    %add3A_127 = arith.addf %get3A_126, %broadcast_in_dim3A_120 : vector<1x64xf32>
    %swap3A_128 = arith.constant 0 : index
    %swap3A_129 = arith.constant 0 : index
    %swap3A_130 = vector.load %arg20[%swap3A_128, %swap3A_129] : memref<1x64xf32, #tpu.memory_space<vmem>>, vector<1x64xf32>
    tpu.vector_store %arg20[%swap3A_128, %swap3A_129], %add3A_127 {strides = array<i32>} : memref<1x64xf32, #tpu.memory_space<vmem>>, vector<1x64xf32>,
    %get3A_131 = arith.constant 0 : index
    %get3A_132 = arith.constant 0 : index
    %get3A_133 = vector.load %arg16[%get3A_131, %get3A_132] : memref<64x128xf32, #tpu.memory_space<vmem>>, vector<64x128xf32>
    %dot_general3A_134 = arith.constant dense<0.000000e+00> : vector<2000x128xf32>
    %dot_general3A_135 = tpu.matmul %max3A_90, %get3A_133, %dot_general3A_134 {dimension_numbers = #tpu.dot_dimension_numbers<[1], [0], [0], [1], [0, 0, 1, 1], [], []>, transpose_lhs_hint = false} : vector<2000x64xf32>, vector<64x128xf32>, vector<2000x128xf32> -> vector<2000x128xf32>
    %get3A_136 = arith.constant 0 : index
    %get3A_137 = arith.constant 0 : index
    %get3A_138 = vector.load %arg17[%get3A_136, %get3A_137] : memref<1x128xf32, #tpu.memory_space<vmem>>, vector<1x128xf32>
    %add3A_139 = vector.broadcast %get3A_138 : vector<1x128xf32> to vector<2000x128xf32>
    %add3A_140 = arith.addf %dot_general3A_135, %add3A_139 : vector<2000x128xf32>
    %swap3A_141 = arith.constant 0 : index
    %swap3A_142 = arith.constant 0 : index
    %swap3A_143 = vector.load %arg21[%swap3A_141, %swap3A_142] : memref<2000x128xf32, #tpu.memory_space<vmem>>, vector<2000x128xf32>
    tpu.vector_store %arg21[%swap3A_141, %swap3A_142], %add3A_140 {strides = array<i32>} : memref<2000x128xf32, #tpu.memory_space<vmem>>, vector<2000x128xf32>,
    return
  }
  func.func @transform_0(%arg0: i32) -> (i32, i32) {
    %c0_i32 = arith.constant 0 : i32
    %c0_i32_0 = arith.constant 0 : i32
    return %arg0, %c0_i32 : i32, i32
  }
  func.func @transform_1(%arg0: i32) -> (i32, i32) {
    %c0_i32 = arith.constant 0 : i32
    %c0_i32_0 = arith.constant 0 : i32
    return %arg0, %c0_i32 : i32, i32
  }
  func.func @transform_2(%arg0: i32) -> (i32, i32, i32) {
    %c0_i32 = arith.constant 0 : i32
    %c0_i32_0 = arith.constant 0 : i32
    %c0_i32_1 = arith.constant 0 : i32
    return %c0_i32, %arg0, %c0_i32_0 : i32, i32, i32
  }
  func.func @transform_3(%arg0: i32) -> (i32, i32) {
    %c0_i32 = arith.constant 0 : i32
    %c0_i32_0 = arith.constant 0 : i32
    %c0_i32_1 = arith.constant 0 : i32
    return %c0_i32, %c0_i32_0 : i32, i32
  }
  func.func @transform_4(%arg0: i32) -> (i32, i32) {
    %c0_i32 = arith.constant 0 : i32
    %c0_i32_0 = arith.constant 0 : i32
    %c0_i32_1 = arith.constant 0 : i32
    return %c0_i32, %c0_i32_0 : i32, i32
  }
  func.func @transform_5(%arg0: i32) -> (i32, i32) {
    %c0_i32 = arith.constant 0 : i32
    %c0_i32_0 = arith.constant 0 : i32
    %c0_i32_1 = arith.constant 0 : i32
    return %c0_i32, %c0_i32_0 : i32, i32
  }
  func.func @transform_6(%arg0: i32) -> (i32, i32) {
    %c0_i32 = arith.constant 0 : i32
    %c0_i32_0 = arith.constant 0 : i32
    %c0_i32_1 = arith.constant 0 : i32
    return %c0_i32, %c0_i32_0 : i32, i32
  }
  func.func @transform_7(%arg0: i32) -> (i32, i32) {
    %c0_i32 = arith.constant 0 : i32
    %c0_i32_0 = arith.constant 0 : i32
    %c0_i32_1 = arith.constant 0 : i32
    return %c0_i32, %c0_i32_0 : i32, i32
  }
  func.func @transform_8(%arg0: i32) -> (i32, i32) {
    %c0_i32 = arith.constant 0 : i32
    %c0_i32_0 = arith.constant 0 : i32
    %c0_i32_1 = arith.constant 0 : i32
    return %c0_i32, %c0_i32_0 : i32, i32
  }
  func.func @transform_9(%arg0: i32) -> (i32, i32) {
    %c0_i32 = arith.constant 0 : i32
    %c0_i32_0 = arith.constant 0 : i32
    %c0_i32_1 = arith.constant 0 : i32
    return %c0_i32, %c0_i32_0 : i32, i32
  }
  func.func @transform_10(%arg0: i32) -> (i32, i32) {
    %c0_i32 = arith.constant 0 : i32
    %c0_i32_0 = arith.constant 0 : i32
    %c0_i32_1 = arith.constant 0 : i32
    return %c0_i32, %c0_i32_0 : i32, i32
  }
  func.func @transform_11(%arg0: i32) -> (i32, i32) {
    %c0_i32 = arith.constant 0 : i32
    %c0_i32_0 = arith.constant 0 : i32
    %c0_i32_1 = arith.constant 0 : i32
    return %c0_i32, %c0_i32_0 : i32, i32
  }
  func.func @transform_12(%arg0: i32) -> (i32, i32) {
    %c0_i32 = arith.constant 0 : i32
    %c0_i32_0 = arith.constant 0 : i32
    %c0_i32_1 = arith.constant 0 : i32
    return %c0_i32, %c0_i32_0 : i32, i32
  }
  func.func @transform_13(%arg0: i32) -> (i32, i32) {
    %c0_i32 = arith.constant 0 : i32
    %c0_i32_0 = arith.constant 0 : i32
    %c0_i32_1 = arith.constant 0 : i32
    return %c0_i32, %c0_i32_0 : i32, i32
  }
  func.func @transform_14(%arg0: i32) -> (i32, i32) {
    %c0_i32 = arith.constant 0 : i32
    %c0_i32_0 = arith.constant 0 : i32
    %c0_i32_1 = arith.constant 0 : i32
    return %c0_i32, %c0_i32_0 : i32, i32
  }
  func.func @transform_15(%arg0: i32) -> (i32, i32) {
    %c0_i32 = arith.constant 0 : i32
    %c0_i32_0 = arith.constant 0 : i32
    %c0_i32_1 = arith.constant 0 : i32
    return %c0_i32, %c0_i32_0 : i32, i32
  }
  func.func @transform_16(%arg0: i32) -> (i32, i32) {
    %c0_i32 = arith.constant 0 : i32
    %c0_i32_0 = arith.constant 0 : i32
    %c0_i32_1 = arith.constant 0 : i32
    return %c0_i32, %c0_i32_0 : i32, i32
  }
  func.func @transform_17(%arg0: i32) -> (i32, i32) {
    %c0_i32 = arith.constant 0 : i32
    %c0_i32_0 = arith.constant 0 : i32
    return %arg0, %c0_i32 : i32, i32
  }
  func.func @transform_18(%arg0: i32) -> (i32, i32) {
    %c0_i32 = arith.constant 0 : i32
    %c0_i32_0 = arith.constant 0 : i32
    return %arg0, %c0_i32 : i32, i32
  }
  func.func @transform_19(%arg0: i32) -> (i32, i32) {
    %c0_i32 = arith.constant 0 : i32
    %c0_i32_0 = arith.constant 0 : i32
    %c0_i32_1 = arith.constant 0 : i32
    return %c0_i32, %c0_i32_0 : i32, i32
  }
  func.func @transform_20(%arg0: i32) -> (i32, i32) {
    %c0_i32 = arith.constant 0 : i32
    %c0_i32_0 = arith.constant 0 : i32
    return %arg0, %c0_i32 : i32, i32
  }
}

module attributes {stable_mosaic.version = 14 : i64} {
  func.func @_glob_body(%arg0: memref<1x64xf32, #tpu.memory_space<vmem>>, %arg1: memref<1x64xf32, #tpu.memory_space<vmem>>, %arg2: memref<1x64xf32, #tpu.memory_space<vmem>>, %arg3: memref<1x64xf32, #tpu.memory_space<vmem>>, %arg4: memref<256x64xf32, #tpu.memory_space<vmem>>, %arg5: memref<1x64xf32, #tpu.memory_space<vmem>>, %arg6: memref<64x64xf32, #tpu.memory_space<vmem>>, %arg7: memref<1x64xf32, #tpu.memory_space<vmem>>, %arg8: memref<64x64xf32, #tpu.memory_space<vmem>>, %arg9: memref<1x64xf32, #tpu.memory_space<vmem>>, %arg10: memref<128x64xf32, #tpu.memory_space<vmem>>, %arg11: memref<1x64xf32, #tpu.memory_space<vmem>>, %arg12: memref<128x64xf32, #tpu.memory_space<vmem>>, %arg13: memref<1x64xf32, #tpu.memory_space<vmem>>, %arg14: memref<64x16xf32, #tpu.memory_space<vmem>>, %arg15: memref<1x16xf32, #tpu.memory_space<vmem>>, %arg16: memref<1x16xf32, #tpu.memory_space<vmem>>) attributes {dimension_semantics = [], scalar_prefetch = 0 : i64, scratch_operands = 0 : i64, tpu.core_type = #tpu.core_type<tc>} {
    %get3A = arith.constant 0 : index
    %get3A_0 = arith.constant 0 : index
    %get3A_1 = vector.load %arg0[%get3A, %get3A_0] : memref<1x64xf32, #tpu.memory_space<vmem>>, vector<1x64xf32>
    %get3A_2 = arith.constant 0 : index
    %get3A_3 = arith.constant 0 : index
    %get3A_4 = vector.load %arg1[%get3A_2, %get3A_3] : memref<1x64xf32, #tpu.memory_space<vmem>>, vector<1x64xf32>
    %concatenate3A = tpu.concatenate %get3A_1, %get3A_4 in 1 : vector<1x64xf32>, vector<1x64xf32> -> vector<1x128xf32>
    %get3A_5 = arith.constant 0 : index
    %get3A_6 = arith.constant 0 : index
    %get3A_7 = vector.load %arg2[%get3A_5, %get3A_6] : memref<1x64xf32, #tpu.memory_space<vmem>>, vector<1x64xf32>
    %get3A_8 = arith.constant 0 : index
    %get3A_9 = arith.constant 0 : index
    %get3A_10 = vector.load %arg3[%get3A_8, %get3A_9] : memref<1x64xf32, #tpu.memory_space<vmem>>, vector<1x64xf32>
    %concatenate3A_11 = tpu.concatenate %concatenate3A, %get3A_7, %get3A_10 in 1 : vector<1x128xf32>, vector<1x64xf32>, vector<1x64xf32> -> vector<1x256xf32>
    %get3A_12 = arith.constant 0 : index
    %get3A_13 = arith.constant 0 : index
    %get3A_14 = vector.load %arg4[%get3A_12, %get3A_13] : memref<256x64xf32, #tpu.memory_space<vmem>>, vector<256x64xf32>
    %dot_general3A = arith.constant dense<0.000000e+00> : vector<1x64xf32>
    %dot_general3A_15 = tpu.matmul %concatenate3A_11, %get3A_14, %dot_general3A {dimension_numbers = #tpu.dot_dimension_numbers<[1], [0], [0], [1], [0, 0, 1, 1], [], []>, transpose_lhs_hint = false} : vector<1x256xf32>, vector<256x64xf32>, vector<1x64xf32> -> vector<1x64xf32>
    %get3A_16 = arith.constant 0 : index
    %get3A_17 = arith.constant 0 : index
    %get3A_18 = vector.load %arg5[%get3A_16, %get3A_17] : memref<1x64xf32, #tpu.memory_space<vmem>>, vector<1x64xf32>
    %add3A = arith.addf %dot_general3A_15, %get3A_18 : vector<1x64xf32>
    %max3A = arith.constant 0.000000e+00 : f32
    %max3A_19 = vector.broadcast %max3A : f32 to vector<1x64xf32>
    %max3A_20 = arith.maximumf %add3A, %max3A_19 : vector<1x64xf32>
    %get3A_21 = arith.constant 0 : index
    %get3A_22 = arith.constant 0 : index
    %get3A_23 = vector.load %arg6[%get3A_21, %get3A_22] : memref<64x64xf32, #tpu.memory_space<vmem>>, vector<64x64xf32>
    %dot_general3A_24 = arith.constant dense<0.000000e+00> : vector<1x64xf32>
    %dot_general3A_25 = tpu.matmul %max3A_20, %get3A_23, %dot_general3A_24 {dimension_numbers = #tpu.dot_dimension_numbers<[1], [0], [0], [1], [0, 0, 1, 1], [], []>, transpose_lhs_hint = false} : vector<1x64xf32>, vector<64x64xf32>, vector<1x64xf32> -> vector<1x64xf32>
    %get3A_26 = arith.constant 0 : index
    %get3A_27 = arith.constant 0 : index
    %get3A_28 = vector.load %arg7[%get3A_26, %get3A_27] : memref<1x64xf32, #tpu.memory_space<vmem>>, vector<1x64xf32>
    %add3A_29 = arith.addf %dot_general3A_25, %get3A_28 : vector<1x64xf32>
    %max3A_30 = arith.constant 0.000000e+00 : f32
    %max3A_31 = vector.broadcast %max3A_30 : f32 to vector<1x64xf32>
    %max3A_32 = arith.maximumf %add3A_29, %max3A_31 : vector<1x64xf32>
    %reduce_sum3A = arith.constant dense<0.000000e+00> : vector<1xf32>
    %reduce_sum3A_33 = vector.multi_reduction <add>, %max3A_32, %reduce_sum3A [1] : vector<1x64xf32> to vector<1xf32>
    %broadcast_in_dim3A = vector.shape_cast %reduce_sum3A_33 : vector<1xf32> to vector<1x1xf32>
    %div3A = arith.constant 6.400000e+01 : f32
    %div3A_34 = vector.broadcast %div3A : f32 to vector<1x1xf32>
    %div3A_35 = arith.divf %broadcast_in_dim3A, %div3A_34 : vector<1x1xf32>
    %jit3A = arith.constant 0 : i32
    %reduce_sum3A_36 = arith.constant dense<0.000000e+00> : vector<1xf32>
    %reduce_sum3A_37 = vector.multi_reduction <add>, %max3A_32, %reduce_sum3A_36 [1] : vector<1x64xf32> to vector<1xf32>
    %broadcast_in_dim3A_38 = vector.shape_cast %reduce_sum3A_37 : vector<1xf32> to vector<1x1xf32>
    %div3A_39 = arith.constant 6.400000e+01 : f32
    %div3A_40 = vector.broadcast %div3A_39 : f32 to vector<1x1xf32>
    %div3A_41 = arith.divf %broadcast_in_dim3A_38, %div3A_40 : vector<1x1xf32>
    %sub3A = vector.broadcast %div3A_41 : vector<1x1xf32> to vector<1x64xf32>
    %sub3A_42 = arith.subf %max3A_32, %sub3A : vector<1x64xf32>
    %square3A = arith.mulf %sub3A_42, %sub3A_42 : vector<1x64xf32>
    %convert_element_type3A = arith.sitofp %jit3A : i32 to f32
    %sub3A_43 = arith.constant 6.400000e+01 : f32
    %sub3A_44 = arith.subf %sub3A_43, %convert_element_type3A : f32
    %reduce_sum3A_45 = arith.constant dense<0.000000e+00> : vector<1xf32>
    %reduce_sum3A_46 = vector.multi_reduction <add>, %square3A, %reduce_sum3A_45 [1] : vector<1x64xf32> to vector<1xf32>
    %broadcast_in_dim3A_47 = vector.shape_cast %reduce_sum3A_46 : vector<1xf32> to vector<1x1xf32>
    %div3A_48 = vector.broadcast %sub3A_44 : f32 to vector<1x1xf32>
    %div3A_49 = arith.divf %broadcast_in_dim3A_47, %div3A_48 : vector<1x1xf32>
    %gt3A = arith.constant 0.000000e+00 : f32
    %gt3A_50 = arith.cmpf ogt, %sub3A_44, %gt3A : f32
    %jit3A_51 = arith.constant 0x7FC00000 : f32
    %broadcast_in_dim3A_52 = vector.broadcast %jit3A_51 : f32 to vector<1x1xf32>
    %select_n3A = arith.select %gt3A_50, %div3A_49, %broadcast_in_dim3A_52 : vector<1x1xf32>
    %sub3A_53 = vector.broadcast %div3A_35 : vector<1x1xf32> to vector<1x64xf32>
    %sub3A_54 = arith.subf %max3A_32, %sub3A_53 : vector<1x64xf32>
    %add3A_55 = arith.constant 9.99999974E-6 : f32
    %add3A_56 = vector.broadcast %add3A_55 : f32 to vector<1x1xf32>
    %add3A_57 = arith.addf %select_n3A, %add3A_56 : vector<1x1xf32>
    %sqrt3A = math.sqrt %add3A_57 : vector<1x1xf32>
    %div3A_58 = vector.broadcast %sqrt3A : vector<1x1xf32> to vector<1x64xf32>
    %div3A_59 = arith.divf %sub3A_54, %div3A_58 : vector<1x64xf32>
    %get3A_60 = arith.constant 0 : index
    %get3A_61 = arith.constant 0 : index
    %get3A_62 = vector.load %arg8[%get3A_60, %get3A_61] : memref<64x64xf32, #tpu.memory_space<vmem>>, vector<64x64xf32>
    %dot_general3A_63 = arith.constant dense<0.000000e+00> : vector<1x64xf32>
    %dot_general3A_64 = tpu.matmul %div3A_59, %get3A_62, %dot_general3A_63 {dimension_numbers = #tpu.dot_dimension_numbers<[1], [0], [0], [1], [0, 0, 1, 1], [], []>, transpose_lhs_hint = false} : vector<1x64xf32>, vector<64x64xf32>, vector<1x64xf32> -> vector<1x64xf32>
    %get3A_65 = arith.constant 0 : index
    %get3A_66 = arith.constant 0 : index
    %get3A_67 = vector.load %arg9[%get3A_65, %get3A_66] : memref<1x64xf32, #tpu.memory_space<vmem>>, vector<1x64xf32>
    %add3A_68 = arith.addf %dot_general3A_64, %get3A_67 : vector<1x64xf32>
    %max3A_69 = arith.constant 0.000000e+00 : f32
    %max3A_70 = vector.broadcast %max3A_69 : f32 to vector<1x64xf32>
    %max3A_71 = arith.maximumf %add3A_68, %max3A_70 : vector<1x64xf32>
    %get3A_72 = arith.constant 0 : index
    %get3A_73 = arith.constant 0 : index
    %get3A_74 = vector.load %arg14[%get3A_72, %get3A_73] : memref<64x16xf32, #tpu.memory_space<vmem>>, vector<64x16xf32>
    %dot_general3A_75 = arith.constant dense<0.000000e+00> : vector<1x16xf32>
    %dot_general3A_76 = tpu.matmul %max3A_71, %get3A_74, %dot_general3A_75 {dimension_numbers = #tpu.dot_dimension_numbers<[1], [0], [0], [1], [0, 0, 1, 1], [], []>, transpose_lhs_hint = false} : vector<1x64xf32>, vector<64x16xf32>, vector<1x16xf32> -> vector<1x16xf32>
    %get3A_77 = arith.constant 0 : index
    %get3A_78 = arith.constant 0 : index
    %get3A_79 = vector.load %arg15[%get3A_77, %get3A_78] : memref<1x16xf32, #tpu.memory_space<vmem>>, vector<1x16xf32>
    %add3A_80 = arith.addf %dot_general3A_76, %get3A_79 : vector<1x16xf32>
    %swap3A = arith.constant 0 : index
    %swap3A_81 = arith.constant 0 : index
    %swap3A_82 = vector.load %arg16[%swap3A, %swap3A_81] : memref<1x16xf32, #tpu.memory_space<vmem>>, vector<1x16xf32>
    tpu.vector_store %arg16[%swap3A, %swap3A_81], %add3A_80 {strides = array<i32>} : memref<1x16xf32, #tpu.memory_space<vmem>>, vector<1x16xf32>,
    return
  }
}

</mosaic_0001>

<sc_bundles>
// kernel: gather_offload_async_start
scs
__scs_entry_jumppad:
0x0: {  	(pc) =	sbr.rel $0x88, $3  }
0x1: {  	(tag) =	ssettag $0x0;
	lr =	simm.s32 $0x1  }
0x2: {  	[smem:$0x3F7F] =	sst lr;
	_ =	strace $0xD0000000  }
0x3: {  	_ = 	snop  }
0x4: {  	_ = 	snop  }
0x5: {  	_ = 	snop  }
0x6: {  	_ = 	snop  }
0x7: {  	_ = 	snop  }
__scs_overlays_trampoline_lowered:
0x8: {  	[smem:$0x3F8E] =	sst s0  }
0x9: {  	[smem:$0x3F8F] =	sst s1  }
0xa: {  	[smem:$0x3F90] =	sst s2  }
0xb: {  	[smem:$0x3F91] =	sst s3  }
0xc: {  	[smem:$0x3F92] =	sst s4  }
0xd: {  	[smem:$0x3F93] =	sst s5  }
0xe: {  	[smem:$0x3F94] =	sst s6  }
0xf: {  	[smem:$0x3F95] =	sst s7  }
0x10: {  	[smem:$0x3F96] =	sst s8  }
0x11: {  	[smem:$0x3F97] =	sst s9;
	s0 =	simm.s32 @!p0 $0x0  }
0x12: {  	s1 =	sld [smem:$0x3F7D];
	s0 =	simm.s32 @p0 $0x1  }
0x13: {  	[smem:$0x3F98] =	sst s0;
	s0 =	simm.s32 @!p1 $0x0  }
0x14: {  	s2 =	sld [smem:$0x3F7C];
	s0 =	simm.s32 @p1 $0x1  }
0x15: {  	[smem:$0x3F99] =	sst s0;
	s0 =	simm.s32 @!p2 $0x0  }
0x16: {  	s3 =	sld [smem:$0x3FDB];
	s0 =	simm.s32 @p2 $0x1  }
0x17: {  	s4 =	simm.s32 $0x1BF5;
	[smem:$0x3F9B] =	sst s0  }
0x18: {  	s0 =	sld [smem:$0x3F7E];
	_ =	swait.ge [sflag:s4], $0x0  }
0x19: {  	s7 =	sld [smem:$0x3F7F]  }
0x1a: {  	s8 =	sadd.s32 $0xFFFFE003, lr  }
0x1b: {  	s9 =	sadd.s32 $0xFFFFFEF7, lr;
	s5 =	simm.s32 $0xFFFFFFFF;
	p2 =	slt.u32 s8, $0xFFFFF086  }
0x1c: {  	p1 =	slt.u32 s9, $0xF7A;
	s5 =	simm.s32 @!p2 $0x0  }
0x1d: {  	s5 =	simm.s32 @p1 $0x1;
	p0 =	seq.s32 s7, s2  }
0x1e: {  	s7 =	smul.u32 @!p0 $0xF7A, s2;
	p2 =	seq.s32 @!p0 s5, $0x0  }
0x1f: {  	s9 =	smul.u32 $0xF7A, s1;
	s8 =	simm.s32 @!p0 $0x1BF5;
	p2 =	por !p2, p0  }
0x20: {  	[sflag:s8] =	ssyncset.s32 @!p0 $0xFFFFF086;
	s6 =	sadd.s32 @!p0 s3, s7;
	s7 =	simm.s32 @!p0 $0x108  }
0x21: {  	s3 =	sadd.s32 s3, s9;
	s6 =	sadd.s32 @!p0 $0x88, s6;
	s7 =	simm.s32 @p2 $0x1082  }
0x22: {  	[simem:s7], [sflag:s8] =	dma.local @!p0 [hbm:s6], $0xF7A  }
0x23: {  	s9 =	sor.u32 $0xD0000000, s2;
	s6 =	simm.s32 $0x108;
	_ =	swait.ge @!p0 [sflag:s8], $0x0  }
0x24: {  	s3 =	sadd.s32 $0x88, s3;
	s6 =	simm.s32 @!p1 $0x1082;
	[sflag:s4] =	ssyncset.s32 $0xFFFFF086  }
0x25: {  	[simem:s6], [sflag:s4] =	dma.local [hbm:s3], $0xF7A  }
0x26: {  	[smem:$0x3F7F] =	sst s1;
	(tag) =	ssettag s2;
	_ =	strace s9  }
0x27: {  	s1 =	sld [smem:$0x3F8F]  }
0x28: {  	s2 =	sld [smem:$0x3F90]  }
0x29: {  	s4 =	sld [smem:$0x3F92]  }
0x2a: {  	p0 =	seq.s32 s5, $0x0;
	s5 =	sld [smem:$0x3F93]  }
0x2b: {  	s6 =	sld [smem:$0x3F94]  }
0x2c: {  	s7 =	sld [smem:$0x3F95]  }
0x2d: {  	s3 =	simm.s32 $0x108;
	s8 =	sld [smem:$0x3F96]  }
0x2e: {  	s3 =	simm.s32 @!p0 $0x1082;
	s9 =	sld [smem:$0x3F97]  }
0x2f: {  	lr =	sadd.s32 s0, s3;
	s0 =	sld [smem:$0x3F8E]  }
0x30: {  	s3 =	sld [smem:$0x3F91]  }
0x31: {  	[smem:$0x3F9A] =	sst s10  }
0x32: {  	s10 =	sld [smem:$0x3F98];
	_ =	sdelay $0x3  }
0x33: {  	p0 =	seq.s32 s10, $0x1;
	s10 =	sld [smem:$0x3F9A];
	_ =	sdelay $0x3  }
0x34: {  	[smem:$0x3F9A] =	sst s10  }
0x35: {  	s10 =	sld [smem:$0x3F99];
	_ =	sdelay $0x3  }
0x36: {  	p1 =	seq.s32 s10, $0x1;
	s10 =	sld [smem:$0x3F9A];
	_ =	sdelay $0x3  }
0x37: {  	[smem:$0x3F9A] =	sst s10  }
0x38: {  	s10 =	sld [smem:$0x3F9B]  }
0x39: {  	_ = 	snop;
	(pc) =	sbr.ind lr, $3  }
0x3a: {  	_ = 	snop  }
0x3b: {  	_ = 	snop  }
0x3c: {  	p2 =	seq.s32 s10, $0x1;
	s10 =	sld [smem:$0x3F9A]  }
0x3d: {  	_ =	shalt  }
0x3e: {  	_ =	shalt  }
0x3f: {  	_ =	shalt  }
0x40: {  	_ =	shalt  }
0x41: {  	_ =	shalt  }
0x42: {  	_ =	shalt  }
0x43: {  	_ =	shalt  }
0x44: {  	_ =	shalt  }
0x45: {  	_ =	shalt  }
0x46: {  	_ =	shalt  }
0x47: {  	_ =	shalt  }
0x48: {  	_ =	shalt  }
0x49: {  	_ =	shalt  }
0x4a: {  	_ =	shalt  }
0x4b: {  	_ =	shalt  }
0x4c: {  	_ =	shalt  }
0x4d: {  	_ =	shalt  }
0x4e: {  	_ =	shalt  }
0x4f: {  	_ =	shalt  }
0x50: {  	_ =	shalt  }
0x51: {  	_ =	shalt  }
0x52: {  	_ =	shalt  }
0x53: {  	_ =	shalt  }
0x54: {  	_ =	shalt  }
0x55: {  	_ =	shalt  }
0x56: {  	_ =	shalt  }
0x57: {  	_ =	shalt  }
0x58: {  	_ =	shalt  }
0x59: {  	_ =	shalt  }
0x5a: {  	_ =	shalt  }
0x5b: {  	_ =	shalt  }
0x5c: {  	_ =	shalt  }
0x5d: {  	_ =	shalt  }
0x5e: {  	_ =	shalt  }
0x5f: {  	_ =	shalt  }
0x60: {  	_ =	shalt  }
0x61: {  	_ =	shalt  }
0x62: {  	_ =	shalt  }
0x63: {  	_ =	shalt  }
0x64: {  	_ =	shalt  }
0x65: {  	_ =	shalt  }
0x66: {  	_ =	shalt  }
0x67: {  	_ =	shalt  }
0x68: {  	_ =	shalt  }
0x69: {  	_ =	shalt  }
0x6a: {  	_ =	shalt  }
0x6b: {  	_ =	shalt  }
0x6c: {  	_ =	shalt  }
0x6d: {  	_ =	shalt  }
0x6e: {  	_ =	shalt  }
0x6f: {  	_ =	shalt  }
0x70: {  	_ =	shalt  }
0x71: {  	_ =	shalt  }
0x72: {  	_ =	shalt  }
0x73: {  	_ =	shalt  }
0x74: {  	_ =	shalt  }
0x75: {  	_ =	shalt  }
0x76: {  	_ =	shalt  }
0x77: {  	_ =	shalt  }
0x78: {  	_ =	shalt  }
0x79: {  	_ =	shalt  }
0x7a: {  	_ =	shalt  }
0x7b: {  	_ =	shalt  }
0x7c: {  	_ =	shalt  }
0x7d: {  	_ =	shalt  }
0x7e: {  	_ =	shalt  }
0x7f: {  	_ =	shalt  }
0x80: {  	_ =	shalt  }
0x81: {  	_ =	shalt  }
0x82: {  	_ =	shalt  }
0x83: {  	_ =	shalt  }
0x84: {  	_ =	shalt  }
0x85: {  	_ =	shalt  }
0x86: {  	_ =	shalt  }
0x87: {  	_ =	shalt  }
.Lfunc_end0:
.L_simem_size_0:
called_computation_lowered:
.L_overlay_start_0:
0x88: {  	s2 =	sld [smem:$0x3FD9]  }
0x89: {  	s3 =	sld [smem:$0x3FFE];
	_ =	sdelay $0x1  }
0x8a: {  	s1 =	srdreg.scid  }
0x8b: {  	s0 =	sand.u32 $0x1, s1  }
0x8c: {  	s14 =	sshll.u32 s0, $0xA;
	s2 =	sadd.s32 s3, s2  }
0x8d: {  	s2 =	sadd.s32 s2, s14  }
0x8e: {  	[smem:$0x3FA6] =	sst s2  }
0x8f: {  	_ = 	snop  }
0x90: {  	s2 =	sld [smem:$0x3FD0];
	_ =	sdelay $0x2  }
0x91: {  	s15 =	simm.s32 $0xB;
	s4 =	simm.s32 $0x10  }
0x92: {  	[smem:s4], [sflag:s15] =	dma.local [hbm:s2], $0x1  }
0x93: {  	_ =	swait.eq [sflag:s15], $0x1  }
0x94: {  	[sflag:s15] =	ssyncset.done $0x0  }
0x95: {  	[sflag:s15] =	ssyncadd.s32 $0xFFFFFFFF  }
0x96: {  	s16 =	sld [smem:$0x10];
	(tm) =	ssettm $0x1  }
0x97: {  	s17 =	sld [smem:$0x3FFB];
	_ =	sdelay $0x3  }
0x98: {  	_ =	strace s17  }
0x99: {  	s3 =	sld [smem:$0x3FFC];
	_ =	sdelay $0x3  }
0x9a: {  	_ =	strace s3  }
0x9b: {  	s3 =	sld [smem:$0x3FFD];
	_ =	sdelay $0x3  }
0x9c: {  	_ =	strace s3  }
0x9d: {  	_ =	strace $0x8FFFFFFF  }
0x9e: {  	s18 =	sld [smem:$0x3FDB];
	_ =	sdelay $0x1  }
0x9f: {  	s19 =	simm.s32 $_scs_section_size  }
0xa0: {  	s5 =	simm.s32 $_size__tile_overlayer_lowered;
	s6 =	simm.s32 $_tile_overlayer_lowered  }
0xa1: {  	s22 =	simm.s32 $0x1BFF;
	s21 =	sshll.u32 s6, $0x1;
	s3 =	sadd.s32 s19, s18  }
0xa2: {  	s7 =	simm.s32 $0x0;
	s20 =	sshll.u32 s5, $0x1;
	s5 =	sadd.s32 s21, s3  }
0xa3: {  	[timem:s7], [sflag:s22] =	dma.local [hbm:s5], s20  }
0xa4: {  	_ =	swait.ge [sflag:s22], s20  }
0xa5: {  	s4 =	ssub.s32 $0x0, s20;
	[sflag:s22] =	ssyncset.done $0x0  }
0xa6: {  	[sflag:s22] =	ssyncadd.s32 s4;
	_ =	sdelay $0x1  }
0xa7: {  	s23 =	simm.s32 $0x1B8B  }
0xa8: {  	_ =	swait.ge [sflag:s23], $0x1  }
0xa9: {  	[sflag:s23] =	ssyncset.done $0x0  }
0xaa: {  	s25 =	simm.s32 $0x1B8E;
	s24 =	sld [smem:$0x3FFE];
	[sflag:s23] =	ssyncadd.s32 $0xFFFFFFFF  }
0xab: {  	s26 =	simm.s32 $execute0_lowered;
	[smem:$0x3FD2] =	sst s25  }
0xac: {  	s5 =	sshll.u32 s26, $0x1;
	_ =	strace $0x80000046;
	[dreg:$0x1] =	wrdreg $0xFFFFFFFF  }
0xad: {  	s28 =	simm.s32 $_size_execute0_lowered;
	s3 =	sadd.s32 s3, s5;
	[dreg:$0x0] =	wrdreg $0x0  }
0xae: {  	s5 =	sshll.u32 s28, $0x1;
	[dreg:$0x2] =	wrdreg s3  }
0xaf: {  	[dreg:$0x3] =	wrdreg s5  }
0xb0: {  	[dreg:$0x4] =	wrdreg $0xC0  }
0xb1: {  	_ =	task [dreg:s7], $0x5FFFF  }
0xb2: {  	[dreg:$0x1] =	wrdreg $0xFFFFFFFF  }
0xb3: {  	[dreg:$0x0] =	wrdreg $0x60  }
0xb4: {  	[dreg:$0x2] =	wrdreg s16  }
0xb5: {  	[dreg:$0x3] =	wrdreg s24  }
0xb6: {  	[dreg:$0x4] =	wrdreg $0x9  }
0xb7: {  	_ =	task.clear_ibuf [dreg:s7], $0x5FFFF;
	_ =	strace $0x90000046  }
0xb8: {  	s29 =	simm.s32 $0x9;
	_ =	strace $0x80000048  }
0xb9: {  	_ =	swait.ge [sflag:s29], $0x1  }
0xba: {  	[sflag:s29] =	ssyncadd.s32 $0xFFFFFFFF  }
0xbb: {  	_ =	strace $0x90000048  }
0xbc: {  	_ =	sfence  }
0xbd: {  	s30 =	sld [smem:$0x0];
	_ =	sdelay $0x2  }
0xbe: {  	s31 =	sshll.u32 s1, $0xD;
	s1 =	sshrl.u32 s1, $0x2  }
0xbf: {  	s3 =	sand.u32 $0x4000, s31;
	s1 =	sadd.s32 s1, s30  }
0xc0: {  	s0 =	sor.u32 s3, s0;
	s1 =	sshll.u32 s1, $0x11  }
0xc1: {  	s0 =	sor.u32 s1, s0  }
0xc2: {  	s0 =	sadd.s32 $0x8F2B, s0  }
0xc3: {  	[sflag:s0] =	ssyncadd.remote.s32 $0x1  }
0xc4: {  	_ =	sfence.sel $0xFFFF  }
0xc5: {  	[dreg:$0x0] =	wrdreg $0xFFFFFFFF;
	(pc) =	sbr.abs _section_cstart, $3  }
0xc6: {  	[dreg:$0x1] =	wrdreg $0xFFFFFFFF  }
0xc7: {  	_ =	task.clear_ibuf [dreg:s7], $0x2FFFF;
	_ =	strace $0x9FFFFFFF  }
0xc8: {  	(tm) =	ssettm $0x7FFFFFFF  }
0xc9: {  	_ =	shalt  }
tec
execute0_lowered:
.L_overlay_start_1:
0x0: {  	(tag) =	ssettag $0x1  }
0x1: {  	s1 =	srdreg.scid;
	s2 =	rddreg [dreg:$0x0]  }
0x2: {  	s0 =	stileid.u32;
	s5 =	rddreg [dreg:$0x1];
	s6 =	simm.s32 $0x1  }
0x3: {  	s9 =	simm.s32 $0x1;
	s10 =	simm.s32 $0x3;
	s1 =	sshll.u32 s1, $0xC  }
0x4: {  	s13 =	simm.s32 $0x0;
	s3 =	sshll.u32 s0, $0xD;
	s4 =	sand.u32 $0x1000, s1  }
0x5: {  	s12 =	simm.s32 $0x0;
	s1 =	rddreg [dreg:$0x2];
	s3 =	sor.u32 s3, s4  }
0x6: {  	_ =	strace $0x80000047;
	s4 =	sadd.s32 $0x11200, s5;
	s8 =	ssub.s32 $0x28000, s3  }
.Ltmp0:
0x7: {  	s5 =	sadd.s32 $0x47400, s5;
	s7 =	sand.u32 $0x1F000, s8;
	(pc) =	sbr.rel .LBB2_1-.Ltmp0, $4  }
0x8: {  	[sflag:s6] =	ssyncpa.u1 $0x0;
	s11 =	smov.u32 s3;
	p0 =	sne.s32 s7, $0x0  }
0x9: {  	s8 =	sshrl.u32 s8, $0x11;
	s7 =	simm.s32 $0x2;
	s9 =	simm.s32 @!p0 $0x0  }
0xa: {  	[sflag:s7] =	ssyncpa.u1 $0x0;
	p0 =	por $0x0, $0x0;
	s8 =	sadd.s32 s9, s8  }
0xb: {  	vm0 =	vmmov $0xffff;
	[sflag:s10] =	ssyncpa.u1 $0x0;
	s10 =	simm.s32 $0x0;
	s9 =	sadd.s32 $0x1, s8  }
.LBB2_4:
0xc: {  	v2 =	vnsel vm1, $0x0, v2  }
0xd: {  	vm1 =	vgt.s32 v0, $0x0;
	v2 =	vmin.u32 v2, $0x27FFF  }
0xe: {  	v0 =	vnsel vm1, $0x0, v0  }
0xf: {  	v0 =	vmin.u32 v0, $0x27FFF  }
0x10: {  	[tilespmem:s15], [sflag:$0x1] =	stream.indirect_vreg.gather [hbm4b:s2+s10], $0x1, v1, vm0, $0x4038;
	[tilespmem:$0x4000] =	vst v63  }
0x11: {  	(ifvalue) =	ssetifvalue $0x7FFFFFFF  }
0x12: {  	[tilespmem:s16], [sflag:$0x1] =	stream.indirect_vreg.gather [hbm4b:s2+s10], $0x1, v2, vm0, $0x4038;
	[tilespmem:$0x4000] =	vst v63  }
0x13: {  	s29 =	sadd.s32 $0x10, s16;
	(ifvalue) =	ssetifvalue $0x7FFFFFFF  }
0x14: {  	[tilespmem:s29], [sflag:$0x1] =	stream.indirect_vreg.gather [hbm4b:s2+s10], $0x1, v0, vm0, $0x4038;
	[tilespmem:$0x4000] =	vst v63  }
0x15: {  	_ =	swait.ge [sflag:s6], $0x1000  }
0x16: {  	s30 =	sshrl.u32 s13, $0x3;
	[sflag:s6] =	ssyncset.done $0x0  }
0x17: {  	s31 =	sand.u32 $0x7, s13;
	s15 =	sadd.s32 s5, s30;
	[sflag:s6] =	ssyncadd.s32 $0xFFFFF000  }
0x18: {  	[hbm4b:s15+s31] =	stream.linear.scatter [tilespmem:s14], [sflag:$0x3], $0x1000, $0x38;
	[tilespmem:$0x4000] =	vst v63  }
.LBB2_5:
0x19: {  	s15 =	sadd.s32 $0x20000, s11  }
0x1a: {  	p2 =	sgt.s32 s15, $0x27FFF  }
0x1b: {  	s15 =	smov.u32 @p2 s3;
	p2 =	sne.s32 s12, s9  }
.Ltmp1:
0x1c: {  	p1 =	slt.u32 s12, $0x2;
	(pc) =	sbr.rel @!p2 .LBB2_6-.Ltmp1, $4  }
0x1d: {  	s14 =	simm.s32 @!p1 $0x3  }
0x1e: {  	s16 =	sadd.s32 $0x1, s12;
	_ =	swait.ge @!p1 [sflag:s14], $0x1000  }
0x1f: {  	s13 =	smov.u32 s11;
	p0 =	por !p0, !p0;
	[sflag:s14] =	ssyncset.done @!p1 $0x0  }
0x20: {  	s12 =	smov.u32 s16;
	s11 =	smov.u32 s15;
	[sflag:s14] =	ssyncadd.s32 @!p1 $0xFFFFF000  }
.LBB2_1:
0x21: {  	p1 =	sge.u32 s12, s8  }
0x22: {  	s14 =	sxor.u32 @!p1 $0xFFFFFFFF, s12  }
0x23: {  	s31 =	sadd.s32 $0xFFFFFFFF, s12;
	s15 =	sshrl.u32 @!p1 s11, $0x3;
	s14 =	sshll.u32 @!p1 s14, $0xC  }
0x24: {  	s16 =	sand.u32 @!p1 $0x7, s11;
	s15 =	sadd.s32 @!p1 s4, s15;
	s14 =	sand.u32 @!p1 $0x1000, s14  }
0x25: {  	[tilespmem:s14], [sflag:$0x2] =	stream.linear.gather @!p1 [hbm4b:s15+s16], $0x1000, $0x38;
	[tilespmem:$0x4000] =	vst v63  }
0x26: {  	p1 =	sge.u32 s31, s8  }
.Ltmp2:
0x27: {  	_ = 	snop;
	(pc) =	sbr.rel @p1 .LBB2_5-.Ltmp2, $1  }
0x28: {  	_ =	sdelay $0x3  }
0x29: {  	s14 =	simm.s32 $0x1  }
0x2a: {  	_ =	swait.ge [sflag:s7], $0x1000;
	s14 =	simm.s32 @!p0 $0x0  }
0x2b: {  	[sflag:s7] =	ssyncset.done $0x0;
	s14 =	sshll.u32 s14, $0xC  }
0x2c: {  	[sflag:s7] =	ssyncadd.s32 $0xFFFFF000;
	(ifvalue) =	ssetifvalue $0x7FFFFFFF;
	v0 =	vld.msk [tilespmem:s14+$0x0 ss:$0x1], $0xffff;
	_ =	sdelay $0x4  }
0x2d: {  	s15 =	sadd.s32 $0x10, s14;
	vm1 =	vgt.s32 v0, $0x0  }
0x2e: {  	v2 =	vld.msk [tilespmem:s15+$0x0 ss:$0x1], $0xffff;
	v1 =	vnsel vm1, $0x0, v0  }
0x2f: {  	v1 =	vmin.u32 v1, $0x27FFF;
	_ =	sdelay $0x1  }
0x30: {  	s16 =	sshll.u32 s12, $0xC;
	s18 =	simm.s32 $0x20  }
0x31: {  	s16 =	sand.u32 $0x1000, s16;
	s17 =	sadd.s32 $0x10, s15;
	s15 =	sor.u32 $0x2000, s14  }
0x32: {  	s14 =	sor.u32 $0x2000, s16;
	s16 =	sadd.s32 $0x10, s15;
	v0 =	vld.msk [tilespmem:s17+$0x0 ss:$0x1], $0xffff;
	vm1 =	vgt.s32 v2, $0x0;
	(ifvalue) =	ssetifvalue $0x7FFFFFFF  }
.LBB2_3:
0x33: {  	[tilespmem:s15], [sflag:$0x1] =	stream.indirect_vreg.gather [hbm4b:s2+s10], $0x1, v1, vm0, $0x4038;
	[tilespmem:$0x4000] =	vst v63  }
0x34: {  	s18 =	sadd.s32 $0x10, s18  }
0x35: {  	v2 =	vnsel vm1, $0x0, v2;
	p1 =	slt.u32 s18, $0xFF0  }
.Ltmp3:
0x36: {  	s15 =	smov.u32 s16;
	v1 =	vmin.u32 v2, $0x27FFF;
	(pc) =	sbr.rel @p1 .LBB2_3-.Ltmp3, $3  }
0x37: {  	_ =	sdelay $0x1  }
0x38: {  	s17 =	sadd.s32 $0x10, s17  }
0x39: {  	vm1 =	vgt.s32 v0, $0x0;
	s16 =	sadd.s32 $0x10, s16;
	v2 =	vmov v0;
	(ifvalue) =	ssetifvalue $0x7FFFFFFF;
	v0 =	vld.msk [tilespmem:s17+$0x0 ss:$0x1], $0xffff  }
.Ltmp4:
0x3a: {  	_ = 	snop;
	(pc) =	sbr.rel .LBB2_4-.Ltmp4, $1  }
0x3b: {  	_ =	sdelay $0x3  }
.LBB2_6:
0x3c: {  	_ =	sfence.sel $0x180000  }
0x3d: {  	s2 =	simm.s32 $0x2;
	[bflag:$0x0] =	sbarrier.arrive $0xFFFF  }
0x3e: {  	s30 =	simm.s32 $0x3;
	[sflag:s2] =	ssyncpa.u1 $0x1  }
0x3f: {  	s31 =	simm.s32 $0x1;
	[sflag:s30] =	ssyncpa.u1 $0x1  }
0x40: {  	[sflag:s31] =	ssyncpa.u1 $0x1  }
0x41: {  	p0 =	sne.s32 s0, $0x0;
	_ =	strace $0x90000047  }
0x42: {  	s0 =	sadd.s32 @!p0 $0x100000, s1;
	[bflag:$0x2] =	sbarrier.arrive $0xFFFF  }
0x43: {  	[sflag:s0] =	ssyncadd.tile.s32 @!p0 $0x1;
	_ =	shalt  }
.Lfunc_end2:
_tile_overlayer_lowered:
.L_overlay_start_2:
0x44: {  	(tag) =	ssettag $0x2  }
0x45: {  	s0 =	rddreg [dreg:$0x0];
	s2 =	stileid.u32  }
0x46: {  	s1 =	rddreg [dreg:$0x1];
	p0 =	sne.s32 s2, $0x0  }
0x47: {  	s3 =	rddreg [dreg:$0x2];
	[bflag:$0x3] =	sbarrier.arrive $0xFFFF;
	s2 =	simm.s32 @!p0 $0x1C01  }
0x48: {  	[timem:s3], [sflag:s2] =	dma.local @!p0 [hbm:s0], s1  }
0x49: {  	s0 =	simm.s32 @!p0 $0x1  }
0x4a: {  	_ =	swait.ge @!p0 [sflag:s0], s1  }
0x4b: {  	s1 =	ssub.s32 @!p0 $0x0, s1;
	[sflag:s0] =	ssyncset.done @!p0 $0x0  }
0x4c: {  	[sflag:s0] =	ssyncadd.s32 @!p0 s1  }
0x4d: {  	[bflag:$0x3] =	sbarrier.arrive $0xFFFF  }
0x4e: {  	_ =	shalt  }

// kernel: kernel.14.cloned.1.call-start
scs
__scs_entry_jumppad:
0x0: {  	(pc) =	sbr.rel $0x88, $3  }
0x1: {  	(tag) =	ssettag $0x0;
	lr =	simm.s32 $0x1  }
0x2: {  	[smem:$0x3F7F] =	sst lr;
	_ =	strace $0xD0000000  }
0x3: {  	_ = 	snop  }
0x4: {  	_ = 	snop  }
0x5: {  	_ = 	snop  }
0x6: {  	_ = 	snop  }
0x7: {  	_ = 	snop  }
__scs_overlays_trampoline_lowered:
0x8: {  	[smem:$0x3F8E] =	sst s0  }
0x9: {  	[smem:$0x3F8F] =	sst s1  }
0xa: {  	[smem:$0x3F90] =	sst s2  }
0xb: {  	[smem:$0x3F91] =	sst s3  }
0xc: {  	[smem:$0x3F92] =	sst s4  }
0xd: {  	[smem:$0x3F93] =	sst s5  }
0xe: {  	[smem:$0x3F94] =	sst s6  }
0xf: {  	[smem:$0x3F95] =	sst s7  }
0x10: {  	[smem:$0x3F96] =	sst s8  }
0x11: {  	[smem:$0x3F97] =	sst s9;
	s0 =	simm.s32 @!p0 $0x0  }
0x12: {  	s1 =	sld [smem:$0x3F7D];
	s0 =	simm.s32 @p0 $0x1  }
0x13: {  	[smem:$0x3F98] =	sst s0;
	s0 =	simm.s32 @!p1 $0x0  }
0x14: {  	s2 =	sld [smem:$0x3F7C];
	s0 =	simm.s32 @p1 $0x1  }
0x15: {  	[smem:$0x3F99] =	sst s0;
	s0 =	simm.s32 @!p2 $0x0  }
0x16: {  	s3 =	sld [smem:$0x3FDB];
	s0 =	simm.s32 @p2 $0x1  }
0x17: {  	s4 =	simm.s32 $0x1BF5;
	[smem:$0x3F9B] =	sst s0  }
0x18: {  	s0 =	sld [smem:$0x3F7E];
	_ =	swait.ge [sflag:s4], $0x0  }
0x19: {  	s7 =	sld [smem:$0x3F7F]  }
0x1a: {  	s8 =	sadd.s32 $0xFFFFE003, lr  }
0x1b: {  	s9 =	sadd.s32 $0xFFFFFEF7, lr;
	s5 =	simm.s32 $0xFFFFFFFF;
	p2 =	slt.u32 s8, $0xFFFFF086  }
0x1c: {  	p1 =	slt.u32 s9, $0xF7A;
	s5 =	simm.s32 @!p2 $0x0  }
0x1d: {  	s5 =	simm.s32 @p1 $0x1;
	p0 =	seq.s32 s7, s2  }
0x1e: {  	s7 =	smul.u32 @!p0 $0xF7A, s2;
	p2 =	seq.s32 @!p0 s5, $0x0  }
0x1f: {  	s9 =	smul.u32 $0xF7A, s1;
	s8 =	simm.s32 @!p0 $0x1BF5;
	p2 =	por !p2, p0  }
0x20: {  	[sflag:s8] =	ssyncset.s32 @!p0 $0xFFFFF086;
	s6 =	sadd.s32 @!p0 s3, s7;
	s7 =	simm.s32 @!p0 $0x108  }
0x21: {  	s3 =	sadd.s32 s3, s9;
	s6 =	sadd.s32 @!p0 $0x88, s6;
	s7 =	simm.s32 @p2 $0x1082  }
0x22: {  	[simem:s7], [sflag:s8] =	dma.local @!p0 [hbm:s6], $0xF7A  }
0x23: {  	s9 =	sor.u32 $0xD0000000, s2;
	s6 =	simm.s32 $0x108;
	_ =	swait.ge @!p0 [sflag:s8], $0x0  }
0x24: {  	s3 =	sadd.s32 $0x88, s3;
	s6 =	simm.s32 @!p1 $0x1082;
	[sflag:s4] =	ssyncset.s32 $0xFFFFF086  }
0x25: {  	[simem:s6], [sflag:s4] =	dma.local [hbm:s3], $0xF7A  }
0x26: {  	[smem:$0x3F7F] =	sst s1;
	(tag) =	ssettag s2;
	_ =	strace s9  }
0x27: {  	s1 =	sld [smem:$0x3F8F]  }
0x28: {  	s2 =	sld [smem:$0x3F90]  }
0x29: {  	s4 =	sld [smem:$0x3F92]  }
0x2a: {  	p0 =	seq.s32 s5, $0x0;
	s5 =	sld [smem:$0x3F93]  }
0x2b: {  	s6 =	sld [smem:$0x3F94]  }
0x2c: {  	s7 =	sld [smem:$0x3F95]  }
0x2d: {  	s3 =	simm.s32 $0x108;
	s8 =	sld [smem:$0x3F96]  }
0x2e: {  	s3 =	simm.s32 @!p0 $0x1082;
	s9 =	sld [smem:$0x3F97]  }
0x2f: {  	lr =	sadd.s32 s0, s3;
	s0 =	sld [smem:$0x3F8E]  }
0x30: {  	s3 =	sld [smem:$0x3F91]  }
0x31: {  	[smem:$0x3F9A] =	sst s10  }
0x32: {  	s10 =	sld [smem:$0x3F98];
	_ =	sdelay $0x3  }
0x33: {  	p0 =	seq.s32 s10, $0x1;
	s10 =	sld [smem:$0x3F9A];
	_ =	sdelay $0x3  }
0x34: {  	[smem:$0x3F9A] =	sst s10  }
0x35: {  	s10 =	sld [smem:$0x3F99];
	_ =	sdelay $0x3  }
0x36: {  	p1 =	seq.s32 s10, $0x1;
	s10 =	sld [smem:$0x3F9A];
	_ =	sdelay $0x3  }
0x37: {  	[smem:$0x3F9A] =	sst s10  }
0x38: {  	s10 =	sld [smem:$0x3F9B]  }
0x39: {  	_ = 	snop;
	(pc) =	sbr.ind lr, $3  }
0x3a: {  	_ = 	snop  }
0x3b: {  	_ = 	snop  }
0x3c: {  	p2 =	seq.s32 s10, $0x1;
	s10 =	sld [smem:$0x3F9A]  }
0x3d: {  	_ =	shalt  }
0x3e: {  	_ =	shalt  }
0x3f: {  	_ =	shalt  }
0x40: {  	_ =	shalt  }
0x41: {  	_ =	shalt  }
0x42: {  	_ =	shalt  }
0x43: {  	_ =	shalt  }
0x44: {  	_ =	shalt  }
0x45: {  	_ =	shalt  }
0x46: {  	_ =	shalt  }
0x47: {  	_ =	shalt  }
0x48: {  	_ =	shalt  }
0x49: {  	_ =	shalt  }
0x4a: {  	_ =	shalt  }
0x4b: {  	_ =	shalt  }
0x4c: {  	_ =	shalt  }
0x4d: {  	_ =	shalt  }
0x4e: {  	_ =	shalt  }
0x4f: {  	_ =	shalt  }
0x50: {  	_ =	shalt  }
0x51: {  	_ =	shalt  }
0x52: {  	_ =	shalt  }
0x53: {  	_ =	shalt  }
0x54: {  	_ =	shalt  }
0x55: {  	_ =	shalt  }
0x56: {  	_ =	shalt  }
0x57: {  	_ =	shalt  }
0x58: {  	_ =	shalt  }
0x59: {  	_ =	shalt  }
0x5a: {  	_ =	shalt  }
0x5b: {  	_ =	shalt  }
0x5c: {  	_ =	shalt  }
0x5d: {  	_ =	shalt  }
0x5e: {  	_ =	shalt  }
0x5f: {  	_ =	shalt  }
0x60: {  	_ =	shalt  }
0x61: {  	_ =	shalt  }
0x62: {  	_ =	shalt  }
0x63: {  	_ =	shalt  }
0x64: {  	_ =	shalt  }
0x65: {  	_ =	shalt  }
0x66: {  	_ =	shalt  }
0x67: {  	_ =	shalt  }
0x68: {  	_ =	shalt  }
0x69: {  	_ =	shalt  }
0x6a: {  	_ =	shalt  }
0x6b: {  	_ =	shalt  }
0x6c: {  	_ =	shalt  }
0x6d: {  	_ =	shalt  }
0x6e: {  	_ =	shalt  }
0x6f: {  	_ =	shalt  }
0x70: {  	_ =	shalt  }
0x71: {  	_ =	shalt  }
0x72: {  	_ =	shalt  }
0x73: {  	_ =	shalt  }
0x74: {  	_ =	shalt  }
0x75: {  	_ =	shalt  }
0x76: {  	_ =	shalt  }
0x77: {  	_ =	shalt  }
0x78: {  	_ =	shalt  }
0x79: {  	_ =	shalt  }
0x7a: {  	_ =	shalt  }
0x7b: {  	_ =	shalt  }
0x7c: {  	_ =	shalt  }
0x7d: {  	_ =	shalt  }
0x7e: {  	_ =	shalt  }
0x7f: {  	_ =	shalt  }
0x80: {  	_ =	shalt  }
0x81: {  	_ =	shalt  }
0x82: {  	_ =	shalt  }
0x83: {  	_ =	shalt  }
0x84: {  	_ =	shalt  }
0x85: {  	_ =	shalt  }
0x86: {  	_ =	shalt  }
0x87: {  	_ =	shalt  }
.Lfunc_end0:
.L_simem_size_0:
called_computation.1_lowered:
.L_overlay_start_0:
0x88: {  	s2 =	sld [smem:$0x3FD9]  }
0x89: {  	s3 =	sld [smem:$0x3FFE];
	_ =	sdelay $0x1  }
0x8a: {  	s1 =	srdreg.scid  }
0x8b: {  	s0 =	sand.u32 $0x1, s1  }
0x8c: {  	s15 =	sshll.u32 s0, $0xA;
	s2 =	sadd.s32 s3, s2  }
0x8d: {  	s2 =	sadd.s32 s2, s15  }
0x8e: {  	[smem:$0x3FA6] =	sst s2  }
0x8f: {  	_ = 	snop  }
0x90: {  	s2 =	sld [smem:$0x3FD0];
	_ =	sdelay $0x2  }
0x91: {  	s16 =	simm.s32 $0xB;
	s4 =	simm.s32 $0x10  }
0x92: {  	[smem:s4], [sflag:s16] =	dma.local [hbm:s2], $0x1  }
0x93: {  	_ =	swait.eq [sflag:s16], $0x1  }
0x94: {  	[sflag:s16] =	ssyncset.done $0x0  }
0x95: {  	[sflag:s16] =	ssyncadd.s32 $0xFFFFFFFF  }
0x96: {  	s17 =	sld [smem:$0x11];
	(tm) =	ssettm $0x1  }
0x97: {  	s18 =	sld [smem:$0x3FFB];
	_ =	sdelay $0x3  }
0x98: {  	_ =	strace s18  }
0x99: {  	s2 =	sld [smem:$0x3FFC];
	_ =	sdelay $0x3  }
0x9a: {  	_ =	strace s2  }
0x9b: {  	s2 =	sld [smem:$0x3FFD];
	_ =	sdelay $0x3  }
0x9c: {  	_ =	strace s2  }
0x9d: {  	_ =	strace $0x8FFFFFFF  }
0x9e: {  	s19 =	sld [smem:$0x3FDB];
	_ =	sdelay $0x1  }
0x9f: {  	s20 =	simm.s32 $_scs_section_size  }
0xa0: {  	s5 =	simm.s32 $_size__tile_overlayer_lowered;
	s6 =	simm.s32 $_tile_overlayer_lowered  }
0xa1: {  	s7 =	simm.s32 $0x1BFF;
	s21 =	sshll.u32 s6, $0x1;
	s4 =	sadd.s32 s20, s19  }
0xa2: {  	s22 =	simm.s32 $0x0;
	s5 =	sshll.u32 s5, $0x1;
	s6 =	sadd.s32 s21, s4  }
0xa3: {  	[timem:s22], [sflag:s7] =	dma.local [hbm:s6], s5  }
0xa4: {  	_ =	swait.ge [sflag:s7], s5  }
0xa5: {  	s5 =	ssub.s32 $0x0, s5;
	[sflag:s7] =	ssyncset.done $0x0  }
0xa6: {  	[sflag:s7] =	ssyncadd.s32 s5;
	_ =	sdelay $0x1  }
0xa7: {  	s23 =	simm.s32 $0x1B8B  }
0xa8: {  	_ =	swait.ge [sflag:s23], $0x1  }
0xa9: {  	[sflag:s23] =	ssyncset.done $0x0  }
0xaa: {  	[sflag:s23] =	ssyncadd.s32 $0xFFFFFFFF  }
0xab: {  	s5 =	sld [smem:$0x0]  }
0xac: {  	s6 =	sand.u32 $0xFFFFFFFE, s1  }
0xad: {  	p0 =	sne.s32 s1, s6  }
0xae: {  	s6 =	sshll.u32 @p0 s6, $0xE  }
0xaf: {  	s6 =	sadd.s32 @p0 $0x11B8D, s6;
	s7 =	sshll.u32 @p0 s5, $0x11  }
0xb0: {  	s6 =	sor.u32 @p0 s7, s6  }
0xb1: {  	[sflag:s6] =	ssyncadd.remote.s32 @p0 $0x1;
	_ =	sdelay $0x1  }
0xb2: {  	s6 =	simm.s32 @p0 $0x1B8D  }
0xb3: {  	_ =	swait.eq @p0 [sflag:s6], $0x1  }
0xb4: {  	[sflag:s6] =	ssyncadd.s32 @p0 $0xFFFFFFFF  }
0xb5: {  	s7 =	sshll.u32 @!p0 s1, $0xE  }
0xb6: {  	s7 =	sor.u32 @!p0 $0x4000, s7;
	s6 =	simm.s32 @!p0 $0x1B8D  }
0xb7: {  	s5 =	sshll.u32 @!p0 s5, $0x11;
	s7 =	sadd.s32 @!p0 $0x11B8D, s7;
	_ =	swait.eq @!p0 [sflag:s6], $0x1  }
0xb8: {  	s5 =	sor.u32 @!p0 s5, s7;
	[sflag:s6] =	ssyncadd.s32 @!p0 $0xFFFFFFFF  }
0xb9: {  	s25 =	simm.s32 $0x1B8E;
	s24 =	sld [smem:$0x3FFE];
	[sflag:s5] =	ssyncadd.remote.s32 @!p0 $0x1  }
0xba: {  	s26 =	simm.s32 $execute0_lowered;
	[smem:$0x3FD2] =	sst s25  }
0xbb: {  	s6 =	sshll.u32 s26, $0x1;
	_ =	strace $0x80000049;
	[dreg:$0x1] =	wrdreg $0xFFFFFFFF  }
0xbc: {  	s28 =	simm.s32 $_size_execute0_lowered;
	s4 =	sadd.s32 s4, s6;
	[dreg:$0x0] =	wrdreg $0x0  }
0xbd: {  	s6 =	sshll.u32 s28, $0x1;
	[dreg:$0x2] =	wrdreg s4  }
0xbe: {  	[dreg:$0x3] =	wrdreg s6  }
0xbf: {  	[dreg:$0x4] =	wrdreg $0xC0  }
0xc0: {  	_ =	task [dreg:s22], $0x5FFFF  }
0xc1: {  	[dreg:$0x1] =	wrdreg $0xFFFFFFFF  }
0xc2: {  	[dreg:$0x0] =	wrdreg $0x60  }
0xc3: {  	[dreg:$0x2] =	wrdreg s17  }
0xc4: {  	[dreg:$0x3] =	wrdreg s24  }
0xc5: {  	[dreg:$0x4] =	wrdreg $0x0  }
0xc6: {  	[dreg:$0x5] =	wrdreg $0xA  }
0xc7: {  	_ =	task.clear_ibuf [dreg:s22], $0x6FFFF;
	_ =	strace $0x90000049  }
0xc8: {  	s29 =	simm.s32 $0xA;
	_ =	strace $0x8000004B  }
0xc9: {  	_ =	swait.ge [sflag:s29], $0x1  }
0xca: {  	[sflag:s29] =	ssyncadd.s32 $0xFFFFFFFF  }
0xcb: {  	_ =	strace $0x9000004B  }
0xcc: {  	_ =	sfence  }
0xcd: {  	s30 =	sld [smem:$0x0];
	_ =	sdelay $0x2  }
0xce: {  	s31 =	sshll.u32 s1, $0xD;
	s1 =	sshrl.u32 s1, $0x2  }
0xcf: {  	s4 =	sand.u32 $0x4000, s31;
	s1 =	sadd.s32 s1, s30  }
0xd0: {  	s0 =	sor.u32 s4, s0;
	s1 =	sshll.u32 s1, $0x11  }
0xd1: {  	s0 =	sor.u32 s1, s0  }
0xd2: {  	s0 =	sadd.s32 $0x8F2B, s0  }
0xd3: {  	[sflag:s0] =	ssyncadd.remote.s32 $0x1  }
0xd4: {  	_ =	sfence.sel $0xFFFF  }
0xd5: {  	[dreg:$0x0] =	wrdreg $0xFFFFFFFF;
	(pc) =	sbr.abs _section_cstart, $3  }
0xd6: {  	[dreg:$0x1] =	wrdreg $0xFFFFFFFF  }
0xd7: {  	_ =	task.clear_ibuf [dreg:s22], $0x2FFFF;
	_ =	strace $0x9FFFFFFF  }
0xd8: {  	(tm) =	ssettm $0x7FFFFFFF  }
0xd9: {  	_ =	shalt  }
tec
execute0_lowered:
.L_overlay_start_1:
0x0: {  	(tag) =	ssettag $0x1  }
0x1: {  	s0 =	rddreg [dreg:$0x0]  }
0x2: {  	s1 =	rddreg [dreg:$0x1];
	s3 =	srdreg.scid  }
0x3: {  	s12 =	stileid.u32;
	s2 =	rddreg [dreg:$0x2]  }
0x4: {  	s17 =	simm.s32 $0x14C80;
	s18 =	simm.s32 $0x80;
	s19 =	simm.s32 $0x16080  }
0x5: {  	s20 =	simm.s32 $0x18080;
	s22 =	simm.s32 $0x1A080;
	s28 =	simm.s32 $0x2  }
0x6: {  	s29 =	simm.s32 $0x3;
	s30 =	simm.s32 $0x4;
	s31 =	simm.s32 $0x0  }
0x7: {  	s11 =	sand.u32 $0x1, s3;
	s4 =	sshll.u32 s12, $0x1;
	s8 =	smul.u32 $0x13880, s12  }
0x8: {  	s3 =	simm.s32 $0x0;
	s13 =	sadd.s32 $0x4C400, s1;
	s15 =	smul.u32 $0x28000, s12  }
0x9: {  	s24 =	sshll.u32 s12, $0x6;
	s6 =	sor.u32 s11, s4;
	s16 =	smul.u32 $0x14000, s11  }
0xa: {  	[smem:$0x7FF] =	sst s3;
	s5 =	ssub.s32 $0x2, s11;
	s4 =	smul.u32 $0x1400, s6  }
0xb: {  	_ =	strace $0x8000004A;
	s7 =	sshrl.u32 s5, $0x1;
	s14 =	sadd.s32 s8, s2  }
0xc: {  	s23 =	sshrl.u32 s8, $0x3;
	s25 =	smul.u32 $0x14000, s6;
	s26 =	sadd.s32 s15, s13  }
0xd: {  	s15 =	simm.s32 $0x5;
	s10 =	ssub.s32 s5, s7;
	s5 =	sor.u32 $0x1C05, s24  }
0xe: {  	s14 =	sshrl.u32 s14, $0x3;
	s24 =	simm.s32 $0x1C080;
	s4 =	sshrl.u32 s4, $0x3  }
0xf: {  	s8 =	smax.u32 s10, $0x1;
	s9 =	sadd.s32 s4, s1;
	s4 =	sadd.s32 s0, s23  }
0x10: {  	s1 =	sadd.s32 $0x4C408, s1;
	s0 =	sor.u32 $0x800, s25;
	s6 =	sadd.s32 $0x16200, s9  }
0x11: {  	s7 =	sadd.s32 $0x1B200, s9;
	s9 =	sadd.s32 s13, s25;
	s10 =	sadd.s32 s25, s1  }
0x12: {  	s11 =	sadd.s32 s13, s0;
	s12 =	sadd.s32 s0, s1;
	s13 =	sadd.s32 s16, s26  }
0x13: {  	s16 =	simm.s32 $0x13880;
	s25 =	simm.s32 $0x1;
	s26 =	simm.s32 $0x40  }
.LBB2_1:
0x14: {  	[spmem:s14], [sflag:s5] =	dma.local [hbm:s4], $0x2710  }
0x15: {  	_ =	swait.ge [sflag:s15], $0x2710  }
0x16: {  	[sflag:s15] =	ssyncset.done $0x0  }
0x17: {  	[sflag:s15] =	ssyncadd.s32 $0xFFFFD8F0  }
0x18: {  	[tilespmem:s16], [sflag:$0x5] =	stream.linear.gather [hbm4b:s6+s3], $0x1400, $0x38;
	[tilespmem:$0x1E080] =	vst v63  }
0x19: {  	_ =	swait.ge [sflag:s15], $0x1400  }
0x1a: {  	[sflag:s15] =	ssyncset.done $0x0  }
0x1b: {  	[sflag:s15] =	ssyncadd.s32 $0xFFFFEC00  }
0x1c: {  	[tilespmem:s17], [sflag:$0x5] =	stream.linear.gather [hbm4b:s7+s3], $0x1400, $0x38;
	[tilespmem:$0x1E080] =	vst v63  }
0x1d: {  	_ =	swait.ge [sflag:s15], $0x1400  }
0x1e: {  	[sflag:s15] =	ssyncset.done $0x0  }
0x1f: {  	s0 =	simm.s32 $0x0;
	[sflag:s15] =	ssyncadd.s32 $0xFFFFEC00  }
0x20: {  	s1 =	simm.s32 $0x40;
	v0 =	vld [tilespmem:s0+$0x13880]  }
.LBB2_2:
0x21: {  	p0 =	sne.s32 s1, $0x4FC0;
	v1 =	vld [tilespmem:s0+$0x14C80];
	_ =	sdelay $0x2  }
.Ltmp0:
0x22: {  	(pc) =	sbr.rel @p0 .LBB2_2-.Ltmp0, $4  }
0x23: {  	_ = 	snop  }
0x24: {  	v0 =	vshll.u32 v0, $0x1;
	v1 =	vshll.u32 v1, $0x1  }
0x25: {  	s21 =	sshra.s32 s1, $0x2;
	[tilespmem:s0+$0x13880] =	vst v0;
	v1 =	vor.u32 $0x1, v1  }
0x26: {  	s1 =	sadd.s32 $0x40, s1;
	v0 =	vld [tilespmem:s21+$0x13880];
	[tilespmem:s0+$0x14C80] =	vst v1;
	s0 =	smov.u32 s21  }
0x27: {  	v1 =	vld [tilespmem:s0+$0x14C80];
	_ =	sdelay $0x4  }
0x28: {  	v0 =	vshll.u32 v0, $0x1;
	v1 =	vshll.u32 v1, $0x1  }
0x29: {  	[tilespmem:s0+$0x13880] =	vst v0;
	v63 =	vor.u32 $0x1, v1  }
0x2a: {  	[tilespmem:s0+$0x14C80] =	vst v63  }
0x2b: {  	[bflag:$0x0] =	sbarrier.arrive $0xFFFF  }
0x2c: {  	[tilespmem:s19], [sflag:$0x1] =	stream.indirect.gather [spmem:s2], $0x40, s16, s18, $0xb8;
	[tilespmem:$0x1E080] =	vst v63  }
0x2d: {  	_ = 	snop  }
0x2e: {  	[tilespmem:s20], [sflag:$0x1] =	stream.indirect.gather [spmem:s2], $0x40, s17, s18, $0xb8;
	[tilespmem:$0x1E080] =	vst v63  }
0x2f: {  	s21 =	simm.s32 $0x13900  }
0x30: {  	[tilespmem:s22], [sflag:$0x2] =	stream.indirect.gather [spmem:s2], $0x40, s21, s18, $0xb8;
	[tilespmem:$0x1E080] =	vst v63  }
0x31: {  	s23 =	simm.s32 $0x14D00  }
0x32: {  	[tilespmem:s24], [sflag:$0x2] =	stream.indirect.gather [spmem:s2], $0x40, s23, s18, $0xb8;
	[tilespmem:$0x1E080] =	vst v63  }
0x33: {  	_ =	swait.ge [sflag:s25], $0x2000  }
0x34: {  	[sflag:s25] =	ssyncset.done $0x0  }
0x35: {  	[sflag:s25] =	ssyncadd.s32 $0xFFFFE000  }
0x36: {  	[hbm4b:s9+s26] =	stream.strided.scatter [tilespmem:s19], [sflag:$0x3], $0x2000, s18, s26, $0x38;
	[tilespmem:$0x1E080] =	vst v63  }
0x37: {  	_ =	swait.ge [sflag:s25], $0x2000  }
0x38: {  	[sflag:s25] =	ssyncset.done $0x0  }
0x39: {  	[sflag:s25] =	ssyncadd.s32 $0xFFFFE000  }
0x3a: {  	[hbm4b:s10+s26] =	stream.strided.scatter [tilespmem:s20], [sflag:$0x3], $0x2000, s18, s26, $0x38;
	[tilespmem:$0x1E080] =	vst v63  }
0x3b: {  	_ =	swait.ge [sflag:s28], $0x2000  }
0x3c: {  	[sflag:s28] =	ssyncset.done $0x0  }
0x3d: {  	[sflag:s28] =	ssyncadd.s32 $0xFFFFE000  }
0x3e: {  	[hbm4b:s11+s26] =	stream.strided.scatter [tilespmem:s22], [sflag:$0x4], $0x2000, s18, s26, $0x38;
	[tilespmem:$0x1E080] =	vst v63  }
0x3f: {  	_ =	swait.ge [sflag:s28], $0x2000  }
0x40: {  	[sflag:s28] =	ssyncset.done $0x0  }
0x41: {  	[sflag:s28] =	ssyncadd.s32 $0xFFFFE000  }
0x42: {  	[hbm4b:s12+s26] =	stream.strided.scatter [tilespmem:s24], [sflag:$0x4], $0x2000, s18, s26, $0x38;
	[tilespmem:$0x1E080] =	vst v63  }
0x43: {  	_ =	swait.ge [sflag:s29], $0x2000  }
0x44: {  	[sflag:s29] =	ssyncset.done $0x0  }
0x45: {  	[sflag:s29] =	ssyncadd.s32 $0xFFFFE000  }
0x46: {  	_ =	swait.ge [sflag:s29], $0x2000  }
0x47: {  	[sflag:s29] =	ssyncset.done $0x0  }
0x48: {  	s1 =	simm.s32 $0x13980;
	[sflag:s29] =	ssyncadd.s32 $0xFFFFE000  }
0x49: {  	[tilespmem:s19], [sflag:$0x1] =	stream.indirect.gather [spmem:s2], $0x40, s1, s18, $0xb8;
	[tilespmem:$0x1E080] =	vst v63  }
0x4a: {  	s21 =	simm.s32 $0x14D80  }
0x4b: {  	[tilespmem:s20], [sflag:$0x1] =	stream.indirect.gather [spmem:s2], $0x40, s21, s18, $0xb8;
	[tilespmem:$0x1E080] =	vst v63  }
0x4c: {  	_ =	swait.ge [sflag:s30], $0x2000  }
0x4d: {  	[sflag:s30] =	ssyncset.done $0x0  }
0x4e: {  	[sflag:s30] =	ssyncadd.s32 $0xFFFFE000  }
0x4f: {  	_ =	swait.ge [sflag:s30], $0x2000  }
0x50: {  	[sflag:s30] =	ssyncset.done $0x0  }
0x51: {  	s23 =	simm.s32 $0x13A00;
	[sflag:s30] =	ssyncadd.s32 $0xFFFFE000  }
0x52: {  	[tilespmem:s22], [sflag:$0x2] =	stream.indirect.gather [spmem:s2], $0x40, s23, s18, $0xb8;
	[tilespmem:$0x1E080] =	vst v63  }
0x53: {  	s1 =	simm.s32 $0x14E00  }
0x54: {  	[tilespmem:s24], [sflag:$0x2] =	stream.indirect.gather [spmem:s2], $0x40, s1, s18, $0xb8;
	[tilespmem:$0x1E080] =	vst v63  }
0x55: {  	_ =	swait.ge [sflag:s25], $0x2000  }
0x56: {  	s0 =	sadd.s32 $0x0, s13;
	[sflag:s25] =	ssyncset.done $0x0  }
0x57: {  	s1 =	sadd.s32 $0x1000, s0;
	[sflag:s25] =	ssyncadd.s32 $0xFFFFE000  }
0x58: {  	[hbm4b:s1+s26] =	stream.strided.scatter [tilespmem:s19], [sflag:$0x3], $0x2000, s18, s26, $0x38;
	[tilespmem:$0x1E080] =	vst v63  }
0x59: {  	_ =	swait.ge [sflag:s25], $0x2000  }
0x5a: {  	[sflag:s25] =	ssyncset.done $0x0  }
0x5b: {  	s21 =	sadd.s32 $0x1008, s0;
	[sflag:s25] =	ssyncadd.s32 $0xFFFFE000  }
0x5c: {  	[hbm4b:s21+s26] =	stream.strided.scatter [tilespmem:s20], [sflag:$0x3], $0x2000, s18, s26, $0x38;
	[tilespmem:$0x1E080] =	vst v63  }
0x5d: {  	_ =	swait.ge [sflag:s28], $0x2000  }
0x5e: {  	[sflag:s28] =	ssyncset.done $0x0  }
0x5f: {  	s23 =	sadd.s32 $0x1800, s0;
	[sflag:s28] =	ssyncadd.s32 $0xFFFFE000  }
0x60: {  	[hbm4b:s23+s26] =	stream.strided.scatter [tilespmem:s22], [sflag:$0x4], $0x2000, s18, s26, $0x38;
	[tilespmem:$0x1E080] =	vst v63  }
0x61: {  	_ =	swait.ge [sflag:s28], $0x2000  }
0x62: {  	s1 =	simm.s32 $0x1000;
	[sflag:s28] =	ssyncset.done $0x0  }
0x63: {  	s21 =	sadd.s32 $0x1808, s0;
	s0 =	simm.s32 $0x14F00;
	[sflag:s28] =	ssyncadd.s32 $0xFFFFE000  }
.LBB2_4:
0x64: {  	[hbm4b:s21+s26] =	stream.strided.scatter [tilespmem:s24], [sflag:$0x4], $0x2000, s18, s26, $0x38;
	[tilespmem:$0x1E080] =	vst v63  }
0x65: {  	s21 =	smov.u32 s1  }
0x66: {  	p0 =	sne.s32 s1, $0x12000;
	s1 =	sadd.s32 $0x1000, s1;
	_ =	swait.ge [sflag:s29], $0x2000  }
0x67: {  	[sflag:s29] =	ssyncset.done $0x0  }
0x68: {  	[sflag:s29] =	ssyncadd.s32 $0xFFFFE000  }
0x69: {  	_ =	swait.ge [sflag:s29], $0x2000  }
0x6a: {  	[sflag:s29] =	ssyncset.done $0x0  }
0x6b: {  	s23 =	sadd.s32 $0xFFFFEB80, s0;
	[sflag:s29] =	ssyncadd.s32 $0xFFFFE000  }
0x6c: {  	[tilespmem:s19], [sflag:$0x1] =	stream.indirect.gather [spmem:s2], $0x40, s23, s18, $0xb8;
	[tilespmem:$0x1E080] =	vst v63  }
0x6d: {  	s23 =	sadd.s32 $0xFFFFFF80, s0  }
0x6e: {  	[tilespmem:s20], [sflag:$0x1] =	stream.indirect.gather [spmem:s2], $0x40, s23, s18, $0xb8;
	[tilespmem:$0x1E080] =	vst v63  }
0x6f: {  	_ =	swait.ge [sflag:s30], $0x2000  }
0x70: {  	[sflag:s30] =	ssyncset.done $0x0  }
0x71: {  	[sflag:s30] =	ssyncadd.s32 $0xFFFFE000  }
0x72: {  	_ =	swait.ge [sflag:s30], $0x2000  }
0x73: {  	[sflag:s30] =	ssyncset.done $0x0  }
0x74: {  	s23 =	sadd.s32 $0xFFFFEC00, s0;
	[sflag:s30] =	ssyncadd.s32 $0xFFFFE000  }
0x75: {  	[tilespmem:s22], [sflag:$0x2] =	stream.indirect.gather [spmem:s2], $0x40, s23, s18, $0xb8;
	[tilespmem:$0x1E080] =	vst v63  }
0x76: {  	_ = 	snop  }
0x77: {  	[tilespmem:s24], [sflag:$0x2] =	stream.indirect.gather [spmem:s2], $0x40, s0, s18, $0xb8;
	[tilespmem:$0x1E080] =	vst v63  }
0x78: {  	_ =	swait.ge [sflag:s25], $0x2000  }
0x79: {  	s21 =	sadd.s32 s21, s13;
	[sflag:s25] =	ssyncset.done $0x0  }
0x7a: {  	s23 =	sadd.s32 $0x1000, s21;
	[sflag:s25] =	ssyncadd.s32 $0xFFFFE000  }
0x7b: {  	[hbm4b:s23+s26] =	stream.strided.scatter [tilespmem:s19], [sflag:$0x3], $0x2000, s18, s26, $0x38;
	[tilespmem:$0x1E080] =	vst v63  }
0x7c: {  	_ =	swait.ge [sflag:s25], $0x2000  }
0x7d: {  	[sflag:s25] =	ssyncset.done $0x0  }
0x7e: {  	s23 =	sadd.s32 $0x1008, s21;
	[sflag:s25] =	ssyncadd.s32 $0xFFFFE000  }
0x7f: {  	[hbm4b:s23+s26] =	stream.strided.scatter [tilespmem:s20], [sflag:$0x3], $0x2000, s18, s26, $0x38;
	[tilespmem:$0x1E080] =	vst v63  }
0x80: {  	_ =	swait.ge [sflag:s28], $0x2000  }
0x81: {  	[sflag:s28] =	ssyncset.done $0x0  }
.Ltmp1:
0x82: {  	s23 =	sadd.s32 $0x1800, s21;
	[sflag:s28] =	ssyncadd.s32 $0xFFFFE000;
	(pc) =	sbr.rel @p0 .LBB2_4-.Ltmp1, $4  }
0x83: {  	[hbm4b:s23+s26] =	stream.strided.scatter [tilespmem:s22], [sflag:$0x4], $0x2000, s18, s26, $0x38;
	[tilespmem:$0x1E080] =	vst v63  }
0x84: {  	_ =	swait.ge [sflag:s28], $0x2000  }
0x85: {  	[sflag:s28] =	ssyncset.done $0x0  }
0x86: {  	s0 =	sadd.s32 $0x100, s0;
	s21 =	sadd.s32 $0x1808, s21;
	[sflag:s28] =	ssyncadd.s32 $0xFFFFE000  }
0x87: {  	[hbm4b:s21+s26] =	stream.strided.scatter [tilespmem:s24], [sflag:$0x4], $0x2000, s18, s26, $0x38;
	[tilespmem:$0x1E080] =	vst v63  }
0x88: {  	_ =	swait.ge [sflag:s29], $0x2000  }
0x89: {  	[sflag:s29] =	ssyncset.done $0x0  }
0x8a: {  	[sflag:s29] =	ssyncadd.s32 $0xFFFFE000  }
0x8b: {  	_ =	swait.ge [sflag:s29], $0x2000  }
0x8c: {  	[sflag:s29] =	ssyncset.done $0x0  }
0x8d: {  	s31 =	sadd.s32 $0x1, s31;
	[sflag:s29] =	ssyncadd.s32 $0xFFFFE000  }
0x8e: {  	p0 =	sne.s32 s31, s8;
	_ =	swait.ge [sflag:s30], $0x2000  }
.Ltmp2:
0x8f: {  	[sflag:s30] =	ssyncset.done $0x0;
	(pc) =	sbr.rel @p0 .LBB2_1-.Ltmp2, $4  }
0x90: {  	[sflag:s30] =	ssyncadd.s32 $0xFFFFE000  }
0x91: {  	_ =	swait.ge [sflag:s30], $0x2000  }
0x92: {  	[sflag:s30] =	ssyncset.done $0x0  }
0x93: {  	[sflag:s30] =	ssyncadd.s32 $0xFFFFE000  }
0x94: {  	_ =	sfence.sel $0x180000  }
0x95: {  	[bflag:$0x0] =	sbarrier.arrive $0xFFFF  }
0x96: {  	_ =	strace $0x9000004A  }
0x97: {  	s0 =	stileid.u32;
	[bflag:$0x2] =	sbarrier.arrive $0xFFFF  }
0x98: {  	p0 =	sne.s32 s0, $0x0;
	s0 =	rddreg [dreg:$0x3]  }
0x99: {  	s0 =	sadd.s32 @!p0 $0x100000, s0  }
0x9a: {  	[sflag:s0] =	ssyncadd.tile.s32 @!p0 $0x1;
	_ =	shalt  }
.Lfunc_end2:
_tile_overlayer_lowered:
.L_overlay_start_2:
0x9b: {  	(tag) =	ssettag $0x2  }
0x9c: {  	s0 =	rddreg [dreg:$0x0];
	s2 =	stileid.u32  }
0x9d: {  	s1 =	rddreg [dreg:$0x1];
	p0 =	sne.s32 s2, $0x0  }
0x9e: {  	s3 =	rddreg [dreg:$0x2];
	[bflag:$0x3] =	sbarrier.arrive $0xFFFF;
	s2 =	simm.s32 @!p0 $0x1C05  }
0x9f: {  	[timem:s3], [sflag:s2] =	dma.local @!p0 [hbm:s0], s1  }
0xa0: {  	s0 =	simm.s32 @!p0 $0x5  }
0xa1: {  	_ =	swait.ge @!p0 [sflag:s0], s1  }
0xa2: {  	s1 =	ssub.s32 @!p0 $0x0, s1;
	[sflag:s0] =	ssyncset.done @!p0 $0x0  }
0xa3: {  	[sflag:s0] =	ssyncadd.s32 @!p0 s1  }
0xa4: {  	[bflag:$0x3] =	sbarrier.arrive $0xFFFF  }
0xa5: {  	_ =	shalt  }

// kernel: kernel.17.cloned.1.call-start
scs
__scs_entry_jumppad:
0x0: {  	(pc) =	sbr.rel $0x88, $3  }
0x1: {  	(tag) =	ssettag $0x0;
	lr =	simm.s32 $0x1  }
0x2: {  	[smem:$0x3F7F] =	sst lr;
	_ =	strace $0xD0000000  }
0x3: {  	_ = 	snop  }
0x4: {  	_ = 	snop  }
0x5: {  	_ = 	snop  }
0x6: {  	_ = 	snop  }
0x7: {  	_ = 	snop  }
__scs_overlays_trampoline_lowered:
0x8: {  	[smem:$0x3F8E] =	sst s0  }
0x9: {  	[smem:$0x3F8F] =	sst s1  }
0xa: {  	[smem:$0x3F90] =	sst s2  }
0xb: {  	[smem:$0x3F91] =	sst s3  }
0xc: {  	[smem:$0x3F92] =	sst s4  }
0xd: {  	[smem:$0x3F93] =	sst s5  }
0xe: {  	[smem:$0x3F94] =	sst s6  }
0xf: {  	[smem:$0x3F95] =	sst s7  }
0x10: {  	[smem:$0x3F96] =	sst s8  }
0x11: {  	[smem:$0x3F97] =	sst s9;
	s0 =	simm.s32 @!p0 $0x0  }
0x12: {  	s1 =	sld [smem:$0x3F7D];
	s0 =	simm.s32 @p0 $0x1  }
0x13: {  	[smem:$0x3F98] =	sst s0;
	s0 =	simm.s32 @!p1 $0x0  }
0x14: {  	s2 =	sld [smem:$0x3F7C];
	s0 =	simm.s32 @p1 $0x1  }
0x15: {  	[smem:$0x3F99] =	sst s0;
	s0 =	simm.s32 @!p2 $0x0  }
0x16: {  	s3 =	sld [smem:$0x3FDB];
	s0 =	simm.s32 @p2 $0x1  }
0x17: {  	s4 =	simm.s32 $0x1BF5;
	[smem:$0x3F9B] =	sst s0  }
0x18: {  	s0 =	sld [smem:$0x3F7E];
	_ =	swait.ge [sflag:s4], $0x0  }
0x19: {  	s7 =	sld [smem:$0x3F7F]  }
0x1a: {  	s8 =	sadd.s32 $0xFFFFE003, lr  }
0x1b: {  	s9 =	sadd.s32 $0xFFFFFEF7, lr;
	s5 =	simm.s32 $0xFFFFFFFF;
	p2 =	slt.u32 s8, $0xFFFFF086  }
0x1c: {  	p1 =	slt.u32 s9, $0xF7A;
	s5 =	simm.s32 @!p2 $0x0  }
0x1d: {  	s5 =	simm.s32 @p1 $0x1;
	p0 =	seq.s32 s7, s2  }
0x1e: {  	s7 =	smul.u32 @!p0 $0xF7A, s2;
	p2 =	seq.s32 @!p0 s5, $0x0  }
0x1f: {  	s9 =	smul.u32 $0xF7A, s1;
	s8 =	simm.s32 @!p0 $0x1BF5;
	p2 =	por !p2, p0  }
0x20: {  	[sflag:s8] =	ssyncset.s32 @!p0 $0xFFFFF086;
	s6 =	sadd.s32 @!p0 s3, s7;
	s7 =	simm.s32 @!p0 $0x108  }
0x21: {  	s3 =	sadd.s32 s3, s9;
	s6 =	sadd.s32 @!p0 $0x88, s6;
	s7 =	simm.s32 @p2 $0x1082  }
0x22: {  	[simem:s7], [sflag:s8] =	dma.local @!p0 [hbm:s6], $0xF7A  }
0x23: {  	s9 =	sor.u32 $0xD0000000, s2;
	s6 =	simm.s32 $0x108;
	_ =	swait.ge @!p0 [sflag:s8], $0x0  }
0x24: {  	s3 =	sadd.s32 $0x88, s3;
	s6 =	simm.s32 @!p1 $0x1082;
	[sflag:s4] =	ssyncset.s32 $0xFFFFF086  }
0x25: {  	[simem:s6], [sflag:s4] =	dma.local [hbm:s3], $0xF7A  }
0x26: {  	[smem:$0x3F7F] =	sst s1;
	(tag) =	ssettag s2;
	_ =	strace s9  }
0x27: {  	s1 =	sld [smem:$0x3F8F]  }
0x28: {  	s2 =	sld [smem:$0x3F90]  }
0x29: {  	s4 =	sld [smem:$0x3F92]  }
0x2a: {  	p0 =	seq.s32 s5, $0x0;
	s5 =	sld [smem:$0x3F93]  }
0x2b: {  	s6 =	sld [smem:$0x3F94]  }
0x2c: {  	s7 =	sld [smem:$0x3F95]  }
0x2d: {  	s3 =	simm.s32 $0x108;
	s8 =	sld [smem:$0x3F96]  }
0x2e: {  	s3 =	simm.s32 @!p0 $0x1082;
	s9 =	sld [smem:$0x3F97]  }
0x2f: {  	lr =	sadd.s32 s0, s3;
	s0 =	sld [smem:$0x3F8E]  }
0x30: {  	s3 =	sld [smem:$0x3F91]  }
0x31: {  	[smem:$0x3F9A] =	sst s10  }
0x32: {  	s10 =	sld [smem:$0x3F98];
	_ =	sdelay $0x3  }
0x33: {  	p0 =	seq.s32 s10, $0x1;
	s10 =	sld [smem:$0x3F9A];
	_ =	sdelay $0x3  }
0x34: {  	[smem:$0x3F9A] =	sst s10  }
0x35: {  	s10 =	sld [smem:$0x3F99];
	_ =	sdelay $0x3  }
0x36: {  	p1 =	seq.s32 s10, $0x1;
	s10 =	sld [smem:$0x3F9A];
	_ =	sdelay $0x3  }
0x37: {  	[smem:$0x3F9A] =	sst s10  }
0x38: {  	s10 =	sld [smem:$0x3F9B]  }
0x39: {  	_ = 	snop;
	(pc) =	sbr.ind lr, $3  }
0x3a: {  	_ = 	snop  }
0x3b: {  	_ = 	snop  }
0x3c: {  	p2 =	seq.s32 s10, $0x1;
	s10 =	sld [smem:$0x3F9A]  }
0x3d: {  	_ =	shalt  }
0x3e: {  	_ =	shalt  }
0x3f: {  	_ =	shalt  }
0x40: {  	_ =	shalt  }
0x41: {  	_ =	shalt  }
0x42: {  	_ =	shalt  }
0x43: {  	_ =	shalt  }
0x44: {  	_ =	shalt  }
0x45: {  	_ =	shalt  }
0x46: {  	_ =	shalt  }
0x47: {  	_ =	shalt  }
0x48: {  	_ =	shalt  }
0x49: {  	_ =	shalt  }
0x4a: {  	_ =	shalt  }
0x4b: {  	_ =	shalt  }
0x4c: {  	_ =	shalt  }
0x4d: {  	_ =	shalt  }
0x4e: {  	_ =	shalt  }
0x4f: {  	_ =	shalt  }
0x50: {  	_ =	shalt  }
0x51: {  	_ =	shalt  }
0x52: {  	_ =	shalt  }
0x53: {  	_ =	shalt  }
0x54: {  	_ =	shalt  }
0x55: {  	_ =	shalt  }
0x56: {  	_ =	shalt  }
0x57: {  	_ =	shalt  }
0x58: {  	_ =	shalt  }
0x59: {  	_ =	shalt  }
0x5a: {  	_ =	shalt  }
0x5b: {  	_ =	shalt  }
0x5c: {  	_ =	shalt  }
0x5d: {  	_ =	shalt  }
0x5e: {  	_ =	shalt  }
0x5f: {  	_ =	shalt  }
0x60: {  	_ =	shalt  }
0x61: {  	_ =	shalt  }
0x62: {  	_ =	shalt  }
0x63: {  	_ =	shalt  }
0x64: {  	_ =	shalt  }
0x65: {  	_ =	shalt  }
0x66: {  	_ =	shalt  }
0x67: {  	_ =	shalt  }
0x68: {  	_ =	shalt  }
0x69: {  	_ =	shalt  }
0x6a: {  	_ =	shalt  }
0x6b: {  	_ =	shalt  }
0x6c: {  	_ =	shalt  }
0x6d: {  	_ =	shalt  }
0x6e: {  	_ =	shalt  }
0x6f: {  	_ =	shalt  }
0x70: {  	_ =	shalt  }
0x71: {  	_ =	shalt  }
0x72: {  	_ =	shalt  }
0x73: {  	_ =	shalt  }
0x74: {  	_ =	shalt  }
0x75: {  	_ =	shalt  }
0x76: {  	_ =	shalt  }
0x77: {  	_ =	shalt  }
0x78: {  	_ =	shalt  }
0x79: {  	_ =	shalt  }
0x7a: {  	_ =	shalt  }
0x7b: {  	_ =	shalt  }
0x7c: {  	_ =	shalt  }
0x7d: {  	_ =	shalt  }
0x7e: {  	_ =	shalt  }
0x7f: {  	_ =	shalt  }
0x80: {  	_ =	shalt  }
0x81: {  	_ =	shalt  }
0x82: {  	_ =	shalt  }
0x83: {  	_ =	shalt  }
0x84: {  	_ =	shalt  }
0x85: {  	_ =	shalt  }
0x86: {  	_ =	shalt  }
0x87: {  	_ =	shalt  }
.Lfunc_end0:
.L_simem_size_0:
called_computation.2_lowered:
.L_overlay_start_0:
0x88: {  	s2 =	sld [smem:$0x3FD9]  }
0x89: {  	s3 =	sld [smem:$0x3FFE];
	_ =	sdelay $0x1  }
0x8a: {  	s1 =	srdreg.scid  }
0x8b: {  	s0 =	sand.u32 $0x1, s1  }
0x8c: {  	s14 =	sshll.u32 s0, $0xA;
	s2 =	sadd.s32 s3, s2  }
0x8d: {  	s2 =	sadd.s32 s2, s14  }
0x8e: {  	[smem:$0x3FA6] =	sst s2  }
0x8f: {  	_ = 	snop  }
0x90: {  	s2 =	sld [smem:$0x3FD0];
	_ =	sdelay $0x2  }
0x91: {  	s15 =	simm.s32 $0xB;
	s4 =	simm.s32 $0x10  }
0x92: {  	[smem:s4], [sflag:s15] =	dma.local [hbm:s2], $0x1  }
0x93: {  	_ =	swait.eq [sflag:s15], $0x1  }
0x94: {  	[sflag:s15] =	ssyncset.done $0x0  }
0x95: {  	[sflag:s15] =	ssyncadd.s32 $0xFFFFFFFF  }
0x96: {  	s16 =	sld [smem:$0x11];
	(tm) =	ssettm $0x1  }
0x97: {  	s17 =	sld [smem:$0x3FFB];
	_ =	sdelay $0x3  }
0x98: {  	_ =	strace s17  }
0x99: {  	s3 =	sld [smem:$0x3FFC];
	_ =	sdelay $0x3  }
0x9a: {  	_ =	strace s3  }
0x9b: {  	s3 =	sld [smem:$0x3FFD];
	_ =	sdelay $0x3  }
0x9c: {  	_ =	strace s3  }
0x9d: {  	_ =	strace $0x8FFFFFFF  }
0x9e: {  	s18 =	sld [smem:$0x3FDB];
	_ =	sdelay $0x1  }
0x9f: {  	s19 =	simm.s32 $_scs_section_size  }
0xa0: {  	s5 =	simm.s32 $_size__tile_overlayer_lowered;
	s6 =	simm.s32 $_tile_overlayer_lowered  }
0xa1: {  	s22 =	simm.s32 $0x1BFF;
	s21 =	sshll.u32 s6, $0x1;
	s3 =	sadd.s32 s19, s18  }
0xa2: {  	s7 =	simm.s32 $0x0;
	s20 =	sshll.u32 s5, $0x1;
	s5 =	sadd.s32 s21, s3  }
0xa3: {  	[timem:s7], [sflag:s22] =	dma.local [hbm:s5], s20  }
0xa4: {  	_ =	swait.ge [sflag:s22], s20  }
0xa5: {  	s4 =	ssub.s32 $0x0, s20;
	[sflag:s22] =	ssyncset.done $0x0  }
0xa6: {  	[sflag:s22] =	ssyncadd.s32 s4;
	_ =	sdelay $0x1  }
0xa7: {  	s23 =	simm.s32 $0x1B8B  }
0xa8: {  	_ =	swait.ge [sflag:s23], $0x1  }
0xa9: {  	[sflag:s23] =	ssyncset.done $0x0  }
0xaa: {  	s25 =	simm.s32 $0x1B8E;
	s24 =	sld [smem:$0x3FFE];
	[sflag:s23] =	ssyncadd.s32 $0xFFFFFFFF  }
0xab: {  	s26 =	simm.s32 $execute0_lowered;
	[smem:$0x3FD2] =	sst s25  }
0xac: {  	s5 =	sshll.u32 s26, $0x1;
	_ =	strace $0x8000004C;
	[dreg:$0x1] =	wrdreg $0xFFFFFFFF  }
0xad: {  	s28 =	simm.s32 $_size_execute0_lowered;
	s3 =	sadd.s32 s3, s5;
	[dreg:$0x0] =	wrdreg $0x0  }
0xae: {  	s5 =	sshll.u32 s28, $0x1;
	[dreg:$0x2] =	wrdreg s3  }
0xaf: {  	[dreg:$0x3] =	wrdreg s5  }
0xb0: {  	[dreg:$0x4] =	wrdreg $0xC0  }
0xb1: {  	_ =	task [dreg:s7], $0x5FFFF  }
0xb2: {  	[dreg:$0x1] =	wrdreg $0xFFFFFFFF  }
0xb3: {  	[dreg:$0x0] =	wrdreg $0x60  }
0xb4: {  	[dreg:$0x2] =	wrdreg s24  }
0xb5: {  	[dreg:$0x3] =	wrdreg s16  }
0xb6: {  	[dreg:$0x4] =	wrdreg $0x0  }
0xb7: {  	[dreg:$0x5] =	wrdreg $0x9  }
0xb8: {  	_ =	task.clear_ibuf [dreg:s7], $0x6FFFF;
	_ =	strace $0x9000004C  }
0xb9: {  	s29 =	simm.s32 $0x9;
	_ =	strace $0x8000004E  }
0xba: {  	_ =	swait.ge [sflag:s29], $0x1  }
0xbb: {  	[sflag:s29] =	ssyncadd.s32 $0xFFFFFFFF  }
0xbc: {  	_ =	strace $0x9000004E  }
0xbd: {  	_ =	sfence  }
0xbe: {  	s30 =	sld [smem:$0x0];
	_ =	sdelay $0x2  }
0xbf: {  	s31 =	sshll.u32 s1, $0xD;
	s1 =	sshrl.u32 s1, $0x2  }
0xc0: {  	s3 =	sand.u32 $0x4000, s31;
	s1 =	sadd.s32 s1, s30  }
0xc1: {  	s0 =	sor.u32 s3, s0;
	s1 =	sshll.u32 s1, $0x11  }
0xc2: {  	s0 =	sor.u32 s1, s0  }
0xc3: {  	s0 =	sadd.s32 $0x8F2B, s0  }
0xc4: {  	[sflag:s0] =	ssyncadd.remote.s32 $0x1  }
0xc5: {  	_ =	sfence.sel $0xFFFF  }
0xc6: {  	[dreg:$0x0] =	wrdreg $0xFFFFFFFF;
	(pc) =	sbr.abs _section_cstart, $3  }
0xc7: {  	[dreg:$0x1] =	wrdreg $0xFFFFFFFF  }
0xc8: {  	_ =	task.clear_ibuf [dreg:s7], $0x2FFFF;
	_ =	strace $0x9FFFFFFF  }
0xc9: {  	(tm) =	ssettm $0x7FFFFFFF  }
tec
execute0_lowered:
.L_overlay_start_1:
0x0: {  	(tag) =	ssettag $0x1  }
0x1: {  	s0 =	rddreg [dreg:$0x0]  }
0x2: {  	s1 =	rddreg [dreg:$0x1];
	s3 =	srdreg.scid  }
0x3: {  	s16 =	stileid.u32;
	s2 =	rddreg [dreg:$0x2]  }
0x4: {  	s17 =	simm.s32 $0x11080;
	s18 =	simm.s32 $0x1;
	s19 =	simm.s32 $0x80  }
0x5: {  	s20 =	simm.s32 $0xB080;
	s21 =	simm.s32 $0x2;
	s22 =	simm.s32 $0x3  }
0x6: {  	s28 =	simm.s32 $0x7;
	s29 =	simm.s32 $0x8;
	s6 =	smul.u32 $0x9C80, s16  }
0x7: {  	s30 =	simm.s32 $0x0;
	s7 =	sand.u32 $0x1, s3;
	s13 =	smul.u32 $0x9C40, s16  }
0x8: {  	s4 =	sshll.u32 s16, $0x1;
	s3 =	simm.s32 $0x0;
	s15 =	smul.u32 $0xA0000, s16  }
0x9: {  	s9 =	sadd.s32 $0x2CD800, s0;
	s25 =	sshll.u32 s16, $0x6;
	s26 =	smul.u32 $0x2800, s16  }
0xa: {  	s16 =	simm.s32 $0xF080;
	s4 =	sor.u32 s7, s4;
	s12 =	smul.u32 $0x9C400, s7  }
0xb: {  	[smem:$0x7FF] =	sst s3;
	s23 =	ssub.s32 $0x2, s7;
	s5 =	smul.u32 $0x1400, s4  }
0xc: {  	_ =	strace $0x8000004D;
	s10 =	smul.u32 $0xA000, s4;
	s24 =	sshrl.u32 s6, $0x3  }
0xd: {  	s11 =	sshrl.u32 s23, $0x1;
	s14 =	sadd.s32 s6, s2;
	s6 =	smul.u32 $0x1400, s7  }
0xe: {  	s7 =	smul.u32 $0x50000, s7;
	s11 =	ssub.s32 s23, s11;
	s4 =	sadd.s32 s13, s12  }
0xf: {  	s13 =	sadd.s32 s13, s2;
	s23 =	simm.s32 $0x4;
	s5 =	sshrl.u32 s5, $0x3  }
0x10: {  	s10 =	sadd.s32 s9, s10;
	s8 =	sadd.s32 s5, s0;
	s0 =	sadd.s32 s24, s0  }
0x11: {  	s5 =	sor.u32 $0x1C09, s25;
	[dreg:$0x4] =	wrdreg s10;
	s25 =	sadd.s32 s7, s15  }
0x12: {  	s15 =	simm.s32 $0xD080;
	s24 =	simm.s32 $0x5;
	s0 =	sadd.s32 $0x40DA00, s0  }
0x13: {  	s31 =	sadd.s32 $0x11200, s8;
	s8 =	sshrl.u32 s4, $0x3;
	[dreg:$0x5] =	wrdreg s0  }
0x14: {  	s10 =	sshrl.u32 s25, $0x3;
	[dreg:$0x6] =	wrdreg s31;
	s1 =	sadd.s32 s1, s8  }
0x15: {  	s0 =	sadd.s32 s6, s26;
	s26 =	smax.u32 s11, $0x1;
	[dreg:$0x7] =	wrdreg s1  }
0x16: {  	s25 =	sshrl.u32 s13, $0x3;
	s31 =	sshrl.u32 s14, $0x3;
	[dreg:$0x8] =	wrdreg s26  }
0x17: {  	s14 =	simm.s32 $0x9;
	s0 =	sshll.u32 s0, $0x3;
	[dreg:$0x9] =	wrdreg s31  }
0x18: {  	s26 =	simm.s32 $0x6;
	s0 =	sadd.s32 s0, s9;
	s9 =	sadd.s32 s10, s9  }
0x19: {  	s10 =	sadd.s32 $0xC00, s0;
	s11 =	sadd.s32 $0x800, s0;
	s12 =	sadd.s32 $0x400, s0  }
.LBB2_1:
0x1a: {  	s0 =	rddreg [dreg:$0x5]  }
0x1b: {  	s1 =	rddreg [dreg:$0x9]  }
0x1c: {  	[spmem:s1], [sflag:s5] =	dma.local [hbm:s0], $0x1390  }
0x1d: {  	_ =	swait.ge [sflag:s14], $0x1390  }
0x1e: {  	[sflag:s14] =	ssyncset.done $0x0  }
0x1f: {  	s0 =	simm.s32 $0x9C80;
	s8 =	rddreg [dreg:$0x6];
	[sflag:s14] =	ssyncadd.s32 $0xFFFFEC70  }
0x20: {  	[tilespmem:s0], [sflag:$0x9] =	stream.linear.gather [hbm4b:s8+s3], $0x1400, $0x38;
	[tilespmem:$0x13080] =	vst v63  }
0x21: {  	_ =	swait.ge [sflag:s14], $0x1400  }
0x22: {  	[sflag:s14] =	ssyncset.done $0x0  }
0x23: {  	[sflag:s14] =	ssyncadd.s32 $0xFFFFEC00  }
0x24: {  	p0 =	por $0x1, $0x1;
	[bflag:$0x0] =	sbarrier.arrive $0xFFFF  }
0x25: {  	s31 =	simm.s32 @p0 $0x0;
	s4 =	simm.s32 @p0 $0xB080;
	s1 =	rddreg [dreg:$0x4]  }
0x26: {  	[tilespmem:s4], [sflag:$0x1] =	stream.linear.gather @p0 [hbm4b:s1+s31], $0x2000, $0x38;
	[tilespmem:$0x13080] =	vst v63  }
0x27: {  	s1 =	simm.s32 @!p0 $0x5  }
0x28: {  	_ =	swait.ge @!p0 [sflag:s1], $0x2000  }
0x29: {  	s4 =	simm.s32 @!p0 $0xB080;
	[sflag:s1] =	ssyncset.done @!p0 $0x0  }
0x2a: {  	s31 =	simm.s32 @!p0 $0x0;
	[sflag:s1] =	ssyncadd.s32 @!p0 $0xFFFFE000;
	s1 =	sadd.s32 @!p0 $0x0, s9  }
0x2b: {  	[tilespmem:s4], [sflag:$0x1] =	stream.linear.gather @!p0 [hbm4b:s1+s31], $0x2000, $0x38;
	[tilespmem:$0x13080] =	vst v63  }
0x2c: {  	s1 =	simm.s32 @!p0 $0x6  }
0x2d: {  	_ =	swait.ge @!p0 [sflag:s1], $0x2000  }
0x2e: {  	[sflag:s1] =	ssyncset.done @!p0 $0x0  }
0x2f: {  	s13 =	sadd.s32 $0x0, s12;
	s4 =	simm.s32 @!p0 $0x7;
	[sflag:s1] =	ssyncadd.s32 @!p0 $0xFFFFE000  }
0x30: {  	[tilespmem:s15], [sflag:$0x2] =	stream.linear.gather [hbm4b:s13+s3], $0x2000, $0x38;
	[tilespmem:$0x13080] =	vst v63  }
0x31: {  	_ =	swait.ge @!p0 [sflag:s4], $0x2000  }
0x32: {  	[sflag:s4] =	ssyncset.done @!p0 $0x0  }
0x33: {  	s6 =	sadd.s32 $0x0, s11;
	[sflag:s4] =	ssyncadd.s32 @!p0 $0xFFFFE000;
	s4 =	simm.s32 @!p0 $0x8  }
0x34: {  	[tilespmem:s16], [sflag:$0x3] =	stream.linear.gather [hbm4b:s6+s3], $0x2000, $0x38;
	[tilespmem:$0x13080] =	vst v63  }
0x35: {  	_ =	swait.ge @!p0 [sflag:s4], $0x2000  }
0x36: {  	[sflag:s4] =	ssyncset.done @!p0 $0x0  }
0x37: {  	s7 =	sadd.s32 $0x0, s10;
	[sflag:s4] =	ssyncadd.s32 @!p0 $0xFFFFE000  }
0x38: {  	[tilespmem:s17], [sflag:$0x4] =	stream.linear.gather [hbm4b:s7+s3], $0x2000, $0x38;
	[tilespmem:$0x13080] =	vst v63  }
0x39: {  	_ =	swait.ge [sflag:s18], $0x2000  }
0x3a: {  	[sflag:s18] =	ssyncset.done $0x0  }
0x3b: {  	[sflag:s18] =	ssyncadd.s32 $0xFFFFE000  }
0x3c: {  	[spmem:s2] =	stream.indirect.scatter.add.f32 [tilespmem:s20], [sflag:$0x5], $0x40, s0, s19, $0xb8;
	[tilespmem:$0x13080] =	vst v63  }
0x3d: {  	_ =	swait.ge [sflag:s21], $0x2000  }
0x3e: {  	[sflag:s21] =	ssyncset.done $0x0  }
0x3f: {  	s8 =	simm.s32 $0x9D00;
	[sflag:s21] =	ssyncadd.s32 $0xFFFFE000  }
0x40: {  	[spmem:s2] =	stream.indirect.scatter.add.f32 [tilespmem:s15], [sflag:$0x6], $0x40, s8, s19, $0xb8;
	[tilespmem:$0x13080] =	vst v63  }
0x41: {  	_ =	swait.ge [sflag:s22], $0x2000  }
0x42: {  	[sflag:s22] =	ssyncset.done $0x0  }
0x43: {  	s13 =	simm.s32 $0x9D80;
	[sflag:s22] =	ssyncadd.s32 $0xFFFFE000  }
0x44: {  	[spmem:s2] =	stream.indirect.scatter.add.f32 [tilespmem:s16], [sflag:$0x7], $0x40, s13, s19, $0xb8;
	[tilespmem:$0x13080] =	vst v63  }
0x45: {  	s31 =	simm.s32 $0x1000;
	_ =	swait.ge [sflag:s23], $0x2000  }
0x46: {  	s1 =	simm.s32 $0x9E80;
	s0 =	simm.s32 $0x9E00;
	[sflag:s23] =	ssyncset.done $0x0  }
.LBB2_2:
0x47: {  	p1 =	seq.s32 s31, $0x0;
	s4 =	rddreg [dreg:$0x4];
	[sflag:s23] =	ssyncadd.s32 $0xFFFFE000  }
0x48: {  	[spmem:s2] =	stream.indirect.scatter.add.f32 [tilespmem:s17], [sflag:$0x8], $0x40, s0, s19, $0xb8;
	[tilespmem:$0x13080] =	vst v63  }
0x49: {  	s0 =	simm.s32 @p1 $0x0;
	s7 =	simm.s32 @p1 $0xB080;
	s8 =	simm.s32 @!p1 $0x5  }
0x4a: {  	[tilespmem:s7], [sflag:$0x1] =	stream.linear.gather @p1 [hbm4b:s4+s0], $0x2000, $0x38;
	[tilespmem:$0x13080] =	vst v63  }
0x4b: {  	s6 =	smov.u32 s31;
	_ =	swait.ge @!p1 [sflag:s8], $0x2000  }
0x4c: {  	s13 =	simm.s32 @!p1 $0x0;
	s4 =	simm.s32 @!p1 $0xB080;
	[sflag:s8] =	ssyncset.done @!p1 $0x0  }
0x4d: {  	s7 =	simm.s32 @!p1 $0x6;
	[sflag:s8] =	ssyncadd.s32 @!p1 $0xFFFFE000;
	s8 =	sadd.s32 @!p1 s6, s9  }
0x4e: {  	[tilespmem:s4], [sflag:$0x1] =	stream.linear.gather @!p1 [hbm4b:s8+s13], $0x2000, $0x38;
	[tilespmem:$0x13080] =	vst v63  }
0x4f: {  	_ =	swait.ge @!p1 [sflag:s7], $0x2000  }
0x50: {  	[sflag:s7] =	ssyncset.done @!p1 $0x0  }
0x51: {  	s8 =	sadd.s32 s6, s12;
	[sflag:s7] =	ssyncadd.s32 @!p1 $0xFFFFE000;
	s7 =	simm.s32 @!p1 $0x7  }
0x52: {  	[tilespmem:s15], [sflag:$0x2] =	stream.linear.gather [hbm4b:s8+s3], $0x2000, $0x38;
	[tilespmem:$0x13080] =	vst v63  }
0x53: {  	_ =	swait.ge @!p1 [sflag:s7], $0x2000  }
0x54: {  	[sflag:s7] =	ssyncset.done @!p1 $0x0  }
0x55: {  	s13 =	sadd.s32 s6, s11;
	[sflag:s7] =	ssyncadd.s32 @!p1 $0xFFFFE000;
	s7 =	simm.s32 @!p1 $0x8  }
0x56: {  	[tilespmem:s16], [sflag:$0x3] =	stream.linear.gather [hbm4b:s13+s3], $0x2000, $0x38;
	[tilespmem:$0x13080] =	vst v63  }
0x57: {  	_ =	swait.ge @!p1 [sflag:s7], $0x2000  }
0x58: {  	[sflag:s7] =	ssyncset.done @!p1 $0x0  }
0x59: {  	[sflag:s7] =	ssyncadd.s32 @!p1 $0xFFFFE000;
	s7 =	sadd.s32 s6, s10  }
0x5a: {  	[tilespmem:s17], [sflag:$0x4] =	stream.linear.gather [hbm4b:s7+s3], $0x2000, $0x38;
	[tilespmem:$0x13080] =	vst v63  }
0x5b: {  	_ =	swait.ge [sflag:s18], $0x2000  }
0x5c: {  	[sflag:s18] =	ssyncset.done $0x0  }
0x5d: {  	[sflag:s18] =	ssyncadd.s32 $0xFFFFE000  }
0x5e: {  	[spmem:s2] =	stream.indirect.scatter.add.f32 [tilespmem:s20], [sflag:$0x5], $0x40, s1, s19, $0xb8;
	[tilespmem:$0x13080] =	vst v63  }
0x5f: {  	_ =	swait.ge [sflag:s21], $0x2000  }
0x60: {  	[sflag:s21] =	ssyncset.done $0x0  }
0x61: {  	s31 =	sadd.s32 $0x1000, s31;
	s8 =	sadd.s32 $0x80, s1;
	[sflag:s21] =	ssyncadd.s32 $0xFFFFE000  }
0x62: {  	[spmem:s2] =	stream.indirect.scatter.add.f32 [tilespmem:s15], [sflag:$0x6], $0x40, s8, s19, $0xb8;
	[tilespmem:$0x13080] =	vst v63  }
0x63: {  	p0 =	sne.s32 s31, $0xA000;
	_ =	swait.ge [sflag:s22], $0x2000  }
.Ltmp0:
0x64: {  	[sflag:s22] =	ssyncset.done $0x0;
	(pc) =	sbr.rel @p0 .LBB2_2-.Ltmp0, $4  }
0x65: {  	s13 =	sadd.s32 $0x100, s1;
	[sflag:s22] =	ssyncadd.s32 $0xFFFFE000  }
0x66: {  	[spmem:s2] =	stream.indirect.scatter.add.f32 [tilespmem:s16], [sflag:$0x7], $0x40, s13, s19, $0xb8;
	[tilespmem:$0x13080] =	vst v63  }
0x67: {  	_ =	swait.ge [sflag:s23], $0x2000  }
0x68: {  	s0 =	sadd.s32 $0x180, s1;
	s1 =	sadd.s32 $0x200, s1;
	[sflag:s23] =	ssyncset.done $0x0  }
0x69: {  	[sflag:s23] =	ssyncadd.s32 $0xFFFFE000  }
0x6a: {  	[spmem:s2] =	stream.indirect.scatter.add.f32 [tilespmem:s17], [sflag:$0x8], $0x40, s0, s19, $0xb8;
	[tilespmem:$0x13080] =	vst v63  }
0x6b: {  	_ =	swait.ge [sflag:s24], $0x2000  }
0x6c: {  	[sflag:s24] =	ssyncset.done $0x0  }
0x6d: {  	[sflag:s24] =	ssyncadd.s32 $0xFFFFE000  }
0x6e: {  	_ =	swait.ge [sflag:s26], $0x2000  }
0x6f: {  	[sflag:s26] =	ssyncset.done $0x0  }
0x70: {  	[sflag:s26] =	ssyncadd.s32 $0xFFFFE000  }
0x71: {  	_ =	swait.ge [sflag:s28], $0x2000  }
0x72: {  	[sflag:s28] =	ssyncset.done $0x0  }
0x73: {  	[sflag:s28] =	ssyncadd.s32 $0xFFFFE000  }
0x74: {  	_ =	swait.ge [sflag:s29], $0x2000  }
0x75: {  	[sflag:s29] =	ssyncset.done $0x0  }
0x76: {  	[sflag:s29] =	ssyncadd.s32 $0xFFFFE000  }
0x77: {  	[bflag:$0x0] =	sbarrier.arrive $0xFFFF  }
0x78: {  	s13 =	rddreg [dreg:$0x7]  }
0x79: {  	[hbm:s13], [sflag:s5] =	dma.local [spmem:s25], $0x1388  }
0x7a: {  	_ =	swait.ge [sflag:s14], $0x1388  }
0x7b: {  	s30 =	sadd.s32 $0x1, s30;
	s31 =	rddreg [dreg:$0x8]  }
0x7c: {  	p0 =	sne.s32 s30, s31  }
.Ltmp1:
0x7d: {  	_ = 	snop;
	(pc) =	sbr.rel @p0 .LBB2_1-.Ltmp1, $3  }
0x7e: {  	_ =	sdelay $0x1  }
0x7f: {  	[sflag:s14] =	ssyncset.done $0x0  }
0x80: {  	[sflag:s14] =	ssyncadd.s32 $0xFFFFEC78  }
0x81: {  	_ =	sfence.sel $0x180000  }
0x82: {  	[bflag:$0x0] =	sbarrier.arrive $0xFFFF  }
0x83: {  	_ =	strace $0x9000004D  }
0x84: {  	s0 =	stileid.u32;
	[bflag:$0x2] =	sbarrier.arrive $0xFFFF  }
0x85: {  	p0 =	sne.s32 s0, $0x0;
	s0 =	rddreg [dreg:$0x3]  }
0x86: {  	s0 =	sadd.s32 @!p0 $0x100000, s0  }
0x87: {  	[sflag:s0] =	ssyncadd.tile.s32 @!p0 $0x1;
	_ =	shalt  }
.Lfunc_end2:
_tile_overlayer_lowered:
.L_overlay_start_2:
0x88: {  	(tag) =	ssettag $0x2  }
0x89: {  	s0 =	rddreg [dreg:$0x0];
	s2 =	stileid.u32  }
0x8a: {  	s1 =	rddreg [dreg:$0x1];
	p0 =	sne.s32 s2, $0x0  }
0x8b: {  	s3 =	rddreg [dreg:$0x2];
	[bflag:$0x3] =	sbarrier.arrive $0xFFFF;
	s2 =	simm.s32 @!p0 $0x1C09  }
0x8c: {  	[timem:s3], [sflag:s2] =	dma.local @!p0 [hbm:s0], s1  }
0x8d: {  	s0 =	simm.s32 @!p0 $0x9  }
0x8e: {  	_ =	swait.ge @!p0 [sflag:s0], s1  }
0x8f: {  	s1 =	ssub.s32 @!p0 $0x0, s1;
	[sflag:s0] =	ssyncset.done @!p0 $0x0  }
0x90: {  	[sflag:s0] =	ssyncadd.s32 @!p0 s1  }
0x91: {  	[bflag:$0x3] =	sbarrier.arrive $0xFFFF  }
0x92: {  	_ =	shalt  }

// kernel: kernel.20.cloned.1.call-start
scs
__scs_entry_jumppad:
0x0: {  	(pc) =	sbr.rel $0x88, $3  }
0x1: {  	(tag) =	ssettag $0x0;
	lr =	simm.s32 $0x1  }
0x2: {  	[smem:$0x3F7F] =	sst lr;
	_ =	strace $0xD0000000  }
0x3: {  	_ = 	snop  }
0x4: {  	_ = 	snop  }
0x5: {  	_ = 	snop  }
0x6: {  	_ = 	snop  }
0x7: {  	_ = 	snop  }
__scs_overlays_trampoline_lowered:
0x8: {  	[smem:$0x3F8E] =	sst s0  }
0x9: {  	[smem:$0x3F8F] =	sst s1  }
0xa: {  	[smem:$0x3F90] =	sst s2  }
0xb: {  	[smem:$0x3F91] =	sst s3  }
0xc: {  	[smem:$0x3F92] =	sst s4  }
0xd: {  	[smem:$0x3F93] =	sst s5  }
0xe: {  	[smem:$0x3F94] =	sst s6  }
0xf: {  	[smem:$0x3F95] =	sst s7  }
0x10: {  	[smem:$0x3F96] =	sst s8  }
0x11: {  	[smem:$0x3F97] =	sst s9;
	s0 =	simm.s32 @!p0 $0x0  }
0x12: {  	s1 =	sld [smem:$0x3F7D];
	s0 =	simm.s32 @p0 $0x1  }
0x13: {  	[smem:$0x3F98] =	sst s0;
	s0 =	simm.s32 @!p1 $0x0  }
0x14: {  	s2 =	sld [smem:$0x3F7C];
	s0 =	simm.s32 @p1 $0x1  }
0x15: {  	[smem:$0x3F99] =	sst s0;
	s0 =	simm.s32 @!p2 $0x0  }
0x16: {  	s3 =	sld [smem:$0x3FDB];
	s0 =	simm.s32 @p2 $0x1  }
0x17: {  	s4 =	simm.s32 $0x1BF5;
	[smem:$0x3F9B] =	sst s0  }
0x18: {  	s0 =	sld [smem:$0x3F7E];
	_ =	swait.ge [sflag:s4], $0x0  }
0x19: {  	s7 =	sld [smem:$0x3F7F]  }
0x1a: {  	s8 =	sadd.s32 $0xFFFFE003, lr  }
0x1b: {  	s9 =	sadd.s32 $0xFFFFFEF7, lr;
	s5 =	simm.s32 $0xFFFFFFFF;
	p2 =	slt.u32 s8, $0xFFFFF086  }
0x1c: {  	p1 =	slt.u32 s9, $0xF7A;
	s5 =	simm.s32 @!p2 $0x0  }
0x1d: {  	s5 =	simm.s32 @p1 $0x1;
	p0 =	seq.s32 s7, s2  }
0x1e: {  	s7 =	smul.u32 @!p0 $0xF7A, s2;
	p2 =	seq.s32 @!p0 s5, $0x0  }
0x1f: {  	s9 =	smul.u32 $0xF7A, s1;
	s8 =	simm.s32 @!p0 $0x1BF5;
	p2 =	por !p2, p0  }
0x20: {  	[sflag:s8] =	ssyncset.s32 @!p0 $0xFFFFF086;
	s6 =	sadd.s32 @!p0 s3, s7;
	s7 =	simm.s32 @!p0 $0x108  }
0x21: {  	s3 =	sadd.s32 s3, s9;
	s6 =	sadd.s32 @!p0 $0x88, s6;
	s7 =	simm.s32 @p2 $0x1082  }
0x22: {  	[simem:s7], [sflag:s8] =	dma.local @!p0 [hbm:s6], $0xF7A  }
0x23: {  	s9 =	sor.u32 $0xD0000000, s2;
	s6 =	simm.s32 $0x108;
	_ =	swait.ge @!p0 [sflag:s8], $0x0  }
0x24: {  	s3 =	sadd.s32 $0x88, s3;
	s6 =	simm.s32 @!p1 $0x1082;
	[sflag:s4] =	ssyncset.s32 $0xFFFFF086  }
0x25: {  	[simem:s6], [sflag:s4] =	dma.local [hbm:s3], $0xF7A  }
0x26: {  	[smem:$0x3F7F] =	sst s1;
	(tag) =	ssettag s2;
	_ =	strace s9  }
0x27: {  	s1 =	sld [smem:$0x3F8F]  }
0x28: {  	s2 =	sld [smem:$0x3F90]  }
0x29: {  	s4 =	sld [smem:$0x3F92]  }
0x2a: {  	p0 =	seq.s32 s5, $0x0;
	s5 =	sld [smem:$0x3F93]  }
0x2b: {  	s6 =	sld [smem:$0x3F94]  }
0x2c: {  	s7 =	sld [smem:$0x3F95]  }
0x2d: {  	s3 =	simm.s32 $0x108;
	s8 =	sld [smem:$0x3F96]  }
0x2e: {  	s3 =	simm.s32 @!p0 $0x1082;
	s9 =	sld [smem:$0x3F97]  }
0x2f: {  	lr =	sadd.s32 s0, s3;
	s0 =	sld [smem:$0x3F8E]  }
0x30: {  	s3 =	sld [smem:$0x3F91]  }
0x31: {  	[smem:$0x3F9A] =	sst s10  }
0x32: {  	s10 =	sld [smem:$0x3F98];
	_ =	sdelay $0x3  }
0x33: {  	p0 =	seq.s32 s10, $0x1;
	s10 =	sld [smem:$0x3F9A];
	_ =	sdelay $0x3  }
0x34: {  	[smem:$0x3F9A] =	sst s10  }
0x35: {  	s10 =	sld [smem:$0x3F99];
	_ =	sdelay $0x3  }
0x36: {  	p1 =	seq.s32 s10, $0x1;
	s10 =	sld [smem:$0x3F9A];
	_ =	sdelay $0x3  }
0x37: {  	[smem:$0x3F9A] =	sst s10  }
0x38: {  	s10 =	sld [smem:$0x3F9B]  }
0x39: {  	_ = 	snop;
	(pc) =	sbr.ind lr, $3  }
0x3a: {  	_ = 	snop  }
0x3b: {  	_ = 	snop  }
0x3c: {  	p2 =	seq.s32 s10, $0x1;
	s10 =	sld [smem:$0x3F9A]  }
0x3d: {  	_ =	shalt  }
0x3e: {  	_ =	shalt  }
0x3f: {  	_ =	shalt  }
0x40: {  	_ =	shalt  }
0x41: {  	_ =	shalt  }
0x42: {  	_ =	shalt  }
0x43: {  	_ =	shalt  }
0x44: {  	_ =	shalt  }
0x45: {  	_ =	shalt  }
0x46: {  	_ =	shalt  }
0x47: {  	_ =	shalt  }
0x48: {  	_ =	shalt  }
0x49: {  	_ =	shalt  }
0x4a: {  	_ =	shalt  }
0x4b: {  	_ =	shalt  }
0x4c: {  	_ =	shalt  }
0x4d: {  	_ =	shalt  }
0x4e: {  	_ =	shalt  }
0x4f: {  	_ =	shalt  }
0x50: {  	_ =	shalt  }
0x51: {  	_ =	shalt  }
0x52: {  	_ =	shalt  }
0x53: {  	_ =	shalt  }
0x54: {  	_ =	shalt  }
0x55: {  	_ =	shalt  }
0x56: {  	_ =	shalt  }
0x57: {  	_ =	shalt  }
0x58: {  	_ =	shalt  }
0x59: {  	_ =	shalt  }
0x5a: {  	_ =	shalt  }
0x5b: {  	_ =	shalt  }
0x5c: {  	_ =	shalt  }
0x5d: {  	_ =	shalt  }
0x5e: {  	_ =	shalt  }
0x5f: {  	_ =	shalt  }
0x60: {  	_ =	shalt  }
0x61: {  	_ =	shalt  }
0x62: {  	_ =	shalt  }
0x63: {  	_ =	shalt  }
0x64: {  	_ =	shalt  }
0x65: {  	_ =	shalt  }
0x66: {  	_ =	shalt  }
0x67: {  	_ =	shalt  }
0x68: {  	_ =	shalt  }
0x69: {  	_ =	shalt  }
0x6a: {  	_ =	shalt  }
0x6b: {  	_ =	shalt  }
0x6c: {  	_ =	shalt  }
0x6d: {  	_ =	shalt  }
0x6e: {  	_ =	shalt  }
0x6f: {  	_ =	shalt  }
0x70: {  	_ =	shalt  }
0x71: {  	_ =	shalt  }
0x72: {  	_ =	shalt  }
0x73: {  	_ =	shalt  }
0x74: {  	_ =	shalt  }
0x75: {  	_ =	shalt  }
0x76: {  	_ =	shalt  }
0x77: {  	_ =	shalt  }
0x78: {  	_ =	shalt  }
0x79: {  	_ =	shalt  }
0x7a: {  	_ =	shalt  }
0x7b: {  	_ =	shalt  }
0x7c: {  	_ =	shalt  }
0x7d: {  	_ =	shalt  }
0x7e: {  	_ =	shalt  }
0x7f: {  	_ =	shalt  }
0x80: {  	_ =	shalt  }
0x81: {  	_ =	shalt  }
0x82: {  	_ =	shalt  }
0x83: {  	_ =	shalt  }
0x84: {  	_ =	shalt  }
0x85: {  	_ =	shalt  }
0x86: {  	_ =	shalt  }
0x87: {  	_ =	shalt  }
.Lfunc_end0:
.L_simem_size_0:
called_computation.3_lowered:
.L_overlay_start_0:
0x88: {  	s2 =	sld [smem:$0x3FD9]  }
0x89: {  	s3 =	sld [smem:$0x3FFE];
	_ =	sdelay $0x1  }
0x8a: {  	s1 =	srdreg.scid  }
0x8b: {  	s0 =	sand.u32 $0x1, s1  }
0x8c: {  	s14 =	sshll.u32 s0, $0xA;
	s2 =	sadd.s32 s3, s2  }
0x8d: {  	s2 =	sadd.s32 s2, s14  }
0x8e: {  	[smem:$0x3FA6] =	sst s2  }
0x8f: {  	_ = 	snop  }
0x90: {  	s2 =	sld [smem:$0x3FD0];
	_ =	sdelay $0x2  }
0x91: {  	s15 =	simm.s32 $0xB;
	s4 =	simm.s32 $0x10  }
0x92: {  	[smem:s4], [sflag:s15] =	dma.local [hbm:s2], $0x1  }
0x93: {  	_ =	swait.eq [sflag:s15], $0x1  }
0x94: {  	[sflag:s15] =	ssyncset.done $0x0  }
0x95: {  	[sflag:s15] =	ssyncadd.s32 $0xFFFFFFFF  }
0x96: {  	s16 =	sld [smem:$0x11];
	(tm) =	ssettm $0x1  }
0x97: {  	s17 =	sld [smem:$0x3FFB];
	_ =	sdelay $0x3  }
0x98: {  	_ =	strace s17  }
0x99: {  	s3 =	sld [smem:$0x3FFC];
	_ =	sdelay $0x3  }
0x9a: {  	_ =	strace s3  }
0x9b: {  	s3 =	sld [smem:$0x3FFD];
	_ =	sdelay $0x3  }
0x9c: {  	_ =	strace s3  }
0x9d: {  	_ =	strace $0x8FFFFFFF  }
0x9e: {  	s18 =	sld [smem:$0x3FDB];
	_ =	sdelay $0x1  }
0x9f: {  	s19 =	simm.s32 $_scs_section_size  }
0xa0: {  	s5 =	simm.s32 $_size__tile_overlayer_lowered;
	s6 =	simm.s32 $_tile_overlayer_lowered  }
0xa1: {  	s22 =	simm.s32 $0x1BFF;
	s21 =	sshll.u32 s6, $0x1;
	s3 =	sadd.s32 s19, s18  }
0xa2: {  	s7 =	simm.s32 $0x0;
	s20 =	sshll.u32 s5, $0x1;
	s5 =	sadd.s32 s21, s3  }
0xa3: {  	[timem:s7], [sflag:s22] =	dma.local [hbm:s5], s20  }
0xa4: {  	_ =	swait.ge [sflag:s22], s20  }
0xa5: {  	s4 =	ssub.s32 $0x0, s20;
	[sflag:s22] =	ssyncset.done $0x0  }
0xa6: {  	[sflag:s22] =	ssyncadd.s32 s4;
	_ =	sdelay $0x1  }
0xa7: {  	s23 =	simm.s32 $0x1B8B  }
0xa8: {  	_ =	swait.ge [sflag:s23], $0x1  }
0xa9: {  	[sflag:s23] =	ssyncset.done $0x0  }
0xaa: {  	s25 =	simm.s32 $0x1B8E;
	s24 =	sld [smem:$0x3FFE];
	[sflag:s23] =	ssyncadd.s32 $0xFFFFFFFF  }
0xab: {  	s26 =	simm.s32 $execute0_lowered;
	[smem:$0x3FD2] =	sst s25  }
0xac: {  	s5 =	sshll.u32 s26, $0x1;
	_ =	strace $0x8000004F;
	[dreg:$0x1] =	wrdreg $0xFFFFFFFF  }
0xad: {  	s28 =	simm.s32 $_size_execute0_lowered;
	s3 =	sadd.s32 s3, s5;
	[dreg:$0x0] =	wrdreg $0x0  }
0xae: {  	s5 =	sshll.u32 s28, $0x1;
	[dreg:$0x2] =	wrdreg s3  }
0xaf: {  	[dreg:$0x3] =	wrdreg s5  }
0xb0: {  	[dreg:$0x4] =	wrdreg $0xC0  }
0xb1: {  	_ =	task [dreg:s7], $0x5FFFF  }
0xb2: {  	[dreg:$0x1] =	wrdreg $0xFFFFFFFF  }
0xb3: {  	[dreg:$0x0] =	wrdreg $0x60  }
0xb4: {  	[dreg:$0x2] =	wrdreg s16  }
0xb5: {  	[dreg:$0x3] =	wrdreg s24  }
0xb6: {  	[dreg:$0x4] =	wrdreg $0x0  }
0xb7: {  	[dreg:$0x5] =	wrdreg $0x9  }
0xb8: {  	_ =	task.clear_ibuf [dreg:s7], $0x6FFFF;
	_ =	strace $0x9000004F  }
0xb9: {  	s29 =	simm.s32 $0x9;
	_ =	strace $0x80000051  }
0xba: {  	_ =	swait.ge [sflag:s29], $0x1  }
0xbb: {  	[sflag:s29] =	ssyncadd.s32 $0xFFFFFFFF  }
0xbc: {  	_ =	strace $0x90000051  }
0xbd: {  	_ =	sfence  }
0xbe: {  	s30 =	sld [smem:$0x0];
	_ =	sdelay $0x2  }
0xbf: {  	s31 =	sshll.u32 s1, $0xD;
	s1 =	sshrl.u32 s1, $0x2  }
0xc0: {  	s3 =	sand.u32 $0x4000, s31;
	s1 =	sadd.s32 s1, s30  }
0xc1: {  	s0 =	sor.u32 s3, s0;
	s1 =	sshll.u32 s1, $0x11  }
0xc2: {  	s0 =	sor.u32 s1, s0  }
0xc3: {  	s0 =	sadd.s32 $0x8F2B, s0  }
0xc4: {  	[sflag:s0] =	ssyncadd.remote.s32 $0x1  }
0xc5: {  	_ =	sfence.sel $0xFFFF  }
0xc6: {  	[dreg:$0x0] =	wrdreg $0xFFFFFFFF;
	(pc) =	sbr.abs _section_cstart, $3  }
0xc7: {  	[dreg:$0x1] =	wrdreg $0xFFFFFFFF  }
0xc8: {  	_ =	task.clear_ibuf [dreg:s7], $0x2FFFF;
	_ =	strace $0x9FFFFFFF  }
0xc9: {  	(tm) =	ssettm $0x7FFFFFFF  }
tec
execute0_lowered:
.L_overlay_start_1:
0x0: {  	(tag) =	ssettag $0x1  }
0x1: {  	s0 =	rddreg [dreg:$0x0]  }
0x2: {  	s1 =	rddreg [dreg:$0x1];
	s3 =	srdreg.scid  }
0x3: {  	s12 =	stileid.u32;
	s2 =	rddreg [dreg:$0x2]  }
0x4: {  	s17 =	simm.s32 $0x14C80;
	s18 =	simm.s32 $0x80;
	s19 =	simm.s32 $0x16080  }
0x5: {  	s20 =	simm.s32 $0x18080;
	s22 =	simm.s32 $0x1A080;
	s28 =	simm.s32 $0x2  }
0x6: {  	s29 =	simm.s32 $0x3;
	s30 =	simm.s32 $0x4;
	s31 =	simm.s32 $0x0  }
0x7: {  	s11 =	sand.u32 $0x1, s3;
	s4 =	sshll.u32 s12, $0x1;
	s8 =	smul.u32 $0x13880, s12  }
0x8: {  	s3 =	simm.s32 $0x0;
	s13 =	sadd.s32 $0x47400, s1;
	s15 =	smul.u32 $0x28000, s12  }
0x9: {  	s24 =	sshll.u32 s12, $0x6;
	s6 =	sor.u32 s11, s4;
	s16 =	smul.u32 $0x14000, s11  }
0xa: {  	[smem:$0x7FF] =	sst s3;
	s5 =	ssub.s32 $0x2, s11;
	s4 =	smul.u32 $0x1400, s6  }
0xb: {  	_ =	strace $0x80000050;
	s7 =	sshrl.u32 s5, $0x1;
	s14 =	sadd.s32 s8, s2  }
0xc: {  	s23 =	sshrl.u32 s8, $0x3;
	s25 =	smul.u32 $0x14000, s6;
	s26 =	sadd.s32 s15, s13  }
0xd: {  	s15 =	simm.s32 $0x5;
	s10 =	ssub.s32 s5, s7;
	s5 =	sor.u32 $0x1C05, s24  }
0xe: {  	s14 =	sshrl.u32 s14, $0x3;
	s24 =	simm.s32 $0x1C080;
	s4 =	sshrl.u32 s4, $0x3  }
0xf: {  	s8 =	smax.u32 s10, $0x1;
	s9 =	sadd.s32 s4, s1;
	s4 =	sadd.s32 s0, s23  }
0x10: {  	s1 =	sadd.s32 $0x47408, s1;
	s0 =	sor.u32 $0x800, s25;
	s6 =	sadd.s32 $0x16200, s9  }
0x11: {  	s7 =	sadd.s32 $0x1B200, s9;
	s9 =	sadd.s32 s13, s25;
	s10 =	sadd.s32 s25, s1  }
0x12: {  	s11 =	sadd.s32 s13, s0;
	s12 =	sadd.s32 s0, s1;
	s13 =	sadd.s32 s16, s26  }
0x13: {  	s16 =	simm.s32 $0x13880;
	s25 =	simm.s32 $0x1;
	s26 =	simm.s32 $0x40  }
.LBB2_1:
0x14: {  	[spmem:s14], [sflag:s5] =	dma.local [hbm:s4], $0x2710  }
0x15: {  	_ =	swait.ge [sflag:s15], $0x2710  }
0x16: {  	[sflag:s15] =	ssyncset.done $0x0  }
0x17: {  	[sflag:s15] =	ssyncadd.s32 $0xFFFFD8F0  }
0x18: {  	[tilespmem:s16], [sflag:$0x5] =	stream.linear.gather [hbm4b:s6+s3], $0x1400, $0x38;
	[tilespmem:$0x1E080] =	vst v63  }
0x19: {  	_ =	swait.ge [sflag:s15], $0x1400  }
0x1a: {  	[sflag:s15] =	ssyncset.done $0x0  }
0x1b: {  	[sflag:s15] =	ssyncadd.s32 $0xFFFFEC00  }
0x1c: {  	[tilespmem:s17], [sflag:$0x5] =	stream.linear.gather [hbm4b:s7+s3], $0x1400, $0x38;
	[tilespmem:$0x1E080] =	vst v63  }
0x1d: {  	_ =	swait.ge [sflag:s15], $0x1400  }
0x1e: {  	[sflag:s15] =	ssyncset.done $0x0  }
0x1f: {  	s0 =	simm.s32 $0x0;
	[sflag:s15] =	ssyncadd.s32 $0xFFFFEC00  }
0x20: {  	s1 =	simm.s32 $0x40;
	v0 =	vld [tilespmem:s0+$0x13880]  }
.LBB2_2:
0x21: {  	p0 =	sne.s32 s1, $0x4FC0;
	v1 =	vld [tilespmem:s0+$0x14C80];
	_ =	sdelay $0x2  }
.Ltmp0:
0x22: {  	(pc) =	sbr.rel @p0 .LBB2_2-.Ltmp0, $4  }
0x23: {  	_ = 	snop  }
0x24: {  	v0 =	vshll.u32 v0, $0x1;
	v1 =	vshll.u32 v1, $0x1  }
0x25: {  	s21 =	sshra.s32 s1, $0x2;
	[tilespmem:s0+$0x13880] =	vst v0;
	v1 =	vor.u32 $0x1, v1  }
0x26: {  	s1 =	sadd.s32 $0x40, s1;
	v0 =	vld [tilespmem:s21+$0x13880];
	[tilespmem:s0+$0x14C80] =	vst v1;
	s0 =	smov.u32 s21  }
0x27: {  	v1 =	vld [tilespmem:s0+$0x14C80];
	_ =	sdelay $0x4  }
0x28: {  	v0 =	vshll.u32 v0, $0x1;
	v1 =	vshll.u32 v1, $0x1  }
0x29: {  	[tilespmem:s0+$0x13880] =	vst v0;
	v63 =	vor.u32 $0x1, v1  }
0x2a: {  	[tilespmem:s0+$0x14C80] =	vst v63  }
0x2b: {  	[bflag:$0x0] =	sbarrier.arrive $0xFFFF  }
0x2c: {  	[tilespmem:s19], [sflag:$0x1] =	stream.indirect.gather [spmem:s2], $0x40, s16, s18, $0xb8;
	[tilespmem:$0x1E080] =	vst v63  }
0x2d: {  	_ = 	snop  }
0x2e: {  	[tilespmem:s20], [sflag:$0x1] =	stream.indirect.gather [spmem:s2], $0x40, s17, s18, $0xb8;
	[tilespmem:$0x1E080] =	vst v63  }
0x2f: {  	s21 =	simm.s32 $0x13900  }
0x30: {  	[tilespmem:s22], [sflag:$0x2] =	stream.indirect.gather [spmem:s2], $0x40, s21, s18, $0xb8;
	[tilespmem:$0x1E080] =	vst v63  }
0x31: {  	s23 =	simm.s32 $0x14D00  }
0x32: {  	[tilespmem:s24], [sflag:$0x2] =	stream.indirect.gather [spmem:s2], $0x40, s23, s18, $0xb8;
	[tilespmem:$0x1E080] =	vst v63  }
0x33: {  	_ =	swait.ge [sflag:s25], $0x2000  }
0x34: {  	[sflag:s25] =	ssyncset.done $0x0  }
0x35: {  	[sflag:s25] =	ssyncadd.s32 $0xFFFFE000  }
0x36: {  	[hbm4b:s9+s26] =	stream.strided.scatter [tilespmem:s19], [sflag:$0x3], $0x2000, s18, s26, $0x38;
	[tilespmem:$0x1E080] =	vst v63  }
0x37: {  	_ =	swait.ge [sflag:s25], $0x2000  }
0x38: {  	[sflag:s25] =	ssyncset.done $0x0  }
0x39: {  	[sflag:s25] =	ssyncadd.s32 $0xFFFFE000  }
0x3a: {  	[hbm4b:s10+s26] =	stream.strided.scatter [tilespmem:s20], [sflag:$0x3], $0x2000, s18, s26, $0x38;
	[tilespmem:$0x1E080] =	vst v63  }
0x3b: {  	_ =	swait.ge [sflag:s28], $0x2000  }
0x3c: {  	[sflag:s28] =	ssyncset.done $0x0  }
0x3d: {  	[sflag:s28] =	ssyncadd.s32 $0xFFFFE000  }
0x3e: {  	[hbm4b:s11+s26] =	stream.strided.scatter [tilespmem:s22], [sflag:$0x4], $0x2000, s18, s26, $0x38;
	[tilespmem:$0x1E080] =	vst v63  }
0x3f: {  	_ =	swait.ge [sflag:s28], $0x2000  }
0x40: {  	[sflag:s28] =	ssyncset.done $0x0  }
0x41: {  	[sflag:s28] =	ssyncadd.s32 $0xFFFFE000  }
0x42: {  	[hbm4b:s12+s26] =	stream.strided.scatter [tilespmem:s24], [sflag:$0x4], $0x2000, s18, s26, $0x38;
	[tilespmem:$0x1E080] =	vst v63  }
0x43: {  	_ =	swait.ge [sflag:s29], $0x2000  }
0x44: {  	[sflag:s29] =	ssyncset.done $0x0  }
0x45: {  	[sflag:s29] =	ssyncadd.s32 $0xFFFFE000  }
0x46: {  	_ =	swait.ge [sflag:s29], $0x2000  }
0x47: {  	[sflag:s29] =	ssyncset.done $0x0  }
0x48: {  	s1 =	simm.s32 $0x13980;
	[sflag:s29] =	ssyncadd.s32 $0xFFFFE000  }
0x49: {  	[tilespmem:s19], [sflag:$0x1] =	stream.indirect.gather [spmem:s2], $0x40, s1, s18, $0xb8;
	[tilespmem:$0x1E080] =	vst v63  }
0x4a: {  	s21 =	simm.s32 $0x14D80  }
0x4b: {  	[tilespmem:s20], [sflag:$0x1] =	stream.indirect.gather [spmem:s2], $0x40, s21, s18, $0xb8;
	[tilespmem:$0x1E080] =	vst v63  }
0x4c: {  	_ =	swait.ge [sflag:s30], $0x2000  }
0x4d: {  	[sflag:s30] =	ssyncset.done $0x0  }
0x4e: {  	[sflag:s30] =	ssyncadd.s32 $0xFFFFE000  }
0x4f: {  	_ =	swait.ge [sflag:s30], $0x2000  }
0x50: {  	[sflag:s30] =	ssyncset.done $0x0  }
0x51: {  	s23 =	simm.s32 $0x13A00;
	[sflag:s30] =	ssyncadd.s32 $0xFFFFE000  }
0x52: {  	[tilespmem:s22], [sflag:$0x2] =	stream.indirect.gather [spmem:s2], $0x40, s23, s18, $0xb8;
	[tilespmem:$0x1E080] =	vst v63  }
0x53: {  	s1 =	simm.s32 $0x14E00  }
0x54: {  	[tilespmem:s24], [sflag:$0x2] =	stream.indirect.gather [spmem:s2], $0x40, s1, s18, $0xb8;
	[tilespmem:$0x1E080] =	vst v63  }
0x55: {  	_ =	swait.ge [sflag:s25], $0x2000  }
0x56: {  	s0 =	sadd.s32 $0x0, s13;
	[sflag:s25] =	ssyncset.done $0x0  }
0x57: {  	s1 =	sadd.s32 $0x1000, s0;
	[sflag:s25] =	ssyncadd.s32 $0xFFFFE000  }
0x58: {  	[hbm4b:s1+s26] =	stream.strided.scatter [tilespmem:s19], [sflag:$0x3], $0x2000, s18, s26, $0x38;
	[tilespmem:$0x1E080] =	vst v63  }
0x59: {  	_ =	swait.ge [sflag:s25], $0x2000  }
0x5a: {  	[sflag:s25] =	ssyncset.done $0x0  }
0x5b: {  	s21 =	sadd.s32 $0x1008, s0;
	[sflag:s25] =	ssyncadd.s32 $0xFFFFE000  }
0x5c: {  	[hbm4b:s21+s26] =	stream.strided.scatter [tilespmem:s20], [sflag:$0x3], $0x2000, s18, s26, $0x38;
	[tilespmem:$0x1E080] =	vst v63  }
0x5d: {  	_ =	swait.ge [sflag:s28], $0x2000  }
0x5e: {  	[sflag:s28] =	ssyncset.done $0x0  }
0x5f: {  	s23 =	sadd.s32 $0x1800, s0;
	[sflag:s28] =	ssyncadd.s32 $0xFFFFE000  }
0x60: {  	[hbm4b:s23+s26] =	stream.strided.scatter [tilespmem:s22], [sflag:$0x4], $0x2000, s18, s26, $0x38;
	[tilespmem:$0x1E080] =	vst v63  }
0x61: {  	_ =	swait.ge [sflag:s28], $0x2000  }
0x62: {  	s1 =	simm.s32 $0x1000;
	[sflag:s28] =	ssyncset.done $0x0  }
0x63: {  	s21 =	sadd.s32 $0x1808, s0;
	s0 =	simm.s32 $0x14F00;
	[sflag:s28] =	ssyncadd.s32 $0xFFFFE000  }
.LBB2_4:
0x64: {  	[hbm4b:s21+s26] =	stream.strided.scatter [tilespmem:s24], [sflag:$0x4], $0x2000, s18, s26, $0x38;
	[tilespmem:$0x1E080] =	vst v63  }
0x65: {  	s21 =	smov.u32 s1  }
0x66: {  	p0 =	sne.s32 s1, $0x12000;
	s1 =	sadd.s32 $0x1000, s1;
	_ =	swait.ge [sflag:s29], $0x2000  }
0x67: {  	[sflag:s29] =	ssyncset.done $0x0  }
0x68: {  	[sflag:s29] =	ssyncadd.s32 $0xFFFFE000  }
0x69: {  	_ =	swait.ge [sflag:s29], $0x2000  }
0x6a: {  	[sflag:s29] =	ssyncset.done $0x0  }
0x6b: {  	s23 =	sadd.s32 $0xFFFFEB80, s0;
	[sflag:s29] =	ssyncadd.s32 $0xFFFFE000  }
0x6c: {  	[tilespmem:s19], [sflag:$0x1] =	stream.indirect.gather [spmem:s2], $0x40, s23, s18, $0xb8;
	[tilespmem:$0x1E080] =	vst v63  }
0x6d: {  	s23 =	sadd.s32 $0xFFFFFF80, s0  }
0x6e: {  	[tilespmem:s20], [sflag:$0x1] =	stream.indirect.gather [spmem:s2], $0x40, s23, s18, $0xb8;
	[tilespmem:$0x1E080] =	vst v63  }
0x6f: {  	_ =	swait.ge [sflag:s30], $0x2000  }
0x70: {  	[sflag:s30] =	ssyncset.done $0x0  }
0x71: {  	[sflag:s30] =	ssyncadd.s32 $0xFFFFE000  }
0x72: {  	_ =	swait.ge [sflag:s30], $0x2000  }
0x73: {  	[sflag:s30] =	ssyncset.done $0x0  }
0x74: {  	s23 =	sadd.s32 $0xFFFFEC00, s0;
	[sflag:s30] =	ssyncadd.s32 $0xFFFFE000  }
0x75: {  	[tilespmem:s22], [sflag:$0x2] =	stream.indirect.gather [spmem:s2], $0x40, s23, s18, $0xb8;
	[tilespmem:$0x1E080] =	vst v63  }
0x76: {  	_ = 	snop  }
0x77: {  	[tilespmem:s24], [sflag:$0x2] =	stream.indirect.gather [spmem:s2], $0x40, s0, s18, $0xb8;
	[tilespmem:$0x1E080] =	vst v63  }
0x78: {  	_ =	swait.ge [sflag:s25], $0x2000  }
0x79: {  	s21 =	sadd.s32 s21, s13;
	[sflag:s25] =	ssyncset.done $0x0  }
0x7a: {  	s23 =	sadd.s32 $0x1000, s21;
	[sflag:s25] =	ssyncadd.s32 $0xFFFFE000  }
0x7b: {  	[hbm4b:s23+s26] =	stream.strided.scatter [tilespmem:s19], [sflag:$0x3], $0x2000, s18, s26, $0x38;
	[tilespmem:$0x1E080] =	vst v63  }
0x7c: {  	_ =	swait.ge [sflag:s25], $0x2000  }
0x7d: {  	[sflag:s25] =	ssyncset.done $0x0  }
0x7e: {  	s23 =	sadd.s32 $0x1008, s21;
	[sflag:s25] =	ssyncadd.s32 $0xFFFFE000  }
0x7f: {  	[hbm4b:s23+s26] =	stream.strided.scatter [tilespmem:s20], [sflag:$0x3], $0x2000, s18, s26, $0x38;
	[tilespmem:$0x1E080] =	vst v63  }
0x80: {  	_ =	swait.ge [sflag:s28], $0x2000  }
0x81: {  	[sflag:s28] =	ssyncset.done $0x0  }
.Ltmp1:
0x82: {  	s23 =	sadd.s32 $0x1800, s21;
	[sflag:s28] =	ssyncadd.s32 $0xFFFFE000;
	(pc) =	sbr.rel @p0 .LBB2_4-.Ltmp1, $4  }
0x83: {  	[hbm4b:s23+s26] =	stream.strided.scatter [tilespmem:s22], [sflag:$0x4], $0x2000, s18, s26, $0x38;
	[tilespmem:$0x1E080] =	vst v63  }
0x84: {  	_ =	swait.ge [sflag:s28], $0x2000  }
0x85: {  	[sflag:s28] =	ssyncset.done $0x0  }
0x86: {  	s0 =	sadd.s32 $0x100, s0;
	s21 =	sadd.s32 $0x1808, s21;
	[sflag:s28] =	ssyncadd.s32 $0xFFFFE000  }
0x87: {  	[hbm4b:s21+s26] =	stream.strided.scatter [tilespmem:s24], [sflag:$0x4], $0x2000, s18, s26, $0x38;
	[tilespmem:$0x1E080] =	vst v63  }
0x88: {  	_ =	swait.ge [sflag:s29], $0x2000  }
0x89: {  	[sflag:s29] =	ssyncset.done $0x0  }
0x8a: {  	[sflag:s29] =	ssyncadd.s32 $0xFFFFE000  }
0x8b: {  	_ =	swait.ge [sflag:s29], $0x2000  }
0x8c: {  	[sflag:s29] =	ssyncset.done $0x0  }
0x8d: {  	s31 =	sadd.s32 $0x1, s31;
	[sflag:s29] =	ssyncadd.s32 $0xFFFFE000  }
0x8e: {  	p0 =	sne.s32 s31, s8;
	_ =	swait.ge [sflag:s30], $0x2000  }
.Ltmp2:
0x8f: {  	[sflag:s30] =	ssyncset.done $0x0;
	(pc) =	sbr.rel @p0 .LBB2_1-.Ltmp2, $4  }
0x90: {  	[sflag:s30] =	ssyncadd.s32 $0xFFFFE000  }
0x91: {  	_ =	swait.ge [sflag:s30], $0x2000  }
0x92: {  	[sflag:s30] =	ssyncset.done $0x0  }
0x93: {  	[sflag:s30] =	ssyncadd.s32 $0xFFFFE000  }
0x94: {  	_ =	sfence.sel $0x180000  }
0x95: {  	[bflag:$0x0] =	sbarrier.arrive $0xFFFF  }
0x96: {  	_ =	strace $0x90000050  }
0x97: {  	s0 =	stileid.u32;
	[bflag:$0x2] =	sbarrier.arrive $0xFFFF  }
0x98: {  	p0 =	sne.s32 s0, $0x0;
	s0 =	rddreg [dreg:$0x3]  }
0x99: {  	s0 =	sadd.s32 @!p0 $0x100000, s0  }
0x9a: {  	[sflag:s0] =	ssyncadd.tile.s32 @!p0 $0x1;
	_ =	shalt  }
.Lfunc_end2:
_tile_overlayer_lowered:
.L_overlay_start_2:
0x9b: {  	(tag) =	ssettag $0x2  }
0x9c: {  	s0 =	rddreg [dreg:$0x0];
	s2 =	stileid.u32  }
0x9d: {  	s1 =	rddreg [dreg:$0x1];
	p0 =	sne.s32 s2, $0x0  }
0x9e: {  	s3 =	rddreg [dreg:$0x2];
	[bflag:$0x3] =	sbarrier.arrive $0xFFFF;
	s2 =	simm.s32 @!p0 $0x1C05  }
0x9f: {  	[timem:s3], [sflag:s2] =	dma.local @!p0 [hbm:s0], s1  }
0xa0: {  	s0 =	simm.s32 @!p0 $0x5  }
0xa1: {  	_ =	swait.ge @!p0 [sflag:s0], s1  }
0xa2: {  	s1 =	ssub.s32 @!p0 $0x0, s1;
	[sflag:s0] =	ssyncset.done @!p0 $0x0  }
0xa3: {  	[sflag:s0] =	ssyncadd.s32 @!p0 s1  }
0xa4: {  	[bflag:$0x3] =	sbarrier.arrive $0xFFFF  }
0xa5: {  	_ =	shalt  }

// kernel: kernel.23.cloned.1.call-start
scs
__scs_entry_jumppad:
0x0: {  	(pc) =	sbr.rel $0x88, $3  }
0x1: {  	(tag) =	ssettag $0x0;
	lr =	simm.s32 $0x1  }
0x2: {  	[smem:$0x3F7F] =	sst lr;
	_ =	strace $0xD0000000  }
0x3: {  	_ = 	snop  }
0x4: {  	_ = 	snop  }
0x5: {  	_ = 	snop  }
0x6: {  	_ = 	snop  }
0x7: {  	_ = 	snop  }
__scs_overlays_trampoline_lowered:
0x8: {  	[smem:$0x3F8E] =	sst s0  }
0x9: {  	[smem:$0x3F8F] =	sst s1  }
0xa: {  	[smem:$0x3F90] =	sst s2  }
0xb: {  	[smem:$0x3F91] =	sst s3  }
0xc: {  	[smem:$0x3F92] =	sst s4  }
0xd: {  	[smem:$0x3F93] =	sst s5  }
0xe: {  	[smem:$0x3F94] =	sst s6  }
0xf: {  	[smem:$0x3F95] =	sst s7  }
0x10: {  	[smem:$0x3F96] =	sst s8  }
0x11: {  	[smem:$0x3F97] =	sst s9;
	s0 =	simm.s32 @!p0 $0x0  }
0x12: {  	s1 =	sld [smem:$0x3F7D];
	s0 =	simm.s32 @p0 $0x1  }
0x13: {  	[smem:$0x3F98] =	sst s0;
	s0 =	simm.s32 @!p1 $0x0  }
0x14: {  	s2 =	sld [smem:$0x3F7C];
	s0 =	simm.s32 @p1 $0x1  }
0x15: {  	[smem:$0x3F99] =	sst s0;
	s0 =	simm.s32 @!p2 $0x0  }
0x16: {  	s3 =	sld [smem:$0x3FDB];
	s0 =	simm.s32 @p2 $0x1  }
0x17: {  	s4 =	simm.s32 $0x1BF5;
	[smem:$0x3F9B] =	sst s0  }
0x18: {  	s0 =	sld [smem:$0x3F7E];
	_ =	swait.ge [sflag:s4], $0x0  }
0x19: {  	s7 =	sld [smem:$0x3F7F]  }
0x1a: {  	s8 =	sadd.s32 $0xFFFFE003, lr  }
0x1b: {  	s9 =	sadd.s32 $0xFFFFFEF7, lr;
	s5 =	simm.s32 $0xFFFFFFFF;
	p2 =	slt.u32 s8, $0xFFFFF086  }
0x1c: {  	p1 =	slt.u32 s9, $0xF7A;
	s5 =	simm.s32 @!p2 $0x0  }
0x1d: {  	s5 =	simm.s32 @p1 $0x1;
	p0 =	seq.s32 s7, s2  }
0x1e: {  	s7 =	smul.u32 @!p0 $0xF7A, s2;
	p2 =	seq.s32 @!p0 s5, $0x0  }
0x1f: {  	s9 =	smul.u32 $0xF7A, s1;
	s8 =	simm.s32 @!p0 $0x1BF5;
	p2 =	por !p2, p0  }
0x20: {  	[sflag:s8] =	ssyncset.s32 @!p0 $0xFFFFF086;
	s6 =	sadd.s32 @!p0 s3, s7;
	s7 =	simm.s32 @!p0 $0x108  }
0x21: {  	s3 =	sadd.s32 s3, s9;
	s6 =	sadd.s32 @!p0 $0x88, s6;
	s7 =	simm.s32 @p2 $0x1082  }
0x22: {  	[simem:s7], [sflag:s8] =	dma.local @!p0 [hbm:s6], $0xF7A  }
0x23: {  	s9 =	sor.u32 $0xD0000000, s2;
	s6 =	simm.s32 $0x108;
	_ =	swait.ge @!p0 [sflag:s8], $0x0  }
0x24: {  	s3 =	sadd.s32 $0x88, s3;
	s6 =	simm.s32 @!p1 $0x1082;
	[sflag:s4] =	ssyncset.s32 $0xFFFFF086  }
0x25: {  	[simem:s6], [sflag:s4] =	dma.local [hbm:s3], $0xF7A  }
0x26: {  	[smem:$0x3F7F] =	sst s1;
	(tag) =	ssettag s2;
	_ =	strace s9  }
0x27: {  	s1 =	sld [smem:$0x3F8F]  }
0x28: {  	s2 =	sld [smem:$0x3F90]  }
0x29: {  	s4 =	sld [smem:$0x3F92]  }
0x2a: {  	p0 =	seq.s32 s5, $0x0;
	s5 =	sld [smem:$0x3F93]  }
0x2b: {  	s6 =	sld [smem:$0x3F94]  }
0x2c: {  	s7 =	sld [smem:$0x3F95]  }
0x2d: {  	s3 =	simm.s32 $0x108;
	s8 =	sld [smem:$0x3F96]  }
0x2e: {  	s3 =	simm.s32 @!p0 $0x1082;
	s9 =	sld [smem:$0x3F97]  }
0x2f: {  	lr =	sadd.s32 s0, s3;
	s0 =	sld [smem:$0x3F8E]  }
0x30: {  	s3 =	sld [smem:$0x3F91]  }
0x31: {  	[smem:$0x3F9A] =	sst s10  }
0x32: {  	s10 =	sld [smem:$0x3F98];
	_ =	sdelay $0x3  }
0x33: {  	p0 =	seq.s32 s10, $0x1;
	s10 =	sld [smem:$0x3F9A];
	_ =	sdelay $0x3  }
0x34: {  	[smem:$0x3F9A] =	sst s10  }
0x35: {  	s10 =	sld [smem:$0x3F99];
	_ =	sdelay $0x3  }
0x36: {  	p1 =	seq.s32 s10, $0x1;
	s10 =	sld [smem:$0x3F9A];
	_ =	sdelay $0x3  }
0x37: {  	[smem:$0x3F9A] =	sst s10  }
0x38: {  	s10 =	sld [smem:$0x3F9B]  }
0x39: {  	_ = 	snop;
	(pc) =	sbr.ind lr, $3  }
0x3a: {  	_ = 	snop  }
0x3b: {  	_ = 	snop  }
0x3c: {  	p2 =	seq.s32 s10, $0x1;
	s10 =	sld [smem:$0x3F9A]  }
0x3d: {  	_ =	shalt  }
0x3e: {  	_ =	shalt  }
0x3f: {  	_ =	shalt  }
0x40: {  	_ =	shalt  }
0x41: {  	_ =	shalt  }
0x42: {  	_ =	shalt  }
0x43: {  	_ =	shalt  }
0x44: {  	_ =	shalt  }
0x45: {  	_ =	shalt  }
0x46: {  	_ =	shalt  }
0x47: {  	_ =	shalt  }
0x48: {  	_ =	shalt  }
0x49: {  	_ =	shalt  }
0x4a: {  	_ =	shalt  }
0x4b: {  	_ =	shalt  }
0x4c: {  	_ =	shalt  }
0x4d: {  	_ =	shalt  }
0x4e: {  	_ =	shalt  }
0x4f: {  	_ =	shalt  }
0x50: {  	_ =	shalt  }
0x51: {  	_ =	shalt  }
0x52: {  	_ =	shalt  }
0x53: {  	_ =	shalt  }
0x54: {  	_ =	shalt  }
0x55: {  	_ =	shalt  }
0x56: {  	_ =	shalt  }
0x57: {  	_ =	shalt  }
0x58: {  	_ =	shalt  }
0x59: {  	_ =	shalt  }
0x5a: {  	_ =	shalt  }
0x5b: {  	_ =	shalt  }
0x5c: {  	_ =	shalt  }
0x5d: {  	_ =	shalt  }
0x5e: {  	_ =	shalt  }
0x5f: {  	_ =	shalt  }
0x60: {  	_ =	shalt  }
0x61: {  	_ =	shalt  }
0x62: {  	_ =	shalt  }
0x63: {  	_ =	shalt  }
0x64: {  	_ =	shalt  }
0x65: {  	_ =	shalt  }
0x66: {  	_ =	shalt  }
0x67: {  	_ =	shalt  }
0x68: {  	_ =	shalt  }
0x69: {  	_ =	shalt  }
0x6a: {  	_ =	shalt  }
0x6b: {  	_ =	shalt  }
0x6c: {  	_ =	shalt  }
0x6d: {  	_ =	shalt  }
0x6e: {  	_ =	shalt  }
0x6f: {  	_ =	shalt  }
0x70: {  	_ =	shalt  }
0x71: {  	_ =	shalt  }
0x72: {  	_ =	shalt  }
0x73: {  	_ =	shalt  }
0x74: {  	_ =	shalt  }
0x75: {  	_ =	shalt  }
0x76: {  	_ =	shalt  }
0x77: {  	_ =	shalt  }
0x78: {  	_ =	shalt  }
0x79: {  	_ =	shalt  }
0x7a: {  	_ =	shalt  }
0x7b: {  	_ =	shalt  }
0x7c: {  	_ =	shalt  }
0x7d: {  	_ =	shalt  }
0x7e: {  	_ =	shalt  }
0x7f: {  	_ =	shalt  }
0x80: {  	_ =	shalt  }
0x81: {  	_ =	shalt  }
0x82: {  	_ =	shalt  }
0x83: {  	_ =	shalt  }
0x84: {  	_ =	shalt  }
0x85: {  	_ =	shalt  }
0x86: {  	_ =	shalt  }
0x87: {  	_ =	shalt  }
.Lfunc_end0:
.L_simem_size_0:
called_computation.4_lowered:
.L_overlay_start_0:
0x88: {  	s2 =	sld [smem:$0x3FD9]  }
0x89: {  	s3 =	sld [smem:$0x3FFE];
	_ =	sdelay $0x1  }
0x8a: {  	s1 =	srdreg.scid  }
0x8b: {  	s0 =	sand.u32 $0x1, s1  }
0x8c: {  	s14 =	sshll.u32 s0, $0xA;
	s2 =	sadd.s32 s3, s2  }
0x8d: {  	s2 =	sadd.s32 s2, s14  }
0x8e: {  	[smem:$0x3FA6] =	sst s2  }
0x8f: {  	_ = 	snop  }
0x90: {  	s2 =	sld [smem:$0x3FD0];
	_ =	sdelay $0x2  }
0x91: {  	s15 =	simm.s32 $0xB;
	s4 =	simm.s32 $0x10  }
0x92: {  	[smem:s4], [sflag:s15] =	dma.local [hbm:s2], $0x1  }
0x93: {  	_ =	swait.eq [sflag:s15], $0x1  }
0x94: {  	[sflag:s15] =	ssyncset.done $0x0  }
0x95: {  	[sflag:s15] =	ssyncadd.s32 $0xFFFFFFFF  }
0x96: {  	s16 =	sld [smem:$0x11];
	(tm) =	ssettm $0x1  }
0x97: {  	s17 =	sld [smem:$0x3FFB];
	_ =	sdelay $0x3  }
0x98: {  	_ =	strace s17  }
0x99: {  	s3 =	sld [smem:$0x3FFC];
	_ =	sdelay $0x3  }
0x9a: {  	_ =	strace s3  }
0x9b: {  	s3 =	sld [smem:$0x3FFD];
	_ =	sdelay $0x3  }
0x9c: {  	_ =	strace s3  }
0x9d: {  	_ =	strace $0x8FFFFFFF  }
0x9e: {  	s18 =	sld [smem:$0x3FDB];
	_ =	sdelay $0x1  }
0x9f: {  	s19 =	simm.s32 $_scs_section_size  }
0xa0: {  	s5 =	simm.s32 $_size__tile_overlayer_lowered;
	s6 =	simm.s32 $_tile_overlayer_lowered  }
0xa1: {  	s22 =	simm.s32 $0x1BFF;
	s21 =	sshll.u32 s6, $0x1;
	s3 =	sadd.s32 s19, s18  }
0xa2: {  	s7 =	simm.s32 $0x0;
	s20 =	sshll.u32 s5, $0x1;
	s5 =	sadd.s32 s21, s3  }
0xa3: {  	[timem:s7], [sflag:s22] =	dma.local [hbm:s5], s20  }
0xa4: {  	_ =	swait.ge [sflag:s22], s20  }
0xa5: {  	s4 =	ssub.s32 $0x0, s20;
	[sflag:s22] =	ssyncset.done $0x0  }
0xa6: {  	[sflag:s22] =	ssyncadd.s32 s4;
	_ =	sdelay $0x1  }
0xa7: {  	s23 =	simm.s32 $0x1B8B  }
0xa8: {  	_ =	swait.ge [sflag:s23], $0x1  }
0xa9: {  	[sflag:s23] =	ssyncset.done $0x0  }
0xaa: {  	s25 =	simm.s32 $0x1B8E;
	s24 =	sld [smem:$0x3FFE];
	[sflag:s23] =	ssyncadd.s32 $0xFFFFFFFF  }
0xab: {  	s26 =	simm.s32 $execute0_lowered;
	[smem:$0x3FD2] =	sst s25  }
0xac: {  	s5 =	sshll.u32 s26, $0x1;
	_ =	strace $0x80000052;
	[dreg:$0x1] =	wrdreg $0xFFFFFFFF  }
0xad: {  	s28 =	simm.s32 $_size_execute0_lowered;
	s3 =	sadd.s32 s3, s5;
	[dreg:$0x0] =	wrdreg $0x0  }
0xae: {  	s5 =	sshll.u32 s28, $0x1;
	[dreg:$0x2] =	wrdreg s3  }
0xaf: {  	[dreg:$0x3] =	wrdreg s5  }
0xb0: {  	[dreg:$0x4] =	wrdreg $0xC0  }
0xb1: {  	_ =	task [dreg:s7], $0x5FFFF  }
0xb2: {  	[dreg:$0x1] =	wrdreg $0xFFFFFFFF  }
0xb3: {  	[dreg:$0x0] =	wrdreg $0x60  }
0xb4: {  	[dreg:$0x2] =	wrdreg s24  }
0xb5: {  	[dreg:$0x3] =	wrdreg s16  }
0xb6: {  	[dreg:$0x4] =	wrdreg $0x0  }
0xb7: {  	[dreg:$0x5] =	wrdreg $0x9  }
0xb8: {  	_ =	task.clear_ibuf [dreg:s7], $0x6FFFF;
	_ =	strace $0x90000052  }
0xb9: {  	s29 =	simm.s32 $0x9;
	_ =	strace $0x80000054  }
0xba: {  	_ =	swait.ge [sflag:s29], $0x1  }
0xbb: {  	[sflag:s29] =	ssyncadd.s32 $0xFFFFFFFF  }
0xbc: {  	_ =	strace $0x90000054  }
0xbd: {  	_ =	sfence  }
0xbe: {  	s30 =	sld [smem:$0x0];
	_ =	sdelay $0x2  }
0xbf: {  	s31 =	sshll.u32 s1, $0xD;
	s1 =	sshrl.u32 s1, $0x2  }
0xc0: {  	s3 =	sand.u32 $0x4000, s31;
	s1 =	sadd.s32 s1, s30  }
0xc1: {  	s0 =	sor.u32 s3, s0;
	s1 =	sshll.u32 s1, $0x11  }
0xc2: {  	s0 =	sor.u32 s1, s0  }
0xc3: {  	s0 =	sadd.s32 $0x8F2B, s0  }
0xc4: {  	[sflag:s0] =	ssyncadd.remote.s32 $0x1  }
0xc5: {  	_ =	sfence.sel $0xFFFF  }
0xc6: {  	[dreg:$0x0] =	wrdreg $0xFFFFFFFF;
	(pc) =	sbr.abs _section_cstart, $3  }
0xc7: {  	[dreg:$0x1] =	wrdreg $0xFFFFFFFF  }
0xc8: {  	_ =	task.clear_ibuf [dreg:s7], $0x2FFFF;
	_ =	strace $0x9FFFFFFF  }
0xc9: {  	(tm) =	ssettm $0x7FFFFFFF  }
tec
execute0_lowered:
.L_overlay_start_1:
0x0: {  	(tag) =	ssettag $0x1  }
0x1: {  	s0 =	rddreg [dreg:$0x0]  }
0x2: {  	s1 =	rddreg [dreg:$0x1];
	s3 =	srdreg.scid  }
0x3: {  	s16 =	stileid.u32;
	s2 =	rddreg [dreg:$0x2]  }
0x4: {  	s17 =	simm.s32 $0x11080;
	s18 =	simm.s32 $0x1;
	s19 =	simm.s32 $0x80  }
0x5: {  	s20 =	simm.s32 $0xB080;
	s21 =	simm.s32 $0x2;
	s22 =	simm.s32 $0x3  }
0x6: {  	s28 =	simm.s32 $0x7;
	s29 =	simm.s32 $0x8;
	s6 =	smul.u32 $0x9C80, s16  }
0x7: {  	s30 =	simm.s32 $0x0;
	s7 =	sand.u32 $0x1, s3;
	s13 =	smul.u32 $0x9C40, s16  }
0x8: {  	s4 =	sshll.u32 s16, $0x1;
	s3 =	simm.s32 $0x0;
	s15 =	smul.u32 $0xA0000, s16  }
0x9: {  	s9 =	sadd.s32 $0xB7E800, s0;
	s25 =	sshll.u32 s16, $0x6;
	s26 =	smul.u32 $0x2800, s16  }
0xa: {  	s16 =	simm.s32 $0xF080;
	s4 =	sor.u32 s7, s4;
	s12 =	smul.u32 $0x9C400, s7  }
0xb: {  	[smem:$0x7FF] =	sst s3;
	s23 =	ssub.s32 $0x2, s7;
	s5 =	smul.u32 $0x1400, s4  }
0xc: {  	_ =	strace $0x80000053;
	s10 =	smul.u32 $0xA000, s4;
	s24 =	sshrl.u32 s6, $0x3  }
0xd: {  	s11 =	sshrl.u32 s23, $0x1;
	s14 =	sadd.s32 s6, s2;
	s6 =	smul.u32 $0x1400, s7  }
0xe: {  	s7 =	smul.u32 $0x50000, s7;
	s11 =	ssub.s32 s23, s11;
	s4 =	sadd.s32 s13, s12  }
0xf: {  	s13 =	sadd.s32 s13, s2;
	s23 =	simm.s32 $0x4;
	s5 =	sshrl.u32 s5, $0x3  }
0x10: {  	s10 =	sadd.s32 s9, s10;
	s8 =	sadd.s32 s5, s0;
	s0 =	sadd.s32 s24, s0  }
0x11: {  	s5 =	sor.u32 $0x1C09, s25;
	[dreg:$0x4] =	wrdreg s10;
	s25 =	sadd.s32 s7, s15  }
0x12: {  	s15 =	simm.s32 $0xD080;
	s24 =	simm.s32 $0x5;
	s0 =	sadd.s32 $0x40DA00, s0  }
0x13: {  	s31 =	sadd.s32 $0x11200, s8;
	s8 =	sshrl.u32 s4, $0x3;
	[dreg:$0x5] =	wrdreg s0  }
0x14: {  	s10 =	sshrl.u32 s25, $0x3;
	[dreg:$0x6] =	wrdreg s31;
	s1 =	sadd.s32 s1, s8  }
0x15: {  	s0 =	sadd.s32 s6, s26;
	s26 =	smax.u32 s11, $0x1;
	[dreg:$0x7] =	wrdreg s1  }
0x16: {  	s25 =	sshrl.u32 s13, $0x3;
	s31 =	sshrl.u32 s14, $0x3;
	[dreg:$0x8] =	wrdreg s26  }
0x17: {  	s14 =	simm.s32 $0x9;
	s0 =	sshll.u32 s0, $0x3;
	[dreg:$0x9] =	wrdreg s31  }
0x18: {  	s26 =	simm.s32 $0x6;
	s0 =	sadd.s32 s0, s9;
	s9 =	sadd.s32 s10, s9  }
0x19: {  	s10 =	sadd.s32 $0xC00, s0;
	s11 =	sadd.s32 $0x800, s0;
	s12 =	sadd.s32 $0x400, s0  }
.LBB2_1:
0x1a: {  	s0 =	rddreg [dreg:$0x5]  }
0x1b: {  	s1 =	rddreg [dreg:$0x9]  }
0x1c: {  	[spmem:s1], [sflag:s5] =	dma.local [hbm:s0], $0x1390  }
0x1d: {  	_ =	swait.ge [sflag:s14], $0x1390  }
0x1e: {  	[sflag:s14] =	ssyncset.done $0x0  }
0x1f: {  	s0 =	simm.s32 $0x9C80;
	s8 =	rddreg [dreg:$0x6];
	[sflag:s14] =	ssyncadd.s32 $0xFFFFEC70  }
0x20: {  	[tilespmem:s0], [sflag:$0x9] =	stream.linear.gather [hbm4b:s8+s3], $0x1400, $0x38;
	[tilespmem:$0x13080] =	vst v63  }
0x21: {  	_ =	swait.ge [sflag:s14], $0x1400  }
0x22: {  	[sflag:s14] =	ssyncset.done $0x0  }
0x23: {  	[sflag:s14] =	ssyncadd.s32 $0xFFFFEC00  }
0x24: {  	p0 =	por $0x1, $0x1;
	[bflag:$0x0] =	sbarrier.arrive $0xFFFF  }
0x25: {  	s31 =	simm.s32 @p0 $0x0;
	s4 =	simm.s32 @p0 $0xB080;
	s1 =	rddreg [dreg:$0x4]  }
0x26: {  	[tilespmem:s4], [sflag:$0x1] =	stream.linear.gather @p0 [hbm4b:s1+s31], $0x2000, $0x38;
	[tilespmem:$0x13080] =	vst v63  }
0x27: {  	s1 =	simm.s32 @!p0 $0x5  }
0x28: {  	_ =	swait.ge @!p0 [sflag:s1], $0x2000  }
0x29: {  	s4 =	simm.s32 @!p0 $0xB080;
	[sflag:s1] =	ssyncset.done @!p0 $0x0  }
0x2a: {  	s31 =	simm.s32 @!p0 $0x0;
	[sflag:s1] =	ssyncadd.s32 @!p0 $0xFFFFE000;
	s1 =	sadd.s32 @!p0 $0x0, s9  }
0x2b: {  	[tilespmem:s4], [sflag:$0x1] =	stream.linear.gather @!p0 [hbm4b:s1+s31], $0x2000, $0x38;
	[tilespmem:$0x13080] =	vst v63  }
0x2c: {  	s1 =	simm.s32 @!p0 $0x6  }
0x2d: {  	_ =	swait.ge @!p0 [sflag:s1], $0x2000  }
0x2e: {  	[sflag:s1] =	ssyncset.done @!p0 $0x0  }
0x2f: {  	s13 =	sadd.s32 $0x0, s12;
	s4 =	simm.s32 @!p0 $0x7;
	[sflag:s1] =	ssyncadd.s32 @!p0 $0xFFFFE000  }
0x30: {  	[tilespmem:s15], [sflag:$0x2] =	stream.linear.gather [hbm4b:s13+s3], $0x2000, $0x38;
	[tilespmem:$0x13080] =	vst v63  }
0x31: {  	_ =	swait.ge @!p0 [sflag:s4], $0x2000  }
0x32: {  	[sflag:s4] =	ssyncset.done @!p0 $0x0  }
0x33: {  	s6 =	sadd.s32 $0x0, s11;
	[sflag:s4] =	ssyncadd.s32 @!p0 $0xFFFFE000;
	s4 =	simm.s32 @!p0 $0x8  }
0x34: {  	[tilespmem:s16], [sflag:$0x3] =	stream.linear.gather [hbm4b:s6+s3], $0x2000, $0x38;
	[tilespmem:$0x13080] =	vst v63  }
0x35: {  	_ =	swait.ge @!p0 [sflag:s4], $0x2000  }
0x36: {  	[sflag:s4] =	ssyncset.done @!p0 $0x0  }
0x37: {  	s7 =	sadd.s32 $0x0, s10;
	[sflag:s4] =	ssyncadd.s32 @!p0 $0xFFFFE000  }
0x38: {  	[tilespmem:s17], [sflag:$0x4] =	stream.linear.gather [hbm4b:s7+s3], $0x2000, $0x38;
	[tilespmem:$0x13080] =	vst v63  }
0x39: {  	_ =	swait.ge [sflag:s18], $0x2000  }
0x3a: {  	[sflag:s18] =	ssyncset.done $0x0  }
0x3b: {  	[sflag:s18] =	ssyncadd.s32 $0xFFFFE000  }
0x3c: {  	[spmem:s2] =	stream.indirect.scatter.add.f32 [tilespmem:s20], [sflag:$0x5], $0x40, s0, s19, $0xb8;
	[tilespmem:$0x13080] =	vst v63  }
0x3d: {  	_ =	swait.ge [sflag:s21], $0x2000  }
0x3e: {  	[sflag:s21] =	ssyncset.done $0x0  }
0x3f: {  	s8 =	simm.s32 $0x9D00;
	[sflag:s21] =	ssyncadd.s32 $0xFFFFE000  }
0x40: {  	[spmem:s2] =	stream.indirect.scatter.add.f32 [tilespmem:s15], [sflag:$0x6], $0x40, s8, s19, $0xb8;
	[tilespmem:$0x13080] =	vst v63  }
0x41: {  	_ =	swait.ge [sflag:s22], $0x2000  }
0x42: {  	[sflag:s22] =	ssyncset.done $0x0  }
0x43: {  	s13 =	simm.s32 $0x9D80;
	[sflag:s22] =	ssyncadd.s32 $0xFFFFE000  }
0x44: {  	[spmem:s2] =	stream.indirect.scatter.add.f32 [tilespmem:s16], [sflag:$0x7], $0x40, s13, s19, $0xb8;
	[tilespmem:$0x13080] =	vst v63  }
0x45: {  	s31 =	simm.s32 $0x1000;
	_ =	swait.ge [sflag:s23], $0x2000  }
0x46: {  	s1 =	simm.s32 $0x9E80;
	s0 =	simm.s32 $0x9E00;
	[sflag:s23] =	ssyncset.done $0x0  }
.LBB2_2:
0x47: {  	p1 =	seq.s32 s31, $0x0;
	s4 =	rddreg [dreg:$0x4];
	[sflag:s23] =	ssyncadd.s32 $0xFFFFE000  }
0x48: {  	[spmem:s2] =	stream.indirect.scatter.add.f32 [tilespmem:s17], [sflag:$0x8], $0x40, s0, s19, $0xb8;
	[tilespmem:$0x13080] =	vst v63  }
0x49: {  	s0 =	simm.s32 @p1 $0x0;
	s7 =	simm.s32 @p1 $0xB080;
	s8 =	simm.s32 @!p1 $0x5  }
0x4a: {  	[tilespmem:s7], [sflag:$0x1] =	stream.linear.gather @p1 [hbm4b:s4+s0], $0x2000, $0x38;
	[tilespmem:$0x13080] =	vst v63  }
0x4b: {  	s6 =	smov.u32 s31;
	_ =	swait.ge @!p1 [sflag:s8], $0x2000  }
0x4c: {  	s13 =	simm.s32 @!p1 $0x0;
	s4 =	simm.s32 @!p1 $0xB080;
	[sflag:s8] =	ssyncset.done @!p1 $0x0  }
0x4d: {  	s7 =	simm.s32 @!p1 $0x6;
	[sflag:s8] =	ssyncadd.s32 @!p1 $0xFFFFE000;
	s8 =	sadd.s32 @!p1 s6, s9  }
0x4e: {  	[tilespmem:s4], [sflag:$0x1] =	stream.linear.gather @!p1 [hbm4b:s8+s13], $0x2000, $0x38;
	[tilespmem:$0x13080] =	vst v63  }
0x4f: {  	_ =	swait.ge @!p1 [sflag:s7], $0x2000  }
0x50: {  	[sflag:s7] =	ssyncset.done @!p1 $0x0  }
0x51: {  	s8 =	sadd.s32 s6, s12;
	[sflag:s7] =	ssyncadd.s32 @!p1 $0xFFFFE000;
	s7 =	simm.s32 @!p1 $0x7  }
0x52: {  	[tilespmem:s15], [sflag:$0x2] =	stream.linear.gather [hbm4b:s8+s3], $0x2000, $0x38;
	[tilespmem:$0x13080] =	vst v63  }
0x53: {  	_ =	swait.ge @!p1 [sflag:s7], $0x2000  }
0x54: {  	[sflag:s7] =	ssyncset.done @!p1 $0x0  }
0x55: {  	s13 =	sadd.s32 s6, s11;
	[sflag:s7] =	ssyncadd.s32 @!p1 $0xFFFFE000;
	s7 =	simm.s32 @!p1 $0x8  }
0x56: {  	[tilespmem:s16], [sflag:$0x3] =	stream.linear.gather [hbm4b:s13+s3], $0x2000, $0x38;
	[tilespmem:$0x13080] =	vst v63  }
0x57: {  	_ =	swait.ge @!p1 [sflag:s7], $0x2000  }
0x58: {  	[sflag:s7] =	ssyncset.done @!p1 $0x0  }
0x59: {  	[sflag:s7] =	ssyncadd.s32 @!p1 $0xFFFFE000;
	s7 =	sadd.s32 s6, s10  }
0x5a: {  	[tilespmem:s17], [sflag:$0x4] =	stream.linear.gather [hbm4b:s7+s3], $0x2000, $0x38;
	[tilespmem:$0x13080] =	vst v63  }
0x5b: {  	_ =	swait.ge [sflag:s18], $0x2000  }
0x5c: {  	[sflag:s18] =	ssyncset.done $0x0  }
0x5d: {  	[sflag:s18] =	ssyncadd.s32 $0xFFFFE000  }
0x5e: {  	[spmem:s2] =	stream.indirect.scatter.add.f32 [tilespmem:s20], [sflag:$0x5], $0x40, s1, s19, $0xb8;
	[tilespmem:$0x13080] =	vst v63  }
0x5f: {  	_ =	swait.ge [sflag:s21], $0x2000  }
0x60: {  	[sflag:s21] =	ssyncset.done $0x0  }
0x61: {  	s31 =	sadd.s32 $0x1000, s31;
	s8 =	sadd.s32 $0x80, s1;
	[sflag:s21] =	ssyncadd.s32 $0xFFFFE000  }
0x62: {  	[spmem:s2] =	stream.indirect.scatter.add.f32 [tilespmem:s15], [sflag:$0x6], $0x40, s8, s19, $0xb8;
	[tilespmem:$0x13080] =	vst v63  }
0x63: {  	p0 =	sne.s32 s31, $0xA000;
	_ =	swait.ge [sflag:s22], $0x2000  }
.Ltmp0:
0x64: {  	[sflag:s22] =	ssyncset.done $0x0;
	(pc) =	sbr.rel @p0 .LBB2_2-.Ltmp0, $4  }
0x65: {  	s13 =	sadd.s32 $0x100, s1;
	[sflag:s22] =	ssyncadd.s32 $0xFFFFE000  }
0x66: {  	[spmem:s2] =	stream.indirect.scatter.add.f32 [tilespmem:s16], [sflag:$0x7], $0x40, s13, s19, $0xb8;
	[tilespmem:$0x13080] =	vst v63  }
0x67: {  	_ =	swait.ge [sflag:s23], $0x2000  }
0x68: {  	s0 =	sadd.s32 $0x180, s1;
	s1 =	sadd.s32 $0x200, s1;
	[sflag:s23] =	ssyncset.done $0x0  }
0x69: {  	[sflag:s23] =	ssyncadd.s32 $0xFFFFE000  }
0x6a: {  	[spmem:s2] =	stream.indirect.scatter.add.f32 [tilespmem:s17], [sflag:$0x8], $0x40, s0, s19, $0xb8;
	[tilespmem:$0x13080] =	vst v63  }
0x6b: {  	_ =	swait.ge [sflag:s24], $0x2000  }
0x6c: {  	[sflag:s24] =	ssyncset.done $0x0  }
0x6d: {  	[sflag:s24] =	ssyncadd.s32 $0xFFFFE000  }
0x6e: {  	_ =	swait.ge [sflag:s26], $0x2000  }
0x6f: {  	[sflag:s26] =	ssyncset.done $0x0  }
0x70: {  	[sflag:s26] =	ssyncadd.s32 $0xFFFFE000  }
0x71: {  	_ =	swait.ge [sflag:s28], $0x2000  }
0x72: {  	[sflag:s28] =	ssyncset.done $0x0  }
0x73: {  	[sflag:s28] =	ssyncadd.s32 $0xFFFFE000  }
0x74: {  	_ =	swait.ge [sflag:s29], $0x2000  }
0x75: {  	[sflag:s29] =	ssyncset.done $0x0  }
0x76: {  	[sflag:s29] =	ssyncadd.s32 $0xFFFFE000  }
0x77: {  	[bflag:$0x0] =	sbarrier.arrive $0xFFFF  }
0x78: {  	s13 =	rddreg [dreg:$0x7]  }
0x79: {  	[hbm:s13], [sflag:s5] =	dma.local [spmem:s25], $0x1388  }
0x7a: {  	_ =	swait.ge [sflag:s14], $0x1388  }
0x7b: {  	s30 =	sadd.s32 $0x1, s30;
	s31 =	rddreg [dreg:$0x8]  }
0x7c: {  	p0 =	sne.s32 s30, s31  }
.Ltmp1:
0x7d: {  	_ = 	snop;
	(pc) =	sbr.rel @p0 .LBB2_1-.Ltmp1, $3  }
0x7e: {  	_ =	sdelay $0x1  }
0x7f: {  	[sflag:s14] =	ssyncset.done $0x0  }
0x80: {  	[sflag:s14] =	ssyncadd.s32 $0xFFFFEC78  }
0x81: {  	_ =	sfence.sel $0x180000  }
0x82: {  	[bflag:$0x0] =	sbarrier.arrive $0xFFFF  }
0x83: {  	_ =	strace $0x90000053  }
0x84: {  	s0 =	stileid.u32;
	[bflag:$0x2] =	sbarrier.arrive $0xFFFF  }
0x85: {  	p0 =	sne.s32 s0, $0x0;
	s0 =	rddreg [dreg:$0x3]  }
0x86: {  	s0 =	sadd.s32 @!p0 $0x100000, s0  }
0x87: {  	[sflag:s0] =	ssyncadd.tile.s32 @!p0 $0x1;
	_ =	shalt  }
.Lfunc_end2:
_tile_overlayer_lowered:
.L_overlay_start_2:
0x88: {  	(tag) =	ssettag $0x2  }
0x89: {  	s0 =	rddreg [dreg:$0x0];
	s2 =	stileid.u32  }
0x8a: {  	s1 =	rddreg [dreg:$0x1];
	p0 =	sne.s32 s2, $0x0  }
0x8b: {  	s3 =	rddreg [dreg:$0x2];
	[bflag:$0x3] =	sbarrier.arrive $0xFFFF;
	s2 =	simm.s32 @!p0 $0x1C09  }
0x8c: {  	[timem:s3], [sflag:s2] =	dma.local @!p0 [hbm:s0], s1  }
0x8d: {  	s0 =	simm.s32 @!p0 $0x9  }
0x8e: {  	_ =	swait.ge @!p0 [sflag:s0], s1  }
0x8f: {  	s1 =	ssub.s32 @!p0 $0x0, s1;
	[sflag:s0] =	ssyncset.done @!p0 $0x0  }
0x90: {  	[sflag:s0] =	ssyncadd.s32 @!p0 s1  }
0x91: {  	[bflag:$0x3] =	sbarrier.arrive $0xFFFF  }
0x92: {  	_ =	shalt  }

</sc_bundles>
